<compile_context>
chip_gen: v7x
topology: tpu7x:2x2x1
jax: 0.10.2.dev20260603
libtpu: 0.0.44.dev20260713+nightly
codegen_flags: <defaults>
</compile_context>

<pallas_src>
import jax
import jax.numpy as jnp
from jax import lax
from jax.experimental import pallas as pl
from jax.experimental.pallas import tpu as pltpu
from jax.experimental.pallas import tpu_sc as plsc

_N, _E, _D, _H, _EXTRA, _NCLS = 10000, 320000, 128, 128, 16, 10
_LAYERS = 3

_SC_CORES = 2
_SC_SUBCORES = 16
_NW = _SC_CORES * _SC_SUBCORES
_EB = 80
_NBW = 125
_EPW = _NBW * _EB
_RING = 3
_RNDS = (_NBW + _RING - 1) // _RING
_SHIFT = 14
_MASK = (1 << _SHIFT) - 1
_ZB = 400
_NZB = _N // _ZB


_ZR = 40


def _agg_body(h_hbm, pk_hbm, out_hbm, pk_v, *rest):
    rows = rest[0:_RING]
    srcb = rest[_RING:2 * _RING]
    dstb = rest[2 * _RING:3 * _RING]
    zbuf = rest[3 * _RING]
    acc_sh = rest[3 * _RING + 1]
    gs = rest[3 * _RING + 2:]

    def gather_start(b):
        pltpu.async_copy(h_hbm.at[srcb[b]], rows[b], gs[b])

    def gather_wait(b):
        pltpu.make_async_copy(h_hbm.at[pl.ds(0, _EB)], rows[b], gs[b]).wait()
    cid = lax.axis_index("c")
    sid = lax.axis_index("s")
    wid = sid * _SC_CORES + cid

    pltpu.async_copy(pk_hbm.at[wid], pk_v, gs[0])

    def unpack(j, b):
        for v in range(_EB // 16):
            pkv = pk_v[pl.ds(j * _EB + v * 16, 16)]
            srcb[b][pl.ds(v * 16, 16)] = lax.shift_right_logical(pkv, _SHIFT)
            dstb[b][pl.ds(v * 16, 16)] = lax.bitwise_and(pkv, _MASK)

    zv = jnp.zeros((16,), jnp.float32)

    def zfill(i, carry):
        r = i // (_D // 16)
        c = lax.rem(i, _D // 16)
        zbuf[r, pl.ds(c * 16, 16)] = zv
        return carry

    lax.fori_loop(0, _ZR * _D // 16, zfill, 0)

    def zstep(k, carry):
        blk = sid + _SC_SUBCORES * k

        @pl.when(blk < _NZB)
        def _():
            for c in range(_ZB // _ZR):
                off = pl.multiple_of(blk * _ZB + c * _ZR, 8)
                pltpu.sync_copy(zbuf, acc_sh.at[pl.ds(off, _ZR)])
        return carry

    lax.fori_loop(0, (_NZB + _SC_SUBCORES - 1) // _SC_SUBCORES, zstep, 0)
    pltpu.make_async_copy(pk_hbm.at[0], pk_v, gs[0]).wait()
    plsc.subcore_barrier()

    for b in range(_RING):
        unpack(b, b)
        gather_start(b)

    def outer(g, carry):
        for b in range(_RING):
            j = g * _RING + b

            @pl.when(j < _NBW)
            def _():
                gather_wait(b)
                pltpu.sync_copy(rows[b], acc_sh.at[dstb[b]], add=True)
                nj = j + _RING

                @pl.when(nj < _NBW)
                def _():
                    unpack(nj, b)
                    gather_start(b)
        return carry

    lax.fori_loop(0, _RNDS, outer, 0)
    plsc.subcore_barrier()

    def ostep(k, carry):
        blk = sid + _SC_SUBCORES * k

        @pl.when(blk < _NZB)
        def _():
            off = pl.multiple_of(blk * _ZB, 8)
            pltpu.sync_copy(acc_sh.at[pl.ds(off, _ZB)],
                            out_hbm.at[cid, pl.ds(off, _ZB)])
        return carry

    lax.fori_loop(0, (_NZB + _SC_SUBCORES - 1) // _SC_SUBCORES, ostep, 0)


_agg = pl.kernel(
    _agg_body,
    out_type=jax.ShapeDtypeStruct((_SC_CORES, _N, _D), jnp.float32),
    mesh=plsc.VectorSubcoreMesh(core_axis_name="c", subcore_axis_name="s"),
    scratch_types=[
        pltpu.VMEM((_EPW,), jnp.int32),
    ] + [pltpu.VMEM((_EB, _D), jnp.float32) for _ in range(_RING)]
    + [pltpu.VMEM((_EB,), jnp.int32) for _ in range(2 * _RING)] + [
        pltpu.VMEM((_ZR, _D), jnp.float32),
        pltpu.VMEM_SHARED((_N, _D), jnp.float32),
    ] + [pltpu.SemaphoreType.DMA for _ in range(2 * _RING)],
)


def _ln(z, g, b):
    m = jnp.mean(z, axis=-1, keepdims=True)
    v = jnp.mean((z - m) * (z - m), axis=-1, keepdims=True)
    return (z - m) * lax.rsqrt(v + 1e-5) * g + b


_BR = 2000
_NBLK = _N // _BR


def _mlp_body(h_ref, a0_ref, a1_ref, eps_ref, w1_ref, b1_ref, g1_ref,
              be1_ref, w2_ref, b2_ref, gn_ref, bn_ref, out_ref, psum_ref):
    rst = eps_ref[0, 0] * h_ref[...] + a0_ref[0] + a1_ref[0]
    z = jnp.dot(rst, w1_ref[...], preferred_element_type=jnp.float32) + b1_ref[...]
    z = jnp.maximum(_ln(z, g1_ref[...], be1_ref[...]), 0.0)
    z = jnp.dot(z, w2_ref[...], preferred_element_type=jnp.float32) + b2_ref[...]
    h_out = jnp.maximum(_ln(z, gn_ref[...], bn_ref[...]), 0.0)
    out_ref[...] = h_out
    psum_ref[0] = jnp.sum(h_out, axis=0, keepdims=True)


def _bcast(shape):
    return pl.BlockSpec(shape, lambda i: (0, 0))


_mlp = pl.pallas_call(
    _mlp_body,
    grid=(_NBLK,),
    in_specs=[
        pl.BlockSpec((_BR, _D), lambda i: (i, 0)),
        pl.BlockSpec((1, _BR, _D), lambda i: (0, i, 0)),
        pl.BlockSpec((1, _BR, _D), lambda i: (1, i, 0)),
        _bcast((1, 1)),
        _bcast((_D, _H)),
        _bcast((1, _H)),
        _bcast((1, _H)),
        _bcast((1, _H)),
        _bcast((_H, _H)),
        _bcast((1, _H)),
        _bcast((1, _H)),
        _bcast((1, _H)),
    ],
    out_specs=[pl.BlockSpec((_BR, _H), lambda i: (i, 0)),
               pl.BlockSpec((1, 1, _H), lambda i: (i, 0, 0))],
    out_shape=[jax.ShapeDtypeStruct((_N, _H), jnp.float32),
               jax.ShapeDtypeStruct((_NBLK, 1, _H), jnp.float32)],
)


def _head_body(h_ref, desc_ref, wh_ref, wd_ref, b1_ref, g_ref, be_ref,
               w2_ref, b2_ref, out_ref):
    hg = jnp.sum(h_ref[...], axis=0, keepdims=True)
    y = (jnp.dot(hg, wh_ref[...], preferred_element_type=jnp.float32)
         + jnp.dot(desc_ref[...], wd_ref[...], preferred_element_type=jnp.float32)
         + b1_ref[...])
    y = jnp.maximum(_ln(y, g_ref[...], be_ref[...]), 0.0)
    out_ref[...] = jnp.dot(y, w2_ref[...], preferred_element_type=jnp.float32) + b2_ref[...]


_head = pl.pallas_call(
    _head_body,
    out_shape=jax.ShapeDtypeStruct((1, _NCLS), jnp.float32),
)


def kernel(x, edge_index, desc, params):
    pk = jnp.bitwise_or(
        jnp.left_shift(edge_index[0], _SHIFT),
        edge_index[1]).reshape(_NW, _EPW)
    h = x
    psum = None
    for l in range(_LAYERS):
        agg = _agg(h, pk)
        eps1 = (1.0 + params['eps_%d' % l]).reshape(1, 1)
        h, psum = _mlp(h, agg, agg, eps1,
                 params['W1_%d' % l], params['b1_%d' % l].reshape(1, _H),
                 params['g1_%d' % l].reshape(1, _H),
                 params['be1_%d' % l].reshape(1, _H),
                 params['W2_%d' % l], params['b2_%d' % l].reshape(1, _H),
                 params['gn_%d' % l].reshape(1, _H),
                 params['bn_%d' % l].reshape(1, _H))
    out = _head(psum.reshape(_NBLK, _H), desc,
                params['fc1_W'][:_H], params['fc1_W'][_H:],
                params['fc1_b'].reshape(1, _H),
                params['n1_g'].reshape(1, _H), params['n1_b'].reshape(1, _H),
                params['fc2_W'], params['fc2_b'].reshape(1, _NCLS))
    return out

# --- scband reference (transcript-rebuilt; emitter-appended) ---
"""Pipeline reference for scband-ginreg-add-70592082477428 (READ-ONLY COPY).

The authoritative reference and input builder live on the scoring server;
editing this copy changes nothing except your own understanding.
"""

import jax, jax.numpy as jnp
import numpy as np

N = 10000
E = 320000
D = 128
H = 128
EXTRA = 16
NC = 10
NUM_LAYERS = 3


def _ln(x, g, b, eps=1e-5):
    m = jnp.mean(x, axis=-1, keepdims=True)
    v = jnp.var(x, axis=-1, keepdims=True)
    return (x - m) / jnp.sqrt(v + eps) * g + b


def setup_inputs(seed: int = 0):
    key = jax.random.key(seed)
    ks = jax.random.split(key, 4)
    x = jax.random.normal(ks[0], (N, D), dtype=jnp.float32)
    edge_index = jax.random.randint(ks[1], (2, E), 0, N, dtype=jnp.int32)
    desc = jax.random.normal(ks[2], (1, EXTRA), dtype=jnp.float32)
    params = {}
    for l in range(NUM_LAYERS):
        in_dim = D if l == 0 else H
        k1, k2 = jax.random.split(jax.random.fold_in(key, 100 + l))
        params['eps_%d' % l] = jnp.zeros((), jnp.float32)
        params['W1_%d' % l] = jax.random.normal(k1, (in_dim, H), jnp.float32) * 0.02
        params['b1_%d' % l] = jnp.zeros((H,), jnp.float32)
        params['g1_%d' % l] = jnp.ones((H,), jnp.float32)
        params['be1_%d' % l] = jnp.zeros((H,), jnp.float32)
        params['W2_%d' % l] = jax.random.normal(k2, (H, H), jnp.float32) * 0.02
        params['b2_%d' % l] = jnp.zeros((H,), jnp.float32)
        params['gn_%d' % l] = jnp.ones((H,), jnp.float32)
        params['bn_%d' % l] = jnp.zeros((H,), jnp.float32)
    kf1, kf2 = jax.random.split(jax.random.fold_in(key, 999))
    params['fc1_W'] = jax.random.normal(kf1, (H + EXTRA, H), jnp.float32) * 0.02
    params['fc1_b'] = jnp.zeros((H,), jnp.float32)
    params['n1_g'] = jnp.ones((H,), jnp.float32)
    params['n1_b'] = jnp.zeros((H,), jnp.float32)
    params['fc2_W'] = jax.random.normal(kf2, (H, NC), jnp.float32) * 0.02
    params['fc2_b'] = jnp.zeros((NC,), jnp.float32)
    return {'x': x, 'edge_index': edge_index, 'desc': desc, 'params': params}


def _forward(x, desc, params, edge_index):
    src = edge_index[0]
    dst = edge_index[1]
    h = x
    for l in range(NUM_LAYERS):
        # DGL GINConv (sum aggregator): agg[dst] += h[src]
        agg = jnp.zeros_like(h).at[dst].add(h[src])
        rst = (1.0 + params['eps_%d' % l]) * h + agg
        # apply_func MLP: Linear -> LayerNorm -> ReLU -> Dropout(eval: identity) -> Linear
        z = rst @ params['W1_%d' % l] + params['b1_%d' % l]
        z = _ln(z, params['g1_%d' % l], params['be1_%d' % l])
        z = jax.nn.relu(z)
        z = z @ params['W2_%d' % l] + params['b2_%d' % l]
        # outer norm + relu + dropout(identity)
        z = _ln(z, params['gn_%d' % l], params['bn_%d' % l])
        h = jax.nn.relu(z)
    # SumPooling readout over the (single) graph
    hg = jnp.sum(h, axis=0, keepdims=True)
    y = jnp.concatenate([hg, desc], axis=1)
    y = y @ params['fc1_W'] + params['fc1_b']
    y = _ln(y, params['n1_g'], params['n1_b'])
    y = jax.nn.relu(y)
    out = y @ params['fc2_W'] + params['fc2_b']
    return out


def reference(x, edge_index, desc, params):
    return _forward(x, desc, params, edge_index)

if __name__ == "__main__":
    import jax
    _d = setup_inputs()
    print(jax.jit(kernel)(*tuple(_d.values())))

</pallas_src>

<mosaic_0001>
#map = affine_map<(d0, d1) -> (0, 0)>
#map1 = affine_map<(d0, d1) -> (0, 0, 0)>
module attributes {stable_mosaic.version = 14 : i64} {
  func.func @_agg_body(%arg0: i32, %arg1: i32, %arg2: memref<10000x128xf32, #tpu.memory_space<hbm>>, %arg3: memref<32x10000xi32, #tpu.memory_space<hbm>>, %arg4: memref<2x10000x128xf32, #tpu.memory_space<hbm>>, %arg5: memref<10000xi32, #tpu.memory_space<vmem>>, %arg6: memref<80x128xf32, #tpu.memory_space<vmem>>, %arg7: memref<80x128xf32, #tpu.memory_space<vmem>>, %arg8: memref<80x128xf32, #tpu.memory_space<vmem>>, %arg9: memref<80xi32, #tpu.memory_space<vmem>>, %arg10: memref<80xi32, #tpu.memory_space<vmem>>, %arg11: memref<80xi32, #tpu.memory_space<vmem>>, %arg12: memref<80xi32, #tpu.memory_space<vmem>>, %arg13: memref<80xi32, #tpu.memory_space<vmem>>, %arg14: memref<80xi32, #tpu.memory_space<vmem>>, %arg15: memref<40x128xf32, #tpu.memory_space<vmem>>, %arg16: memref<10000x128xf32, #tpu.memory_space<vmem_shared>>, %arg17: memref<!tpu.dma_semaphore, #tpu.memory_space<semaphore_mem>>, %arg18: memref<!tpu.dma_semaphore, #tpu.memory_space<semaphore_mem>>, %arg19: memref<!tpu.dma_semaphore, #tpu.memory_space<semaphore_mem>>, %arg20: memref<!tpu.dma_semaphore, #tpu.memory_space<semaphore_mem>>, %arg21: memref<!tpu.dma_semaphore, #tpu.memory_space<semaphore_mem>>, %arg22: memref<!tpu.dma_semaphore, #tpu.memory_space<semaphore_mem>>) attributes {dimension_semantics = [#tpu.dimension_semantics<core_parallel>, #tpu.dimension_semantics<subcore_parallel>], iteration_bounds = array<i64: 2, 16>, scalar_prefetch = 0 : i64, scratch_operands = 18 : i64, tpu.core_type = #tpu.core_type<sc_vector_subcore>, window_params = [{transform_indices = #map}, {transform_indices = #map}, {transform_indices = #map1}]} {
    %mul3A = arith.constant 2 : i32
    %mul3A_0 = arith.muli %arg1, %mul3A : i32
    %add3A = arith.addi %mul3A_0, %arg0 : i32
    %dma_start3A = arith.constant 0 : i32
    %dma_start3A_1 = tpu.memref_slice %arg3[%add3A, %dma_start3A] : memref<32x10000xi32, #tpu.memory_space<hbm>> -> memref<1x10000xi32, #tpu.memory_space<hbm>>
    %dma_start3A_2 = tpu.memref_squeeze %dma_start3A_1 : memref<1x10000xi32, #tpu.memory_space<hbm>> -> memref<10000xi32, #tpu.memory_space<hbm>>
    %dma_start3A_3 = arith.constant 0 : i32
    %dma_start3A_4 = tpu.memref_slice %arg3[%add3A, %dma_start3A_3] : memref<32x10000xi32, #tpu.memory_space<hbm>> -> memref<1x10000xi32, #tpu.memory_space<hbm>>
    %dma_start3A_5 = tpu.memref_squeeze %dma_start3A_4 : memref<1x10000xi32, #tpu.memory_space<hbm>> -> memref<10000xi32, #tpu.memory_space<hbm>>
    tpu.enqueue_dma source(%dma_start3A_5 : memref<10000xi32, #tpu.memory_space<hbm>>) target(%arg5 : memref<10000xi32, #tpu.memory_space<vmem>>) target_semaphore(%arg17 : memref<!tpu.dma_semaphore, #tpu.memory_space<semaphore_mem>>)
    %broadcast_in_dim3A = arith.constant 0.000000e+00 : f32
    %broadcast_in_dim3A_6 = vector.broadcast %broadcast_in_dim3A : f32 to vector<16xf32>
    %scan3A = arith.constant 0 : i32
    %scan3A_7 = arith.constant 0 : i32
    %scan3A_8 = arith.constant 320 : i32
    %scan3A_9 = arith.addi %scan3A_7, %scan3A_8 : i32
    %scan3A_10 = arith.constant 1 : i32
    scf.for %scan3A_297 = %scan3A_7 to %scan3A_9 step %scan3A_10  : i32 {
      %jit3A = arith.constant 8 : i32
      %div3A = arith.divsi %scan3A_297, %jit3A : i32
      %sign3A = arith.constant 0 : i32
      %sign3A_298 = arith.cmpi sgt, %scan3A_297, %sign3A : i32
      %sign3A_299 = arith.extui %sign3A_298 : i1 to i32
      %sign3A_300 = arith.constant 0 : i32
      %sign3A_301 = arith.cmpi slt, %scan3A_297, %sign3A_300 : i32
      %sign3A_302 = arith.extui %sign3A_301 : i1 to i32
      %sign3A_303 = arith.subi %sign3A_299, %sign3A_302 : i32
      %sign3A_304 = arith.constant 0 : i32
      %sign3A_305 = arith.cmpi sgt, %jit3A, %sign3A_304 : i32
      %sign3A_306 = arith.extui %sign3A_305 : i1 to i32
      %sign3A_307 = arith.constant 0 : i32
      %sign3A_308 = arith.cmpi slt, %jit3A, %sign3A_307 : i32
      %sign3A_309 = arith.extui %sign3A_308 : i1 to i32
      %sign3A_310 = arith.subi %sign3A_306, %sign3A_309 : i32
      %ne3A = arith.cmpi ne, %sign3A_303, %sign3A_310 : i32
      %rem3A = arith.remsi %scan3A_297, %jit3A : i32
      %ne3A_311 = arith.constant 0 : i32
      %ne3A_312 = arith.cmpi ne, %rem3A, %ne3A_311 : i32
      %and3A_313 = arith.andi %ne3A, %ne3A_312 : i1
      %sub3A = arith.constant 1 : i32
      %sub3A_314 = arith.subi %div3A, %sub3A : i32
      %select_n3A = arith.select %and3A_313, %sub3A_314, %div3A : i32
      %rem3A_315 = arith.constant 8 : i32
      %rem3A_316 = arith.remsi %scan3A_297, %rem3A_315 : i32
      %mul3A_317 = arith.constant 16 : i32
      %mul3A_318 = arith.muli %rem3A_316, %mul3A_317 : i32
      %swap3A_319 = arith.index_cast %select_n3A : i32 to index
      %swap3A_320 = arith.index_cast %mul3A_318 : i32 to index
      %swap3A_321 = tpu.vector_load %arg15[%swap3A_319, %swap3A_320] {strides = array<i32>} : memref<40x128xf32, #tpu.memory_space<vmem>>, vector<1x16xf32>,
      %swap3A_322 = vector.shape_cast %swap3A_321 : vector<1x16xf32> to vector<16xf32>
      %swap3A_323 = vector.shape_cast %broadcast_in_dim3A_6 : vector<16xf32> to vector<1x16xf32>
      tpu.vector_store %arg15[%swap3A_319, %swap3A_320], %swap3A_323 {strides = array<i32>} : memref<40x128xf32, #tpu.memory_space<vmem>>, vector<1x16xf32>,
    }
    %scan3A_11 = arith.constant 320 : i32
    %scan3A_12 = arith.constant 0 : i32
    %scan3A_13 = arith.constant 0 : i32
    %scan3A_14 = arith.constant 2 : i32
    %scan3A_15 = arith.addi %scan3A_13, %scan3A_14 : i32
    %scan3A_16 = arith.constant 1 : i32
    scf.for %scan3A_297 = %scan3A_13 to %scan3A_15 step %scan3A_16  : i32 {
      %mul3A_298 = arith.constant 16 : i32
      %mul3A_299 = arith.muli %mul3A_298, %scan3A_297 : i32
      %add3A_300 = arith.addi %arg1, %mul3A_299 : i32
      %lt3A = arith.constant 25 : i32
      %lt3A_301 = arith.cmpi slt, %add3A_300, %lt3A : i32
      %convert_element_type3A = arith.extui %lt3A_301 : i1 to i32
      %cond3A = arith.constant 0 : i32
      %cond3A_302 = arith.cmpi ne, %convert_element_type3A, %cond3A : i32
      scf.if %cond3A_302 {
        %mul3A_303 = arith.constant 400 : i32
        %mul3A_304 = arith.muli %add3A_300, %mul3A_303 : i32
        %add3A_305 = arith.constant 0 : i32
        %add3A_306 = arith.addi %mul3A_304, %add3A_305 : i32
        %multiple_of3A = tpu.assume_multiple %add3A_306, 8 : i32
        "tpu.region"() ({
          %run_scoped3A = tpu.sem_alloc : memref<!tpu.dma_semaphore, #tpu.memory_space<semaphore_mem>>
          %dma_start3A_352 = arith.constant 0 : i32
          %dma_start3A_353 = tpu.memref_slice %arg16[%multiple_of3A, %dma_start3A_352] : memref<10000x128xf32, #tpu.memory_space<vmem_shared>> -> memref<40x128xf32, #tpu.memory_space<vmem_shared>>
          %dma_start3A_354 = arith.constant 0 : i32
          %dma_start3A_355 = tpu.memref_slice %arg16[%multiple_of3A, %dma_start3A_354] : memref<10000x128xf32, #tpu.memory_space<vmem_shared>> -> memref<40x128xf32, #tpu.memory_space<vmem_shared>>
          tpu.enqueue_dma source(%arg15 : memref<40x128xf32, #tpu.memory_space<vmem>>) target(%dma_start3A_355 : memref<40x128xf32, #tpu.memory_space<vmem_shared>>) target_semaphore(%run_scoped3A : memref<!tpu.dma_semaphore, #tpu.memory_space<semaphore_mem>>)
          %dma_wait3A_356 = arith.constant 0 : i32
          %dma_wait3A_357 = tpu.memref_slice %arg16[%multiple_of3A, %dma_wait3A_356] : memref<10000x128xf32, #tpu.memory_space<vmem_shared>> -> memref<40x128xf32, #tpu.memory_space<vmem_shared>>
          %dma_wait3A_358 = arith.constant 0 : i32
          %dma_wait3A_359 = tpu.memref_slice %arg16[%multiple_of3A, %dma_wait3A_358] : memref<10000x128xf32, #tpu.memory_space<vmem_shared>> -> memref<40x128xf32, #tpu.memory_space<vmem_shared>>
          tpu.wait_dma2 semaphore(%run_scoped3A : memref<!tpu.dma_semaphore, #tpu.memory_space<semaphore_mem>>) src(%arg15 : memref<40x128xf32, #tpu.memory_space<vmem>>) dst(%dma_wait3A_359 : memref<40x128xf32, #tpu.memory_space<vmem_shared>>)
          tpu.yield
        }) : () -> ()
        %mul3A_307 = arith.constant 400 : i32
        %mul3A_308 = arith.muli %add3A_300, %mul3A_307 : i32
        %add3A_309 = arith.constant 40 : i32
        %add3A_310 = arith.addi %mul3A_308, %add3A_309 : i32
        %multiple_of3A_311 = tpu.assume_multiple %add3A_310, 8 : i32
        "tpu.region"() ({
          %run_scoped3A = tpu.sem_alloc : memref<!tpu.dma_semaphore, #tpu.memory_space<semaphore_mem>>
          %dma_start3A_352 = arith.constant 0 : i32
          %dma_start3A_353 = tpu.memref_slice %arg16[%multiple_of3A_311, %dma_start3A_352] : memref<10000x128xf32, #tpu.memory_space<vmem_shared>> -> memref<40x128xf32, #tpu.memory_space<vmem_shared>>
          %dma_start3A_354 = arith.constant 0 : i32
          %dma_start3A_355 = tpu.memref_slice %arg16[%multiple_of3A_311, %dma_start3A_354] : memref<10000x128xf32, #tpu.memory_space<vmem_shared>> -> memref<40x128xf32, #tpu.memory_space<vmem_shared>>
          tpu.enqueue_dma source(%arg15 : memref<40x128xf32, #tpu.memory_space<vmem>>) target(%dma_start3A_355 : memref<40x128xf32, #tpu.memory_space<vmem_shared>>) target_semaphore(%run_scoped3A : memref<!tpu.dma_semaphore, #tpu.memory_space<semaphore_mem>>)
          %dma_wait3A_356 = arith.constant 0 : i32
          %dma_wait3A_357 = tpu.memref_slice %arg16[%multiple_of3A_311, %dma_wait3A_356] : memref<10000x128xf32, #tpu.memory_space<vmem_shared>> -> memref<40x128xf32, #tpu.memory_space<vmem_shared>>
          %dma_wait3A_358 = arith.constant 0 : i32
          %dma_wait3A_359 = tpu.memref_slice %arg16[%multiple_of3A_311, %dma_wait3A_358] : memref<10000x128xf32, #tpu.memory_space<vmem_shared>> -> memref<40x128xf32, #tpu.memory_space<vmem_shared>>
          tpu.wait_dma2 semaphore(%run_scoped3A : memref<!tpu.dma_semaphore, #tpu.memory_space<semaphore_mem>>) src(%arg15 : memref<40x128xf32, #tpu.memory_space<vmem>>) dst(%dma_wait3A_359 : memref<40x128xf32, #tpu.memory_space<vmem_shared>>)
          tpu.yield
        }) : () -> ()
        %mul3A_312 = arith.constant 400 : i32
        %mul3A_313 = arith.muli %add3A_300, %mul3A_312 : i32
        %add3A_314 = arith.constant 80 : i32
        %add3A_315 = arith.addi %mul3A_313, %add3A_314 : i32
        %multiple_of3A_316 = tpu.assume_multiple %add3A_315, 8 : i32
        "tpu.region"() ({
          %run_scoped3A = tpu.sem_alloc : memref<!tpu.dma_semaphore, #tpu.memory_space<semaphore_mem>>
          %dma_start3A_352 = arith.constant 0 : i32
          %dma_start3A_353 = tpu.memref_slice %arg16[%multiple_of3A_316, %dma_start3A_352] : memref<10000x128xf32, #tpu.memory_space<vmem_shared>> -> memref<40x128xf32, #tpu.memory_space<vmem_shared>>
          %dma_start3A_354 = arith.constant 0 : i32
          %dma_start3A_355 = tpu.memref_slice %arg16[%multiple_of3A_316, %dma_start3A_354] : memref<10000x128xf32, #tpu.memory_space<vmem_shared>> -> memref<40x128xf32, #tpu.memory_space<vmem_shared>>
          tpu.enqueue_dma source(%arg15 : memref<40x128xf32, #tpu.memory_space<vmem>>) target(%dma_start3A_355 : memref<40x128xf32, #tpu.memory_space<vmem_shared>>) target_semaphore(%run_scoped3A : memref<!tpu.dma_semaphore, #tpu.memory_space<semaphore_mem>>)
          %dma_wait3A_356 = arith.constant 0 : i32
          %dma_wait3A_357 = tpu.memref_slice %arg16[%multiple_of3A_316, %dma_wait3A_356] : memref<10000x128xf32, #tpu.memory_space<vmem_shared>> -> memref<40x128xf32, #tpu.memory_space<vmem_shared>>
          %dma_wait3A_358 = arith.constant 0 : i32
          %dma_wait3A_359 = tpu.memref_slice %arg16[%multiple_of3A_316, %dma_wait3A_358] : memref<10000x128xf32, #tpu.memory_space<vmem_shared>> -> memref<40x128xf32, #tpu.memory_space<vmem_shared>>
          tpu.wait_dma2 semaphore(%run_scoped3A : memref<!tpu.dma_semaphore, #tpu.memory_space<semaphore_mem>>) src(%arg15 : memref<40x128xf32, #tpu.memory_space<vmem>>) dst(%dma_wait3A_359 : memref<40x128xf32, #tpu.memory_space<vmem_shared>>)
          tpu.yield
        }) : () -> ()
        %mul3A_317 = arith.constant 400 : i32
        %mul3A_318 = arith.muli %add3A_300, %mul3A_317 : i32
        %add3A_319 = arith.constant 120 : i32
        %add3A_320 = arith.addi %mul3A_318, %add3A_319 : i32
        %multiple_of3A_321 = tpu.assume_multiple %add3A_320, 8 : i32
        "tpu.region"() ({
          %run_scoped3A = tpu.sem_alloc : memref<!tpu.dma_semaphore, #tpu.memory_space<semaphore_mem>>
          %dma_start3A_352 = arith.constant 0 : i32
          %dma_start3A_353 = tpu.memref_slice %arg16[%multiple_of3A_321, %dma_start3A_352] : memref<10000x128xf32, #tpu.memory_space<vmem_shared>> -> memref<40x128xf32, #tpu.memory_space<vmem_shared>>
          %dma_start3A_354 = arith.constant 0 : i32
          %dma_start3A_355 = tpu.memref_slice %arg16[%multiple_of3A_321, %dma_start3A_354] : memref<10000x128xf32, #tpu.memory_space<vmem_shared>> -> memref<40x128xf32, #tpu.memory_space<vmem_shared>>
          tpu.enqueue_dma source(%arg15 : memref<40x128xf32, #tpu.memory_space<vmem>>) target(%dma_start3A_355 : memref<40x128xf32, #tpu.memory_space<vmem_shared>>) target_semaphore(%run_scoped3A : memref<!tpu.dma_semaphore, #tpu.memory_space<semaphore_mem>>)
          %dma_wait3A_356 = arith.constant 0 : i32
          %dma_wait3A_357 = tpu.memref_slice %arg16[%multiple_of3A_321, %dma_wait3A_356] : memref<10000x128xf32, #tpu.memory_space<vmem_shared>> -> memref<40x128xf32, #tpu.memory_space<vmem_shared>>
          %dma_wait3A_358 = arith.constant 0 : i32
          %dma_wait3A_359 = tpu.memref_slice %arg16[%multiple_of3A_321, %dma_wait3A_358] : memref<10000x128xf32, #tpu.memory_space<vmem_shared>> -> memref<40x128xf32, #tpu.memory_space<vmem_shared>>
          tpu.wait_dma2 semaphore(%run_scoped3A : memref<!tpu.dma_semaphore, #tpu.memory_space<semaphore_mem>>) src(%arg15 : memref<40x128xf32, #tpu.memory_space<vmem>>) dst(%dma_wait3A_359 : memref<40x128xf32, #tpu.memory_space<vmem_shared>>)
          tpu.yield
        }) : () -> ()
        %mul3A_322 = arith.constant 400 : i32
        %mul3A_323 = arith.muli %add3A_300, %mul3A_322 : i32
        %add3A_324 = arith.constant 160 : i32
        %add3A_325 = arith.addi %mul3A_323, %add3A_324 : i32
        %multiple_of3A_326 = tpu.assume_multiple %add3A_325, 8 : i32
        "tpu.region"() ({
          %run_scoped3A = tpu.sem_alloc : memref<!tpu.dma_semaphore, #tpu.memory_space<semaphore_mem>>
          %dma_start3A_352 = arith.constant 0 : i32
          %dma_start3A_353 = tpu.memref_slice %arg16[%multiple_of3A_326, %dma_start3A_352] : memref<10000x128xf32, #tpu.memory_space<vmem_shared>> -> memref<40x128xf32, #tpu.memory_space<vmem_shared>>
          %dma_start3A_354 = arith.constant 0 : i32
          %dma_start3A_355 = tpu.memref_slice %arg16[%multiple_of3A_326, %dma_start3A_354] : memref<10000x128xf32, #tpu.memory_space<vmem_shared>> -> memref<40x128xf32, #tpu.memory_space<vmem_shared>>
          tpu.enqueue_dma source(%arg15 : memref<40x128xf32, #tpu.memory_space<vmem>>) target(%dma_start3A_355 : memref<40x128xf32, #tpu.memory_space<vmem_shared>>) target_semaphore(%run_scoped3A : memref<!tpu.dma_semaphore, #tpu.memory_space<semaphore_mem>>)
          %dma_wait3A_356 = arith.constant 0 : i32
          %dma_wait3A_357 = tpu.memref_slice %arg16[%multiple_of3A_326, %dma_wait3A_356] : memref<10000x128xf32, #tpu.memory_space<vmem_shared>> -> memref<40x128xf32, #tpu.memory_space<vmem_shared>>
          %dma_wait3A_358 = arith.constant 0 : i32
          %dma_wait3A_359 = tpu.memref_slice %arg16[%multiple_of3A_326, %dma_wait3A_358] : memref<10000x128xf32, #tpu.memory_space<vmem_shared>> -> memref<40x128xf32, #tpu.memory_space<vmem_shared>>
          tpu.wait_dma2 semaphore(%run_scoped3A : memref<!tpu.dma_semaphore, #tpu.memory_space<semaphore_mem>>) src(%arg15 : memref<40x128xf32, #tpu.memory_space<vmem>>) dst(%dma_wait3A_359 : memref<40x128xf32, #tpu.memory_space<vmem_shared>>)
          tpu.yield
        }) : () -> ()
        %mul3A_327 = arith.constant 400 : i32
        %mul3A_328 = arith.muli %add3A_300, %mul3A_327 : i32
        %add3A_329 = arith.constant 200 : i32
        %add3A_330 = arith.addi %mul3A_328, %add3A_329 : i32
        %multiple_of3A_331 = tpu.assume_multiple %add3A_330, 8 : i32
        "tpu.region"() ({
          %run_scoped3A = tpu.sem_alloc : memref<!tpu.dma_semaphore, #tpu.memory_space<semaphore_mem>>
          %dma_start3A_352 = arith.constant 0 : i32
          %dma_start3A_353 = tpu.memref_slice %arg16[%multiple_of3A_331, %dma_start3A_352] : memref<10000x128xf32, #tpu.memory_space<vmem_shared>> -> memref<40x128xf32, #tpu.memory_space<vmem_shared>>
          %dma_start3A_354 = arith.constant 0 : i32
          %dma_start3A_355 = tpu.memref_slice %arg16[%multiple_of3A_331, %dma_start3A_354] : memref<10000x128xf32, #tpu.memory_space<vmem_shared>> -> memref<40x128xf32, #tpu.memory_space<vmem_shared>>
          tpu.enqueue_dma source(%arg15 : memref<40x128xf32, #tpu.memory_space<vmem>>) target(%dma_start3A_355 : memref<40x128xf32, #tpu.memory_space<vmem_shared>>) target_semaphore(%run_scoped3A : memref<!tpu.dma_semaphore, #tpu.memory_space<semaphore_mem>>)
          %dma_wait3A_356 = arith.constant 0 : i32
          %dma_wait3A_357 = tpu.memref_slice %arg16[%multiple_of3A_331, %dma_wait3A_356] : memref<10000x128xf32, #tpu.memory_space<vmem_shared>> -> memref<40x128xf32, #tpu.memory_space<vmem_shared>>
          %dma_wait3A_358 = arith.constant 0 : i32
          %dma_wait3A_359 = tpu.memref_slice %arg16[%multiple_of3A_331, %dma_wait3A_358] : memref<10000x128xf32, #tpu.memory_space<vmem_shared>> -> memref<40x128xf32, #tpu.memory_space<vmem_shared>>
          tpu.wait_dma2 semaphore(%run_scoped3A : memref<!tpu.dma_semaphore, #tpu.memory_space<semaphore_mem>>) src(%arg15 : memref<40x128xf32, #tpu.memory_space<vmem>>) dst(%dma_wait3A_359 : memref<40x128xf32, #tpu.memory_space<vmem_shared>>)
          tpu.yield
        }) : () -> ()
        %mul3A_332 = arith.constant 400 : i32
        %mul3A_333 = arith.muli %add3A_300, %mul3A_332 : i32
        %add3A_334 = arith.constant 240 : i32
        %add3A_335 = arith.addi %mul3A_333, %add3A_334 : i32
        %multiple_of3A_336 = tpu.assume_multiple %add3A_335, 8 : i32
        "tpu.region"() ({
          %run_scoped3A = tpu.sem_alloc : memref<!tpu.dma_semaphore, #tpu.memory_space<semaphore_mem>>
          %dma_start3A_352 = arith.constant 0 : i32
          %dma_start3A_353 = tpu.memref_slice %arg16[%multiple_of3A_336, %dma_start3A_352] : memref<10000x128xf32, #tpu.memory_space<vmem_shared>> -> memref<40x128xf32, #tpu.memory_space<vmem_shared>>
          %dma_start3A_354 = arith.constant 0 : i32
          %dma_start3A_355 = tpu.memref_slice %arg16[%multiple_of3A_336, %dma_start3A_354] : memref<10000x128xf32, #tpu.memory_space<vmem_shared>> -> memref<40x128xf32, #tpu.memory_space<vmem_shared>>
          tpu.enqueue_dma source(%arg15 : memref<40x128xf32, #tpu.memory_space<vmem>>) target(%dma_start3A_355 : memref<40x128xf32, #tpu.memory_space<vmem_shared>>) target_semaphore(%run_scoped3A : memref<!tpu.dma_semaphore, #tpu.memory_space<semaphore_mem>>)
          %dma_wait3A_356 = arith.constant 0 : i32
          %dma_wait3A_357 = tpu.memref_slice %arg16[%multiple_of3A_336, %dma_wait3A_356] : memref<10000x128xf32, #tpu.memory_space<vmem_shared>> -> memref<40x128xf32, #tpu.memory_space<vmem_shared>>
          %dma_wait3A_358 = arith.constant 0 : i32
          %dma_wait3A_359 = tpu.memref_slice %arg16[%multiple_of3A_336, %dma_wait3A_358] : memref<10000x128xf32, #tpu.memory_space<vmem_shared>> -> memref<40x128xf32, #tpu.memory_space<vmem_shared>>
          tpu.wait_dma2 semaphore(%run_scoped3A : memref<!tpu.dma_semaphore, #tpu.memory_space<semaphore_mem>>) src(%arg15 : memref<40x128xf32, #tpu.memory_space<vmem>>) dst(%dma_wait3A_359 : memref<40x128xf32, #tpu.memory_space<vmem_shared>>)
          tpu.yield
        }) : () -> ()
        %mul3A_337 = arith.constant 400 : i32
        %mul3A_338 = arith.muli %add3A_300, %mul3A_337 : i32
        %add3A_339 = arith.constant 280 : i32
        %add3A_340 = arith.addi %mul3A_338, %add3A_339 : i32
        %multiple_of3A_341 = tpu.assume_multiple %add3A_340, 8 : i32
        "tpu.region"() ({
          %run_scoped3A = tpu.sem_alloc : memref<!tpu.dma_semaphore, #tpu.memory_space<semaphore_mem>>
          %dma_start3A_352 = arith.constant 0 : i32
          %dma_start3A_353 = tpu.memref_slice %arg16[%multiple_of3A_341, %dma_start3A_352] : memref<10000x128xf32, #tpu.memory_space<vmem_shared>> -> memref<40x128xf32, #tpu.memory_space<vmem_shared>>
          %dma_start3A_354 = arith.constant 0 : i32
          %dma_start3A_355 = tpu.memref_slice %arg16[%multiple_of3A_341, %dma_start3A_354] : memref<10000x128xf32, #tpu.memory_space<vmem_shared>> -> memref<40x128xf32, #tpu.memory_space<vmem_shared>>
          tpu.enqueue_dma source(%arg15 : memref<40x128xf32, #tpu.memory_space<vmem>>) target(%dma_start3A_355 : memref<40x128xf32, #tpu.memory_space<vmem_shared>>) target_semaphore(%run_scoped3A : memref<!tpu.dma_semaphore, #tpu.memory_space<semaphore_mem>>)
          %dma_wait3A_356 = arith.constant 0 : i32
          %dma_wait3A_357 = tpu.memref_slice %arg16[%multiple_of3A_341, %dma_wait3A_356] : memref<10000x128xf32, #tpu.memory_space<vmem_shared>> -> memref<40x128xf32, #tpu.memory_space<vmem_shared>>
          %dma_wait3A_358 = arith.constant 0 : i32
          %dma_wait3A_359 = tpu.memref_slice %arg16[%multiple_of3A_341, %dma_wait3A_358] : memref<10000x128xf32, #tpu.memory_space<vmem_shared>> -> memref<40x128xf32, #tpu.memory_space<vmem_shared>>
          tpu.wait_dma2 semaphore(%run_scoped3A : memref<!tpu.dma_semaphore, #tpu.memory_space<semaphore_mem>>) src(%arg15 : memref<40x128xf32, #tpu.memory_space<vmem>>) dst(%dma_wait3A_359 : memref<40x128xf32, #tpu.memory_space<vmem_shared>>)
          tpu.yield
        }) : () -> ()
        %mul3A_342 = arith.constant 400 : i32
        %mul3A_343 = arith.muli %add3A_300, %mul3A_342 : i32
        %add3A_344 = arith.constant 320 : i32
        %add3A_345 = arith.addi %mul3A_343, %add3A_344 : i32
        %multiple_of3A_346 = tpu.assume_multiple %add3A_345, 8 : i32
        "tpu.region"() ({
          %run_scoped3A = tpu.sem_alloc : memref<!tpu.dma_semaphore, #tpu.memory_space<semaphore_mem>>
          %dma_start3A_352 = arith.constant 0 : i32
          %dma_start3A_353 = tpu.memref_slice %arg16[%multiple_of3A_346, %dma_start3A_352] : memref<10000x128xf32, #tpu.memory_space<vmem_shared>> -> memref<40x128xf32, #tpu.memory_space<vmem_shared>>
          %dma_start3A_354 = arith.constant 0 : i32
          %dma_start3A_355 = tpu.memref_slice %arg16[%multiple_of3A_346, %dma_start3A_354] : memref<10000x128xf32, #tpu.memory_space<vmem_shared>> -> memref<40x128xf32, #tpu.memory_space<vmem_shared>>
          tpu.enqueue_dma source(%arg15 : memref<40x128xf32, #tpu.memory_space<vmem>>) target(%dma_start3A_355 : memref<40x128xf32, #tpu.memory_space<vmem_shared>>) target_semaphore(%run_scoped3A : memref<!tpu.dma_semaphore, #tpu.memory_space<semaphore_mem>>)
          %dma_wait3A_356 = arith.constant 0 : i32
          %dma_wait3A_357 = tpu.memref_slice %arg16[%multiple_of3A_346, %dma_wait3A_356] : memref<10000x128xf32, #tpu.memory_space<vmem_shared>> -> memref<40x128xf32, #tpu.memory_space<vmem_shared>>
          %dma_wait3A_358 = arith.constant 0 : i32
          %dma_wait3A_359 = tpu.memref_slice %arg16[%multiple_of3A_346, %dma_wait3A_358] : memref<10000x128xf32, #tpu.memory_space<vmem_shared>> -> memref<40x128xf32, #tpu.memory_space<vmem_shared>>
          tpu.wait_dma2 semaphore(%run_scoped3A : memref<!tpu.dma_semaphore, #tpu.memory_space<semaphore_mem>>) src(%arg15 : memref<40x128xf32, #tpu.memory_space<vmem>>) dst(%dma_wait3A_359 : memref<40x128xf32, #tpu.memory_space<vmem_shared>>)
          tpu.yield
        }) : () -> ()
        %mul3A_347 = arith.constant 400 : i32
        %mul3A_348 = arith.muli %add3A_300, %mul3A_347 : i32
        %add3A_349 = arith.constant 360 : i32
        %add3A_350 = arith.addi %mul3A_348, %add3A_349 : i32
        %multiple_of3A_351 = tpu.assume_multiple %add3A_350, 8 : i32
        "tpu.region"() ({
          %run_scoped3A = tpu.sem_alloc : memref<!tpu.dma_semaphore, #tpu.memory_space<semaphore_mem>>
          %dma_start3A_352 = arith.constant 0 : i32
          %dma_start3A_353 = tpu.memref_slice %arg16[%multiple_of3A_351, %dma_start3A_352] : memref<10000x128xf32, #tpu.memory_space<vmem_shared>> -> memref<40x128xf32, #tpu.memory_space<vmem_shared>>
          %dma_start3A_354 = arith.constant 0 : i32
          %dma_start3A_355 = tpu.memref_slice %arg16[%multiple_of3A_351, %dma_start3A_354] : memref<10000x128xf32, #tpu.memory_space<vmem_shared>> -> memref<40x128xf32, #tpu.memory_space<vmem_shared>>
          tpu.enqueue_dma source(%arg15 : memref<40x128xf32, #tpu.memory_space<vmem>>) target(%dma_start3A_355 : memref<40x128xf32, #tpu.memory_space<vmem_shared>>) target_semaphore(%run_scoped3A : memref<!tpu.dma_semaphore, #tpu.memory_space<semaphore_mem>>)
          %dma_wait3A_356 = arith.constant 0 : i32
          %dma_wait3A_357 = tpu.memref_slice %arg16[%multiple_of3A_351, %dma_wait3A_356] : memref<10000x128xf32, #tpu.memory_space<vmem_shared>> -> memref<40x128xf32, #tpu.memory_space<vmem_shared>>
          %dma_wait3A_358 = arith.constant 0 : i32
          %dma_wait3A_359 = tpu.memref_slice %arg16[%multiple_of3A_351, %dma_wait3A_358] : memref<10000x128xf32, #tpu.memory_space<vmem_shared>> -> memref<40x128xf32, #tpu.memory_space<vmem_shared>>
          tpu.wait_dma2 semaphore(%run_scoped3A : memref<!tpu.dma_semaphore, #tpu.memory_space<semaphore_mem>>) src(%arg15 : memref<40x128xf32, #tpu.memory_space<vmem>>) dst(%dma_wait3A_359 : memref<40x128xf32, #tpu.memory_space<vmem_shared>>)
          tpu.yield
        }) : () -> ()
      } else {
      }
    }
    %scan3A_17 = arith.constant 2 : i32
    %dma_wait3A = arith.constant 0 : i32
    %dma_wait3A_18 = arith.constant 0 : i32
    %dma_wait3A_19 = tpu.memref_slice %arg3[%dma_wait3A, %dma_wait3A_18] : memref<32x10000xi32, #tpu.memory_space<hbm>> -> memref<1x10000xi32, #tpu.memory_space<hbm>>
    %dma_wait3A_20 = tpu.memref_squeeze %dma_wait3A_19 : memref<1x10000xi32, #tpu.memory_space<hbm>> -> memref<10000xi32, #tpu.memory_space<hbm>>
    %dma_wait3A_21 = arith.constant 0 : i32
    %dma_wait3A_22 = tpu.memref_slice %arg3[%dma_wait3A, %dma_wait3A_21] : memref<32x10000xi32, #tpu.memory_space<hbm>> -> memref<1x10000xi32, #tpu.memory_space<hbm>>
    %dma_wait3A_23 = tpu.memref_squeeze %dma_wait3A_22 : memref<1x10000xi32, #tpu.memory_space<hbm>> -> memref<10000xi32, #tpu.memory_space<hbm>>
    tpu.wait_dma2 semaphore(%arg17 : memref<!tpu.dma_semaphore, #tpu.memory_space<semaphore_mem>>) src(%dma_wait3A_23 : memref<10000xi32, #tpu.memory_space<hbm>>) dst(%arg5 : memref<10000xi32, #tpu.memory_space<vmem>>)
    %barrier3A = arith.constant 0 : index
    tpu.barrier barrier_id(%barrier3A)
    %get3A = arith.constant 0 : index
    %get3A_24 = tpu.vector_load %arg5[%get3A] {strides = array<i32>} : memref<10000xi32, #tpu.memory_space<vmem>>, vector<16xi32>,
    %get3A_25 = vector.shape_cast %get3A_24 : vector<16xi32> to vector<16xi32>
    %shift_right_logical3A = arith.constant 14 : i32
    %shift_right_logical3A_26 = vector.broadcast %shift_right_logical3A : i32 to vector<16xi32>
    %shift_right_logical3A_27 = arith.shrui %get3A_25, %shift_right_logical3A_26 : vector<16xi32>
    %swap3A = arith.constant 0 : index
    %swap3A_28 = tpu.vector_load %arg9[%swap3A] {strides = array<i32>} : memref<80xi32, #tpu.memory_space<vmem>>, vector<16xi32>,
    %swap3A_29 = vector.shape_cast %swap3A_28 : vector<16xi32> to vector<16xi32>
    %swap3A_30 = vector.shape_cast %shift_right_logical3A_27 : vector<16xi32> to vector<16xi32>
    tpu.vector_store %arg9[%swap3A], %swap3A_30 {strides = array<i32>} : memref<80xi32, #tpu.memory_space<vmem>>, vector<16xi32>,
    %and3A = arith.constant 16383 : i32
    %and3A_31 = vector.broadcast %and3A : i32 to vector<16xi32>
    %and3A_32 = arith.andi %get3A_25, %and3A_31 : vector<16xi32>
    %swap3A_33 = arith.constant 0 : index
    %swap3A_34 = tpu.vector_load %arg12[%swap3A_33] {strides = array<i32>} : memref<80xi32, #tpu.memory_space<vmem>>, vector<16xi32>,
    %swap3A_35 = vector.shape_cast %swap3A_34 : vector<16xi32> to vector<16xi32>
    %swap3A_36 = vector.shape_cast %and3A_32 : vector<16xi32> to vector<16xi32>
    tpu.vector_store %arg12[%swap3A_33], %swap3A_36 {strides = array<i32>} : memref<80xi32, #tpu.memory_space<vmem>>, vector<16xi32>,
    %get3A_37 = arith.constant 16 : index
    %get3A_38 = tpu.vector_load %arg5[%get3A_37] {strides = array<i32>} : memref<10000xi32, #tpu.memory_space<vmem>>, vector<16xi32>,
    %get3A_39 = vector.shape_cast %get3A_38 : vector<16xi32> to vector<16xi32>
    %shift_right_logical3A_40 = arith.constant 14 : i32
    %shift_right_logical3A_41 = vector.broadcast %shift_right_logical3A_40 : i32 to vector<16xi32>
    %shift_right_logical3A_42 = arith.shrui %get3A_39, %shift_right_logical3A_41 : vector<16xi32>
    %swap3A_43 = arith.constant 16 : index
    %swap3A_44 = tpu.vector_load %arg9[%swap3A_43] {strides = array<i32>} : memref<80xi32, #tpu.memory_space<vmem>>, vector<16xi32>,
    %swap3A_45 = vector.shape_cast %swap3A_44 : vector<16xi32> to vector<16xi32>
    %swap3A_46 = vector.shape_cast %shift_right_logical3A_42 : vector<16xi32> to vector<16xi32>
    tpu.vector_store %arg9[%swap3A_43], %swap3A_46 {strides = array<i32>} : memref<80xi32, #tpu.memory_space<vmem>>, vector<16xi32>,
    %and3A_47 = arith.constant 16383 : i32
    %and3A_48 = vector.broadcast %and3A_47 : i32 to vector<16xi32>
    %and3A_49 = arith.andi %get3A_39, %and3A_48 : vector<16xi32>
    %swap3A_50 = arith.constant 16 : index
    %swap3A_51 = tpu.vector_load %arg12[%swap3A_50] {strides = array<i32>} : memref<80xi32, #tpu.memory_space<vmem>>, vector<16xi32>,
    %swap3A_52 = vector.shape_cast %swap3A_51 : vector<16xi32> to vector<16xi32>
    %swap3A_53 = vector.shape_cast %and3A_49 : vector<16xi32> to vector<16xi32>
    tpu.vector_store %arg12[%swap3A_50], %swap3A_53 {strides = array<i32>} : memref<80xi32, #tpu.memory_space<vmem>>, vector<16xi32>,
    %get3A_54 = arith.constant 32 : index
    %get3A_55 = tpu.vector_load %arg5[%get3A_54] {strides = array<i32>} : memref<10000xi32, #tpu.memory_space<vmem>>, vector<16xi32>,
    %get3A_56 = vector.shape_cast %get3A_55 : vector<16xi32> to vector<16xi32>
    %shift_right_logical3A_57 = arith.constant 14 : i32
    %shift_right_logical3A_58 = vector.broadcast %shift_right_logical3A_57 : i32 to vector<16xi32>
    %shift_right_logical3A_59 = arith.shrui %get3A_56, %shift_right_logical3A_58 : vector<16xi32>
    %swap3A_60 = arith.constant 32 : index
    %swap3A_61 = tpu.vector_load %arg9[%swap3A_60] {strides = array<i32>} : memref<80xi32, #tpu.memory_space<vmem>>, vector<16xi32>,
    %swap3A_62 = vector.shape_cast %swap3A_61 : vector<16xi32> to vector<16xi32>
    %swap3A_63 = vector.shape_cast %shift_right_logical3A_59 : vector<16xi32> to vector<16xi32>
    tpu.vector_store %arg9[%swap3A_60], %swap3A_63 {strides = array<i32>} : memref<80xi32, #tpu.memory_space<vmem>>, vector<16xi32>,
    %and3A_64 = arith.constant 16383 : i32
    %and3A_65 = vector.broadcast %and3A_64 : i32 to vector<16xi32>
    %and3A_66 = arith.andi %get3A_56, %and3A_65 : vector<16xi32>
    %swap3A_67 = arith.constant 32 : index
    %swap3A_68 = tpu.vector_load %arg12[%swap3A_67] {strides = array<i32>} : memref<80xi32, #tpu.memory_space<vmem>>, vector<16xi32>,
    %swap3A_69 = vector.shape_cast %swap3A_68 : vector<16xi32> to vector<16xi32>
    %swap3A_70 = vector.shape_cast %and3A_66 : vector<16xi32> to vector<16xi32>
    tpu.vector_store %arg12[%swap3A_67], %swap3A_70 {strides = array<i32>} : memref<80xi32, #tpu.memory_space<vmem>>, vector<16xi32>,
    %get3A_71 = arith.constant 48 : index
    %get3A_72 = tpu.vector_load %arg5[%get3A_71] {strides = array<i32>} : memref<10000xi32, #tpu.memory_space<vmem>>, vector<16xi32>,
    %get3A_73 = vector.shape_cast %get3A_72 : vector<16xi32> to vector<16xi32>
    %shift_right_logical3A_74 = arith.constant 14 : i32
    %shift_right_logical3A_75 = vector.broadcast %shift_right_logical3A_74 : i32 to vector<16xi32>
    %shift_right_logical3A_76 = arith.shrui %get3A_73, %shift_right_logical3A_75 : vector<16xi32>
    %swap3A_77 = arith.constant 48 : index
    %swap3A_78 = tpu.vector_load %arg9[%swap3A_77] {strides = array<i32>} : memref<80xi32, #tpu.memory_space<vmem>>, vector<16xi32>,
    %swap3A_79 = vector.shape_cast %swap3A_78 : vector<16xi32> to vector<16xi32>
    %swap3A_80 = vector.shape_cast %shift_right_logical3A_76 : vector<16xi32> to vector<16xi32>
    tpu.vector_store %arg9[%swap3A_77], %swap3A_80 {strides = array<i32>} : memref<80xi32, #tpu.memory_space<vmem>>, vector<16xi32>,
    %and3A_81 = arith.constant 16383 : i32
    %and3A_82 = vector.broadcast %and3A_81 : i32 to vector<16xi32>
    %and3A_83 = arith.andi %get3A_73, %and3A_82 : vector<16xi32>
    %swap3A_84 = arith.constant 48 : index
    %swap3A_85 = tpu.vector_load %arg12[%swap3A_84] {strides = array<i32>} : memref<80xi32, #tpu.memory_space<vmem>>, vector<16xi32>,
    %swap3A_86 = vector.shape_cast %swap3A_85 : vector<16xi32> to vector<16xi32>
    %swap3A_87 = vector.shape_cast %and3A_83 : vector<16xi32> to vector<16xi32>
    tpu.vector_store %arg12[%swap3A_84], %swap3A_87 {strides = array<i32>} : memref<80xi32, #tpu.memory_space<vmem>>, vector<16xi32>,
    %get3A_88 = arith.constant 64 : index
    %get3A_89 = tpu.vector_load %arg5[%get3A_88] {strides = array<i32>} : memref<10000xi32, #tpu.memory_space<vmem>>, vector<16xi32>,
    %get3A_90 = vector.shape_cast %get3A_89 : vector<16xi32> to vector<16xi32>
    %shift_right_logical3A_91 = arith.constant 14 : i32
    %shift_right_logical3A_92 = vector.broadcast %shift_right_logical3A_91 : i32 to vector<16xi32>
    %shift_right_logical3A_93 = arith.shrui %get3A_90, %shift_right_logical3A_92 : vector<16xi32>
    %swap3A_94 = arith.constant 64 : index
    %swap3A_95 = tpu.vector_load %arg9[%swap3A_94] {strides = array<i32>} : memref<80xi32, #tpu.memory_space<vmem>>, vector<16xi32>,
    %swap3A_96 = vector.shape_cast %swap3A_95 : vector<16xi32> to vector<16xi32>
    %swap3A_97 = vector.shape_cast %shift_right_logical3A_93 : vector<16xi32> to vector<16xi32>
    tpu.vector_store %arg9[%swap3A_94], %swap3A_97 {strides = array<i32>} : memref<80xi32, #tpu.memory_space<vmem>>, vector<16xi32>,
    %and3A_98 = arith.constant 16383 : i32
    %and3A_99 = vector.broadcast %and3A_98 : i32 to vector<16xi32>
    %and3A_100 = arith.andi %get3A_90, %and3A_99 : vector<16xi32>
    %swap3A_101 = arith.constant 64 : index
    %swap3A_102 = tpu.vector_load %arg12[%swap3A_101] {strides = array<i32>} : memref<80xi32, #tpu.memory_space<vmem>>, vector<16xi32>,
    %swap3A_103 = vector.shape_cast %swap3A_102 : vector<16xi32> to vector<16xi32>
    %swap3A_104 = vector.shape_cast %and3A_100 : vector<16xi32> to vector<16xi32>
    tpu.vector_store %arg12[%swap3A_101], %swap3A_104 {strides = array<i32>} : memref<80xi32, #tpu.memory_space<vmem>>, vector<16xi32>,
    %dma_start3A_105 = arith.constant 0 : i32
    %dma_start3A_106 = arith.constant 0 : i32
    %dma_start3A_107 = tpu.memref_slice %arg2[%dma_start3A_105, %dma_start3A_106] : memref<10000x128xf32, #tpu.memory_space<hbm>> -> memref<10000x128xf32, #tpu.memory_space<hbm>>
    tpu.enqueue_indirect_dma source(%dma_start3A_107 : memref<10000x128xf32, #tpu.memory_space<hbm>>) target(%arg6 : memref<80x128xf32, #tpu.memory_space<vmem>>) offsets(%arg9 : memref<80xi32, #tpu.memory_space<vmem>>) semaphore(%arg17 : memref<!tpu.dma_semaphore, #tpu.memory_space<semaphore_mem>>)
    %get3A_108 = arith.constant 80 : index
    %get3A_109 = tpu.vector_load %arg5[%get3A_108] {strides = array<i32>} : memref<10000xi32, #tpu.memory_space<vmem>>, vector<16xi32>,
    %get3A_110 = vector.shape_cast %get3A_109 : vector<16xi32> to vector<16xi32>
    %shift_right_logical3A_111 = arith.constant 14 : i32
    %shift_right_logical3A_112 = vector.broadcast %shift_right_logical3A_111 : i32 to vector<16xi32>
    %shift_right_logical3A_113 = arith.shrui %get3A_110, %shift_right_logical3A_112 : vector<16xi32>
    %swap3A_114 = arith.constant 0 : index
    %swap3A_115 = tpu.vector_load %arg10[%swap3A_114] {strides = array<i32>} : memref<80xi32, #tpu.memory_space<vmem>>, vector<16xi32>,
    %swap3A_116 = vector.shape_cast %swap3A_115 : vector<16xi32> to vector<16xi32>
    %swap3A_117 = vector.shape_cast %shift_right_logical3A_113 : vector<16xi32> to vector<16xi32>
    tpu.vector_store %arg10[%swap3A_114], %swap3A_117 {strides = array<i32>} : memref<80xi32, #tpu.memory_space<vmem>>, vector<16xi32>,
    %and3A_118 = arith.constant 16383 : i32
    %and3A_119 = vector.broadcast %and3A_118 : i32 to vector<16xi32>
    %and3A_120 = arith.andi %get3A_110, %and3A_119 : vector<16xi32>
    %swap3A_121 = arith.constant 0 : index
    %swap3A_122 = tpu.vector_load %arg13[%swap3A_121] {strides = array<i32>} : memref<80xi32, #tpu.memory_space<vmem>>, vector<16xi32>,
    %swap3A_123 = vector.shape_cast %swap3A_122 : vector<16xi32> to vector<16xi32>
    %swap3A_124 = vector.shape_cast %and3A_120 : vector<16xi32> to vector<16xi32>
    tpu.vector_store %arg13[%swap3A_121], %swap3A_124 {strides = array<i32>} : memref<80xi32, #tpu.memory_space<vmem>>, vector<16xi32>,
    %get3A_125 = arith.constant 96 : index
    %get3A_126 = tpu.vector_load %arg5[%get3A_125] {strides = array<i32>} : memref<10000xi32, #tpu.memory_space<vmem>>, vector<16xi32>,
    %get3A_127 = vector.shape_cast %get3A_126 : vector<16xi32> to vector<16xi32>
    %shift_right_logical3A_128 = arith.constant 14 : i32
    %shift_right_logical3A_129 = vector.broadcast %shift_right_logical3A_128 : i32 to vector<16xi32>
    %shift_right_logical3A_130 = arith.shrui %get3A_127, %shift_right_logical3A_129 : vector<16xi32>
    %swap3A_131 = arith.constant 16 : index
    %swap3A_132 = tpu.vector_load %arg10[%swap3A_131] {strides = array<i32>} : memref<80xi32, #tpu.memory_space<vmem>>, vector<16xi32>,
    %swap3A_133 = vector.shape_cast %swap3A_132 : vector<16xi32> to vector<16xi32>
    %swap3A_134 = vector.shape_cast %shift_right_logical3A_130 : vector<16xi32> to vector<16xi32>
    tpu.vector_store %arg10[%swap3A_131], %swap3A_134 {strides = array<i32>} : memref<80xi32, #tpu.memory_space<vmem>>, vector<16xi32>,
    %and3A_135 = arith.constant 16383 : i32
    %and3A_136 = vector.broadcast %and3A_135 : i32 to vector<16xi32>
    %and3A_137 = arith.andi %get3A_127, %and3A_136 : vector<16xi32>
    %swap3A_138 = arith.constant 16 : index
    %swap3A_139 = tpu.vector_load %arg13[%swap3A_138] {strides = array<i32>} : memref<80xi32, #tpu.memory_space<vmem>>, vector<16xi32>,
    %swap3A_140 = vector.shape_cast %swap3A_139 : vector<16xi32> to vector<16xi32>
    %swap3A_141 = vector.shape_cast %and3A_137 : vector<16xi32> to vector<16xi32>
    tpu.vector_store %arg13[%swap3A_138], %swap3A_141 {strides = array<i32>} : memref<80xi32, #tpu.memory_space<vmem>>, vector<16xi32>,
    %get3A_142 = arith.constant 112 : index
    %get3A_143 = tpu.vector_load %arg5[%get3A_142] {strides = array<i32>} : memref<10000xi32, #tpu.memory_space<vmem>>, vector<16xi32>,
    %get3A_144 = vector.shape_cast %get3A_143 : vector<16xi32> to vector<16xi32>
    %shift_right_logical3A_145 = arith.constant 14 : i32
    %shift_right_logical3A_146 = vector.broadcast %shift_right_logical3A_145 : i32 to vector<16xi32>
    %shift_right_logical3A_147 = arith.shrui %get3A_144, %shift_right_logical3A_146 : vector<16xi32>
    %swap3A_148 = arith.constant 32 : index
    %swap3A_149 = tpu.vector_load %arg10[%swap3A_148] {strides = array<i32>} : memref<80xi32, #tpu.memory_space<vmem>>, vector<16xi32>,
    %swap3A_150 = vector.shape_cast %swap3A_149 : vector<16xi32> to vector<16xi32>
    %swap3A_151 = vector.shape_cast %shift_right_logical3A_147 : vector<16xi32> to vector<16xi32>
    tpu.vector_store %arg10[%swap3A_148], %swap3A_151 {strides = array<i32>} : memref<80xi32, #tpu.memory_space<vmem>>, vector<16xi32>,
    %and3A_152 = arith.constant 16383 : i32
    %and3A_153 = vector.broadcast %and3A_152 : i32 to vector<16xi32>
    %and3A_154 = arith.andi %get3A_144, %and3A_153 : vector<16xi32>
    %swap3A_155 = arith.constant 32 : index
    %swap3A_156 = tpu.vector_load %arg13[%swap3A_155] {strides = array<i32>} : memref<80xi32, #tpu.memory_space<vmem>>, vector<16xi32>,
    %swap3A_157 = vector.shape_cast %swap3A_156 : vector<16xi32> to vector<16xi32>
    %swap3A_158 = vector.shape_cast %and3A_154 : vector<16xi32> to vector<16xi32>
    tpu.vector_store %arg13[%swap3A_155], %swap3A_158 {strides = array<i32>} : memref<80xi32, #tpu.memory_space<vmem>>, vector<16xi32>,
    %get3A_159 = arith.constant 128 : index
    %get3A_160 = tpu.vector_load %arg5[%get3A_159] {strides = array<i32>} : memref<10000xi32, #tpu.memory_space<vmem>>, vector<16xi32>,
    %get3A_161 = vector.shape_cast %get3A_160 : vector<16xi32> to vector<16xi32>
    %shift_right_logical3A_162 = arith.constant 14 : i32
    %shift_right_logical3A_163 = vector.broadcast %shift_right_logical3A_162 : i32 to vector<16xi32>
    %shift_right_logical3A_164 = arith.shrui %get3A_161, %shift_right_logical3A_163 : vector<16xi32>
    %swap3A_165 = arith.constant 48 : index
    %swap3A_166 = tpu.vector_load %arg10[%swap3A_165] {strides = array<i32>} : memref<80xi32, #tpu.memory_space<vmem>>, vector<16xi32>,
    %swap3A_167 = vector.shape_cast %swap3A_166 : vector<16xi32> to vector<16xi32>
    %swap3A_168 = vector.shape_cast %shift_right_logical3A_164 : vector<16xi32> to vector<16xi32>
    tpu.vector_store %arg10[%swap3A_165], %swap3A_168 {strides = array<i32>} : memref<80xi32, #tpu.memory_space<vmem>>, vector<16xi32>,
    %and3A_169 = arith.constant 16383 : i32
    %and3A_170 = vector.broadcast %and3A_169 : i32 to vector<16xi32>
    %and3A_171 = arith.andi %get3A_161, %and3A_170 : vector<16xi32>
    %swap3A_172 = arith.constant 48 : index
    %swap3A_173 = tpu.vector_load %arg13[%swap3A_172] {strides = array<i32>} : memref<80xi32, #tpu.memory_space<vmem>>, vector<16xi32>,
    %swap3A_174 = vector.shape_cast %swap3A_173 : vector<16xi32> to vector<16xi32>
    %swap3A_175 = vector.shape_cast %and3A_171 : vector<16xi32> to vector<16xi32>
    tpu.vector_store %arg13[%swap3A_172], %swap3A_175 {strides = array<i32>} : memref<80xi32, #tpu.memory_space<vmem>>, vector<16xi32>,
    %get3A_176 = arith.constant 144 : index
    %get3A_177 = tpu.vector_load %arg5[%get3A_176] {strides = array<i32>} : memref<10000xi32, #tpu.memory_space<vmem>>, vector<16xi32>,
    %get3A_178 = vector.shape_cast %get3A_177 : vector<16xi32> to vector<16xi32>
    %shift_right_logical3A_179 = arith.constant 14 : i32
    %shift_right_logical3A_180 = vector.broadcast %shift_right_logical3A_179 : i32 to vector<16xi32>
    %shift_right_logical3A_181 = arith.shrui %get3A_178, %shift_right_logical3A_180 : vector<16xi32>
    %swap3A_182 = arith.constant 64 : index
    %swap3A_183 = tpu.vector_load %arg10[%swap3A_182] {strides = array<i32>} : memref<80xi32, #tpu.memory_space<vmem>>, vector<16xi32>,
    %swap3A_184 = vector.shape_cast %swap3A_183 : vector<16xi32> to vector<16xi32>
    %swap3A_185 = vector.shape_cast %shift_right_logical3A_181 : vector<16xi32> to vector<16xi32>
    tpu.vector_store %arg10[%swap3A_182], %swap3A_185 {strides = array<i32>} : memref<80xi32, #tpu.memory_space<vmem>>, vector<16xi32>,
    %and3A_186 = arith.constant 16383 : i32
    %and3A_187 = vector.broadcast %and3A_186 : i32 to vector<16xi32>
    %and3A_188 = arith.andi %get3A_178, %and3A_187 : vector<16xi32>
    %swap3A_189 = arith.constant 64 : index
    %swap3A_190 = tpu.vector_load %arg13[%swap3A_189] {strides = array<i32>} : memref<80xi32, #tpu.memory_space<vmem>>, vector<16xi32>,
    %swap3A_191 = vector.shape_cast %swap3A_190 : vector<16xi32> to vector<16xi32>
    %swap3A_192 = vector.shape_cast %and3A_188 : vector<16xi32> to vector<16xi32>
    tpu.vector_store %arg13[%swap3A_189], %swap3A_192 {strides = array<i32>} : memref<80xi32, #tpu.memory_space<vmem>>, vector<16xi32>,
    %dma_start3A_193 = arith.constant 0 : i32
    %dma_start3A_194 = arith.constant 0 : i32
    %dma_start3A_195 = tpu.memref_slice %arg2[%dma_start3A_193, %dma_start3A_194] : memref<10000x128xf32, #tpu.memory_space<hbm>> -> memref<10000x128xf32, #tpu.memory_space<hbm>>
    tpu.enqueue_indirect_dma source(%dma_start3A_195 : memref<10000x128xf32, #tpu.memory_space<hbm>>) target(%arg7 : memref<80x128xf32, #tpu.memory_space<vmem>>) offsets(%arg10 : memref<80xi32, #tpu.memory_space<vmem>>) semaphore(%arg18 : memref<!tpu.dma_semaphore, #tpu.memory_space<semaphore_mem>>)
    %get3A_196 = arith.constant 160 : index
    %get3A_197 = tpu.vector_load %arg5[%get3A_196] {strides = array<i32>} : memref<10000xi32, #tpu.memory_space<vmem>>, vector<16xi32>,
    %get3A_198 = vector.shape_cast %get3A_197 : vector<16xi32> to vector<16xi32>
    %shift_right_logical3A_199 = arith.constant 14 : i32
    %shift_right_logical3A_200 = vector.broadcast %shift_right_logical3A_199 : i32 to vector<16xi32>
    %shift_right_logical3A_201 = arith.shrui %get3A_198, %shift_right_logical3A_200 : vector<16xi32>
    %swap3A_202 = arith.constant 0 : index
    %swap3A_203 = tpu.vector_load %arg11[%swap3A_202] {strides = array<i32>} : memref<80xi32, #tpu.memory_space<vmem>>, vector<16xi32>,
    %swap3A_204 = vector.shape_cast %swap3A_203 : vector<16xi32> to vector<16xi32>
    %swap3A_205 = vector.shape_cast %shift_right_logical3A_201 : vector<16xi32> to vector<16xi32>
    tpu.vector_store %arg11[%swap3A_202], %swap3A_205 {strides = array<i32>} : memref<80xi32, #tpu.memory_space<vmem>>, vector<16xi32>,
    %and3A_206 = arith.constant 16383 : i32
    %and3A_207 = vector.broadcast %and3A_206 : i32 to vector<16xi32>
    %and3A_208 = arith.andi %get3A_198, %and3A_207 : vector<16xi32>
    %swap3A_209 = arith.constant 0 : index
    %swap3A_210 = tpu.vector_load %arg14[%swap3A_209] {strides = array<i32>} : memref<80xi32, #tpu.memory_space<vmem>>, vector<16xi32>,
    %swap3A_211 = vector.shape_cast %swap3A_210 : vector<16xi32> to vector<16xi32>
    %swap3A_212 = vector.shape_cast %and3A_208 : vector<16xi32> to vector<16xi32>
    tpu.vector_store %arg14[%swap3A_209], %swap3A_212 {strides = array<i32>} : memref<80xi32, #tpu.memory_space<vmem>>, vector<16xi32>,
    %get3A_213 = arith.constant 176 : index
    %get3A_214 = tpu.vector_load %arg5[%get3A_213] {strides = array<i32>} : memref<10000xi32, #tpu.memory_space<vmem>>, vector<16xi32>,
    %get3A_215 = vector.shape_cast %get3A_214 : vector<16xi32> to vector<16xi32>
    %shift_right_logical3A_216 = arith.constant 14 : i32
    %shift_right_logical3A_217 = vector.broadcast %shift_right_logical3A_216 : i32 to vector<16xi32>
    %shift_right_logical3A_218 = arith.shrui %get3A_215, %shift_right_logical3A_217 : vector<16xi32>
    %swap3A_219 = arith.constant 16 : index
    %swap3A_220 = tpu.vector_load %arg11[%swap3A_219] {strides = array<i32>} : memref<80xi32, #tpu.memory_space<vmem>>, vector<16xi32>,
    %swap3A_221 = vector.shape_cast %swap3A_220 : vector<16xi32> to vector<16xi32>
    %swap3A_222 = vector.shape_cast %shift_right_logical3A_218 : vector<16xi32> to vector<16xi32>
    tpu.vector_store %arg11[%swap3A_219], %swap3A_222 {strides = array<i32>} : memref<80xi32, #tpu.memory_space<vmem>>, vector<16xi32>,
    %and3A_223 = arith.constant 16383 : i32
    %and3A_224 = vector.broadcast %and3A_223 : i32 to vector<16xi32>
    %and3A_225 = arith.andi %get3A_215, %and3A_224 : vector<16xi32>
    %swap3A_226 = arith.constant 16 : index
    %swap3A_227 = tpu.vector_load %arg14[%swap3A_226] {strides = array<i32>} : memref<80xi32, #tpu.memory_space<vmem>>, vector<16xi32>,
    %swap3A_228 = vector.shape_cast %swap3A_227 : vector<16xi32> to vector<16xi32>
    %swap3A_229 = vector.shape_cast %and3A_225 : vector<16xi32> to vector<16xi32>
    tpu.vector_store %arg14[%swap3A_226], %swap3A_229 {strides = array<i32>} : memref<80xi32, #tpu.memory_space<vmem>>, vector<16xi32>,
    %get3A_230 = arith.constant 192 : index
    %get3A_231 = tpu.vector_load %arg5[%get3A_230] {strides = array<i32>} : memref<10000xi32, #tpu.memory_space<vmem>>, vector<16xi32>,
    %get3A_232 = vector.shape_cast %get3A_231 : vector<16xi32> to vector<16xi32>
    %shift_right_logical3A_233 = arith.constant 14 : i32
    %shift_right_logical3A_234 = vector.broadcast %shift_right_logical3A_233 : i32 to vector<16xi32>
    %shift_right_logical3A_235 = arith.shrui %get3A_232, %shift_right_logical3A_234 : vector<16xi32>
    %swap3A_236 = arith.constant 32 : index
    %swap3A_237 = tpu.vector_load %arg11[%swap3A_236] {strides = array<i32>} : memref<80xi32, #tpu.memory_space<vmem>>, vector<16xi32>,
    %swap3A_238 = vector.shape_cast %swap3A_237 : vector<16xi32> to vector<16xi32>
    %swap3A_239 = vector.shape_cast %shift_right_logical3A_235 : vector<16xi32> to vector<16xi32>
    tpu.vector_store %arg11[%swap3A_236], %swap3A_239 {strides = array<i32>} : memref<80xi32, #tpu.memory_space<vmem>>, vector<16xi32>,
    %and3A_240 = arith.constant 16383 : i32
    %and3A_241 = vector.broadcast %and3A_240 : i32 to vector<16xi32>
    %and3A_242 = arith.andi %get3A_232, %and3A_241 : vector<16xi32>
    %swap3A_243 = arith.constant 32 : index
    %swap3A_244 = tpu.vector_load %arg14[%swap3A_243] {strides = array<i32>} : memref<80xi32, #tpu.memory_space<vmem>>, vector<16xi32>,
    %swap3A_245 = vector.shape_cast %swap3A_244 : vector<16xi32> to vector<16xi32>
    %swap3A_246 = vector.shape_cast %and3A_242 : vector<16xi32> to vector<16xi32>
    tpu.vector_store %arg14[%swap3A_243], %swap3A_246 {strides = array<i32>} : memref<80xi32, #tpu.memory_space<vmem>>, vector<16xi32>,
    %get3A_247 = arith.constant 208 : index
    %get3A_248 = tpu.vector_load %arg5[%get3A_247] {strides = array<i32>} : memref<10000xi32, #tpu.memory_space<vmem>>, vector<16xi32>,
    %get3A_249 = vector.shape_cast %get3A_248 : vector<16xi32> to vector<16xi32>
    %shift_right_logical3A_250 = arith.constant 14 : i32
    %shift_right_logical3A_251 = vector.broadcast %shift_right_logical3A_250 : i32 to vector<16xi32>
    %shift_right_logical3A_252 = arith.shrui %get3A_249, %shift_right_logical3A_251 : vector<16xi32>
    %swap3A_253 = arith.constant 48 : index
    %swap3A_254 = tpu.vector_load %arg11[%swap3A_253] {strides = array<i32>} : memref<80xi32, #tpu.memory_space<vmem>>, vector<16xi32>,
    %swap3A_255 = vector.shape_cast %swap3A_254 : vector<16xi32> to vector<16xi32>
    %swap3A_256 = vector.shape_cast %shift_right_logical3A_252 : vector<16xi32> to vector<16xi32>
    tpu.vector_store %arg11[%swap3A_253], %swap3A_256 {strides = array<i32>} : memref<80xi32, #tpu.memory_space<vmem>>, vector<16xi32>,
    %and3A_257 = arith.constant 16383 : i32
    %and3A_258 = vector.broadcast %and3A_257 : i32 to vector<16xi32>
    %and3A_259 = arith.andi %get3A_249, %and3A_258 : vector<16xi32>
    %swap3A_260 = arith.constant 48 : index
    %swap3A_261 = tpu.vector_load %arg14[%swap3A_260] {strides = array<i32>} : memref<80xi32, #tpu.memory_space<vmem>>, vector<16xi32>,
    %swap3A_262 = vector.shape_cast %swap3A_261 : vector<16xi32> to vector<16xi32>
    %swap3A_263 = vector.shape_cast %and3A_259 : vector<16xi32> to vector<16xi32>
    tpu.vector_store %arg14[%swap3A_260], %swap3A_263 {strides = array<i32>} : memref<80xi32, #tpu.memory_space<vmem>>, vector<16xi32>,
    %get3A_264 = arith.constant 224 : index
    %get3A_265 = tpu.vector_load %arg5[%get3A_264] {strides = array<i32>} : memref<10000xi32, #tpu.memory_space<vmem>>, vector<16xi32>,
    %get3A_266 = vector.shape_cast %get3A_265 : vector<16xi32> to vector<16xi32>
    %shift_right_logical3A_267 = arith.constant 14 : i32
    %shift_right_logical3A_268 = vector.broadcast %shift_right_logical3A_267 : i32 to vector<16xi32>
    %shift_right_logical3A_269 = arith.shrui %get3A_266, %shift_right_logical3A_268 : vector<16xi32>
    %swap3A_270 = arith.constant 64 : index
    %swap3A_271 = tpu.vector_load %arg11[%swap3A_270] {strides = array<i32>} : memref<80xi32, #tpu.memory_space<vmem>>, vector<16xi32>,
    %swap3A_272 = vector.shape_cast %swap3A_271 : vector<16xi32> to vector<16xi32>
    %swap3A_273 = vector.shape_cast %shift_right_logical3A_269 : vector<16xi32> to vector<16xi32>
    tpu.vector_store %arg11[%swap3A_270], %swap3A_273 {strides = array<i32>} : memref<80xi32, #tpu.memory_space<vmem>>, vector<16xi32>,
    %and3A_274 = arith.constant 16383 : i32
    %and3A_275 = vector.broadcast %and3A_274 : i32 to vector<16xi32>
    %and3A_276 = arith.andi %get3A_266, %and3A_275 : vector<16xi32>
    %swap3A_277 = arith.constant 64 : index
    %swap3A_278 = tpu.vector_load %arg14[%swap3A_277] {strides = array<i32>} : memref<80xi32, #tpu.memory_space<vmem>>, vector<16xi32>,
    %swap3A_279 = vector.shape_cast %swap3A_278 : vector<16xi32> to vector<16xi32>
    %swap3A_280 = vector.shape_cast %and3A_276 : vector<16xi32> to vector<16xi32>
    tpu.vector_store %arg14[%swap3A_277], %swap3A_280 {strides = array<i32>} : memref<80xi32, #tpu.memory_space<vmem>>, vector<16xi32>,
    %dma_start3A_281 = arith.constant 0 : i32
    %dma_start3A_282 = arith.constant 0 : i32
    %dma_start3A_283 = tpu.memref_slice %arg2[%dma_start3A_281, %dma_start3A_282] : memref<10000x128xf32, #tpu.memory_space<hbm>> -> memref<10000x128xf32, #tpu.memory_space<hbm>>
    tpu.enqueue_indirect_dma source(%dma_start3A_283 : memref<10000x128xf32, #tpu.memory_space<hbm>>) target(%arg8 : memref<80x128xf32, #tpu.memory_space<vmem>>) offsets(%arg11 : memref<80xi32, #tpu.memory_space<vmem>>) semaphore(%arg19 : memref<!tpu.dma_semaphore, #tpu.memory_space<semaphore_mem>>)
    %scan3A_284 = arith.constant 0 : i32
    %scan3A_285 = arith.constant 0 : i32
    %scan3A_286 = arith.constant 42 : i32
    %scan3A_287 = arith.addi %scan3A_285, %scan3A_286 : i32
    %scan3A_288 = arith.constant 1 : i32
    scf.for %scan3A_297 = %scan3A_285 to %scan3A_287 step %scan3A_288  : i32 {
      %mul3A_298 = arith.constant 3 : i32
      %mul3A_299 = arith.muli %scan3A_297, %mul3A_298 : i32
      %add3A_300 = arith.constant 0 : i32
      %add3A_301 = arith.addi %mul3A_299, %add3A_300 : i32
      %lt3A = arith.constant 125 : i32
      %lt3A_302 = arith.cmpi slt, %add3A_301, %lt3A : i32
      %convert_element_type3A = arith.extui %lt3A_302 : i1 to i32
      %cond3A = arith.constant 0 : i32
      %cond3A_303 = arith.cmpi ne, %convert_element_type3A, %cond3A : i32
      scf.if %cond3A_303 {
        %dma_wait3A_322 = arith.constant 0 : i32
        %dma_wait3A_323 = arith.constant 0 : i32
        %dma_wait3A_324 = tpu.memref_slice %arg2[%dma_wait3A_322, %dma_wait3A_323] : memref<10000x128xf32, #tpu.memory_space<hbm>> -> memref<80x128xf32, #tpu.memory_space<hbm>>
        %dma_wait3A_325 = arith.constant 0 : i32
        %dma_wait3A_326 = arith.constant 0 : i32
        %dma_wait3A_327 = tpu.memref_slice %arg2[%dma_wait3A_325, %dma_wait3A_326] : memref<10000x128xf32, #tpu.memory_space<hbm>> -> memref<80x128xf32, #tpu.memory_space<hbm>>
        tpu.wait_dma2 semaphore(%arg17 : memref<!tpu.dma_semaphore, #tpu.memory_space<semaphore_mem>>) src(%dma_wait3A_327 : memref<80x128xf32, #tpu.memory_space<hbm>>) dst(%arg6 : memref<80x128xf32, #tpu.memory_space<vmem>>)
        "tpu.region"() ({
          %run_scoped3A = tpu.sem_alloc : memref<!tpu.dma_semaphore, #tpu.memory_space<semaphore_mem>>
          %dma_start3A_335 = arith.constant 0 : i32
          %dma_start3A_336 = arith.constant 0 : i32
          %dma_start3A_337 = tpu.memref_slice %arg16[%dma_start3A_335, %dma_start3A_336] : memref<10000x128xf32, #tpu.memory_space<vmem_shared>> -> memref<10000x128xf32, #tpu.memory_space<vmem_shared>>
          tpu.enqueue_indirect_dma source(%arg6 : memref<80x128xf32, #tpu.memory_space<vmem>>) target(%dma_start3A_337 : memref<10000x128xf32, #tpu.memory_space<vmem_shared>>) offsets(%arg12 : memref<80xi32, #tpu.memory_space<vmem>>) semaphore(%run_scoped3A : memref<!tpu.dma_semaphore, #tpu.memory_space<semaphore_mem>>) {add = true}
          %dma_wait3A_338 = arith.constant 0 : i32
          %dma_wait3A_339 = arith.constant 0 : i32
          %dma_wait3A_340 = tpu.memref_slice %arg16[%dma_wait3A_338, %dma_wait3A_339] : memref<10000x128xf32, #tpu.memory_space<vmem_shared>> -> memref<10000x128xf32, #tpu.memory_space<vmem_shared>>
          tpu.wait_indirect_dma semaphore(%run_scoped3A : memref<!tpu.dma_semaphore, #tpu.memory_space<semaphore_mem>>) src(%arg6 : memref<80x128xf32, #tpu.memory_space<vmem>>) dst(%dma_wait3A_340 : memref<10000x128xf32, #tpu.memory_space<vmem_shared>>)
          tpu.yield
        }) : () -> ()
        %add3A_328 = arith.constant 3 : i32
        %add3A_329 = arith.addi %add3A_301, %add3A_328 : i32
        %lt3A_330 = arith.constant 125 : i32
        %lt3A_331 = arith.cmpi slt, %add3A_329, %lt3A_330 : i32
        %convert_element_type3A_332 = arith.extui %lt3A_331 : i1 to i32
        %cond3A_333 = arith.constant 0 : i32
        %cond3A_334 = arith.cmpi ne, %convert_element_type3A_332, %cond3A_333 : i32
        scf.if %cond3A_334 {
          %mul3A_335 = arith.constant 80 : i32
          %mul3A_336 = arith.muli %add3A_329, %mul3A_335 : i32
          %add3A_337 = arith.constant 0 : i32
          %add3A_338 = arith.addi %mul3A_336, %add3A_337 : i32
          %get3A_339 = arith.index_cast %add3A_338 : i32 to index
          %get3A_340 = tpu.vector_load %arg5[%get3A_339] {strides = array<i32>} : memref<10000xi32, #tpu.memory_space<vmem>>, vector<16xi32>,
          %get3A_341 = vector.shape_cast %get3A_340 : vector<16xi32> to vector<16xi32>
          %shift_right_logical3A_342 = arith.constant 14 : i32
          %shift_right_logical3A_343 = vector.broadcast %shift_right_logical3A_342 : i32 to vector<16xi32>
          %shift_right_logical3A_344 = arith.shrui %get3A_341, %shift_right_logical3A_343 : vector<16xi32>
          %swap3A_345 = arith.constant 0 : index
          %swap3A_346 = tpu.vector_load %arg9[%swap3A_345] {strides = array<i32>} : memref<80xi32, #tpu.memory_space<vmem>>, vector<16xi32>,
          %swap3A_347 = vector.shape_cast %swap3A_346 : vector<16xi32> to vector<16xi32>
          %swap3A_348 = vector.shape_cast %shift_right_logical3A_344 : vector<16xi32> to vector<16xi32>
          tpu.vector_store %arg9[%swap3A_345], %swap3A_348 {strides = array<i32>} : memref<80xi32, #tpu.memory_space<vmem>>, vector<16xi32>,
          %and3A_349 = arith.constant 16383 : i32
          %and3A_350 = vector.broadcast %and3A_349 : i32 to vector<16xi32>
          %and3A_351 = arith.andi %get3A_341, %and3A_350 : vector<16xi32>
          %swap3A_352 = arith.constant 0 : index
          %swap3A_353 = tpu.vector_load %arg12[%swap3A_352] {strides = array<i32>} : memref<80xi32, #tpu.memory_space<vmem>>, vector<16xi32>,
          %swap3A_354 = vector.shape_cast %swap3A_353 : vector<16xi32> to vector<16xi32>
          %swap3A_355 = vector.shape_cast %and3A_351 : vector<16xi32> to vector<16xi32>
          tpu.vector_store %arg12[%swap3A_352], %swap3A_355 {strides = array<i32>} : memref<80xi32, #tpu.memory_space<vmem>>, vector<16xi32>,
          %mul3A_356 = arith.constant 80 : i32
          %mul3A_357 = arith.muli %add3A_329, %mul3A_356 : i32
          %add3A_358 = arith.constant 16 : i32
          %add3A_359 = arith.addi %mul3A_357, %add3A_358 : i32
          %get3A_360 = arith.index_cast %add3A_359 : i32 to index
          %get3A_361 = tpu.vector_load %arg5[%get3A_360] {strides = array<i32>} : memref<10000xi32, #tpu.memory_space<vmem>>, vector<16xi32>,
          %get3A_362 = vector.shape_cast %get3A_361 : vector<16xi32> to vector<16xi32>
          %shift_right_logical3A_363 = arith.constant 14 : i32
          %shift_right_logical3A_364 = vector.broadcast %shift_right_logical3A_363 : i32 to vector<16xi32>
          %shift_right_logical3A_365 = arith.shrui %get3A_362, %shift_right_logical3A_364 : vector<16xi32>
          %swap3A_366 = arith.constant 16 : index
          %swap3A_367 = tpu.vector_load %arg9[%swap3A_366] {strides = array<i32>} : memref<80xi32, #tpu.memory_space<vmem>>, vector<16xi32>,
          %swap3A_368 = vector.shape_cast %swap3A_367 : vector<16xi32> to vector<16xi32>
          %swap3A_369 = vector.shape_cast %shift_right_logical3A_365 : vector<16xi32> to vector<16xi32>
          tpu.vector_store %arg9[%swap3A_366], %swap3A_369 {strides = array<i32>} : memref<80xi32, #tpu.memory_space<vmem>>, vector<16xi32>,
          %and3A_370 = arith.constant 16383 : i32
          %and3A_371 = vector.broadcast %and3A_370 : i32 to vector<16xi32>
          %and3A_372 = arith.andi %get3A_362, %and3A_371 : vector<16xi32>
          %swap3A_373 = arith.constant 16 : index
          %swap3A_374 = tpu.vector_load %arg12[%swap3A_373] {strides = array<i32>} : memref<80xi32, #tpu.memory_space<vmem>>, vector<16xi32>,
          %swap3A_375 = vector.shape_cast %swap3A_374 : vector<16xi32> to vector<16xi32>
          %swap3A_376 = vector.shape_cast %and3A_372 : vector<16xi32> to vector<16xi32>
          tpu.vector_store %arg12[%swap3A_373], %swap3A_376 {strides = array<i32>} : memref<80xi32, #tpu.memory_space<vmem>>, vector<16xi32>,
          %mul3A_377 = arith.constant 80 : i32
          %mul3A_378 = arith.muli %add3A_329, %mul3A_377 : i32
          %add3A_379 = arith.constant 32 : i32
          %add3A_380 = arith.addi %mul3A_378, %add3A_379 : i32
          %get3A_381 = arith.index_cast %add3A_380 : i32 to index
          %get3A_382 = tpu.vector_load %arg5[%get3A_381] {strides = array<i32>} : memref<10000xi32, #tpu.memory_space<vmem>>, vector<16xi32>,
          %get3A_383 = vector.shape_cast %get3A_382 : vector<16xi32> to vector<16xi32>
          %shift_right_logical3A_384 = arith.constant 14 : i32
          %shift_right_logical3A_385 = vector.broadcast %shift_right_logical3A_384 : i32 to vector<16xi32>
          %shift_right_logical3A_386 = arith.shrui %get3A_383, %shift_right_logical3A_385 : vector<16xi32>
          %swap3A_387 = arith.constant 32 : index
          %swap3A_388 = tpu.vector_load %arg9[%swap3A_387] {strides = array<i32>} : memref<80xi32, #tpu.memory_space<vmem>>, vector<16xi32>,
          %swap3A_389 = vector.shape_cast %swap3A_388 : vector<16xi32> to vector<16xi32>
          %swap3A_390 = vector.shape_cast %shift_right_logical3A_386 : vector<16xi32> to vector<16xi32>
          tpu.vector_store %arg9[%swap3A_387], %swap3A_390 {strides = array<i32>} : memref<80xi32, #tpu.memory_space<vmem>>, vector<16xi32>,
          %and3A_391 = arith.constant 16383 : i32
          %and3A_392 = vector.broadcast %and3A_391 : i32 to vector<16xi32>
          %and3A_393 = arith.andi %get3A_383, %and3A_392 : vector<16xi32>
          %swap3A_394 = arith.constant 32 : index
          %swap3A_395 = tpu.vector_load %arg12[%swap3A_394] {strides = array<i32>} : memref<80xi32, #tpu.memory_space<vmem>>, vector<16xi32>,
          %swap3A_396 = vector.shape_cast %swap3A_395 : vector<16xi32> to vector<16xi32>
          %swap3A_397 = vector.shape_cast %and3A_393 : vector<16xi32> to vector<16xi32>
          tpu.vector_store %arg12[%swap3A_394], %swap3A_397 {strides = array<i32>} : memref<80xi32, #tpu.memory_space<vmem>>, vector<16xi32>,
          %mul3A_398 = arith.constant 80 : i32
          %mul3A_399 = arith.muli %add3A_329, %mul3A_398 : i32
          %add3A_400 = arith.constant 48 : i32
          %add3A_401 = arith.addi %mul3A_399, %add3A_400 : i32
          %get3A_402 = arith.index_cast %add3A_401 : i32 to index
          %get3A_403 = tpu.vector_load %arg5[%get3A_402] {strides = array<i32>} : memref<10000xi32, #tpu.memory_space<vmem>>, vector<16xi32>,
          %get3A_404 = vector.shape_cast %get3A_403 : vector<16xi32> to vector<16xi32>
          %shift_right_logical3A_405 = arith.constant 14 : i32
          %shift_right_logical3A_406 = vector.broadcast %shift_right_logical3A_405 : i32 to vector<16xi32>
          %shift_right_logical3A_407 = arith.shrui %get3A_404, %shift_right_logical3A_406 : vector<16xi32>
          %swap3A_408 = arith.constant 48 : index
          %swap3A_409 = tpu.vector_load %arg9[%swap3A_408] {strides = array<i32>} : memref<80xi32, #tpu.memory_space<vmem>>, vector<16xi32>,
          %swap3A_410 = vector.shape_cast %swap3A_409 : vector<16xi32> to vector<16xi32>
          %swap3A_411 = vector.shape_cast %shift_right_logical3A_407 : vector<16xi32> to vector<16xi32>
          tpu.vector_store %arg9[%swap3A_408], %swap3A_411 {strides = array<i32>} : memref<80xi32, #tpu.memory_space<vmem>>, vector<16xi32>,
          %and3A_412 = arith.constant 16383 : i32
          %and3A_413 = vector.broadcast %and3A_412 : i32 to vector<16xi32>
          %and3A_414 = arith.andi %get3A_404, %and3A_413 : vector<16xi32>
          %swap3A_415 = arith.constant 48 : index
          %swap3A_416 = tpu.vector_load %arg12[%swap3A_415] {strides = array<i32>} : memref<80xi32, #tpu.memory_space<vmem>>, vector<16xi32>,
          %swap3A_417 = vector.shape_cast %swap3A_416 : vector<16xi32> to vector<16xi32>
          %swap3A_418 = vector.shape_cast %and3A_414 : vector<16xi32> to vector<16xi32>
          tpu.vector_store %arg12[%swap3A_415], %swap3A_418 {strides = array<i32>} : memref<80xi32, #tpu.memory_space<vmem>>, vector<16xi32>,
          %mul3A_419 = arith.constant 80 : i32
          %mul3A_420 = arith.muli %add3A_329, %mul3A_419 : i32
          %add3A_421 = arith.constant 64 : i32
          %add3A_422 = arith.addi %mul3A_420, %add3A_421 : i32
          %get3A_423 = arith.index_cast %add3A_422 : i32 to index
          %get3A_424 = tpu.vector_load %arg5[%get3A_423] {strides = array<i32>} : memref<10000xi32, #tpu.memory_space<vmem>>, vector<16xi32>,
          %get3A_425 = vector.shape_cast %get3A_424 : vector<16xi32> to vector<16xi32>
          %shift_right_logical3A_426 = arith.constant 14 : i32
          %shift_right_logical3A_427 = vector.broadcast %shift_right_logical3A_426 : i32 to vector<16xi32>
          %shift_right_logical3A_428 = arith.shrui %get3A_425, %shift_right_logical3A_427 : vector<16xi32>
          %swap3A_429 = arith.constant 64 : index
          %swap3A_430 = tpu.vector_load %arg9[%swap3A_429] {strides = array<i32>} : memref<80xi32, #tpu.memory_space<vmem>>, vector<16xi32>,
          %swap3A_431 = vector.shape_cast %swap3A_430 : vector<16xi32> to vector<16xi32>
          %swap3A_432 = vector.shape_cast %shift_right_logical3A_428 : vector<16xi32> to vector<16xi32>
          tpu.vector_store %arg9[%swap3A_429], %swap3A_432 {strides = array<i32>} : memref<80xi32, #tpu.memory_space<vmem>>, vector<16xi32>,
          %and3A_433 = arith.constant 16383 : i32
          %and3A_434 = vector.broadcast %and3A_433 : i32 to vector<16xi32>
          %and3A_435 = arith.andi %get3A_425, %and3A_434 : vector<16xi32>
          %swap3A_436 = arith.constant 64 : index
          %swap3A_437 = tpu.vector_load %arg12[%swap3A_436] {strides = array<i32>} : memref<80xi32, #tpu.memory_space<vmem>>, vector<16xi32>,
          %swap3A_438 = vector.shape_cast %swap3A_437 : vector<16xi32> to vector<16xi32>
          %swap3A_439 = vector.shape_cast %and3A_435 : vector<16xi32> to vector<16xi32>
          tpu.vector_store %arg12[%swap3A_436], %swap3A_439 {strides = array<i32>} : memref<80xi32, #tpu.memory_space<vmem>>, vector<16xi32>,
          %dma_start3A_440 = arith.constant 0 : i32
          %dma_start3A_441 = arith.constant 0 : i32
          %dma_start3A_442 = tpu.memref_slice %arg2[%dma_start3A_440, %dma_start3A_441] : memref<10000x128xf32, #tpu.memory_space<hbm>> -> memref<10000x128xf32, #tpu.memory_space<hbm>>
          tpu.enqueue_indirect_dma source(%dma_start3A_442 : memref<10000x128xf32, #tpu.memory_space<hbm>>) target(%arg6 : memref<80x128xf32, #tpu.memory_space<vmem>>) offsets(%arg9 : memref<80xi32, #tpu.memory_space<vmem>>) semaphore(%arg17 : memref<!tpu.dma_semaphore, #tpu.memory_space<semaphore_mem>>)
        } else {
        }
      } else {
      }
      %mul3A_304 = arith.constant 3 : i32
      %mul3A_305 = arith.muli %scan3A_297, %mul3A_304 : i32
      %add3A_306 = arith.constant 1 : i32
      %add3A_307 = arith.addi %mul3A_305, %add3A_306 : i32
      %lt3A_308 = arith.constant 125 : i32
      %lt3A_309 = arith.cmpi slt, %add3A_307, %lt3A_308 : i32
      %convert_element_type3A_310 = arith.extui %lt3A_309 : i1 to i32
      %cond3A_311 = arith.constant 0 : i32
      %cond3A_312 = arith.cmpi ne, %convert_element_type3A_310, %cond3A_311 : i32
      scf.if %cond3A_312 {
        %dma_wait3A_322 = arith.constant 0 : i32
        %dma_wait3A_323 = arith.constant 0 : i32
        %dma_wait3A_324 = tpu.memref_slice %arg2[%dma_wait3A_322, %dma_wait3A_323] : memref<10000x128xf32, #tpu.memory_space<hbm>> -> memref<80x128xf32, #tpu.memory_space<hbm>>
        %dma_wait3A_325 = arith.constant 0 : i32
        %dma_wait3A_326 = arith.constant 0 : i32
        %dma_wait3A_327 = tpu.memref_slice %arg2[%dma_wait3A_325, %dma_wait3A_326] : memref<10000x128xf32, #tpu.memory_space<hbm>> -> memref<80x128xf32, #tpu.memory_space<hbm>>
        tpu.wait_dma2 semaphore(%arg18 : memref<!tpu.dma_semaphore, #tpu.memory_space<semaphore_mem>>) src(%dma_wait3A_327 : memref<80x128xf32, #tpu.memory_space<hbm>>) dst(%arg7 : memref<80x128xf32, #tpu.memory_space<vmem>>)
        "tpu.region"() ({
          %run_scoped3A = tpu.sem_alloc : memref<!tpu.dma_semaphore, #tpu.memory_space<semaphore_mem>>
          %dma_start3A_335 = arith.constant 0 : i32
          %dma_start3A_336 = arith.constant 0 : i32
          %dma_start3A_337 = tpu.memref_slice %arg16[%dma_start3A_335, %dma_start3A_336] : memref<10000x128xf32, #tpu.memory_space<vmem_shared>> -> memref<10000x128xf32, #tpu.memory_space<vmem_shared>>
          tpu.enqueue_indirect_dma source(%arg7 : memref<80x128xf32, #tpu.memory_space<vmem>>) target(%dma_start3A_337 : memref<10000x128xf32, #tpu.memory_space<vmem_shared>>) offsets(%arg13 : memref<80xi32, #tpu.memory_space<vmem>>) semaphore(%run_scoped3A : memref<!tpu.dma_semaphore, #tpu.memory_space<semaphore_mem>>) {add = true}
          %dma_wait3A_338 = arith.constant 0 : i32
          %dma_wait3A_339 = arith.constant 0 : i32
          %dma_wait3A_340 = tpu.memref_slice %arg16[%dma_wait3A_338, %dma_wait3A_339] : memref<10000x128xf32, #tpu.memory_space<vmem_shared>> -> memref<10000x128xf32, #tpu.memory_space<vmem_shared>>
          tpu.wait_indirect_dma semaphore(%run_scoped3A : memref<!tpu.dma_semaphore, #tpu.memory_space<semaphore_mem>>) src(%arg7 : memref<80x128xf32, #tpu.memory_space<vmem>>) dst(%dma_wait3A_340 : memref<10000x128xf32, #tpu.memory_space<vmem_shared>>)
          tpu.yield
        }) : () -> ()
        %add3A_328 = arith.constant 3 : i32
        %add3A_329 = arith.addi %add3A_307, %add3A_328 : i32
        %lt3A_330 = arith.constant 125 : i32
        %lt3A_331 = arith.cmpi slt, %add3A_329, %lt3A_330 : i32
        %convert_element_type3A_332 = arith.extui %lt3A_331 : i1 to i32
        %cond3A_333 = arith.constant 0 : i32
        %cond3A_334 = arith.cmpi ne, %convert_element_type3A_332, %cond3A_333 : i32
        scf.if %cond3A_334 {
          %mul3A_335 = arith.constant 80 : i32
          %mul3A_336 = arith.muli %add3A_329, %mul3A_335 : i32
          %add3A_337 = arith.constant 0 : i32
          %add3A_338 = arith.addi %mul3A_336, %add3A_337 : i32
          %get3A_339 = arith.index_cast %add3A_338 : i32 to index
          %get3A_340 = tpu.vector_load %arg5[%get3A_339] {strides = array<i32>} : memref<10000xi32, #tpu.memory_space<vmem>>, vector<16xi32>,
          %get3A_341 = vector.shape_cast %get3A_340 : vector<16xi32> to vector<16xi32>
          %shift_right_logical3A_342 = arith.constant 14 : i32
          %shift_right_logical3A_343 = vector.broadcast %shift_right_logical3A_342 : i32 to vector<16xi32>
          %shift_right_logical3A_344 = arith.shrui %get3A_341, %shift_right_logical3A_343 : vector<16xi32>
          %swap3A_345 = arith.constant 0 : index
          %swap3A_346 = tpu.vector_load %arg10[%swap3A_345] {strides = array<i32>} : memref<80xi32, #tpu.memory_space<vmem>>, vector<16xi32>,
          %swap3A_347 = vector.shape_cast %swap3A_346 : vector<16xi32> to vector<16xi32>
          %swap3A_348 = vector.shape_cast %shift_right_logical3A_344 : vector<16xi32> to vector<16xi32>
          tpu.vector_store %arg10[%swap3A_345], %swap3A_348 {strides = array<i32>} : memref<80xi32, #tpu.memory_space<vmem>>, vector<16xi32>,
          %and3A_349 = arith.constant 16383 : i32
          %and3A_350 = vector.broadcast %and3A_349 : i32 to vector<16xi32>
          %and3A_351 = arith.andi %get3A_341, %and3A_350 : vector<16xi32>
          %swap3A_352 = arith.constant 0 : index
          %swap3A_353 = tpu.vector_load %arg13[%swap3A_352] {strides = array<i32>} : memref<80xi32, #tpu.memory_space<vmem>>, vector<16xi32>,
          %swap3A_354 = vector.shape_cast %swap3A_353 : vector<16xi32> to vector<16xi32>
          %swap3A_355 = vector.shape_cast %and3A_351 : vector<16xi32> to vector<16xi32>
          tpu.vector_store %arg13[%swap3A_352], %swap3A_355 {strides = array<i32>} : memref<80xi32, #tpu.memory_space<vmem>>, vector<16xi32>,
          %mul3A_356 = arith.constant 80 : i32
          %mul3A_357 = arith.muli %add3A_329, %mul3A_356 : i32
          %add3A_358 = arith.constant 16 : i32
          %add3A_359 = arith.addi %mul3A_357, %add3A_358 : i32
          %get3A_360 = arith.index_cast %add3A_359 : i32 to index
          %get3A_361 = tpu.vector_load %arg5[%get3A_360] {strides = array<i32>} : memref<10000xi32, #tpu.memory_space<vmem>>, vector<16xi32>,
          %get3A_362 = vector.shape_cast %get3A_361 : vector<16xi32> to vector<16xi32>
          %shift_right_logical3A_363 = arith.constant 14 : i32
          %shift_right_logical3A_364 = vector.broadcast %shift_right_logical3A_363 : i32 to vector<16xi32>
          %shift_right_logical3A_365 = arith.shrui %get3A_362, %shift_right_logical3A_364 : vector<16xi32>
          %swap3A_366 = arith.constant 16 : index
          %swap3A_367 = tpu.vector_load %arg10[%swap3A_366] {strides = array<i32>} : memref<80xi32, #tpu.memory_space<vmem>>, vector<16xi32>,
          %swap3A_368 = vector.shape_cast %swap3A_367 : vector<16xi32> to vector<16xi32>
          %swap3A_369 = vector.shape_cast %shift_right_logical3A_365 : vector<16xi32> to vector<16xi32>
          tpu.vector_store %arg10[%swap3A_366], %swap3A_369 {strides = array<i32>} : memref<80xi32, #tpu.memory_space<vmem>>, vector<16xi32>,
          %and3A_370 = arith.constant 16383 : i32
          %and3A_371 = vector.broadcast %and3A_370 : i32 to vector<16xi32>
          %and3A_372 = arith.andi %get3A_362, %and3A_371 : vector<16xi32>
          %swap3A_373 = arith.constant 16 : index
          %swap3A_374 = tpu.vector_load %arg13[%swap3A_373] {strides = array<i32>} : memref<80xi32, #tpu.memory_space<vmem>>, vector<16xi32>,
          %swap3A_375 = vector.shape_cast %swap3A_374 : vector<16xi32> to vector<16xi32>
          %swap3A_376 = vector.shape_cast %and3A_372 : vector<16xi32> to vector<16xi32>
          tpu.vector_store %arg13[%swap3A_373], %swap3A_376 {strides = array<i32>} : memref<80xi32, #tpu.memory_space<vmem>>, vector<16xi32>,
          %mul3A_377 = arith.constant 80 : i32
          %mul3A_378 = arith.muli %add3A_329, %mul3A_377 : i32
          %add3A_379 = arith.constant 32 : i32
          %add3A_380 = arith.addi %mul3A_378, %add3A_379 : i32
          %get3A_381 = arith.index_cast %add3A_380 : i32 to index
          %get3A_382 = tpu.vector_load %arg5[%get3A_381] {strides = array<i32>} : memref<10000xi32, #tpu.memory_space<vmem>>, vector<16xi32>,
          %get3A_383 = vector.shape_cast %get3A_382 : vector<16xi32> to vector<16xi32>
          %shift_right_logical3A_384 = arith.constant 14 : i32
          %shift_right_logical3A_385 = vector.broadcast %shift_right_logical3A_384 : i32 to vector<16xi32>
          %shift_right_logical3A_386 = arith.shrui %get3A_383, %shift_right_logical3A_385 : vector<16xi32>
          %swap3A_387 = arith.constant 32 : index
          %swap3A_388 = tpu.vector_load %arg10[%swap3A_387] {strides = array<i32>} : memref<80xi32, #tpu.memory_space<vmem>>, vector<16xi32>,
          %swap3A_389 = vector.shape_cast %swap3A_388 : vector<16xi32> to vector<16xi32>
          %swap3A_390 = vector.shape_cast %shift_right_logical3A_386 : vector<16xi32> to vector<16xi32>
          tpu.vector_store %arg10[%swap3A_387], %swap3A_390 {strides = array<i32>} : memref<80xi32, #tpu.memory_space<vmem>>, vector<16xi32>,
          %and3A_391 = arith.constant 16383 : i32
          %and3A_392 = vector.broadcast %and3A_391 : i32 to vector<16xi32>
          %and3A_393 = arith.andi %get3A_383, %and3A_392 : vector<16xi32>
          %swap3A_394 = arith.constant 32 : index
          %swap3A_395 = tpu.vector_load %arg13[%swap3A_394] {strides = array<i32>} : memref<80xi32, #tpu.memory_space<vmem>>, vector<16xi32>,
          %swap3A_396 = vector.shape_cast %swap3A_395 : vector<16xi32> to vector<16xi32>
          %swap3A_397 = vector.shape_cast %and3A_393 : vector<16xi32> to vector<16xi32>
          tpu.vector_store %arg13[%swap3A_394], %swap3A_397 {strides = array<i32>} : memref<80xi32, #tpu.memory_space<vmem>>, vector<16xi32>,
          %mul3A_398 = arith.constant 80 : i32
          %mul3A_399 = arith.muli %add3A_329, %mul3A_398 : i32
          %add3A_400 = arith.constant 48 : i32
          %add3A_401 = arith.addi %mul3A_399, %add3A_400 : i32
          %get3A_402 = arith.index_cast %add3A_401 : i32 to index
          %get3A_403 = tpu.vector_load %arg5[%get3A_402] {strides = array<i32>} : memref<10000xi32, #tpu.memory_space<vmem>>, vector<16xi32>,
          %get3A_404 = vector.shape_cast %get3A_403 : vector<16xi32> to vector<16xi32>
          %shift_right_logical3A_405 = arith.constant 14 : i32
          %shift_right_logical3A_406 = vector.broadcast %shift_right_logical3A_405 : i32 to vector<16xi32>
          %shift_right_logical3A_407 = arith.shrui %get3A_404, %shift_right_logical3A_406 : vector<16xi32>
          %swap3A_408 = arith.constant 48 : index
          %swap3A_409 = tpu.vector_load %arg10[%swap3A_408] {strides = array<i32>} : memref<80xi32, #tpu.memory_space<vmem>>, vector<16xi32>,
          %swap3A_410 = vector.shape_cast %swap3A_409 : vector<16xi32> to vector<16xi32>
          %swap3A_411 = vector.shape_cast %shift_right_logical3A_407 : vector<16xi32> to vector<16xi32>
          tpu.vector_store %arg10[%swap3A_408], %swap3A_411 {strides = array<i32>} : memref<80xi32, #tpu.memory_space<vmem>>, vector<16xi32>,
          %and3A_412 = arith.constant 16383 : i32
          %and3A_413 = vector.broadcast %and3A_412 : i32 to vector<16xi32>
          %and3A_414 = arith.andi %get3A_404, %and3A_413 : vector<16xi32>
          %swap3A_415 = arith.constant 48 : index
          %swap3A_416 = tpu.vector_load %arg13[%swap3A_415] {strides = array<i32>} : memref<80xi32, #tpu.memory_space<vmem>>, vector<16xi32>,
          %swap3A_417 = vector.shape_cast %swap3A_416 : vector<16xi32> to vector<16xi32>
          %swap3A_418 = vector.shape_cast %and3A_414 : vector<16xi32> to vector<16xi32>
          tpu.vector_store %arg13[%swap3A_415], %swap3A_418 {strides = array<i32>} : memref<80xi32, #tpu.memory_space<vmem>>, vector<16xi32>,
          %mul3A_419 = arith.constant 80 : i32
          %mul3A_420 = arith.muli %add3A_329, %mul3A_419 : i32
          %add3A_421 = arith.constant 64 : i32
          %add3A_422 = arith.addi %mul3A_420, %add3A_421 : i32
          %get3A_423 = arith.index_cast %add3A_422 : i32 to index
          %get3A_424 = tpu.vector_load %arg5[%get3A_423] {strides = array<i32>} : memref<10000xi32, #tpu.memory_space<vmem>>, vector<16xi32>,
          %get3A_425 = vector.shape_cast %get3A_424 : vector<16xi32> to vector<16xi32>
          %shift_right_logical3A_426 = arith.constant 14 : i32
          %shift_right_logical3A_427 = vector.broadcast %shift_right_logical3A_426 : i32 to vector<16xi32>
          %shift_right_logical3A_428 = arith.shrui %get3A_425, %shift_right_logical3A_427 : vector<16xi32>
          %swap3A_429 = arith.constant 64 : index
          %swap3A_430 = tpu.vector_load %arg10[%swap3A_429] {strides = array<i32>} : memref<80xi32, #tpu.memory_space<vmem>>, vector<16xi32>,
          %swap3A_431 = vector.shape_cast %swap3A_430 : vector<16xi32> to vector<16xi32>
          %swap3A_432 = vector.shape_cast %shift_right_logical3A_428 : vector<16xi32> to vector<16xi32>
          tpu.vector_store %arg10[%swap3A_429], %swap3A_432 {strides = array<i32>} : memref<80xi32, #tpu.memory_space<vmem>>, vector<16xi32>,
          %and3A_433 = arith.constant 16383 : i32
          %and3A_434 = vector.broadcast %and3A_433 : i32 to vector<16xi32>
          %and3A_435 = arith.andi %get3A_425, %and3A_434 : vector<16xi32>
          %swap3A_436 = arith.constant 64 : index
          %swap3A_437 = tpu.vector_load %arg13[%swap3A_436] {strides = array<i32>} : memref<80xi32, #tpu.memory_space<vmem>>, vector<16xi32>,
          %swap3A_438 = vector.shape_cast %swap3A_437 : vector<16xi32> to vector<16xi32>
          %swap3A_439 = vector.shape_cast %and3A_435 : vector<16xi32> to vector<16xi32>
          tpu.vector_store %arg13[%swap3A_436], %swap3A_439 {strides = array<i32>} : memref<80xi32, #tpu.memory_space<vmem>>, vector<16xi32>,
          %dma_start3A_440 = arith.constant 0 : i32
          %dma_start3A_441 = arith.constant 0 : i32
          %dma_start3A_442 = tpu.memref_slice %arg2[%dma_start3A_440, %dma_start3A_441] : memref<10000x128xf32, #tpu.memory_space<hbm>> -> memref<10000x128xf32, #tpu.memory_space<hbm>>
          tpu.enqueue_indirect_dma source(%dma_start3A_442 : memref<10000x128xf32, #tpu.memory_space<hbm>>) target(%arg7 : memref<80x128xf32, #tpu.memory_space<vmem>>) offsets(%arg10 : memref<80xi32, #tpu.memory_space<vmem>>) semaphore(%arg18 : memref<!tpu.dma_semaphore, #tpu.memory_space<semaphore_mem>>)
        } else {
        }
      } else {
      }
      %mul3A_313 = arith.constant 3 : i32
      %mul3A_314 = arith.muli %scan3A_297, %mul3A_313 : i32
      %add3A_315 = arith.constant 2 : i32
      %add3A_316 = arith.addi %mul3A_314, %add3A_315 : i32
      %lt3A_317 = arith.constant 125 : i32
      %lt3A_318 = arith.cmpi slt, %add3A_316, %lt3A_317 : i32
      %convert_element_type3A_319 = arith.extui %lt3A_318 : i1 to i32
      %cond3A_320 = arith.constant 0 : i32
      %cond3A_321 = arith.cmpi ne, %convert_element_type3A_319, %cond3A_320 : i32
      scf.if %cond3A_321 {
        %dma_wait3A_322 = arith.constant 0 : i32
        %dma_wait3A_323 = arith.constant 0 : i32
        %dma_wait3A_324 = tpu.memref_slice %arg2[%dma_wait3A_322, %dma_wait3A_323] : memref<10000x128xf32, #tpu.memory_space<hbm>> -> memref<80x128xf32, #tpu.memory_space<hbm>>
        %dma_wait3A_325 = arith.constant 0 : i32
        %dma_wait3A_326 = arith.constant 0 : i32
        %dma_wait3A_327 = tpu.memref_slice %arg2[%dma_wait3A_325, %dma_wait3A_326] : memref<10000x128xf32, #tpu.memory_space<hbm>> -> memref<80x128xf32, #tpu.memory_space<hbm>>
        tpu.wait_dma2 semaphore(%arg19 : memref<!tpu.dma_semaphore, #tpu.memory_space<semaphore_mem>>) src(%dma_wait3A_327 : memref<80x128xf32, #tpu.memory_space<hbm>>) dst(%arg8 : memref<80x128xf32, #tpu.memory_space<vmem>>)
        "tpu.region"() ({
          %run_scoped3A = tpu.sem_alloc : memref<!tpu.dma_semaphore, #tpu.memory_space<semaphore_mem>>
          %dma_start3A_335 = arith.constant 0 : i32
          %dma_start3A_336 = arith.constant 0 : i32
          %dma_start3A_337 = tpu.memref_slice %arg16[%dma_start3A_335, %dma_start3A_336] : memref<10000x128xf32, #tpu.memory_space<vmem_shared>> -> memref<10000x128xf32, #tpu.memory_space<vmem_shared>>
          tpu.enqueue_indirect_dma source(%arg8 : memref<80x128xf32, #tpu.memory_space<vmem>>) target(%dma_start3A_337 : memref<10000x128xf32, #tpu.memory_space<vmem_shared>>) offsets(%arg14 : memref<80xi32, #tpu.memory_space<vmem>>) semaphore(%run_scoped3A : memref<!tpu.dma_semaphore, #tpu.memory_space<semaphore_mem>>) {add = true}
          %dma_wait3A_338 = arith.constant 0 : i32
          %dma_wait3A_339 = arith.constant 0 : i32
          %dma_wait3A_340 = tpu.memref_slice %arg16[%dma_wait3A_338, %dma_wait3A_339] : memref<10000x128xf32, #tpu.memory_space<vmem_shared>> -> memref<10000x128xf32, #tpu.memory_space<vmem_shared>>
          tpu.wait_indirect_dma semaphore(%run_scoped3A : memref<!tpu.dma_semaphore, #tpu.memory_space<semaphore_mem>>) src(%arg8 : memref<80x128xf32, #tpu.memory_space<vmem>>) dst(%dma_wait3A_340 : memref<10000x128xf32, #tpu.memory_space<vmem_shared>>)
          tpu.yield
        }) : () -> ()
        %add3A_328 = arith.constant 3 : i32
        %add3A_329 = arith.addi %add3A_316, %add3A_328 : i32
        %lt3A_330 = arith.constant 125 : i32
        %lt3A_331 = arith.cmpi slt, %add3A_329, %lt3A_330 : i32
        %convert_element_type3A_332 = arith.extui %lt3A_331 : i1 to i32
        %cond3A_333 = arith.constant 0 : i32
        %cond3A_334 = arith.cmpi ne, %convert_element_type3A_332, %cond3A_333 : i32
        scf.if %cond3A_334 {
          %mul3A_335 = arith.constant 80 : i32
          %mul3A_336 = arith.muli %add3A_329, %mul3A_335 : i32
          %add3A_337 = arith.constant 0 : i32
          %add3A_338 = arith.addi %mul3A_336, %add3A_337 : i32
          %get3A_339 = arith.index_cast %add3A_338 : i32 to index
          %get3A_340 = tpu.vector_load %arg5[%get3A_339] {strides = array<i32>} : memref<10000xi32, #tpu.memory_space<vmem>>, vector<16xi32>,
          %get3A_341 = vector.shape_cast %get3A_340 : vector<16xi32> to vector<16xi32>
          %shift_right_logical3A_342 = arith.constant 14 : i32
          %shift_right_logical3A_343 = vector.broadcast %shift_right_logical3A_342 : i32 to vector<16xi32>
          %shift_right_logical3A_344 = arith.shrui %get3A_341, %shift_right_logical3A_343 : vector<16xi32>
          %swap3A_345 = arith.constant 0 : index
          %swap3A_346 = tpu.vector_load %arg11[%swap3A_345] {strides = array<i32>} : memref<80xi32, #tpu.memory_space<vmem>>, vector<16xi32>,
          %swap3A_347 = vector.shape_cast %swap3A_346 : vector<16xi32> to vector<16xi32>
          %swap3A_348 = vector.shape_cast %shift_right_logical3A_344 : vector<16xi32> to vector<16xi32>
          tpu.vector_store %arg11[%swap3A_345], %swap3A_348 {strides = array<i32>} : memref<80xi32, #tpu.memory_space<vmem>>, vector<16xi32>,
          %and3A_349 = arith.constant 16383 : i32
          %and3A_350 = vector.broadcast %and3A_349 : i32 to vector<16xi32>
          %and3A_351 = arith.andi %get3A_341, %and3A_350 : vector<16xi32>
          %swap3A_352 = arith.constant 0 : index
          %swap3A_353 = tpu.vector_load %arg14[%swap3A_352] {strides = array<i32>} : memref<80xi32, #tpu.memory_space<vmem>>, vector<16xi32>,
          %swap3A_354 = vector.shape_cast %swap3A_353 : vector<16xi32> to vector<16xi32>
          %swap3A_355 = vector.shape_cast %and3A_351 : vector<16xi32> to vector<16xi32>
          tpu.vector_store %arg14[%swap3A_352], %swap3A_355 {strides = array<i32>} : memref<80xi32, #tpu.memory_space<vmem>>, vector<16xi32>,
          %mul3A_356 = arith.constant 80 : i32
          %mul3A_357 = arith.muli %add3A_329, %mul3A_356 : i32
          %add3A_358 = arith.constant 16 : i32
          %add3A_359 = arith.addi %mul3A_357, %add3A_358 : i32
          %get3A_360 = arith.index_cast %add3A_359 : i32 to index
          %get3A_361 = tpu.vector_load %arg5[%get3A_360] {strides = array<i32>} : memref<10000xi32, #tpu.memory_space<vmem>>, vector<16xi32>,
          %get3A_362 = vector.shape_cast %get3A_361 : vector<16xi32> to vector<16xi32>
          %shift_right_logical3A_363 = arith.constant 14 : i32
          %shift_right_logical3A_364 = vector.broadcast %shift_right_logical3A_363 : i32 to vector<16xi32>
          %shift_right_logical3A_365 = arith.shrui %get3A_362, %shift_right_logical3A_364 : vector<16xi32>
          %swap3A_366 = arith.constant 16 : index
          %swap3A_367 = tpu.vector_load %arg11[%swap3A_366] {strides = array<i32>} : memref<80xi32, #tpu.memory_space<vmem>>, vector<16xi32>,
          %swap3A_368 = vector.shape_cast %swap3A_367 : vector<16xi32> to vector<16xi32>
          %swap3A_369 = vector.shape_cast %shift_right_logical3A_365 : vector<16xi32> to vector<16xi32>
          tpu.vector_store %arg11[%swap3A_366], %swap3A_369 {strides = array<i32>} : memref<80xi32, #tpu.memory_space<vmem>>, vector<16xi32>,
          %and3A_370 = arith.constant 16383 : i32
          %and3A_371 = vector.broadcast %and3A_370 : i32 to vector<16xi32>
          %and3A_372 = arith.andi %get3A_362, %and3A_371 : vector<16xi32>
          %swap3A_373 = arith.constant 16 : index
          %swap3A_374 = tpu.vector_load %arg14[%swap3A_373] {strides = array<i32>} : memref<80xi32, #tpu.memory_space<vmem>>, vector<16xi32>,
          %swap3A_375 = vector.shape_cast %swap3A_374 : vector<16xi32> to vector<16xi32>
          %swap3A_376 = vector.shape_cast %and3A_372 : vector<16xi32> to vector<16xi32>
          tpu.vector_store %arg14[%swap3A_373], %swap3A_376 {strides = array<i32>} : memref<80xi32, #tpu.memory_space<vmem>>, vector<16xi32>,
          %mul3A_377 = arith.constant 80 : i32
          %mul3A_378 = arith.muli %add3A_329, %mul3A_377 : i32
          %add3A_379 = arith.constant 32 : i32
          %add3A_380 = arith.addi %mul3A_378, %add3A_379 : i32
          %get3A_381 = arith.index_cast %add3A_380 : i32 to index
          %get3A_382 = tpu.vector_load %arg5[%get3A_381] {strides = array<i32>} : memref<10000xi32, #tpu.memory_space<vmem>>, vector<16xi32>,
          %get3A_383 = vector.shape_cast %get3A_382 : vector<16xi32> to vector<16xi32>
          %shift_right_logical3A_384 = arith.constant 14 : i32
          %shift_right_logical3A_385 = vector.broadcast %shift_right_logical3A_384 : i32 to vector<16xi32>
          %shift_right_logical3A_386 = arith.shrui %get3A_383, %shift_right_logical3A_385 : vector<16xi32>
          %swap3A_387 = arith.constant 32 : index
          %swap3A_388 = tpu.vector_load %arg11[%swap3A_387] {strides = array<i32>} : memref<80xi32, #tpu.memory_space<vmem>>, vector<16xi32>,
          %swap3A_389 = vector.shape_cast %swap3A_388 : vector<16xi32> to vector<16xi32>
          %swap3A_390 = vector.shape_cast %shift_right_logical3A_386 : vector<16xi32> to vector<16xi32>
          tpu.vector_store %arg11[%swap3A_387], %swap3A_390 {strides = array<i32>} : memref<80xi32, #tpu.memory_space<vmem>>, vector<16xi32>,
          %and3A_391 = arith.constant 16383 : i32
          %and3A_392 = vector.broadcast %and3A_391 : i32 to vector<16xi32>
          %and3A_393 = arith.andi %get3A_383, %and3A_392 : vector<16xi32>
          %swap3A_394 = arith.constant 32 : index
          %swap3A_395 = tpu.vector_load %arg14[%swap3A_394] {strides = array<i32>} : memref<80xi32, #tpu.memory_space<vmem>>, vector<16xi32>,
          %swap3A_396 = vector.shape_cast %swap3A_395 : vector<16xi32> to vector<16xi32>
          %swap3A_397 = vector.shape_cast %and3A_393 : vector<16xi32> to vector<16xi32>
          tpu.vector_store %arg14[%swap3A_394], %swap3A_397 {strides = array<i32>} : memref<80xi32, #tpu.memory_space<vmem>>, vector<16xi32>,
          %mul3A_398 = arith.constant 80 : i32
          %mul3A_399 = arith.muli %add3A_329, %mul3A_398 : i32
          %add3A_400 = arith.constant 48 : i32
          %add3A_401 = arith.addi %mul3A_399, %add3A_400 : i32
          %get3A_402 = arith.index_cast %add3A_401 : i32 to index
          %get3A_403 = tpu.vector_load %arg5[%get3A_402] {strides = array<i32>} : memref<10000xi32, #tpu.memory_space<vmem>>, vector<16xi32>,
          %get3A_404 = vector.shape_cast %get3A_403 : vector<16xi32> to vector<16xi32>
          %shift_right_logical3A_405 = arith.constant 14 : i32
          %shift_right_logical3A_406 = vector.broadcast %shift_right_logical3A_405 : i32 to vector<16xi32>
          %shift_right_logical3A_407 = arith.shrui %get3A_404, %shift_right_logical3A_406 : vector<16xi32>
          %swap3A_408 = arith.constant 48 : index
          %swap3A_409 = tpu.vector_load %arg11[%swap3A_408] {strides = array<i32>} : memref<80xi32, #tpu.memory_space<vmem>>, vector<16xi32>,
          %swap3A_410 = vector.shape_cast %swap3A_409 : vector<16xi32> to vector<16xi32>
          %swap3A_411 = vector.shape_cast %shift_right_logical3A_407 : vector<16xi32> to vector<16xi32>
          tpu.vector_store %arg11[%swap3A_408], %swap3A_411 {strides = array<i32>} : memref<80xi32, #tpu.memory_space<vmem>>, vector<16xi32>,
          %and3A_412 = arith.constant 16383 : i32
          %and3A_413 = vector.broadcast %and3A_412 : i32 to vector<16xi32>
          %and3A_414 = arith.andi %get3A_404, %and3A_413 : vector<16xi32>
          %swap3A_415 = arith.constant 48 : index
          %swap3A_416 = tpu.vector_load %arg14[%swap3A_415] {strides = array<i32>} : memref<80xi32, #tpu.memory_space<vmem>>, vector<16xi32>,
          %swap3A_417 = vector.shape_cast %swap3A_416 : vector<16xi32> to vector<16xi32>
          %swap3A_418 = vector.shape_cast %and3A_414 : vector<16xi32> to vector<16xi32>
          tpu.vector_store %arg14[%swap3A_415], %swap3A_418 {strides = array<i32>} : memref<80xi32, #tpu.memory_space<vmem>>, vector<16xi32>,
          %mul3A_419 = arith.constant 80 : i32
          %mul3A_420 = arith.muli %add3A_329, %mul3A_419 : i32
          %add3A_421 = arith.constant 64 : i32
          %add3A_422 = arith.addi %mul3A_420, %add3A_421 : i32
          %get3A_423 = arith.index_cast %add3A_422 : i32 to index
          %get3A_424 = tpu.vector_load %arg5[%get3A_423] {strides = array<i32>} : memref<10000xi32, #tpu.memory_space<vmem>>, vector<16xi32>,
          %get3A_425 = vector.shape_cast %get3A_424 : vector<16xi32> to vector<16xi32>
          %shift_right_logical3A_426 = arith.constant 14 : i32
          %shift_right_logical3A_427 = vector.broadcast %shift_right_logical3A_426 : i32 to vector<16xi32>
          %shift_right_logical3A_428 = arith.shrui %get3A_425, %shift_right_logical3A_427 : vector<16xi32>
          %swap3A_429 = arith.constant 64 : index
          %swap3A_430 = tpu.vector_load %arg11[%swap3A_429] {strides = array<i32>} : memref<80xi32, #tpu.memory_space<vmem>>, vector<16xi32>,
          %swap3A_431 = vector.shape_cast %swap3A_430 : vector<16xi32> to vector<16xi32>
          %swap3A_432 = vector.shape_cast %shift_right_logical3A_428 : vector<16xi32> to vector<16xi32>
          tpu.vector_store %arg11[%swap3A_429], %swap3A_432 {strides = array<i32>} : memref<80xi32, #tpu.memory_space<vmem>>, vector<16xi32>,
          %and3A_433 = arith.constant 16383 : i32
          %and3A_434 = vector.broadcast %and3A_433 : i32 to vector<16xi32>
          %and3A_435 = arith.andi %get3A_425, %and3A_434 : vector<16xi32>
          %swap3A_436 = arith.constant 64 : index
          %swap3A_437 = tpu.vector_load %arg14[%swap3A_436] {strides = array<i32>} : memref<80xi32, #tpu.memory_space<vmem>>, vector<16xi32>,
          %swap3A_438 = vector.shape_cast %swap3A_437 : vector<16xi32> to vector<16xi32>
          %swap3A_439 = vector.shape_cast %and3A_435 : vector<16xi32> to vector<16xi32>
          tpu.vector_store %arg14[%swap3A_436], %swap3A_439 {strides = array<i32>} : memref<80xi32, #tpu.memory_space<vmem>>, vector<16xi32>,
          %dma_start3A_440 = arith.constant 0 : i32
          %dma_start3A_441 = arith.constant 0 : i32
          %dma_start3A_442 = tpu.memref_slice %arg2[%dma_start3A_440, %dma_start3A_441] : memref<10000x128xf32, #tpu.memory_space<hbm>> -> memref<10000x128xf32, #tpu.memory_space<hbm>>
          tpu.enqueue_indirect_dma source(%dma_start3A_442 : memref<10000x128xf32, #tpu.memory_space<hbm>>) target(%arg8 : memref<80x128xf32, #tpu.memory_space<vmem>>) offsets(%arg11 : memref<80xi32, #tpu.memory_space<vmem>>) semaphore(%arg19 : memref<!tpu.dma_semaphore, #tpu.memory_space<semaphore_mem>>)
        } else {
        }
      } else {
      }
    }
    %scan3A_289 = arith.constant 42 : i32
    %barrier3A_290 = arith.constant 0 : index
    tpu.barrier barrier_id(%barrier3A_290)
    %scan3A_291 = arith.constant 0 : i32
    %scan3A_292 = arith.constant 0 : i32
    %scan3A_293 = arith.constant 2 : i32
    %scan3A_294 = arith.addi %scan3A_292, %scan3A_293 : i32
    %scan3A_295 = arith.constant 1 : i32
    scf.for %scan3A_297 = %scan3A_292 to %scan3A_294 step %scan3A_295  : i32 {
      %mul3A_298 = arith.constant 16 : i32
      %mul3A_299 = arith.muli %mul3A_298, %scan3A_297 : i32
      %add3A_300 = arith.addi %arg1, %mul3A_299 : i32
      %lt3A = arith.constant 25 : i32
      %lt3A_301 = arith.cmpi slt, %add3A_300, %lt3A : i32
      %convert_element_type3A = arith.extui %lt3A_301 : i1 to i32
      %cond3A = arith.constant 0 : i32
      %cond3A_302 = arith.cmpi ne, %convert_element_type3A, %cond3A : i32
      scf.if %cond3A_302 {
        %mul3A_303 = arith.constant 400 : i32
        %mul3A_304 = arith.muli %add3A_300, %mul3A_303 : i32
        %multiple_of3A = tpu.assume_multiple %mul3A_304, 8 : i32
        "tpu.region"() ({
          %run_scoped3A = tpu.sem_alloc : memref<!tpu.dma_semaphore, #tpu.memory_space<semaphore_mem>>
          %dma_start3A_305 = arith.constant 0 : i32
          %dma_start3A_306 = tpu.memref_slice %arg4[%arg0, %multiple_of3A, %dma_start3A_305] : memref<2x10000x128xf32, #tpu.memory_space<hbm>> -> memref<1x400x128xf32, #tpu.memory_space<hbm>>
          %dma_start3A_307 = tpu.memref_squeeze %dma_start3A_306 : memref<1x400x128xf32, #tpu.memory_space<hbm>> -> memref<400x128xf32, #tpu.memory_space<hbm>>
          %dma_start3A_308 = arith.constant 0 : i32
          %dma_start3A_309 = tpu.memref_slice %arg16[%multiple_of3A, %dma_start3A_308] : memref<10000x128xf32, #tpu.memory_space<vmem_shared>> -> memref<400x128xf32, #tpu.memory_space<vmem_shared>>
          tpu.enqueue_dma source(%dma_start3A_309 : memref<400x128xf32, #tpu.memory_space<vmem_shared>>) target(%dma_start3A_307 : memref<400x128xf32, #tpu.memory_space<hbm>>) target_semaphore(%run_scoped3A : memref<!tpu.dma_semaphore, #tpu.memory_space<semaphore_mem>>)
          %dma_wait3A_310 = arith.constant 0 : i32
          %dma_wait3A_311 = tpu.memref_slice %arg4[%arg0, %multiple_of3A, %dma_wait3A_310] : memref<2x10000x128xf32, #tpu.memory_space<hbm>> -> memref<1x400x128xf32, #tpu.memory_space<hbm>>
          %dma_wait3A_312 = tpu.memref_squeeze %dma_wait3A_311 : memref<1x400x128xf32, #tpu.memory_space<hbm>> -> memref<400x128xf32, #tpu.memory_space<hbm>>
          %dma_wait3A_313 = arith.constant 0 : i32
          %dma_wait3A_314 = tpu.memref_slice %arg16[%multiple_of3A, %dma_wait3A_313] : memref<10000x128xf32, #tpu.memory_space<vmem_shared>> -> memref<400x128xf32, #tpu.memory_space<vmem_shared>>
          tpu.wait_dma2 semaphore(%run_scoped3A : memref<!tpu.dma_semaphore, #tpu.memory_space<semaphore_mem>>) src(%dma_wait3A_314 : memref<400x128xf32, #tpu.memory_space<vmem_shared>>) dst(%dma_wait3A_312 : memref<400x128xf32, #tpu.memory_space<hbm>>)
          tpu.yield
        }) : () -> ()
      } else {
      }
    }
    %scan3A_296 = arith.constant 2 : i32
    return
  }
}

#map = affine_map<(d0, d1) -> (0, 0)>
#map1 = affine_map<(d0, d1) -> (0, 0, 0)>
module attributes {stable_mosaic.version = 14 : i64} {
  func.func @_agg_body(%arg0: i32, %arg1: i32, %arg2: memref<10000x128xf32, #tpu.memory_space<hbm>>, %arg3: memref<32x10000xi32, #tpu.memory_space<hbm>>, %arg4: memref<2x10000x128xf32, #tpu.memory_space<hbm>>, %arg5: memref<10000xi32, #tpu.memory_space<vmem>>, %arg6: memref<80x128xf32, #tpu.memory_space<vmem>>, %arg7: memref<80x128xf32, #tpu.memory_space<vmem>>, %arg8: memref<80x128xf32, #tpu.memory_space<vmem>>, %arg9: memref<80xi32, #tpu.memory_space<vmem>>, %arg10: memref<80xi32, #tpu.memory_space<vmem>>, %arg11: memref<80xi32, #tpu.memory_space<vmem>>, %arg12: memref<80xi32, #tpu.memory_space<vmem>>, %arg13: memref<80xi32, #tpu.memory_space<vmem>>, %arg14: memref<80xi32, #tpu.memory_space<vmem>>, %arg15: memref<40x128xf32, #tpu.memory_space<vmem>>, %arg16: memref<10000x128xf32, #tpu.memory_space<vmem_shared>>, %arg17: memref<!tpu.dma_semaphore, #tpu.memory_space<semaphore_mem>>, %arg18: memref<!tpu.dma_semaphore, #tpu.memory_space<semaphore_mem>>, %arg19: memref<!tpu.dma_semaphore, #tpu.memory_space<semaphore_mem>>, %arg20: memref<!tpu.dma_semaphore, #tpu.memory_space<semaphore_mem>>, %arg21: memref<!tpu.dma_semaphore, #tpu.memory_space<semaphore_mem>>, %arg22: memref<!tpu.dma_semaphore, #tpu.memory_space<semaphore_mem>>) attributes {dimension_semantics = [#tpu.dimension_semantics<core_parallel>, #tpu.dimension_semantics<subcore_parallel>], iteration_bounds = array<i64: 2, 16>, scalar_prefetch = 0 : i64, scratch_operands = 18 : i64, tpu.core_type = #tpu.core_type<sc_vector_subcore>, window_params = [{transform_indices = #map}, {transform_indices = #map}, {transform_indices = #map1}]} {
    %mul3A = arith.constant 2 : i32
    %mul3A_0 = arith.muli %arg1, %mul3A : i32
    %add3A = arith.addi %mul3A_0, %arg0 : i32
    %dma_start3A = arith.constant 0 : i32
    %dma_start3A_1 = tpu.memref_slice %arg3[%add3A, %dma_start3A] : memref<32x10000xi32, #tpu.memory_space<hbm>> -> memref<1x10000xi32, #tpu.memory_space<hbm>>
    %dma_start3A_2 = tpu.memref_squeeze %dma_start3A_1 : memref<1x10000xi32, #tpu.memory_space<hbm>> -> memref<10000xi32, #tpu.memory_space<hbm>>
    %dma_start3A_3 = arith.constant 0 : i32
    %dma_start3A_4 = tpu.memref_slice %arg3[%add3A, %dma_start3A_3] : memref<32x10000xi32, #tpu.memory_space<hbm>> -> memref<1x10000xi32, #tpu.memory_space<hbm>>
    %dma_start3A_5 = tpu.memref_squeeze %dma_start3A_4 : memref<1x10000xi32, #tpu.memory_space<hbm>> -> memref<10000xi32, #tpu.memory_space<hbm>>
    tpu.enqueue_dma source(%dma_start3A_5 : memref<10000xi32, #tpu.memory_space<hbm>>) target(%arg5 : memref<10000xi32, #tpu.memory_space<vmem>>) target_semaphore(%arg17 : memref<!tpu.dma_semaphore, #tpu.memory_space<semaphore_mem>>)
    %broadcast_in_dim3A = arith.constant 0.000000e+00 : f32
    %broadcast_in_dim3A_6 = vector.broadcast %broadcast_in_dim3A : f32 to vector<16xf32>
    %scan3A = arith.constant 0 : i32
    %scan3A_7 = arith.constant 0 : i32
    %scan3A_8 = arith.constant 320 : i32
    %scan3A_9 = arith.addi %scan3A_7, %scan3A_8 : i32
    %scan3A_10 = arith.constant 1 : i32
    scf.for %scan3A_297 = %scan3A_7 to %scan3A_9 step %scan3A_10  : i32 {
      %jit3A = arith.constant 8 : i32
      %div3A = arith.divsi %scan3A_297, %jit3A : i32
      %sign3A = arith.constant 0 : i32
      %sign3A_298 = arith.cmpi sgt, %scan3A_297, %sign3A : i32
      %sign3A_299 = arith.extui %sign3A_298 : i1 to i32
      %sign3A_300 = arith.constant 0 : i32
      %sign3A_301 = arith.cmpi slt, %scan3A_297, %sign3A_300 : i32
      %sign3A_302 = arith.extui %sign3A_301 : i1 to i32
      %sign3A_303 = arith.subi %sign3A_299, %sign3A_302 : i32
      %sign3A_304 = arith.constant 0 : i32
      %sign3A_305 = arith.cmpi sgt, %jit3A, %sign3A_304 : i32
      %sign3A_306 = arith.extui %sign3A_305 : i1 to i32
      %sign3A_307 = arith.constant 0 : i32
      %sign3A_308 = arith.cmpi slt, %jit3A, %sign3A_307 : i32
      %sign3A_309 = arith.extui %sign3A_308 : i1 to i32
      %sign3A_310 = arith.subi %sign3A_306, %sign3A_309 : i32
      %ne3A = arith.cmpi ne, %sign3A_303, %sign3A_310 : i32
      %rem3A = arith.remsi %scan3A_297, %jit3A : i32
      %ne3A_311 = arith.constant 0 : i32
      %ne3A_312 = arith.cmpi ne, %rem3A, %ne3A_311 : i32
      %and3A_313 = arith.andi %ne3A, %ne3A_312 : i1
      %sub3A = arith.constant 1 : i32
      %sub3A_314 = arith.subi %div3A, %sub3A : i32
      %select_n3A = arith.select %and3A_313, %sub3A_314, %div3A : i32
      %rem3A_315 = arith.constant 8 : i32
      %rem3A_316 = arith.remsi %scan3A_297, %rem3A_315 : i32
      %mul3A_317 = arith.constant 16 : i32
      %mul3A_318 = arith.muli %rem3A_316, %mul3A_317 : i32
      %swap3A_319 = arith.index_cast %select_n3A : i32 to index
      %swap3A_320 = arith.index_cast %mul3A_318 : i32 to index
      %swap3A_321 = tpu.vector_load %arg15[%swap3A_319, %swap3A_320] {strides = array<i32>} : memref<40x128xf32, #tpu.memory_space<vmem>>, vector<1x16xf32>,
      %swap3A_322 = vector.shape_cast %swap3A_321 : vector<1x16xf32> to vector<16xf32>
      %swap3A_323 = vector.shape_cast %broadcast_in_dim3A_6 : vector<16xf32> to vector<1x16xf32>
      tpu.vector_store %arg15[%swap3A_319, %swap3A_320], %swap3A_323 {strides = array<i32>} : memref<40x128xf32, #tpu.memory_space<vmem>>, vector<1x16xf32>,
    }
    %scan3A_11 = arith.constant 320 : i32
    %scan3A_12 = arith.constant 0 : i32
    %scan3A_13 = arith.constant 0 : i32
    %scan3A_14 = arith.constant 2 : i32
    %scan3A_15 = arith.addi %scan3A_13, %scan3A_14 : i32
    %scan3A_16 = arith.constant 1 : i32
    scf.for %scan3A_297 = %scan3A_13 to %scan3A_15 step %scan3A_16  : i32 {
      %mul3A_298 = arith.constant 16 : i32
      %mul3A_299 = arith.muli %mul3A_298, %scan3A_297 : i32
      %add3A_300 = arith.addi %arg1, %mul3A_299 : i32
      %lt3A = arith.constant 25 : i32
      %lt3A_301 = arith.cmpi slt, %add3A_300, %lt3A : i32
      %convert_element_type3A = arith.extui %lt3A_301 : i1 to i32
      %cond3A = arith.constant 0 : i32
      %cond3A_302 = arith.cmpi ne, %convert_element_type3A, %cond3A : i32
      scf.if %cond3A_302 {
        %mul3A_303 = arith.constant 400 : i32
        %mul3A_304 = arith.muli %add3A_300, %mul3A_303 : i32
        %add3A_305 = arith.constant 0 : i32
        %add3A_306 = arith.addi %mul3A_304, %add3A_305 : i32
        %multiple_of3A = tpu.assume_multiple %add3A_306, 8 : i32
        "tpu.region"() ({
          %run_scoped3A = tpu.sem_alloc : memref<!tpu.dma_semaphore, #tpu.memory_space<semaphore_mem>>
          %dma_start3A_352 = arith.constant 0 : i32
          %dma_start3A_353 = tpu.memref_slice %arg16[%multiple_of3A, %dma_start3A_352] : memref<10000x128xf32, #tpu.memory_space<vmem_shared>> -> memref<40x128xf32, #tpu.memory_space<vmem_shared>>
          %dma_start3A_354 = arith.constant 0 : i32
          %dma_start3A_355 = tpu.memref_slice %arg16[%multiple_of3A, %dma_start3A_354] : memref<10000x128xf32, #tpu.memory_space<vmem_shared>> -> memref<40x128xf32, #tpu.memory_space<vmem_shared>>
          tpu.enqueue_dma source(%arg15 : memref<40x128xf32, #tpu.memory_space<vmem>>) target(%dma_start3A_355 : memref<40x128xf32, #tpu.memory_space<vmem_shared>>) target_semaphore(%run_scoped3A : memref<!tpu.dma_semaphore, #tpu.memory_space<semaphore_mem>>)
          %dma_wait3A_356 = arith.constant 0 : i32
          %dma_wait3A_357 = tpu.memref_slice %arg16[%multiple_of3A, %dma_wait3A_356] : memref<10000x128xf32, #tpu.memory_space<vmem_shared>> -> memref<40x128xf32, #tpu.memory_space<vmem_shared>>
          %dma_wait3A_358 = arith.constant 0 : i32
          %dma_wait3A_359 = tpu.memref_slice %arg16[%multiple_of3A, %dma_wait3A_358] : memref<10000x128xf32, #tpu.memory_space<vmem_shared>> -> memref<40x128xf32, #tpu.memory_space<vmem_shared>>
          tpu.wait_dma2 semaphore(%run_scoped3A : memref<!tpu.dma_semaphore, #tpu.memory_space<semaphore_mem>>) src(%arg15 : memref<40x128xf32, #tpu.memory_space<vmem>>) dst(%dma_wait3A_359 : memref<40x128xf32, #tpu.memory_space<vmem_shared>>)
          tpu.yield
        }) : () -> ()
        %mul3A_307 = arith.constant 400 : i32
        %mul3A_308 = arith.muli %add3A_300, %mul3A_307 : i32
        %add3A_309 = arith.constant 40 : i32
        %add3A_310 = arith.addi %mul3A_308, %add3A_309 : i32
        %multiple_of3A_311 = tpu.assume_multiple %add3A_310, 8 : i32
        "tpu.region"() ({
          %run_scoped3A = tpu.sem_alloc : memref<!tpu.dma_semaphore, #tpu.memory_space<semaphore_mem>>
          %dma_start3A_352 = arith.constant 0 : i32
          %dma_start3A_353 = tpu.memref_slice %arg16[%multiple_of3A_311, %dma_start3A_352] : memref<10000x128xf32, #tpu.memory_space<vmem_shared>> -> memref<40x128xf32, #tpu.memory_space<vmem_shared>>
          %dma_start3A_354 = arith.constant 0 : i32
          %dma_start3A_355 = tpu.memref_slice %arg16[%multiple_of3A_311, %dma_start3A_354] : memref<10000x128xf32, #tpu.memory_space<vmem_shared>> -> memref<40x128xf32, #tpu.memory_space<vmem_shared>>
          tpu.enqueue_dma source(%arg15 : memref<40x128xf32, #tpu.memory_space<vmem>>) target(%dma_start3A_355 : memref<40x128xf32, #tpu.memory_space<vmem_shared>>) target_semaphore(%run_scoped3A : memref<!tpu.dma_semaphore, #tpu.memory_space<semaphore_mem>>)
          %dma_wait3A_356 = arith.constant 0 : i32
          %dma_wait3A_357 = tpu.memref_slice %arg16[%multiple_of3A_311, %dma_wait3A_356] : memref<10000x128xf32, #tpu.memory_space<vmem_shared>> -> memref<40x128xf32, #tpu.memory_space<vmem_shared>>
          %dma_wait3A_358 = arith.constant 0 : i32
          %dma_wait3A_359 = tpu.memref_slice %arg16[%multiple_of3A_311, %dma_wait3A_358] : memref<10000x128xf32, #tpu.memory_space<vmem_shared>> -> memref<40x128xf32, #tpu.memory_space<vmem_shared>>
          tpu.wait_dma2 semaphore(%run_scoped3A : memref<!tpu.dma_semaphore, #tpu.memory_space<semaphore_mem>>) src(%arg15 : memref<40x128xf32, #tpu.memory_space<vmem>>) dst(%dma_wait3A_359 : memref<40x128xf32, #tpu.memory_space<vmem_shared>>)
          tpu.yield
        }) : () -> ()
        %mul3A_312 = arith.constant 400 : i32
        %mul3A_313 = arith.muli %add3A_300, %mul3A_312 : i32
        %add3A_314 = arith.constant 80 : i32
        %add3A_315 = arith.addi %mul3A_313, %add3A_314 : i32
        %multiple_of3A_316 = tpu.assume_multiple %add3A_315, 8 : i32
        "tpu.region"() ({
          %run_scoped3A = tpu.sem_alloc : memref<!tpu.dma_semaphore, #tpu.memory_space<semaphore_mem>>
          %dma_start3A_352 = arith.constant 0 : i32
          %dma_start3A_353 = tpu.memref_slice %arg16[%multiple_of3A_316, %dma_start3A_352] : memref<10000x128xf32, #tpu.memory_space<vmem_shared>> -> memref<40x128xf32, #tpu.memory_space<vmem_shared>>
          %dma_start3A_354 = arith.constant 0 : i32
          %dma_start3A_355 = tpu.memref_slice %arg16[%multiple_of3A_316, %dma_start3A_354] : memref<10000x128xf32, #tpu.memory_space<vmem_shared>> -> memref<40x128xf32, #tpu.memory_space<vmem_shared>>
          tpu.enqueue_dma source(%arg15 : memref<40x128xf32, #tpu.memory_space<vmem>>) target(%dma_start3A_355 : memref<40x128xf32, #tpu.memory_space<vmem_shared>>) target_semaphore(%run_scoped3A : memref<!tpu.dma_semaphore, #tpu.memory_space<semaphore_mem>>)
          %dma_wait3A_356 = arith.constant 0 : i32
          %dma_wait3A_357 = tpu.memref_slice %arg16[%multiple_of3A_316, %dma_wait3A_356] : memref<10000x128xf32, #tpu.memory_space<vmem_shared>> -> memref<40x128xf32, #tpu.memory_space<vmem_shared>>
          %dma_wait3A_358 = arith.constant 0 : i32
          %dma_wait3A_359 = tpu.memref_slice %arg16[%multiple_of3A_316, %dma_wait3A_358] : memref<10000x128xf32, #tpu.memory_space<vmem_shared>> -> memref<40x128xf32, #tpu.memory_space<vmem_shared>>
          tpu.wait_dma2 semaphore(%run_scoped3A : memref<!tpu.dma_semaphore, #tpu.memory_space<semaphore_mem>>) src(%arg15 : memref<40x128xf32, #tpu.memory_space<vmem>>) dst(%dma_wait3A_359 : memref<40x128xf32, #tpu.memory_space<vmem_shared>>)
          tpu.yield
        }) : () -> ()
        %mul3A_317 = arith.constant 400 : i32
        %mul3A_318 = arith.muli %add3A_300, %mul3A_317 : i32
        %add3A_319 = arith.constant 120 : i32
        %add3A_320 = arith.addi %mul3A_318, %add3A_319 : i32
        %multiple_of3A_321 = tpu.assume_multiple %add3A_320, 8 : i32
        "tpu.region"() ({
          %run_scoped3A = tpu.sem_alloc : memref<!tpu.dma_semaphore, #tpu.memory_space<semaphore_mem>>
          %dma_start3A_352 = arith.constant 0 : i32
          %dma_start3A_353 = tpu.memref_slice %arg16[%multiple_of3A_321, %dma_start3A_352] : memref<10000x128xf32, #tpu.memory_space<vmem_shared>> -> memref<40x128xf32, #tpu.memory_space<vmem_shared>>
          %dma_start3A_354 = arith.constant 0 : i32
          %dma_start3A_355 = tpu.memref_slice %arg16[%multiple_of3A_321, %dma_start3A_354] : memref<10000x128xf32, #tpu.memory_space<vmem_shared>> -> memref<40x128xf32, #tpu.memory_space<vmem_shared>>
          tpu.enqueue_dma source(%arg15 : memref<40x128xf32, #tpu.memory_space<vmem>>) target(%dma_start3A_355 : memref<40x128xf32, #tpu.memory_space<vmem_shared>>) target_semaphore(%run_scoped3A : memref<!tpu.dma_semaphore, #tpu.memory_space<semaphore_mem>>)
          %dma_wait3A_356 = arith.constant 0 : i32
          %dma_wait3A_357 = tpu.memref_slice %arg16[%multiple_of3A_321, %dma_wait3A_356] : memref<10000x128xf32, #tpu.memory_space<vmem_shared>> -> memref<40x128xf32, #tpu.memory_space<vmem_shared>>
          %dma_wait3A_358 = arith.constant 0 : i32
          %dma_wait3A_359 = tpu.memref_slice %arg16[%multiple_of3A_321, %dma_wait3A_358] : memref<10000x128xf32, #tpu.memory_space<vmem_shared>> -> memref<40x128xf32, #tpu.memory_space<vmem_shared>>
          tpu.wait_dma2 semaphore(%run_scoped3A : memref<!tpu.dma_semaphore, #tpu.memory_space<semaphore_mem>>) src(%arg15 : memref<40x128xf32, #tpu.memory_space<vmem>>) dst(%dma_wait3A_359 : memref<40x128xf32, #tpu.memory_space<vmem_shared>>)
          tpu.yield
        }) : () -> ()
        %mul3A_322 = arith.constant 400 : i32
        %mul3A_323 = arith.muli %add3A_300, %mul3A_322 : i32
        %add3A_324 = arith.constant 160 : i32
        %add3A_325 = arith.addi %mul3A_323, %add3A_324 : i32
        %multiple_of3A_326 = tpu.assume_multiple %add3A_325, 8 : i32
        "tpu.region"() ({
          %run_scoped3A = tpu.sem_alloc : memref<!tpu.dma_semaphore, #tpu.memory_space<semaphore_mem>>
          %dma_start3A_352 = arith.constant 0 : i32
          %dma_start3A_353 = tpu.memref_slice %arg16[%multiple_of3A_326, %dma_start3A_352] : memref<10000x128xf32, #tpu.memory_space<vmem_shared>> -> memref<40x128xf32, #tpu.memory_space<vmem_shared>>
          %dma_start3A_354 = arith.constant 0 : i32
          %dma_start3A_355 = tpu.memref_slice %arg16[%multiple_of3A_326, %dma_start3A_354] : memref<10000x128xf32, #tpu.memory_space<vmem_shared>> -> memref<40x128xf32, #tpu.memory_space<vmem_shared>>
          tpu.enqueue_dma source(%arg15 : memref<40x128xf32, #tpu.memory_space<vmem>>) target(%dma_start3A_355 : memref<40x128xf32, #tpu.memory_space<vmem_shared>>) target_semaphore(%run_scoped3A : memref<!tpu.dma_semaphore, #tpu.memory_space<semaphore_mem>>)
          %dma_wait3A_356 = arith.constant 0 : i32
          %dma_wait3A_357 = tpu.memref_slice %arg16[%multiple_of3A_326, %dma_wait3A_356] : memref<10000x128xf32, #tpu.memory_space<vmem_shared>> -> memref<40x128xf32, #tpu.memory_space<vmem_shared>>
          %dma_wait3A_358 = arith.constant 0 : i32
          %dma_wait3A_359 = tpu.memref_slice %arg16[%multiple_of3A_326, %dma_wait3A_358] : memref<10000x128xf32, #tpu.memory_space<vmem_shared>> -> memref<40x128xf32, #tpu.memory_space<vmem_shared>>
          tpu.wait_dma2 semaphore(%run_scoped3A : memref<!tpu.dma_semaphore, #tpu.memory_space<semaphore_mem>>) src(%arg15 : memref<40x128xf32, #tpu.memory_space<vmem>>) dst(%dma_wait3A_359 : memref<40x128xf32, #tpu.memory_space<vmem_shared>>)
          tpu.yield
        }) : () -> ()
        %mul3A_327 = arith.constant 400 : i32
        %mul3A_328 = arith.muli %add3A_300, %mul3A_327 : i32
        %add3A_329 = arith.constant 200 : i32
        %add3A_330 = arith.addi %mul3A_328, %add3A_329 : i32
        %multiple_of3A_331 = tpu.assume_multiple %add3A_330, 8 : i32
        "tpu.region"() ({
          %run_scoped3A = tpu.sem_alloc : memref<!tpu.dma_semaphore, #tpu.memory_space<semaphore_mem>>
          %dma_start3A_352 = arith.constant 0 : i32
          %dma_start3A_353 = tpu.memref_slice %arg16[%multiple_of3A_331, %dma_start3A_352] : memref<10000x128xf32, #tpu.memory_space<vmem_shared>> -> memref<40x128xf32, #tpu.memory_space<vmem_shared>>
          %dma_start3A_354 = arith.constant 0 : i32
          %dma_start3A_355 = tpu.memref_slice %arg16[%multiple_of3A_331, %dma_start3A_354] : memref<10000x128xf32, #tpu.memory_space<vmem_shared>> -> memref<40x128xf32, #tpu.memory_space<vmem_shared>>
          tpu.enqueue_dma source(%arg15 : memref<40x128xf32, #tpu.memory_space<vmem>>) target(%dma_start3A_355 : memref<40x128xf32, #tpu.memory_space<vmem_shared>>) target_semaphore(%run_scoped3A : memref<!tpu.dma_semaphore, #tpu.memory_space<semaphore_mem>>)
          %dma_wait3A_356 = arith.constant 0 : i32
          %dma_wait3A_357 = tpu.memref_slice %arg16[%multiple_of3A_331, %dma_wait3A_356] : memref<10000x128xf32, #tpu.memory_space<vmem_shared>> -> memref<40x128xf32, #tpu.memory_space<vmem_shared>>
          %dma_wait3A_358 = arith.constant 0 : i32
          %dma_wait3A_359 = tpu.memref_slice %arg16[%multiple_of3A_331, %dma_wait3A_358] : memref<10000x128xf32, #tpu.memory_space<vmem_shared>> -> memref<40x128xf32, #tpu.memory_space<vmem_shared>>
          tpu.wait_dma2 semaphore(%run_scoped3A : memref<!tpu.dma_semaphore, #tpu.memory_space<semaphore_mem>>) src(%arg15 : memref<40x128xf32, #tpu.memory_space<vmem>>) dst(%dma_wait3A_359 : memref<40x128xf32, #tpu.memory_space<vmem_shared>>)
          tpu.yield
        }) : () -> ()
        %mul3A_332 = arith.constant 400 : i32
        %mul3A_333 = arith.muli %add3A_300, %mul3A_332 : i32
        %add3A_334 = arith.constant 240 : i32
        %add3A_335 = arith.addi %mul3A_333, %add3A_334 : i32
        %multiple_of3A_336 = tpu.assume_multiple %add3A_335, 8 : i32
        "tpu.region"() ({
          %run_scoped3A = tpu.sem_alloc : memref<!tpu.dma_semaphore, #tpu.memory_space<semaphore_mem>>
          %dma_start3A_352 = arith.constant 0 : i32
          %dma_start3A_353 = tpu.memref_slice %arg16[%multiple_of3A_336, %dma_start3A_352] : memref<10000x128xf32, #tpu.memory_space<vmem_shared>> -> memref<40x128xf32, #tpu.memory_space<vmem_shared>>
          %dma_start3A_354 = arith.constant 0 : i32
          %dma_start3A_355 = tpu.memref_slice %arg16[%multiple_of3A_336, %dma_start3A_354] : memref<10000x128xf32, #tpu.memory_space<vmem_shared>> -> memref<40x128xf32, #tpu.memory_space<vmem_shared>>
          tpu.enqueue_dma source(%arg15 : memref<40x128xf32, #tpu.memory_space<vmem>>) target(%dma_start3A_355 : memref<40x128xf32, #tpu.memory_space<vmem_shared>>) target_semaphore(%run_scoped3A : memref<!tpu.dma_semaphore, #tpu.memory_space<semaphore_mem>>)
          %dma_wait3A_356 = arith.constant 0 : i32
          %dma_wait3A_357 = tpu.memref_slice %arg16[%multiple_of3A_336, %dma_wait3A_356] : memref<10000x128xf32, #tpu.memory_space<vmem_shared>> -> memref<40x128xf32, #tpu.memory_space<vmem_shared>>
          %dma_wait3A_358 = arith.constant 0 : i32
          %dma_wait3A_359 = tpu.memref_slice %arg16[%multiple_of3A_336, %dma_wait3A_358] : memref<10000x128xf32, #tpu.memory_space<vmem_shared>> -> memref<40x128xf32, #tpu.memory_space<vmem_shared>>
          tpu.wait_dma2 semaphore(%run_scoped3A : memref<!tpu.dma_semaphore, #tpu.memory_space<semaphore_mem>>) src(%arg15 : memref<40x128xf32, #tpu.memory_space<vmem>>) dst(%dma_wait3A_359 : memref<40x128xf32, #tpu.memory_space<vmem_shared>>)
          tpu.yield
        }) : () -> ()
        %mul3A_337 = arith.constant 400 : i32
        %mul3A_338 = arith.muli %add3A_300, %mul3A_337 : i32
        %add3A_339 = arith.constant 280 : i32
        %add3A_340 = arith.addi %mul3A_338, %add3A_339 : i32
        %multiple_of3A_341 = tpu.assume_multiple %add3A_340, 8 : i32
        "tpu.region"() ({
          %run_scoped3A = tpu.sem_alloc : memref<!tpu.dma_semaphore, #tpu.memory_space<semaphore_mem>>
          %dma_start3A_352 = arith.constant 0 : i32
          %dma_start3A_353 = tpu.memref_slice %arg16[%multiple_of3A_341, %dma_start3A_352] : memref<10000x128xf32, #tpu.memory_space<vmem_shared>> -> memref<40x128xf32, #tpu.memory_space<vmem_shared>>
          %dma_start3A_354 = arith.constant 0 : i32
          %dma_start3A_355 = tpu.memref_slice %arg16[%multiple_of3A_341, %dma_start3A_354] : memref<10000x128xf32, #tpu.memory_space<vmem_shared>> -> memref<40x128xf32, #tpu.memory_space<vmem_shared>>
          tpu.enqueue_dma source(%arg15 : memref<40x128xf32, #tpu.memory_space<vmem>>) target(%dma_start3A_355 : memref<40x128xf32, #tpu.memory_space<vmem_shared>>) target_semaphore(%run_scoped3A : memref<!tpu.dma_semaphore, #tpu.memory_space<semaphore_mem>>)
          %dma_wait3A_356 = arith.constant 0 : i32
          %dma_wait3A_357 = tpu.memref_slice %arg16[%multiple_of3A_341, %dma_wait3A_356] : memref<10000x128xf32, #tpu.memory_space<vmem_shared>> -> memref<40x128xf32, #tpu.memory_space<vmem_shared>>
          %dma_wait3A_358 = arith.constant 0 : i32
          %dma_wait3A_359 = tpu.memref_slice %arg16[%multiple_of3A_341, %dma_wait3A_358] : memref<10000x128xf32, #tpu.memory_space<vmem_shared>> -> memref<40x128xf32, #tpu.memory_space<vmem_shared>>
          tpu.wait_dma2 semaphore(%run_scoped3A : memref<!tpu.dma_semaphore, #tpu.memory_space<semaphore_mem>>) src(%arg15 : memref<40x128xf32, #tpu.memory_space<vmem>>) dst(%dma_wait3A_359 : memref<40x128xf32, #tpu.memory_space<vmem_shared>>)
          tpu.yield
        }) : () -> ()
        %mul3A_342 = arith.constant 400 : i32
        %mul3A_343 = arith.muli %add3A_300, %mul3A_342 : i32
        %add3A_344 = arith.constant 320 : i32
        %add3A_345 = arith.addi %mul3A_343, %add3A_344 : i32
        %multiple_of3A_346 = tpu.assume_multiple %add3A_345, 8 : i32
        "tpu.region"() ({
          %run_scoped3A = tpu.sem_alloc : memref<!tpu.dma_semaphore, #tpu.memory_space<semaphore_mem>>
          %dma_start3A_352 = arith.constant 0 : i32
          %dma_start3A_353 = tpu.memref_slice %arg16[%multiple_of3A_346, %dma_start3A_352] : memref<10000x128xf32, #tpu.memory_space<vmem_shared>> -> memref<40x128xf32, #tpu.memory_space<vmem_shared>>
          %dma_start3A_354 = arith.constant 0 : i32
          %dma_start3A_355 = tpu.memref_slice %arg16[%multiple_of3A_346, %dma_start3A_354] : memref<10000x128xf32, #tpu.memory_space<vmem_shared>> -> memref<40x128xf32, #tpu.memory_space<vmem_shared>>
          tpu.enqueue_dma source(%arg15 : memref<40x128xf32, #tpu.memory_space<vmem>>) target(%dma_start3A_355 : memref<40x128xf32, #tpu.memory_space<vmem_shared>>) target_semaphore(%run_scoped3A : memref<!tpu.dma_semaphore, #tpu.memory_space<semaphore_mem>>)
          %dma_wait3A_356 = arith.constant 0 : i32
          %dma_wait3A_357 = tpu.memref_slice %arg16[%multiple_of3A_346, %dma_wait3A_356] : memref<10000x128xf32, #tpu.memory_space<vmem_shared>> -> memref<40x128xf32, #tpu.memory_space<vmem_shared>>
          %dma_wait3A_358 = arith.constant 0 : i32
          %dma_wait3A_359 = tpu.memref_slice %arg16[%multiple_of3A_346, %dma_wait3A_358] : memref<10000x128xf32, #tpu.memory_space<vmem_shared>> -> memref<40x128xf32, #tpu.memory_space<vmem_shared>>
          tpu.wait_dma2 semaphore(%run_scoped3A : memref<!tpu.dma_semaphore, #tpu.memory_space<semaphore_mem>>) src(%arg15 : memref<40x128xf32, #tpu.memory_space<vmem>>) dst(%dma_wait3A_359 : memref<40x128xf32, #tpu.memory_space<vmem_shared>>)
          tpu.yield
        }) : () -> ()
        %mul3A_347 = arith.constant 400 : i32
        %mul3A_348 = arith.muli %add3A_300, %mul3A_347 : i32
        %add3A_349 = arith.constant 360 : i32
        %add3A_350 = arith.addi %mul3A_348, %add3A_349 : i32
        %multiple_of3A_351 = tpu.assume_multiple %add3A_350, 8 : i32
        "tpu.region"() ({
          %run_scoped3A = tpu.sem_alloc : memref<!tpu.dma_semaphore, #tpu.memory_space<semaphore_mem>>
          %dma_start3A_352 = arith.constant 0 : i32
          %dma_start3A_353 = tpu.memref_slice %arg16[%multiple_of3A_351, %dma_start3A_352] : memref<10000x128xf32, #tpu.memory_space<vmem_shared>> -> memref<40x128xf32, #tpu.memory_space<vmem_shared>>
          %dma_start3A_354 = arith.constant 0 : i32
          %dma_start3A_355 = tpu.memref_slice %arg16[%multiple_of3A_351, %dma_start3A_354] : memref<10000x128xf32, #tpu.memory_space<vmem_shared>> -> memref<40x128xf32, #tpu.memory_space<vmem_shared>>
          tpu.enqueue_dma source(%arg15 : memref<40x128xf32, #tpu.memory_space<vmem>>) target(%dma_start3A_355 : memref<40x128xf32, #tpu.memory_space<vmem_shared>>) target_semaphore(%run_scoped3A : memref<!tpu.dma_semaphore, #tpu.memory_space<semaphore_mem>>)
          %dma_wait3A_356 = arith.constant 0 : i32
          %dma_wait3A_357 = tpu.memref_slice %arg16[%multiple_of3A_351, %dma_wait3A_356] : memref<10000x128xf32, #tpu.memory_space<vmem_shared>> -> memref<40x128xf32, #tpu.memory_space<vmem_shared>>
          %dma_wait3A_358 = arith.constant 0 : i32
          %dma_wait3A_359 = tpu.memref_slice %arg16[%multiple_of3A_351, %dma_wait3A_358] : memref<10000x128xf32, #tpu.memory_space<vmem_shared>> -> memref<40x128xf32, #tpu.memory_space<vmem_shared>>
          tpu.wait_dma2 semaphore(%run_scoped3A : memref<!tpu.dma_semaphore, #tpu.memory_space<semaphore_mem>>) src(%arg15 : memref<40x128xf32, #tpu.memory_space<vmem>>) dst(%dma_wait3A_359 : memref<40x128xf32, #tpu.memory_space<vmem_shared>>)
          tpu.yield
        }) : () -> ()
      } else {
      }
    }
    %scan3A_17 = arith.constant 2 : i32
    %dma_wait3A = arith.constant 0 : i32
    %dma_wait3A_18 = arith.constant 0 : i32
    %dma_wait3A_19 = tpu.memref_slice %arg3[%dma_wait3A, %dma_wait3A_18] : memref<32x10000xi32, #tpu.memory_space<hbm>> -> memref<1x10000xi32, #tpu.memory_space<hbm>>
    %dma_wait3A_20 = tpu.memref_squeeze %dma_wait3A_19 : memref<1x10000xi32, #tpu.memory_space<hbm>> -> memref<10000xi32, #tpu.memory_space<hbm>>
    %dma_wait3A_21 = arith.constant 0 : i32
    %dma_wait3A_22 = tpu.memref_slice %arg3[%dma_wait3A, %dma_wait3A_21] : memref<32x10000xi32, #tpu.memory_space<hbm>> -> memref<1x10000xi32, #tpu.memory_space<hbm>>
    %dma_wait3A_23 = tpu.memref_squeeze %dma_wait3A_22 : memref<1x10000xi32, #tpu.memory_space<hbm>> -> memref<10000xi32, #tpu.memory_space<hbm>>
    tpu.wait_dma2 semaphore(%arg17 : memref<!tpu.dma_semaphore, #tpu.memory_space<semaphore_mem>>) src(%dma_wait3A_23 : memref<10000xi32, #tpu.memory_space<hbm>>) dst(%arg5 : memref<10000xi32, #tpu.memory_space<vmem>>)
    %barrier3A = arith.constant 0 : index
    tpu.barrier barrier_id(%barrier3A)
    %get3A = arith.constant 0 : index
    %get3A_24 = tpu.vector_load %arg5[%get3A] {strides = array<i32>} : memref<10000xi32, #tpu.memory_space<vmem>>, vector<16xi32>,
    %get3A_25 = vector.shape_cast %get3A_24 : vector<16xi32> to vector<16xi32>
    %shift_right_logical3A = arith.constant 14 : i32
    %shift_right_logical3A_26 = vector.broadcast %shift_right_logical3A : i32 to vector<16xi32>
    %shift_right_logical3A_27 = arith.shrui %get3A_25, %shift_right_logical3A_26 : vector<16xi32>
    %swap3A = arith.constant 0 : index
    %swap3A_28 = tpu.vector_load %arg9[%swap3A] {strides = array<i32>} : memref<80xi32, #tpu.memory_space<vmem>>, vector<16xi32>,
    %swap3A_29 = vector.shape_cast %swap3A_28 : vector<16xi32> to vector<16xi32>
    %swap3A_30 = vector.shape_cast %shift_right_logical3A_27 : vector<16xi32> to vector<16xi32>
    tpu.vector_store %arg9[%swap3A], %swap3A_30 {strides = array<i32>} : memref<80xi32, #tpu.memory_space<vmem>>, vector<16xi32>,
    %and3A = arith.constant 16383 : i32
    %and3A_31 = vector.broadcast %and3A : i32 to vector<16xi32>
    %and3A_32 = arith.andi %get3A_25, %and3A_31 : vector<16xi32>
    %swap3A_33 = arith.constant 0 : index
    %swap3A_34 = tpu.vector_load %arg12[%swap3A_33] {strides = array<i32>} : memref<80xi32, #tpu.memory_space<vmem>>, vector<16xi32>,
    %swap3A_35 = vector.shape_cast %swap3A_34 : vector<16xi32> to vector<16xi32>
    %swap3A_36 = vector.shape_cast %and3A_32 : vector<16xi32> to vector<16xi32>
    tpu.vector_store %arg12[%swap3A_33], %swap3A_36 {strides = array<i32>} : memref<80xi32, #tpu.memory_space<vmem>>, vector<16xi32>,
    %get3A_37 = arith.constant 16 : index
    %get3A_38 = tpu.vector_load %arg5[%get3A_37] {strides = array<i32>} : memref<10000xi32, #tpu.memory_space<vmem>>, vector<16xi32>,
    %get3A_39 = vector.shape_cast %get3A_38 : vector<16xi32> to vector<16xi32>
    %shift_right_logical3A_40 = arith.constant 14 : i32
    %shift_right_logical3A_41 = vector.broadcast %shift_right_logical3A_40 : i32 to vector<16xi32>
    %shift_right_logical3A_42 = arith.shrui %get3A_39, %shift_right_logical3A_41 : vector<16xi32>
    %swap3A_43 = arith.constant 16 : index
    %swap3A_44 = tpu.vector_load %arg9[%swap3A_43] {strides = array<i32>} : memref<80xi32, #tpu.memory_space<vmem>>, vector<16xi32>,
    %swap3A_45 = vector.shape_cast %swap3A_44 : vector<16xi32> to vector<16xi32>
    %swap3A_46 = vector.shape_cast %shift_right_logical3A_42 : vector<16xi32> to vector<16xi32>
    tpu.vector_store %arg9[%swap3A_43], %swap3A_46 {strides = array<i32>} : memref<80xi32, #tpu.memory_space<vmem>>, vector<16xi32>,
    %and3A_47 = arith.constant 16383 : i32
    %and3A_48 = vector.broadcast %and3A_47 : i32 to vector<16xi32>
    %and3A_49 = arith.andi %get3A_39, %and3A_48 : vector<16xi32>
    %swap3A_50 = arith.constant 16 : index
    %swap3A_51 = tpu.vector_load %arg12[%swap3A_50] {strides = array<i32>} : memref<80xi32, #tpu.memory_space<vmem>>, vector<16xi32>,
    %swap3A_52 = vector.shape_cast %swap3A_51 : vector<16xi32> to vector<16xi32>
    %swap3A_53 = vector.shape_cast %and3A_49 : vector<16xi32> to vector<16xi32>
    tpu.vector_store %arg12[%swap3A_50], %swap3A_53 {strides = array<i32>} : memref<80xi32, #tpu.memory_space<vmem>>, vector<16xi32>,
    %get3A_54 = arith.constant 32 : index
    %get3A_55 = tpu.vector_load %arg5[%get3A_54] {strides = array<i32>} : memref<10000xi32, #tpu.memory_space<vmem>>, vector<16xi32>,
    %get3A_56 = vector.shape_cast %get3A_55 : vector<16xi32> to vector<16xi32>
    %shift_right_logical3A_57 = arith.constant 14 : i32
    %shift_right_logical3A_58 = vector.broadcast %shift_right_logical3A_57 : i32 to vector<16xi32>
    %shift_right_logical3A_59 = arith.shrui %get3A_56, %shift_right_logical3A_58 : vector<16xi32>
    %swap3A_60 = arith.constant 32 : index
    %swap3A_61 = tpu.vector_load %arg9[%swap3A_60] {strides = array<i32>} : memref<80xi32, #tpu.memory_space<vmem>>, vector<16xi32>,
    %swap3A_62 = vector.shape_cast %swap3A_61 : vector<16xi32> to vector<16xi32>
    %swap3A_63 = vector.shape_cast %shift_right_logical3A_59 : vector<16xi32> to vector<16xi32>
    tpu.vector_store %arg9[%swap3A_60], %swap3A_63 {strides = array<i32>} : memref<80xi32, #tpu.memory_space<vmem>>, vector<16xi32>,
    %and3A_64 = arith.constant 16383 : i32
    %and3A_65 = vector.broadcast %and3A_64 : i32 to vector<16xi32>
    %and3A_66 = arith.andi %get3A_56, %and3A_65 : vector<16xi32>
    %swap3A_67 = arith.constant 32 : index
    %swap3A_68 = tpu.vector_load %arg12[%swap3A_67] {strides = array<i32>} : memref<80xi32, #tpu.memory_space<vmem>>, vector<16xi32>,
    %swap3A_69 = vector.shape_cast %swap3A_68 : vector<16xi32> to vector<16xi32>
    %swap3A_70 = vector.shape_cast %and3A_66 : vector<16xi32> to vector<16xi32>
    tpu.vector_store %arg12[%swap3A_67], %swap3A_70 {strides = array<i32>} : memref<80xi32, #tpu.memory_space<vmem>>, vector<16xi32>,
    %get3A_71 = arith.constant 48 : index
    %get3A_72 = tpu.vector_load %arg5[%get3A_71] {strides = array<i32>} : memref<10000xi32, #tpu.memory_space<vmem>>, vector<16xi32>,
    %get3A_73 = vector.shape_cast %get3A_72 : vector<16xi32> to vector<16xi32>
    %shift_right_logical3A_74 = arith.constant 14 : i32
    %shift_right_logical3A_75 = vector.broadcast %shift_right_logical3A_74 : i32 to vector<16xi32>
    %shift_right_logical3A_76 = arith.shrui %get3A_73, %shift_right_logical3A_75 : vector<16xi32>
    %swap3A_77 = arith.constant 48 : index
    %swap3A_78 = tpu.vector_load %arg9[%swap3A_77] {strides = array<i32>} : memref<80xi32, #tpu.memory_space<vmem>>, vector<16xi32>,
    %swap3A_79 = vector.shape_cast %swap3A_78 : vector<16xi32> to vector<16xi32>
    %swap3A_80 = vector.shape_cast %shift_right_logical3A_76 : vector<16xi32> to vector<16xi32>
    tpu.vector_store %arg9[%swap3A_77], %swap3A_80 {strides = array<i32>} : memref<80xi32, #tpu.memory_space<vmem>>, vector<16xi32>,
    %and3A_81 = arith.constant 16383 : i32
    %and3A_82 = vector.broadcast %and3A_81 : i32 to vector<16xi32>
    %and3A_83 = arith.andi %get3A_73, %and3A_82 : vector<16xi32>
    %swap3A_84 = arith.constant 48 : index
    %swap3A_85 = tpu.vector_load %arg12[%swap3A_84] {strides = array<i32>} : memref<80xi32, #tpu.memory_space<vmem>>, vector<16xi32>,
    %swap3A_86 = vector.shape_cast %swap3A_85 : vector<16xi32> to vector<16xi32>
    %swap3A_87 = vector.shape_cast %and3A_83 : vector<16xi32> to vector<16xi32>
    tpu.vector_store %arg12[%swap3A_84], %swap3A_87 {strides = array<i32>} : memref<80xi32, #tpu.memory_space<vmem>>, vector<16xi32>,
    %get3A_88 = arith.constant 64 : index
    %get3A_89 = tpu.vector_load %arg5[%get3A_88] {strides = array<i32>} : memref<10000xi32, #tpu.memory_space<vmem>>, vector<16xi32>,
    %get3A_90 = vector.shape_cast %get3A_89 : vector<16xi32> to vector<16xi32>
    %shift_right_logical3A_91 = arith.constant 14 : i32
    %shift_right_logical3A_92 = vector.broadcast %shift_right_logical3A_91 : i32 to vector<16xi32>
    %shift_right_logical3A_93 = arith.shrui %get3A_90, %shift_right_logical3A_92 : vector<16xi32>
    %swap3A_94 = arith.constant 64 : index
    %swap3A_95 = tpu.vector_load %arg9[%swap3A_94] {strides = array<i32>} : memref<80xi32, #tpu.memory_space<vmem>>, vector<16xi32>,
    %swap3A_96 = vector.shape_cast %swap3A_95 : vector<16xi32> to vector<16xi32>
    %swap3A_97 = vector.shape_cast %shift_right_logical3A_93 : vector<16xi32> to vector<16xi32>
    tpu.vector_store %arg9[%swap3A_94], %swap3A_97 {strides = array<i32>} : memref<80xi32, #tpu.memory_space<vmem>>, vector<16xi32>,
    %and3A_98 = arith.constant 16383 : i32
    %and3A_99 = vector.broadcast %and3A_98 : i32 to vector<16xi32>
    %and3A_100 = arith.andi %get3A_90, %and3A_99 : vector<16xi32>
    %swap3A_101 = arith.constant 64 : index
    %swap3A_102 = tpu.vector_load %arg12[%swap3A_101] {strides = array<i32>} : memref<80xi32, #tpu.memory_space<vmem>>, vector<16xi32>,
    %swap3A_103 = vector.shape_cast %swap3A_102 : vector<16xi32> to vector<16xi32>
    %swap3A_104 = vector.shape_cast %and3A_100 : vector<16xi32> to vector<16xi32>
    tpu.vector_store %arg12[%swap3A_101], %swap3A_104 {strides = array<i32>} : memref<80xi32, #tpu.memory_space<vmem>>, vector<16xi32>,
    %dma_start3A_105 = arith.constant 0 : i32
    %dma_start3A_106 = arith.constant 0 : i32
    %dma_start3A_107 = tpu.memref_slice %arg2[%dma_start3A_105, %dma_start3A_106] : memref<10000x128xf32, #tpu.memory_space<hbm>> -> memref<10000x128xf32, #tpu.memory_space<hbm>>
    tpu.enqueue_indirect_dma source(%dma_start3A_107 : memref<10000x128xf32, #tpu.memory_space<hbm>>) target(%arg6 : memref<80x128xf32, #tpu.memory_space<vmem>>) offsets(%arg9 : memref<80xi32, #tpu.memory_space<vmem>>) semaphore(%arg17 : memref<!tpu.dma_semaphore, #tpu.memory_space<semaphore_mem>>)
    %get3A_108 = arith.constant 80 : index
    %get3A_109 = tpu.vector_load %arg5[%get3A_108] {strides = array<i32>} : memref<10000xi32, #tpu.memory_space<vmem>>, vector<16xi32>,
    %get3A_110 = vector.shape_cast %get3A_109 : vector<16xi32> to vector<16xi32>
    %shift_right_logical3A_111 = arith.constant 14 : i32
    %shift_right_logical3A_112 = vector.broadcast %shift_right_logical3A_111 : i32 to vector<16xi32>
    %shift_right_logical3A_113 = arith.shrui %get3A_110, %shift_right_logical3A_112 : vector<16xi32>
    %swap3A_114 = arith.constant 0 : index
    %swap3A_115 = tpu.vector_load %arg10[%swap3A_114] {strides = array<i32>} : memref<80xi32, #tpu.memory_space<vmem>>, vector<16xi32>,
    %swap3A_116 = vector.shape_cast %swap3A_115 : vector<16xi32> to vector<16xi32>
    %swap3A_117 = vector.shape_cast %shift_right_logical3A_113 : vector<16xi32> to vector<16xi32>
    tpu.vector_store %arg10[%swap3A_114], %swap3A_117 {strides = array<i32>} : memref<80xi32, #tpu.memory_space<vmem>>, vector<16xi32>,
    %and3A_118 = arith.constant 16383 : i32
    %and3A_119 = vector.broadcast %and3A_118 : i32 to vector<16xi32>
    %and3A_120 = arith.andi %get3A_110, %and3A_119 : vector<16xi32>
    %swap3A_121 = arith.constant 0 : index
    %swap3A_122 = tpu.vector_load %arg13[%swap3A_121] {strides = array<i32>} : memref<80xi32, #tpu.memory_space<vmem>>, vector<16xi32>,
    %swap3A_123 = vector.shape_cast %swap3A_122 : vector<16xi32> to vector<16xi32>
    %swap3A_124 = vector.shape_cast %and3A_120 : vector<16xi32> to vector<16xi32>
    tpu.vector_store %arg13[%swap3A_121], %swap3A_124 {strides = array<i32>} : memref<80xi32, #tpu.memory_space<vmem>>, vector<16xi32>,
    %get3A_125 = arith.constant 96 : index
    %get3A_126 = tpu.vector_load %arg5[%get3A_125] {strides = array<i32>} : memref<10000xi32, #tpu.memory_space<vmem>>, vector<16xi32>,
    %get3A_127 = vector.shape_cast %get3A_126 : vector<16xi32> to vector<16xi32>
    %shift_right_logical3A_128 = arith.constant 14 : i32
    %shift_right_logical3A_129 = vector.broadcast %shift_right_logical3A_128 : i32 to vector<16xi32>
    %shift_right_logical3A_130 = arith.shrui %get3A_127, %shift_right_logical3A_129 : vector<16xi32>
    %swap3A_131 = arith.constant 16 : index
    %swap3A_132 = tpu.vector_load %arg10[%swap3A_131] {strides = array<i32>} : memref<80xi32, #tpu.memory_space<vmem>>, vector<16xi32>,
    %swap3A_133 = vector.shape_cast %swap3A_132 : vector<16xi32> to vector<16xi32>
    %swap3A_134 = vector.shape_cast %shift_right_logical3A_130 : vector<16xi32> to vector<16xi32>
    tpu.vector_store %arg10[%swap3A_131], %swap3A_134 {strides = array<i32>} : memref<80xi32, #tpu.memory_space<vmem>>, vector<16xi32>,
    %and3A_135 = arith.constant 16383 : i32
    %and3A_136 = vector.broadcast %and3A_135 : i32 to vector<16xi32>
    %and3A_137 = arith.andi %get3A_127, %and3A_136 : vector<16xi32>
    %swap3A_138 = arith.constant 16 : index
    %swap3A_139 = tpu.vector_load %arg13[%swap3A_138] {strides = array<i32>} : memref<80xi32, #tpu.memory_space<vmem>>, vector<16xi32>,
    %swap3A_140 = vector.shape_cast %swap3A_139 : vector<16xi32> to vector<16xi32>
    %swap3A_141 = vector.shape_cast %and3A_137 : vector<16xi32> to vector<16xi32>
    tpu.vector_store %arg13[%swap3A_138], %swap3A_141 {strides = array<i32>} : memref<80xi32, #tpu.memory_space<vmem>>, vector<16xi32>,
    %get3A_142 = arith.constant 112 : index
    %get3A_143 = tpu.vector_load %arg5[%get3A_142] {strides = array<i32>} : memref<10000xi32, #tpu.memory_space<vmem>>, vector<16xi32>,
    %get3A_144 = vector.shape_cast %get3A_143 : vector<16xi32> to vector<16xi32>
    %shift_right_logical3A_145 = arith.constant 14 : i32
    %shift_right_logical3A_146 = vector.broadcast %shift_right_logical3A_145 : i32 to vector<16xi32>
    %shift_right_logical3A_147 = arith.shrui %get3A_144, %shift_right_logical3A_146 : vector<16xi32>
    %swap3A_148 = arith.constant 32 : index
    %swap3A_149 = tpu.vector_load %arg10[%swap3A_148] {strides = array<i32>} : memref<80xi32, #tpu.memory_space<vmem>>, vector<16xi32>,
    %swap3A_150 = vector.shape_cast %swap3A_149 : vector<16xi32> to vector<16xi32>
    %swap3A_151 = vector.shape_cast %shift_right_logical3A_147 : vector<16xi32> to vector<16xi32>
    tpu.vector_store %arg10[%swap3A_148], %swap3A_151 {strides = array<i32>} : memref<80xi32, #tpu.memory_space<vmem>>, vector<16xi32>,
    %and3A_152 = arith.constant 16383 : i32
    %and3A_153 = vector.broadcast %and3A_152 : i32 to vector<16xi32>
    %and3A_154 = arith.andi %get3A_144, %and3A_153 : vector<16xi32>
    %swap3A_155 = arith.constant 32 : index
    %swap3A_156 = tpu.vector_load %arg13[%swap3A_155] {strides = array<i32>} : memref<80xi32, #tpu.memory_space<vmem>>, vector<16xi32>,
    %swap3A_157 = vector.shape_cast %swap3A_156 : vector<16xi32> to vector<16xi32>
    %swap3A_158 = vector.shape_cast %and3A_154 : vector<16xi32> to vector<16xi32>
    tpu.vector_store %arg13[%swap3A_155], %swap3A_158 {strides = array<i32>} : memref<80xi32, #tpu.memory_space<vmem>>, vector<16xi32>,
    %get3A_159 = arith.constant 128 : index
    %get3A_160 = tpu.vector_load %arg5[%get3A_159] {strides = array<i32>} : memref<10000xi32, #tpu.memory_space<vmem>>, vector<16xi32>,
    %get3A_161 = vector.shape_cast %get3A_160 : vector<16xi32> to vector<16xi32>
    %shift_right_logical3A_162 = arith.constant 14 : i32
    %shift_right_logical3A_163 = vector.broadcast %shift_right_logical3A_162 : i32 to vector<16xi32>
    %shift_right_logical3A_164 = arith.shrui %get3A_161, %shift_right_logical3A_163 : vector<16xi32>
    %swap3A_165 = arith.constant 48 : index
    %swap3A_166 = tpu.vector_load %arg10[%swap3A_165] {strides = array<i32>} : memref<80xi32, #tpu.memory_space<vmem>>, vector<16xi32>,
    %swap3A_167 = vector.shape_cast %swap3A_166 : vector<16xi32> to vector<16xi32>
    %swap3A_168 = vector.shape_cast %shift_right_logical3A_164 : vector<16xi32> to vector<16xi32>
    tpu.vector_store %arg10[%swap3A_165], %swap3A_168 {strides = array<i32>} : memref<80xi32, #tpu.memory_space<vmem>>, vector<16xi32>,
    %and3A_169 = arith.constant 16383 : i32
    %and3A_170 = vector.broadcast %and3A_169 : i32 to vector<16xi32>
    %and3A_171 = arith.andi %get3A_161, %and3A_170 : vector<16xi32>
    %swap3A_172 = arith.constant 48 : index
    %swap3A_173 = tpu.vector_load %arg13[%swap3A_172] {strides = array<i32>} : memref<80xi32, #tpu.memory_space<vmem>>, vector<16xi32>,
    %swap3A_174 = vector.shape_cast %swap3A_173 : vector<16xi32> to vector<16xi32>
    %swap3A_175 = vector.shape_cast %and3A_171 : vector<16xi32> to vector<16xi32>
    tpu.vector_store %arg13[%swap3A_172], %swap3A_175 {strides = array<i32>} : memref<80xi32, #tpu.memory_space<vmem>>, vector<16xi32>,
    %get3A_176 = arith.constant 144 : index
    %get3A_177 = tpu.vector_load %arg5[%get3A_176] {strides = array<i32>} : memref<10000xi32, #tpu.memory_space<vmem>>, vector<16xi32>,
    %get3A_178 = vector.shape_cast %get3A_177 : vector<16xi32> to vector<16xi32>
    %shift_right_logical3A_179 = arith.constant 14 : i32
    %shift_right_logical3A_180 = vector.broadcast %shift_right_logical3A_179 : i32 to vector<16xi32>
    %shift_right_logical3A_181 = arith.shrui %get3A_178, %shift_right_logical3A_180 : vector<16xi32>
    %swap3A_182 = arith.constant 64 : index
    %swap3A_183 = tpu.vector_load %arg10[%swap3A_182] {strides = array<i32>} : memref<80xi32, #tpu.memory_space<vmem>>, vector<16xi32>,
    %swap3A_184 = vector.shape_cast %swap3A_183 : vector<16xi32> to vector<16xi32>
    %swap3A_185 = vector.shape_cast %shift_right_logical3A_181 : vector<16xi32> to vector<16xi32>
    tpu.vector_store %arg10[%swap3A_182], %swap3A_185 {strides = array<i32>} : memref<80xi32, #tpu.memory_space<vmem>>, vector<16xi32>,
    %and3A_186 = arith.constant 16383 : i32
    %and3A_187 = vector.broadcast %and3A_186 : i32 to vector<16xi32>
    %and3A_188 = arith.andi %get3A_178, %and3A_187 : vector<16xi32>
    %swap3A_189 = arith.constant 64 : index
    %swap3A_190 = tpu.vector_load %arg13[%swap3A_189] {strides = array<i32>} : memref<80xi32, #tpu.memory_space<vmem>>, vector<16xi32>,
    %swap3A_191 = vector.shape_cast %swap3A_190 : vector<16xi32> to vector<16xi32>
    %swap3A_192 = vector.shape_cast %and3A_188 : vector<16xi32> to vector<16xi32>
    tpu.vector_store %arg13[%swap3A_189], %swap3A_192 {strides = array<i32>} : memref<80xi32, #tpu.memory_space<vmem>>, vector<16xi32>,
    %dma_start3A_193 = arith.constant 0 : i32
    %dma_start3A_194 = arith.constant 0 : i32
    %dma_start3A_195 = tpu.memref_slice %arg2[%dma_start3A_193, %dma_start3A_194] : memref<10000x128xf32, #tpu.memory_space<hbm>> -> memref<10000x128xf32, #tpu.memory_space<hbm>>
    tpu.enqueue_indirect_dma source(%dma_start3A_195 : memref<10000x128xf32, #tpu.memory_space<hbm>>) target(%arg7 : memref<80x128xf32, #tpu.memory_space<vmem>>) offsets(%arg10 : memref<80xi32, #tpu.memory_space<vmem>>) semaphore(%arg18 : memref<!tpu.dma_semaphore, #tpu.memory_space<semaphore_mem>>)
    %get3A_196 = arith.constant 160 : index
    %get3A_197 = tpu.vector_load %arg5[%get3A_196] {strides = array<i32>} : memref<10000xi32, #tpu.memory_space<vmem>>, vector<16xi32>,
    %get3A_198 = vector.shape_cast %get3A_197 : vector<16xi32> to vector<16xi32>
    %shift_right_logical3A_199 = arith.constant 14 : i32
    %shift_right_logical3A_200 = vector.broadcast %shift_right_logical3A_199 : i32 to vector<16xi32>
    %shift_right_logical3A_201 = arith.shrui %get3A_198, %shift_right_logical3A_200 : vector<16xi32>
    %swap3A_202 = arith.constant 0 : index
    %swap3A_203 = tpu.vector_load %arg11[%swap3A_202] {strides = array<i32>} : memref<80xi32, #tpu.memory_space<vmem>>, vector<16xi32>,
    %swap3A_204 = vector.shape_cast %swap3A_203 : vector<16xi32> to vector<16xi32>
    %swap3A_205 = vector.shape_cast %shift_right_logical3A_201 : vector<16xi32> to vector<16xi32>
    tpu.vector_store %arg11[%swap3A_202], %swap3A_205 {strides = array<i32>} : memref<80xi32, #tpu.memory_space<vmem>>, vector<16xi32>,
    %and3A_206 = arith.constant 16383 : i32
    %and3A_207 = vector.broadcast %and3A_206 : i32 to vector<16xi32>
    %and3A_208 = arith.andi %get3A_198, %and3A_207 : vector<16xi32>
    %swap3A_209 = arith.constant 0 : index
    %swap3A_210 = tpu.vector_load %arg14[%swap3A_209] {strides = array<i32>} : memref<80xi32, #tpu.memory_space<vmem>>, vector<16xi32>,
    %swap3A_211 = vector.shape_cast %swap3A_210 : vector<16xi32> to vector<16xi32>
    %swap3A_212 = vector.shape_cast %and3A_208 : vector<16xi32> to vector<16xi32>
    tpu.vector_store %arg14[%swap3A_209], %swap3A_212 {strides = array<i32>} : memref<80xi32, #tpu.memory_space<vmem>>, vector<16xi32>,
    %get3A_213 = arith.constant 176 : index
    %get3A_214 = tpu.vector_load %arg5[%get3A_213] {strides = array<i32>} : memref<10000xi32, #tpu.memory_space<vmem>>, vector<16xi32>,
    %get3A_215 = vector.shape_cast %get3A_214 : vector<16xi32> to vector<16xi32>
    %shift_right_logical3A_216 = arith.constant 14 : i32
    %shift_right_logical3A_217 = vector.broadcast %shift_right_logical3A_216 : i32 to vector<16xi32>
    %shift_right_logical3A_218 = arith.shrui %get3A_215, %shift_right_logical3A_217 : vector<16xi32>
    %swap3A_219 = arith.constant 16 : index
    %swap3A_220 = tpu.vector_load %arg11[%swap3A_219] {strides = array<i32>} : memref<80xi32, #tpu.memory_space<vmem>>, vector<16xi32>,
    %swap3A_221 = vector.shape_cast %swap3A_220 : vector<16xi32> to vector<16xi32>
    %swap3A_222 = vector.shape_cast %shift_right_logical3A_218 : vector<16xi32> to vector<16xi32>
    tpu.vector_store %arg11[%swap3A_219], %swap3A_222 {strides = array<i32>} : memref<80xi32, #tpu.memory_space<vmem>>, vector<16xi32>,
    %and3A_223 = arith.constant 16383 : i32
    %and3A_224 = vector.broadcast %and3A_223 : i32 to vector<16xi32>
    %and3A_225 = arith.andi %get3A_215, %and3A_224 : vector<16xi32>
    %swap3A_226 = arith.constant 16 : index
    %swap3A_227 = tpu.vector_load %arg14[%swap3A_226] {strides = array<i32>} : memref<80xi32, #tpu.memory_space<vmem>>, vector<16xi32>,
    %swap3A_228 = vector.shape_cast %swap3A_227 : vector<16xi32> to vector<16xi32>
    %swap3A_229 = vector.shape_cast %and3A_225 : vector<16xi32> to vector<16xi32>
    tpu.vector_store %arg14[%swap3A_226], %swap3A_229 {strides = array<i32>} : memref<80xi32, #tpu.memory_space<vmem>>, vector<16xi32>,
    %get3A_230 = arith.constant 192 : index
    %get3A_231 = tpu.vector_load %arg5[%get3A_230] {strides = array<i32>} : memref<10000xi32, #tpu.memory_space<vmem>>, vector<16xi32>,
    %get3A_232 = vector.shape_cast %get3A_231 : vector<16xi32> to vector<16xi32>
    %shift_right_logical3A_233 = arith.constant 14 : i32
    %shift_right_logical3A_234 = vector.broadcast %shift_right_logical3A_233 : i32 to vector<16xi32>
    %shift_right_logical3A_235 = arith.shrui %get3A_232, %shift_right_logical3A_234 : vector<16xi32>
    %swap3A_236 = arith.constant 32 : index
    %swap3A_237 = tpu.vector_load %arg11[%swap3A_236] {strides = array<i32>} : memref<80xi32, #tpu.memory_space<vmem>>, vector<16xi32>,
    %swap3A_238 = vector.shape_cast %swap3A_237 : vector<16xi32> to vector<16xi32>
    %swap3A_239 = vector.shape_cast %shift_right_logical3A_235 : vector<16xi32> to vector<16xi32>
    tpu.vector_store %arg11[%swap3A_236], %swap3A_239 {strides = array<i32>} : memref<80xi32, #tpu.memory_space<vmem>>, vector<16xi32>,
    %and3A_240 = arith.constant 16383 : i32
    %and3A_241 = vector.broadcast %and3A_240 : i32 to vector<16xi32>
    %and3A_242 = arith.andi %get3A_232, %and3A_241 : vector<16xi32>
    %swap3A_243 = arith.constant 32 : index
    %swap3A_244 = tpu.vector_load %arg14[%swap3A_243] {strides = array<i32>} : memref<80xi32, #tpu.memory_space<vmem>>, vector<16xi32>,
    %swap3A_245 = vector.shape_cast %swap3A_244 : vector<16xi32> to vector<16xi32>
    %swap3A_246 = vector.shape_cast %and3A_242 : vector<16xi32> to vector<16xi32>
    tpu.vector_store %arg14[%swap3A_243], %swap3A_246 {strides = array<i32>} : memref<80xi32, #tpu.memory_space<vmem>>, vector<16xi32>,
    %get3A_247 = arith.constant 208 : index
    %get3A_248 = tpu.vector_load %arg5[%get3A_247] {strides = array<i32>} : memref<10000xi32, #tpu.memory_space<vmem>>, vector<16xi32>,
    %get3A_249 = vector.shape_cast %get3A_248 : vector<16xi32> to vector<16xi32>
    %shift_right_logical3A_250 = arith.constant 14 : i32
    %shift_right_logical3A_251 = vector.broadcast %shift_right_logical3A_250 : i32 to vector<16xi32>
    %shift_right_logical3A_252 = arith.shrui %get3A_249, %shift_right_logical3A_251 : vector<16xi32>
    %swap3A_253 = arith.constant 48 : index
    %swap3A_254 = tpu.vector_load %arg11[%swap3A_253] {strides = array<i32>} : memref<80xi32, #tpu.memory_space<vmem>>, vector<16xi32>,
    %swap3A_255 = vector.shape_cast %swap3A_254 : vector<16xi32> to vector<16xi32>
    %swap3A_256 = vector.shape_cast %shift_right_logical3A_252 : vector<16xi32> to vector<16xi32>
    tpu.vector_store %arg11[%swap3A_253], %swap3A_256 {strides = array<i32>} : memref<80xi32, #tpu.memory_space<vmem>>, vector<16xi32>,
    %and3A_257 = arith.constant 16383 : i32
    %and3A_258 = vector.broadcast %and3A_257 : i32 to vector<16xi32>
    %and3A_259 = arith.andi %get3A_249, %and3A_258 : vector<16xi32>
    %swap3A_260 = arith.constant 48 : index
    %swap3A_261 = tpu.vector_load %arg14[%swap3A_260] {strides = array<i32>} : memref<80xi32, #tpu.memory_space<vmem>>, vector<16xi32>,
    %swap3A_262 = vector.shape_cast %swap3A_261 : vector<16xi32> to vector<16xi32>
    %swap3A_263 = vector.shape_cast %and3A_259 : vector<16xi32> to vector<16xi32>
    tpu.vector_store %arg14[%swap3A_260], %swap3A_263 {strides = array<i32>} : memref<80xi32, #tpu.memory_space<vmem>>, vector<16xi32>,
    %get3A_264 = arith.constant 224 : index
    %get3A_265 = tpu.vector_load %arg5[%get3A_264] {strides = array<i32>} : memref<10000xi32, #tpu.memory_space<vmem>>, vector<16xi32>,
    %get3A_266 = vector.shape_cast %get3A_265 : vector<16xi32> to vector<16xi32>
    %shift_right_logical3A_267 = arith.constant 14 : i32
    %shift_right_logical3A_268 = vector.broadcast %shift_right_logical3A_267 : i32 to vector<16xi32>
    %shift_right_logical3A_269 = arith.shrui %get3A_266, %shift_right_logical3A_268 : vector<16xi32>
    %swap3A_270 = arith.constant 64 : index
    %swap3A_271 = tpu.vector_load %arg11[%swap3A_270] {strides = array<i32>} : memref<80xi32, #tpu.memory_space<vmem>>, vector<16xi32>,
    %swap3A_272 = vector.shape_cast %swap3A_271 : vector<16xi32> to vector<16xi32>
    %swap3A_273 = vector.shape_cast %shift_right_logical3A_269 : vector<16xi32> to vector<16xi32>
    tpu.vector_store %arg11[%swap3A_270], %swap3A_273 {strides = array<i32>} : memref<80xi32, #tpu.memory_space<vmem>>, vector<16xi32>,
    %and3A_274 = arith.constant 16383 : i32
    %and3A_275 = vector.broadcast %and3A_274 : i32 to vector<16xi32>
    %and3A_276 = arith.andi %get3A_266, %and3A_275 : vector<16xi32>
    %swap3A_277 = arith.constant 64 : index
    %swap3A_278 = tpu.vector_load %arg14[%swap3A_277] {strides = array<i32>} : memref<80xi32, #tpu.memory_space<vmem>>, vector<16xi32>,
    %swap3A_279 = vector.shape_cast %swap3A_278 : vector<16xi32> to vector<16xi32>
    %swap3A_280 = vector.shape_cast %and3A_276 : vector<16xi32> to vector<16xi32>
    tpu.vector_store %arg14[%swap3A_277], %swap3A_280 {strides = array<i32>} : memref<80xi32, #tpu.memory_space<vmem>>, vector<16xi32>,
    %dma_start3A_281 = arith.constant 0 : i32
    %dma_start3A_282 = arith.constant 0 : i32
    %dma_start3A_283 = tpu.memref_slice %arg2[%dma_start3A_281, %dma_start3A_282] : memref<10000x128xf32, #tpu.memory_space<hbm>> -> memref<10000x128xf32, #tpu.memory_space<hbm>>
    tpu.enqueue_indirect_dma source(%dma_start3A_283 : memref<10000x128xf32, #tpu.memory_space<hbm>>) target(%arg8 : memref<80x128xf32, #tpu.memory_space<vmem>>) offsets(%arg11 : memref<80xi32, #tpu.memory_space<vmem>>) semaphore(%arg19 : memref<!tpu.dma_semaphore, #tpu.memory_space<semaphore_mem>>)
    %scan3A_284 = arith.constant 0 : i32
    %scan3A_285 = arith.constant 0 : i32
    %scan3A_286 = arith.constant 42 : i32
    %scan3A_287 = arith.addi %scan3A_285, %scan3A_286 : i32
    %scan3A_288 = arith.constant 1 : i32
    scf.for %scan3A_297 = %scan3A_285 to %scan3A_287 step %scan3A_288  : i32 {
      %mul3A_298 = arith.constant 3 : i32
      %mul3A_299 = arith.muli %scan3A_297, %mul3A_298 : i32
      %add3A_300 = arith.constant 0 : i32
      %add3A_301 = arith.addi %mul3A_299, %add3A_300 : i32
      %lt3A = arith.constant 125 : i32
      %lt3A_302 = arith.cmpi slt, %add3A_301, %lt3A : i32
      %convert_element_type3A = arith.extui %lt3A_302 : i1 to i32
      %cond3A = arith.constant 0 : i32
      %cond3A_303 = arith.cmpi ne, %convert_element_type3A, %cond3A : i32
      scf.if %cond3A_303 {
        %dma_wait3A_322 = arith.constant 0 : i32
        %dma_wait3A_323 = arith.constant 0 : i32
        %dma_wait3A_324 = tpu.memref_slice %arg2[%dma_wait3A_322, %dma_wait3A_323] : memref<10000x128xf32, #tpu.memory_space<hbm>> -> memref<80x128xf32, #tpu.memory_space<hbm>>
        %dma_wait3A_325 = arith.constant 0 : i32
        %dma_wait3A_326 = arith.constant 0 : i32
        %dma_wait3A_327 = tpu.memref_slice %arg2[%dma_wait3A_325, %dma_wait3A_326] : memref<10000x128xf32, #tpu.memory_space<hbm>> -> memref<80x128xf32, #tpu.memory_space<hbm>>
        tpu.wait_dma2 semaphore(%arg17 : memref<!tpu.dma_semaphore, #tpu.memory_space<semaphore_mem>>) src(%dma_wait3A_327 : memref<80x128xf32, #tpu.memory_space<hbm>>) dst(%arg6 : memref<80x128xf32, #tpu.memory_space<vmem>>)
        "tpu.region"() ({
          %run_scoped3A = tpu.sem_alloc : memref<!tpu.dma_semaphore, #tpu.memory_space<semaphore_mem>>
          %dma_start3A_335 = arith.constant 0 : i32
          %dma_start3A_336 = arith.constant 0 : i32
          %dma_start3A_337 = tpu.memref_slice %arg16[%dma_start3A_335, %dma_start3A_336] : memref<10000x128xf32, #tpu.memory_space<vmem_shared>> -> memref<10000x128xf32, #tpu.memory_space<vmem_shared>>
          tpu.enqueue_indirect_dma source(%arg6 : memref<80x128xf32, #tpu.memory_space<vmem>>) target(%dma_start3A_337 : memref<10000x128xf32, #tpu.memory_space<vmem_shared>>) offsets(%arg12 : memref<80xi32, #tpu.memory_space<vmem>>) semaphore(%run_scoped3A : memref<!tpu.dma_semaphore, #tpu.memory_space<semaphore_mem>>) {add = true}
          %dma_wait3A_338 = arith.constant 0 : i32
          %dma_wait3A_339 = arith.constant 0 : i32
          %dma_wait3A_340 = tpu.memref_slice %arg16[%dma_wait3A_338, %dma_wait3A_339] : memref<10000x128xf32, #tpu.memory_space<vmem_shared>> -> memref<10000x128xf32, #tpu.memory_space<vmem_shared>>
          tpu.wait_indirect_dma semaphore(%run_scoped3A : memref<!tpu.dma_semaphore, #tpu.memory_space<semaphore_mem>>) src(%arg6 : memref<80x128xf32, #tpu.memory_space<vmem>>) dst(%dma_wait3A_340 : memref<10000x128xf32, #tpu.memory_space<vmem_shared>>)
          tpu.yield
        }) : () -> ()
        %add3A_328 = arith.constant 3 : i32
        %add3A_329 = arith.addi %add3A_301, %add3A_328 : i32
        %lt3A_330 = arith.constant 125 : i32
        %lt3A_331 = arith.cmpi slt, %add3A_329, %lt3A_330 : i32
        %convert_element_type3A_332 = arith.extui %lt3A_331 : i1 to i32
        %cond3A_333 = arith.constant 0 : i32
        %cond3A_334 = arith.cmpi ne, %convert_element_type3A_332, %cond3A_333 : i32
        scf.if %cond3A_334 {
          %mul3A_335 = arith.constant 80 : i32
          %mul3A_336 = arith.muli %add3A_329, %mul3A_335 : i32
          %add3A_337 = arith.constant 0 : i32
          %add3A_338 = arith.addi %mul3A_336, %add3A_337 : i32
          %get3A_339 = arith.index_cast %add3A_338 : i32 to index
          %get3A_340 = tpu.vector_load %arg5[%get3A_339] {strides = array<i32>} : memref<10000xi32, #tpu.memory_space<vmem>>, vector<16xi32>,
          %get3A_341 = vector.shape_cast %get3A_340 : vector<16xi32> to vector<16xi32>
          %shift_right_logical3A_342 = arith.constant 14 : i32
          %shift_right_logical3A_343 = vector.broadcast %shift_right_logical3A_342 : i32 to vector<16xi32>
          %shift_right_logical3A_344 = arith.shrui %get3A_341, %shift_right_logical3A_343 : vector<16xi32>
          %swap3A_345 = arith.constant 0 : index
          %swap3A_346 = tpu.vector_load %arg9[%swap3A_345] {strides = array<i32>} : memref<80xi32, #tpu.memory_space<vmem>>, vector<16xi32>,
          %swap3A_347 = vector.shape_cast %swap3A_346 : vector<16xi32> to vector<16xi32>
          %swap3A_348 = vector.shape_cast %shift_right_logical3A_344 : vector<16xi32> to vector<16xi32>
          tpu.vector_store %arg9[%swap3A_345], %swap3A_348 {strides = array<i32>} : memref<80xi32, #tpu.memory_space<vmem>>, vector<16xi32>,
          %and3A_349 = arith.constant 16383 : i32
          %and3A_350 = vector.broadcast %and3A_349 : i32 to vector<16xi32>
          %and3A_351 = arith.andi %get3A_341, %and3A_350 : vector<16xi32>
          %swap3A_352 = arith.constant 0 : index
          %swap3A_353 = tpu.vector_load %arg12[%swap3A_352] {strides = array<i32>} : memref<80xi32, #tpu.memory_space<vmem>>, vector<16xi32>,
          %swap3A_354 = vector.shape_cast %swap3A_353 : vector<16xi32> to vector<16xi32>
          %swap3A_355 = vector.shape_cast %and3A_351 : vector<16xi32> to vector<16xi32>
          tpu.vector_store %arg12[%swap3A_352], %swap3A_355 {strides = array<i32>} : memref<80xi32, #tpu.memory_space<vmem>>, vector<16xi32>,
          %mul3A_356 = arith.constant 80 : i32
          %mul3A_357 = arith.muli %add3A_329, %mul3A_356 : i32
          %add3A_358 = arith.constant 16 : i32
          %add3A_359 = arith.addi %mul3A_357, %add3A_358 : i32
          %get3A_360 = arith.index_cast %add3A_359 : i32 to index
          %get3A_361 = tpu.vector_load %arg5[%get3A_360] {strides = array<i32>} : memref<10000xi32, #tpu.memory_space<vmem>>, vector<16xi32>,
          %get3A_362 = vector.shape_cast %get3A_361 : vector<16xi32> to vector<16xi32>
          %shift_right_logical3A_363 = arith.constant 14 : i32
          %shift_right_logical3A_364 = vector.broadcast %shift_right_logical3A_363 : i32 to vector<16xi32>
          %shift_right_logical3A_365 = arith.shrui %get3A_362, %shift_right_logical3A_364 : vector<16xi32>
          %swap3A_366 = arith.constant 16 : index
          %swap3A_367 = tpu.vector_load %arg9[%swap3A_366] {strides = array<i32>} : memref<80xi32, #tpu.memory_space<vmem>>, vector<16xi32>,
          %swap3A_368 = vector.shape_cast %swap3A_367 : vector<16xi32> to vector<16xi32>
          %swap3A_369 = vector.shape_cast %shift_right_logical3A_365 : vector<16xi32> to vector<16xi32>
          tpu.vector_store %arg9[%swap3A_366], %swap3A_369 {strides = array<i32>} : memref<80xi32, #tpu.memory_space<vmem>>, vector<16xi32>,
          %and3A_370 = arith.constant 16383 : i32
          %and3A_371 = vector.broadcast %and3A_370 : i32 to vector<16xi32>
          %and3A_372 = arith.andi %get3A_362, %and3A_371 : vector<16xi32>
          %swap3A_373 = arith.constant 16 : index
          %swap3A_374 = tpu.vector_load %arg12[%swap3A_373] {strides = array<i32>} : memref<80xi32, #tpu.memory_space<vmem>>, vector<16xi32>,
          %swap3A_375 = vector.shape_cast %swap3A_374 : vector<16xi32> to vector<16xi32>
          %swap3A_376 = vector.shape_cast %and3A_372 : vector<16xi32> to vector<16xi32>
          tpu.vector_store %arg12[%swap3A_373], %swap3A_376 {strides = array<i32>} : memref<80xi32, #tpu.memory_space<vmem>>, vector<16xi32>,
          %mul3A_377 = arith.constant 80 : i32
          %mul3A_378 = arith.muli %add3A_329, %mul3A_377 : i32
          %add3A_379 = arith.constant 32 : i32
          %add3A_380 = arith.addi %mul3A_378, %add3A_379 : i32
          %get3A_381 = arith.index_cast %add3A_380 : i32 to index
          %get3A_382 = tpu.vector_load %arg5[%get3A_381] {strides = array<i32>} : memref<10000xi32, #tpu.memory_space<vmem>>, vector<16xi32>,
          %get3A_383 = vector.shape_cast %get3A_382 : vector<16xi32> to vector<16xi32>
          %shift_right_logical3A_384 = arith.constant 14 : i32
          %shift_right_logical3A_385 = vector.broadcast %shift_right_logical3A_384 : i32 to vector<16xi32>
          %shift_right_logical3A_386 = arith.shrui %get3A_383, %shift_right_logical3A_385 : vector<16xi32>
          %swap3A_387 = arith.constant 32 : index
          %swap3A_388 = tpu.vector_load %arg9[%swap3A_387] {strides = array<i32>} : memref<80xi32, #tpu.memory_space<vmem>>, vector<16xi32>,
          %swap3A_389 = vector.shape_cast %swap3A_388 : vector<16xi32> to vector<16xi32>
          %swap3A_390 = vector.shape_cast %shift_right_logical3A_386 : vector<16xi32> to vector<16xi32>
          tpu.vector_store %arg9[%swap3A_387], %swap3A_390 {strides = array<i32>} : memref<80xi32, #tpu.memory_space<vmem>>, vector<16xi32>,
          %and3A_391 = arith.constant 16383 : i32
          %and3A_392 = vector.broadcast %and3A_391 : i32 to vector<16xi32>
          %and3A_393 = arith.andi %get3A_383, %and3A_392 : vector<16xi32>
          %swap3A_394 = arith.constant 32 : index
          %swap3A_395 = tpu.vector_load %arg12[%swap3A_394] {strides = array<i32>} : memref<80xi32, #tpu.memory_space<vmem>>, vector<16xi32>,
          %swap3A_396 = vector.shape_cast %swap3A_395 : vector<16xi32> to vector<16xi32>
          %swap3A_397 = vector.shape_cast %and3A_393 : vector<16xi32> to vector<16xi32>
          tpu.vector_store %arg12[%swap3A_394], %swap3A_397 {strides = array<i32>} : memref<80xi32, #tpu.memory_space<vmem>>, vector<16xi32>,
          %mul3A_398 = arith.constant 80 : i32
          %mul3A_399 = arith.muli %add3A_329, %mul3A_398 : i32
          %add3A_400 = arith.constant 48 : i32
          %add3A_401 = arith.addi %mul3A_399, %add3A_400 : i32
          %get3A_402 = arith.index_cast %add3A_401 : i32 to index
          %get3A_403 = tpu.vector_load %arg5[%get3A_402] {strides = array<i32>} : memref<10000xi32, #tpu.memory_space<vmem>>, vector<16xi32>,
          %get3A_404 = vector.shape_cast %get3A_403 : vector<16xi32> to vector<16xi32>
          %shift_right_logical3A_405 = arith.constant 14 : i32
          %shift_right_logical3A_406 = vector.broadcast %shift_right_logical3A_405 : i32 to vector<16xi32>
          %shift_right_logical3A_407 = arith.shrui %get3A_404, %shift_right_logical3A_406 : vector<16xi32>
          %swap3A_408 = arith.constant 48 : index
          %swap3A_409 = tpu.vector_load %arg9[%swap3A_408] {strides = array<i32>} : memref<80xi32, #tpu.memory_space<vmem>>, vector<16xi32>,
          %swap3A_410 = vector.shape_cast %swap3A_409 : vector<16xi32> to vector<16xi32>
          %swap3A_411 = vector.shape_cast %shift_right_logical3A_407 : vector<16xi32> to vector<16xi32>
          tpu.vector_store %arg9[%swap3A_408], %swap3A_411 {strides = array<i32>} : memref<80xi32, #tpu.memory_space<vmem>>, vector<16xi32>,
          %and3A_412 = arith.constant 16383 : i32
          %and3A_413 = vector.broadcast %and3A_412 : i32 to vector<16xi32>
          %and3A_414 = arith.andi %get3A_404, %and3A_413 : vector<16xi32>
          %swap3A_415 = arith.constant 48 : index
          %swap3A_416 = tpu.vector_load %arg12[%swap3A_415] {strides = array<i32>} : memref<80xi32, #tpu.memory_space<vmem>>, vector<16xi32>,
          %swap3A_417 = vector.shape_cast %swap3A_416 : vector<16xi32> to vector<16xi32>
          %swap3A_418 = vector.shape_cast %and3A_414 : vector<16xi32> to vector<16xi32>
          tpu.vector_store %arg12[%swap3A_415], %swap3A_418 {strides = array<i32>} : memref<80xi32, #tpu.memory_space<vmem>>, vector<16xi32>,
          %mul3A_419 = arith.constant 80 : i32
          %mul3A_420 = arith.muli %add3A_329, %mul3A_419 : i32
          %add3A_421 = arith.constant 64 : i32
          %add3A_422 = arith.addi %mul3A_420, %add3A_421 : i32
          %get3A_423 = arith.index_cast %add3A_422 : i32 to index
          %get3A_424 = tpu.vector_load %arg5[%get3A_423] {strides = array<i32>} : memref<10000xi32, #tpu.memory_space<vmem>>, vector<16xi32>,
          %get3A_425 = vector.shape_cast %get3A_424 : vector<16xi32> to vector<16xi32>
          %shift_right_logical3A_426 = arith.constant 14 : i32
          %shift_right_logical3A_427 = vector.broadcast %shift_right_logical3A_426 : i32 to vector<16xi32>
          %shift_right_logical3A_428 = arith.shrui %get3A_425, %shift_right_logical3A_427 : vector<16xi32>
          %swap3A_429 = arith.constant 64 : index
          %swap3A_430 = tpu.vector_load %arg9[%swap3A_429] {strides = array<i32>} : memref<80xi32, #tpu.memory_space<vmem>>, vector<16xi32>,
          %swap3A_431 = vector.shape_cast %swap3A_430 : vector<16xi32> to vector<16xi32>
          %swap3A_432 = vector.shape_cast %shift_right_logical3A_428 : vector<16xi32> to vector<16xi32>
          tpu.vector_store %arg9[%swap3A_429], %swap3A_432 {strides = array<i32>} : memref<80xi32, #tpu.memory_space<vmem>>, vector<16xi32>,
          %and3A_433 = arith.constant 16383 : i32
          %and3A_434 = vector.broadcast %and3A_433 : i32 to vector<16xi32>
          %and3A_435 = arith.andi %get3A_425, %and3A_434 : vector<16xi32>
          %swap3A_436 = arith.constant 64 : index
          %swap3A_437 = tpu.vector_load %arg12[%swap3A_436] {strides = array<i32>} : memref<80xi32, #tpu.memory_space<vmem>>, vector<16xi32>,
          %swap3A_438 = vector.shape_cast %swap3A_437 : vector<16xi32> to vector<16xi32>
          %swap3A_439 = vector.shape_cast %and3A_435 : vector<16xi32> to vector<16xi32>
          tpu.vector_store %arg12[%swap3A_436], %swap3A_439 {strides = array<i32>} : memref<80xi32, #tpu.memory_space<vmem>>, vector<16xi32>,
          %dma_start3A_440 = arith.constant 0 : i32
          %dma_start3A_441 = arith.constant 0 : i32
          %dma_start3A_442 = tpu.memref_slice %arg2[%dma_start3A_440, %dma_start3A_441] : memref<10000x128xf32, #tpu.memory_space<hbm>> -> memref<10000x128xf32, #tpu.memory_space<hbm>>
          tpu.enqueue_indirect_dma source(%dma_start3A_442 : memref<10000x128xf32, #tpu.memory_space<hbm>>) target(%arg6 : memref<80x128xf32, #tpu.memory_space<vmem>>) offsets(%arg9 : memref<80xi32, #tpu.memory_space<vmem>>) semaphore(%arg17 : memref<!tpu.dma_semaphore, #tpu.memory_space<semaphore_mem>>)
        } else {
        }
      } else {
      }
      %mul3A_304 = arith.constant 3 : i32
      %mul3A_305 = arith.muli %scan3A_297, %mul3A_304 : i32
      %add3A_306 = arith.constant 1 : i32
      %add3A_307 = arith.addi %mul3A_305, %add3A_306 : i32
      %lt3A_308 = arith.constant 125 : i32
      %lt3A_309 = arith.cmpi slt, %add3A_307, %lt3A_308 : i32
      %convert_element_type3A_310 = arith.extui %lt3A_309 : i1 to i32
      %cond3A_311 = arith.constant 0 : i32
      %cond3A_312 = arith.cmpi ne, %convert_element_type3A_310, %cond3A_311 : i32
      scf.if %cond3A_312 {
        %dma_wait3A_322 = arith.constant 0 : i32
        %dma_wait3A_323 = arith.constant 0 : i32
        %dma_wait3A_324 = tpu.memref_slice %arg2[%dma_wait3A_322, %dma_wait3A_323] : memref<10000x128xf32, #tpu.memory_space<hbm>> -> memref<80x128xf32, #tpu.memory_space<hbm>>
        %dma_wait3A_325 = arith.constant 0 : i32
        %dma_wait3A_326 = arith.constant 0 : i32
        %dma_wait3A_327 = tpu.memref_slice %arg2[%dma_wait3A_325, %dma_wait3A_326] : memref<10000x128xf32, #tpu.memory_space<hbm>> -> memref<80x128xf32, #tpu.memory_space<hbm>>
        tpu.wait_dma2 semaphore(%arg18 : memref<!tpu.dma_semaphore, #tpu.memory_space<semaphore_mem>>) src(%dma_wait3A_327 : memref<80x128xf32, #tpu.memory_space<hbm>>) dst(%arg7 : memref<80x128xf32, #tpu.memory_space<vmem>>)
        "tpu.region"() ({
          %run_scoped3A = tpu.sem_alloc : memref<!tpu.dma_semaphore, #tpu.memory_space<semaphore_mem>>
          %dma_start3A_335 = arith.constant 0 : i32
          %dma_start3A_336 = arith.constant 0 : i32
          %dma_start3A_337 = tpu.memref_slice %arg16[%dma_start3A_335, %dma_start3A_336] : memref<10000x128xf32, #tpu.memory_space<vmem_shared>> -> memref<10000x128xf32, #tpu.memory_space<vmem_shared>>
          tpu.enqueue_indirect_dma source(%arg7 : memref<80x128xf32, #tpu.memory_space<vmem>>) target(%dma_start3A_337 : memref<10000x128xf32, #tpu.memory_space<vmem_shared>>) offsets(%arg13 : memref<80xi32, #tpu.memory_space<vmem>>) semaphore(%run_scoped3A : memref<!tpu.dma_semaphore, #tpu.memory_space<semaphore_mem>>) {add = true}
          %dma_wait3A_338 = arith.constant 0 : i32
          %dma_wait3A_339 = arith.constant 0 : i32
          %dma_wait3A_340 = tpu.memref_slice %arg16[%dma_wait3A_338, %dma_wait3A_339] : memref<10000x128xf32, #tpu.memory_space<vmem_shared>> -> memref<10000x128xf32, #tpu.memory_space<vmem_shared>>
          tpu.wait_indirect_dma semaphore(%run_scoped3A : memref<!tpu.dma_semaphore, #tpu.memory_space<semaphore_mem>>) src(%arg7 : memref<80x128xf32, #tpu.memory_space<vmem>>) dst(%dma_wait3A_340 : memref<10000x128xf32, #tpu.memory_space<vmem_shared>>)
          tpu.yield
        }) : () -> ()
        %add3A_328 = arith.constant 3 : i32
        %add3A_329 = arith.addi %add3A_307, %add3A_328 : i32
        %lt3A_330 = arith.constant 125 : i32
        %lt3A_331 = arith.cmpi slt, %add3A_329, %lt3A_330 : i32
        %convert_element_type3A_332 = arith.extui %lt3A_331 : i1 to i32
        %cond3A_333 = arith.constant 0 : i32
        %cond3A_334 = arith.cmpi ne, %convert_element_type3A_332, %cond3A_333 : i32
        scf.if %cond3A_334 {
          %mul3A_335 = arith.constant 80 : i32
          %mul3A_336 = arith.muli %add3A_329, %mul3A_335 : i32
          %add3A_337 = arith.constant 0 : i32
          %add3A_338 = arith.addi %mul3A_336, %add3A_337 : i32
          %get3A_339 = arith.index_cast %add3A_338 : i32 to index
          %get3A_340 = tpu.vector_load %arg5[%get3A_339] {strides = array<i32>} : memref<10000xi32, #tpu.memory_space<vmem>>, vector<16xi32>,
          %get3A_341 = vector.shape_cast %get3A_340 : vector<16xi32> to vector<16xi32>
          %shift_right_logical3A_342 = arith.constant 14 : i32
          %shift_right_logical3A_343 = vector.broadcast %shift_right_logical3A_342 : i32 to vector<16xi32>
          %shift_right_logical3A_344 = arith.shrui %get3A_341, %shift_right_logical3A_343 : vector<16xi32>
          %swap3A_345 = arith.constant 0 : index
          %swap3A_346 = tpu.vector_load %arg10[%swap3A_345] {strides = array<i32>} : memref<80xi32, #tpu.memory_space<vmem>>, vector<16xi32>,
          %swap3A_347 = vector.shape_cast %swap3A_346 : vector<16xi32> to vector<16xi32>
          %swap3A_348 = vector.shape_cast %shift_right_logical3A_344 : vector<16xi32> to vector<16xi32>
          tpu.vector_store %arg10[%swap3A_345], %swap3A_348 {strides = array<i32>} : memref<80xi32, #tpu.memory_space<vmem>>, vector<16xi32>,
          %and3A_349 = arith.constant 16383 : i32
          %and3A_350 = vector.broadcast %and3A_349 : i32 to vector<16xi32>
          %and3A_351 = arith.andi %get3A_341, %and3A_350 : vector<16xi32>
          %swap3A_352 = arith.constant 0 : index
          %swap3A_353 = tpu.vector_load %arg13[%swap3A_352] {strides = array<i32>} : memref<80xi32, #tpu.memory_space<vmem>>, vector<16xi32>,
          %swap3A_354 = vector.shape_cast %swap3A_353 : vector<16xi32> to vector<16xi32>
          %swap3A_355 = vector.shape_cast %and3A_351 : vector<16xi32> to vector<16xi32>
          tpu.vector_store %arg13[%swap3A_352], %swap3A_355 {strides = array<i32>} : memref<80xi32, #tpu.memory_space<vmem>>, vector<16xi32>,
          %mul3A_356 = arith.constant 80 : i32
          %mul3A_357 = arith.muli %add3A_329, %mul3A_356 : i32
          %add3A_358 = arith.constant 16 : i32
          %add3A_359 = arith.addi %mul3A_357, %add3A_358 : i32
          %get3A_360 = arith.index_cast %add3A_359 : i32 to index
          %get3A_361 = tpu.vector_load %arg5[%get3A_360] {strides = array<i32>} : memref<10000xi32, #tpu.memory_space<vmem>>, vector<16xi32>,
          %get3A_362 = vector.shape_cast %get3A_361 : vector<16xi32> to vector<16xi32>
          %shift_right_logical3A_363 = arith.constant 14 : i32
          %shift_right_logical3A_364 = vector.broadcast %shift_right_logical3A_363 : i32 to vector<16xi32>
          %shift_right_logical3A_365 = arith.shrui %get3A_362, %shift_right_logical3A_364 : vector<16xi32>
          %swap3A_366 = arith.constant 16 : index
          %swap3A_367 = tpu.vector_load %arg10[%swap3A_366] {strides = array<i32>} : memref<80xi32, #tpu.memory_space<vmem>>, vector<16xi32>,
          %swap3A_368 = vector.shape_cast %swap3A_367 : vector<16xi32> to vector<16xi32>
          %swap3A_369 = vector.shape_cast %shift_right_logical3A_365 : vector<16xi32> to vector<16xi32>
          tpu.vector_store %arg10[%swap3A_366], %swap3A_369 {strides = array<i32>} : memref<80xi32, #tpu.memory_space<vmem>>, vector<16xi32>,
          %and3A_370 = arith.constant 16383 : i32
          %and3A_371 = vector.broadcast %and3A_370 : i32 to vector<16xi32>
          %and3A_372 = arith.andi %get3A_362, %and3A_371 : vector<16xi32>
          %swap3A_373 = arith.constant 16 : index
          %swap3A_374 = tpu.vector_load %arg13[%swap3A_373] {strides = array<i32>} : memref<80xi32, #tpu.memory_space<vmem>>, vector<16xi32>,
          %swap3A_375 = vector.shape_cast %swap3A_374 : vector<16xi32> to vector<16xi32>
          %swap3A_376 = vector.shape_cast %and3A_372 : vector<16xi32> to vector<16xi32>
          tpu.vector_store %arg13[%swap3A_373], %swap3A_376 {strides = array<i32>} : memref<80xi32, #tpu.memory_space<vmem>>, vector<16xi32>,
          %mul3A_377 = arith.constant 80 : i32
          %mul3A_378 = arith.muli %add3A_329, %mul3A_377 : i32
          %add3A_379 = arith.constant 32 : i32
          %add3A_380 = arith.addi %mul3A_378, %add3A_379 : i32
          %get3A_381 = arith.index_cast %add3A_380 : i32 to index
          %get3A_382 = tpu.vector_load %arg5[%get3A_381] {strides = array<i32>} : memref<10000xi32, #tpu.memory_space<vmem>>, vector<16xi32>,
          %get3A_383 = vector.shape_cast %get3A_382 : vector<16xi32> to vector<16xi32>
          %shift_right_logical3A_384 = arith.constant 14 : i32
          %shift_right_logical3A_385 = vector.broadcast %shift_right_logical3A_384 : i32 to vector<16xi32>
          %shift_right_logical3A_386 = arith.shrui %get3A_383, %shift_right_logical3A_385 : vector<16xi32>
          %swap3A_387 = arith.constant 32 : index
          %swap3A_388 = tpu.vector_load %arg10[%swap3A_387] {strides = array<i32>} : memref<80xi32, #tpu.memory_space<vmem>>, vector<16xi32>,
          %swap3A_389 = vector.shape_cast %swap3A_388 : vector<16xi32> to vector<16xi32>
          %swap3A_390 = vector.shape_cast %shift_right_logical3A_386 : vector<16xi32> to vector<16xi32>
          tpu.vector_store %arg10[%swap3A_387], %swap3A_390 {strides = array<i32>} : memref<80xi32, #tpu.memory_space<vmem>>, vector<16xi32>,
          %and3A_391 = arith.constant 16383 : i32
          %and3A_392 = vector.broadcast %and3A_391 : i32 to vector<16xi32>
          %and3A_393 = arith.andi %get3A_383, %and3A_392 : vector<16xi32>
          %swap3A_394 = arith.constant 32 : index
          %swap3A_395 = tpu.vector_load %arg13[%swap3A_394] {strides = array<i32>} : memref<80xi32, #tpu.memory_space<vmem>>, vector<16xi32>,
          %swap3A_396 = vector.shape_cast %swap3A_395 : vector<16xi32> to vector<16xi32>
          %swap3A_397 = vector.shape_cast %and3A_393 : vector<16xi32> to vector<16xi32>
          tpu.vector_store %arg13[%swap3A_394], %swap3A_397 {strides = array<i32>} : memref<80xi32, #tpu.memory_space<vmem>>, vector<16xi32>,
          %mul3A_398 = arith.constant 80 : i32
          %mul3A_399 = arith.muli %add3A_329, %mul3A_398 : i32
          %add3A_400 = arith.constant 48 : i32
          %add3A_401 = arith.addi %mul3A_399, %add3A_400 : i32
          %get3A_402 = arith.index_cast %add3A_401 : i32 to index
          %get3A_403 = tpu.vector_load %arg5[%get3A_402] {strides = array<i32>} : memref<10000xi32, #tpu.memory_space<vmem>>, vector<16xi32>,
          %get3A_404 = vector.shape_cast %get3A_403 : vector<16xi32> to vector<16xi32>
          %shift_right_logical3A_405 = arith.constant 14 : i32
          %shift_right_logical3A_406 = vector.broadcast %shift_right_logical3A_405 : i32 to vector<16xi32>
          %shift_right_logical3A_407 = arith.shrui %get3A_404, %shift_right_logical3A_406 : vector<16xi32>
          %swap3A_408 = arith.constant 48 : index
          %swap3A_409 = tpu.vector_load %arg10[%swap3A_408] {strides = array<i32>} : memref<80xi32, #tpu.memory_space<vmem>>, vector<16xi32>,
          %swap3A_410 = vector.shape_cast %swap3A_409 : vector<16xi32> to vector<16xi32>
          %swap3A_411 = vector.shape_cast %shift_right_logical3A_407 : vector<16xi32> to vector<16xi32>
          tpu.vector_store %arg10[%swap3A_408], %swap3A_411 {strides = array<i32>} : memref<80xi32, #tpu.memory_space<vmem>>, vector<16xi32>,
          %and3A_412 = arith.constant 16383 : i32
          %and3A_413 = vector.broadcast %and3A_412 : i32 to vector<16xi32>
          %and3A_414 = arith.andi %get3A_404, %and3A_413 : vector<16xi32>
          %swap3A_415 = arith.constant 48 : index
          %swap3A_416 = tpu.vector_load %arg13[%swap3A_415] {strides = array<i32>} : memref<80xi32, #tpu.memory_space<vmem>>, vector<16xi32>,
          %swap3A_417 = vector.shape_cast %swap3A_416 : vector<16xi32> to vector<16xi32>
          %swap3A_418 = vector.shape_cast %and3A_414 : vector<16xi32> to vector<16xi32>
          tpu.vector_store %arg13[%swap3A_415], %swap3A_418 {strides = array<i32>} : memref<80xi32, #tpu.memory_space<vmem>>, vector<16xi32>,
          %mul3A_419 = arith.constant 80 : i32
          %mul3A_420 = arith.muli %add3A_329, %mul3A_419 : i32
          %add3A_421 = arith.constant 64 : i32
          %add3A_422 = arith.addi %mul3A_420, %add3A_421 : i32
          %get3A_423 = arith.index_cast %add3A_422 : i32 to index
          %get3A_424 = tpu.vector_load %arg5[%get3A_423] {strides = array<i32>} : memref<10000xi32, #tpu.memory_space<vmem>>, vector<16xi32>,
          %get3A_425 = vector.shape_cast %get3A_424 : vector<16xi32> to vector<16xi32>
          %shift_right_logical3A_426 = arith.constant 14 : i32
          %shift_right_logical3A_427 = vector.broadcast %shift_right_logical3A_426 : i32 to vector<16xi32>
          %shift_right_logical3A_428 = arith.shrui %get3A_425, %shift_right_logical3A_427 : vector<16xi32>
          %swap3A_429 = arith.constant 64 : index
          %swap3A_430 = tpu.vector_load %arg10[%swap3A_429] {strides = array<i32>} : memref<80xi32, #tpu.memory_space<vmem>>, vector<16xi32>,
          %swap3A_431 = vector.shape_cast %swap3A_430 : vector<16xi32> to vector<16xi32>
          %swap3A_432 = vector.shape_cast %shift_right_logical3A_428 : vector<16xi32> to vector<16xi32>
          tpu.vector_store %arg10[%swap3A_429], %swap3A_432 {strides = array<i32>} : memref<80xi32, #tpu.memory_space<vmem>>, vector<16xi32>,
          %and3A_433 = arith.constant 16383 : i32
          %and3A_434 = vector.broadcast %and3A_433 : i32 to vector<16xi32>
          %and3A_435 = arith.andi %get3A_425, %and3A_434 : vector<16xi32>
          %swap3A_436 = arith.constant 64 : index
          %swap3A_437 = tpu.vector_load %arg13[%swap3A_436] {strides = array<i32>} : memref<80xi32, #tpu.memory_space<vmem>>, vector<16xi32>,
          %swap3A_438 = vector.shape_cast %swap3A_437 : vector<16xi32> to vector<16xi32>
          %swap3A_439 = vector.shape_cast %and3A_435 : vector<16xi32> to vector<16xi32>
          tpu.vector_store %arg13[%swap3A_436], %swap3A_439 {strides = array<i32>} : memref<80xi32, #tpu.memory_space<vmem>>, vector<16xi32>,
          %dma_start3A_440 = arith.constant 0 : i32
          %dma_start3A_441 = arith.constant 0 : i32
          %dma_start3A_442 = tpu.memref_slice %arg2[%dma_start3A_440, %dma_start3A_441] : memref<10000x128xf32, #tpu.memory_space<hbm>> -> memref<10000x128xf32, #tpu.memory_space<hbm>>
          tpu.enqueue_indirect_dma source(%dma_start3A_442 : memref<10000x128xf32, #tpu.memory_space<hbm>>) target(%arg7 : memref<80x128xf32, #tpu.memory_space<vmem>>) offsets(%arg10 : memref<80xi32, #tpu.memory_space<vmem>>) semaphore(%arg18 : memref<!tpu.dma_semaphore, #tpu.memory_space<semaphore_mem>>)
        } else {
        }
      } else {
      }
      %mul3A_313 = arith.constant 3 : i32
      %mul3A_314 = arith.muli %scan3A_297, %mul3A_313 : i32
      %add3A_315 = arith.constant 2 : i32
      %add3A_316 = arith.addi %mul3A_314, %add3A_315 : i32
      %lt3A_317 = arith.constant 125 : i32
      %lt3A_318 = arith.cmpi slt, %add3A_316, %lt3A_317 : i32
      %convert_element_type3A_319 = arith.extui %lt3A_318 : i1 to i32
      %cond3A_320 = arith.constant 0 : i32
      %cond3A_321 = arith.cmpi ne, %convert_element_type3A_319, %cond3A_320 : i32
      scf.if %cond3A_321 {
        %dma_wait3A_322 = arith.constant 0 : i32
        %dma_wait3A_323 = arith.constant 0 : i32
        %dma_wait3A_324 = tpu.memref_slice %arg2[%dma_wait3A_322, %dma_wait3A_323] : memref<10000x128xf32, #tpu.memory_space<hbm>> -> memref<80x128xf32, #tpu.memory_space<hbm>>
        %dma_wait3A_325 = arith.constant 0 : i32
        %dma_wait3A_326 = arith.constant 0 : i32
        %dma_wait3A_327 = tpu.memref_slice %arg2[%dma_wait3A_325, %dma_wait3A_326] : memref<10000x128xf32, #tpu.memory_space<hbm>> -> memref<80x128xf32, #tpu.memory_space<hbm>>
        tpu.wait_dma2 semaphore(%arg19 : memref<!tpu.dma_semaphore, #tpu.memory_space<semaphore_mem>>) src(%dma_wait3A_327 : memref<80x128xf32, #tpu.memory_space<hbm>>) dst(%arg8 : memref<80x128xf32, #tpu.memory_space<vmem>>)
        "tpu.region"() ({
          %run_scoped3A = tpu.sem_alloc : memref<!tpu.dma_semaphore, #tpu.memory_space<semaphore_mem>>
          %dma_start3A_335 = arith.constant 0 : i32
          %dma_start3A_336 = arith.constant 0 : i32
          %dma_start3A_337 = tpu.memref_slice %arg16[%dma_start3A_335, %dma_start3A_336] : memref<10000x128xf32, #tpu.memory_space<vmem_shared>> -> memref<10000x128xf32, #tpu.memory_space<vmem_shared>>
          tpu.enqueue_indirect_dma source(%arg8 : memref<80x128xf32, #tpu.memory_space<vmem>>) target(%dma_start3A_337 : memref<10000x128xf32, #tpu.memory_space<vmem_shared>>) offsets(%arg14 : memref<80xi32, #tpu.memory_space<vmem>>) semaphore(%run_scoped3A : memref<!tpu.dma_semaphore, #tpu.memory_space<semaphore_mem>>) {add = true}
          %dma_wait3A_338 = arith.constant 0 : i32
          %dma_wait3A_339 = arith.constant 0 : i32
          %dma_wait3A_340 = tpu.memref_slice %arg16[%dma_wait3A_338, %dma_wait3A_339] : memref<10000x128xf32, #tpu.memory_space<vmem_shared>> -> memref<10000x128xf32, #tpu.memory_space<vmem_shared>>
          tpu.wait_indirect_dma semaphore(%run_scoped3A : memref<!tpu.dma_semaphore, #tpu.memory_space<semaphore_mem>>) src(%arg8 : memref<80x128xf32, #tpu.memory_space<vmem>>) dst(%dma_wait3A_340 : memref<10000x128xf32, #tpu.memory_space<vmem_shared>>)
          tpu.yield
        }) : () -> ()
        %add3A_328 = arith.constant 3 : i32
        %add3A_329 = arith.addi %add3A_316, %add3A_328 : i32
        %lt3A_330 = arith.constant 125 : i32
        %lt3A_331 = arith.cmpi slt, %add3A_329, %lt3A_330 : i32
        %convert_element_type3A_332 = arith.extui %lt3A_331 : i1 to i32
        %cond3A_333 = arith.constant 0 : i32
        %cond3A_334 = arith.cmpi ne, %convert_element_type3A_332, %cond3A_333 : i32
        scf.if %cond3A_334 {
          %mul3A_335 = arith.constant 80 : i32
          %mul3A_336 = arith.muli %add3A_329, %mul3A_335 : i32
          %add3A_337 = arith.constant 0 : i32
          %add3A_338 = arith.addi %mul3A_336, %add3A_337 : i32
          %get3A_339 = arith.index_cast %add3A_338 : i32 to index
          %get3A_340 = tpu.vector_load %arg5[%get3A_339] {strides = array<i32>} : memref<10000xi32, #tpu.memory_space<vmem>>, vector<16xi32>,
          %get3A_341 = vector.shape_cast %get3A_340 : vector<16xi32> to vector<16xi32>
          %shift_right_logical3A_342 = arith.constant 14 : i32
          %shift_right_logical3A_343 = vector.broadcast %shift_right_logical3A_342 : i32 to vector<16xi32>
          %shift_right_logical3A_344 = arith.shrui %get3A_341, %shift_right_logical3A_343 : vector<16xi32>
          %swap3A_345 = arith.constant 0 : index
          %swap3A_346 = tpu.vector_load %arg11[%swap3A_345] {strides = array<i32>} : memref<80xi32, #tpu.memory_space<vmem>>, vector<16xi32>,
          %swap3A_347 = vector.shape_cast %swap3A_346 : vector<16xi32> to vector<16xi32>
          %swap3A_348 = vector.shape_cast %shift_right_logical3A_344 : vector<16xi32> to vector<16xi32>
          tpu.vector_store %arg11[%swap3A_345], %swap3A_348 {strides = array<i32>} : memref<80xi32, #tpu.memory_space<vmem>>, vector<16xi32>,
          %and3A_349 = arith.constant 16383 : i32
          %and3A_350 = vector.broadcast %and3A_349 : i32 to vector<16xi32>
          %and3A_351 = arith.andi %get3A_341, %and3A_350 : vector<16xi32>
          %swap3A_352 = arith.constant 0 : index
          %swap3A_353 = tpu.vector_load %arg14[%swap3A_352] {strides = array<i32>} : memref<80xi32, #tpu.memory_space<vmem>>, vector<16xi32>,
          %swap3A_354 = vector.shape_cast %swap3A_353 : vector<16xi32> to vector<16xi32>
          %swap3A_355 = vector.shape_cast %and3A_351 : vector<16xi32> to vector<16xi32>
          tpu.vector_store %arg14[%swap3A_352], %swap3A_355 {strides = array<i32>} : memref<80xi32, #tpu.memory_space<vmem>>, vector<16xi32>,
          %mul3A_356 = arith.constant 80 : i32
          %mul3A_357 = arith.muli %add3A_329, %mul3A_356 : i32
          %add3A_358 = arith.constant 16 : i32
          %add3A_359 = arith.addi %mul3A_357, %add3A_358 : i32
          %get3A_360 = arith.index_cast %add3A_359 : i32 to index
          %get3A_361 = tpu.vector_load %arg5[%get3A_360] {strides = array<i32>} : memref<10000xi32, #tpu.memory_space<vmem>>, vector<16xi32>,
          %get3A_362 = vector.shape_cast %get3A_361 : vector<16xi32> to vector<16xi32>
          %shift_right_logical3A_363 = arith.constant 14 : i32
          %shift_right_logical3A_364 = vector.broadcast %shift_right_logical3A_363 : i32 to vector<16xi32>
          %shift_right_logical3A_365 = arith.shrui %get3A_362, %shift_right_logical3A_364 : vector<16xi32>
          %swap3A_366 = arith.constant 16 : index
          %swap3A_367 = tpu.vector_load %arg11[%swap3A_366] {strides = array<i32>} : memref<80xi32, #tpu.memory_space<vmem>>, vector<16xi32>,
          %swap3A_368 = vector.shape_cast %swap3A_367 : vector<16xi32> to vector<16xi32>
          %swap3A_369 = vector.shape_cast %shift_right_logical3A_365 : vector<16xi32> to vector<16xi32>
          tpu.vector_store %arg11[%swap3A_366], %swap3A_369 {strides = array<i32>} : memref<80xi32, #tpu.memory_space<vmem>>, vector<16xi32>,
          %and3A_370 = arith.constant 16383 : i32
          %and3A_371 = vector.broadcast %and3A_370 : i32 to vector<16xi32>
          %and3A_372 = arith.andi %get3A_362, %and3A_371 : vector<16xi32>
          %swap3A_373 = arith.constant 16 : index
          %swap3A_374 = tpu.vector_load %arg14[%swap3A_373] {strides = array<i32>} : memref<80xi32, #tpu.memory_space<vmem>>, vector<16xi32>,
          %swap3A_375 = vector.shape_cast %swap3A_374 : vector<16xi32> to vector<16xi32>
          %swap3A_376 = vector.shape_cast %and3A_372 : vector<16xi32> to vector<16xi32>
          tpu.vector_store %arg14[%swap3A_373], %swap3A_376 {strides = array<i32>} : memref<80xi32, #tpu.memory_space<vmem>>, vector<16xi32>,
          %mul3A_377 = arith.constant 80 : i32
          %mul3A_378 = arith.muli %add3A_329, %mul3A_377 : i32
          %add3A_379 = arith.constant 32 : i32
          %add3A_380 = arith.addi %mul3A_378, %add3A_379 : i32
          %get3A_381 = arith.index_cast %add3A_380 : i32 to index
          %get3A_382 = tpu.vector_load %arg5[%get3A_381] {strides = array<i32>} : memref<10000xi32, #tpu.memory_space<vmem>>, vector<16xi32>,
          %get3A_383 = vector.shape_cast %get3A_382 : vector<16xi32> to vector<16xi32>
          %shift_right_logical3A_384 = arith.constant 14 : i32
          %shift_right_logical3A_385 = vector.broadcast %shift_right_logical3A_384 : i32 to vector<16xi32>
          %shift_right_logical3A_386 = arith.shrui %get3A_383, %shift_right_logical3A_385 : vector<16xi32>
          %swap3A_387 = arith.constant 32 : index
          %swap3A_388 = tpu.vector_load %arg11[%swap3A_387] {strides = array<i32>} : memref<80xi32, #tpu.memory_space<vmem>>, vector<16xi32>,
          %swap3A_389 = vector.shape_cast %swap3A_388 : vector<16xi32> to vector<16xi32>
          %swap3A_390 = vector.shape_cast %shift_right_logical3A_386 : vector<16xi32> to vector<16xi32>
          tpu.vector_store %arg11[%swap3A_387], %swap3A_390 {strides = array<i32>} : memref<80xi32, #tpu.memory_space<vmem>>, vector<16xi32>,
          %and3A_391 = arith.constant 16383 : i32
          %and3A_392 = vector.broadcast %and3A_391 : i32 to vector<16xi32>
          %and3A_393 = arith.andi %get3A_383, %and3A_392 : vector<16xi32>
          %swap3A_394 = arith.constant 32 : index
          %swap3A_395 = tpu.vector_load %arg14[%swap3A_394] {strides = array<i32>} : memref<80xi32, #tpu.memory_space<vmem>>, vector<16xi32>,
          %swap3A_396 = vector.shape_cast %swap3A_395 : vector<16xi32> to vector<16xi32>
          %swap3A_397 = vector.shape_cast %and3A_393 : vector<16xi32> to vector<16xi32>
          tpu.vector_store %arg14[%swap3A_394], %swap3A_397 {strides = array<i32>} : memref<80xi32, #tpu.memory_space<vmem>>, vector<16xi32>,
          %mul3A_398 = arith.constant 80 : i32
          %mul3A_399 = arith.muli %add3A_329, %mul3A_398 : i32
          %add3A_400 = arith.constant 48 : i32
          %add3A_401 = arith.addi %mul3A_399, %add3A_400 : i32
          %get3A_402 = arith.index_cast %add3A_401 : i32 to index
          %get3A_403 = tpu.vector_load %arg5[%get3A_402] {strides = array<i32>} : memref<10000xi32, #tpu.memory_space<vmem>>, vector<16xi32>,
          %get3A_404 = vector.shape_cast %get3A_403 : vector<16xi32> to vector<16xi32>
          %shift_right_logical3A_405 = arith.constant 14 : i32
          %shift_right_logical3A_406 = vector.broadcast %shift_right_logical3A_405 : i32 to vector<16xi32>
          %shift_right_logical3A_407 = arith.shrui %get3A_404, %shift_right_logical3A_406 : vector<16xi32>
          %swap3A_408 = arith.constant 48 : index
          %swap3A_409 = tpu.vector_load %arg11[%swap3A_408] {strides = array<i32>} : memref<80xi32, #tpu.memory_space<vmem>>, vector<16xi32>,
          %swap3A_410 = vector.shape_cast %swap3A_409 : vector<16xi32> to vector<16xi32>
          %swap3A_411 = vector.shape_cast %shift_right_logical3A_407 : vector<16xi32> to vector<16xi32>
          tpu.vector_store %arg11[%swap3A_408], %swap3A_411 {strides = array<i32>} : memref<80xi32, #tpu.memory_space<vmem>>, vector<16xi32>,
          %and3A_412 = arith.constant 16383 : i32
          %and3A_413 = vector.broadcast %and3A_412 : i32 to vector<16xi32>
          %and3A_414 = arith.andi %get3A_404, %and3A_413 : vector<16xi32>
          %swap3A_415 = arith.constant 48 : index
          %swap3A_416 = tpu.vector_load %arg14[%swap3A_415] {strides = array<i32>} : memref<80xi32, #tpu.memory_space<vmem>>, vector<16xi32>,
          %swap3A_417 = vector.shape_cast %swap3A_416 : vector<16xi32> to vector<16xi32>
          %swap3A_418 = vector.shape_cast %and3A_414 : vector<16xi32> to vector<16xi32>
          tpu.vector_store %arg14[%swap3A_415], %swap3A_418 {strides = array<i32>} : memref<80xi32, #tpu.memory_space<vmem>>, vector<16xi32>,
          %mul3A_419 = arith.constant 80 : i32
          %mul3A_420 = arith.muli %add3A_329, %mul3A_419 : i32
          %add3A_421 = arith.constant 64 : i32
          %add3A_422 = arith.addi %mul3A_420, %add3A_421 : i32
          %get3A_423 = arith.index_cast %add3A_422 : i32 to index
          %get3A_424 = tpu.vector_load %arg5[%get3A_423] {strides = array<i32>} : memref<10000xi32, #tpu.memory_space<vmem>>, vector<16xi32>,
          %get3A_425 = vector.shape_cast %get3A_424 : vector<16xi32> to vector<16xi32>
          %shift_right_logical3A_426 = arith.constant 14 : i32
          %shift_right_logical3A_427 = vector.broadcast %shift_right_logical3A_426 : i32 to vector<16xi32>
          %shift_right_logical3A_428 = arith.shrui %get3A_425, %shift_right_logical3A_427 : vector<16xi32>
          %swap3A_429 = arith.constant 64 : index
          %swap3A_430 = tpu.vector_load %arg11[%swap3A_429] {strides = array<i32>} : memref<80xi32, #tpu.memory_space<vmem>>, vector<16xi32>,
          %swap3A_431 = vector.shape_cast %swap3A_430 : vector<16xi32> to vector<16xi32>
          %swap3A_432 = vector.shape_cast %shift_right_logical3A_428 : vector<16xi32> to vector<16xi32>
          tpu.vector_store %arg11[%swap3A_429], %swap3A_432 {strides = array<i32>} : memref<80xi32, #tpu.memory_space<vmem>>, vector<16xi32>,
          %and3A_433 = arith.constant 16383 : i32
          %and3A_434 = vector.broadcast %and3A_433 : i32 to vector<16xi32>
          %and3A_435 = arith.andi %get3A_425, %and3A_434 : vector<16xi32>
          %swap3A_436 = arith.constant 64 : index
          %swap3A_437 = tpu.vector_load %arg14[%swap3A_436] {strides = array<i32>} : memref<80xi32, #tpu.memory_space<vmem>>, vector<16xi32>,
          %swap3A_438 = vector.shape_cast %swap3A_437 : vector<16xi32> to vector<16xi32>
          %swap3A_439 = vector.shape_cast %and3A_435 : vector<16xi32> to vector<16xi32>
          tpu.vector_store %arg14[%swap3A_436], %swap3A_439 {strides = array<i32>} : memref<80xi32, #tpu.memory_space<vmem>>, vector<16xi32>,
          %dma_start3A_440 = arith.constant 0 : i32
          %dma_start3A_441 = arith.constant 0 : i32
          %dma_start3A_442 = tpu.memref_slice %arg2[%dma_start3A_440, %dma_start3A_441] : memref<10000x128xf32, #tpu.memory_space<hbm>> -> memref<10000x128xf32, #tpu.memory_space<hbm>>
          tpu.enqueue_indirect_dma source(%dma_start3A_442 : memref<10000x128xf32, #tpu.memory_space<hbm>>) target(%arg8 : memref<80x128xf32, #tpu.memory_space<vmem>>) offsets(%arg11 : memref<80xi32, #tpu.memory_space<vmem>>) semaphore(%arg19 : memref<!tpu.dma_semaphore, #tpu.memory_space<semaphore_mem>>)
        } else {
        }
      } else {
      }
    }
    %scan3A_289 = arith.constant 42 : i32
    %barrier3A_290 = arith.constant 0 : index
    tpu.barrier barrier_id(%barrier3A_290)
    %scan3A_291 = arith.constant 0 : i32
    %scan3A_292 = arith.constant 0 : i32
    %scan3A_293 = arith.constant 2 : i32
    %scan3A_294 = arith.addi %scan3A_292, %scan3A_293 : i32
    %scan3A_295 = arith.constant 1 : i32
    scf.for %scan3A_297 = %scan3A_292 to %scan3A_294 step %scan3A_295  : i32 {
      %mul3A_298 = arith.constant 16 : i32
      %mul3A_299 = arith.muli %mul3A_298, %scan3A_297 : i32
      %add3A_300 = arith.addi %arg1, %mul3A_299 : i32
      %lt3A = arith.constant 25 : i32
      %lt3A_301 = arith.cmpi slt, %add3A_300, %lt3A : i32
      %convert_element_type3A = arith.extui %lt3A_301 : i1 to i32
      %cond3A = arith.constant 0 : i32
      %cond3A_302 = arith.cmpi ne, %convert_element_type3A, %cond3A : i32
      scf.if %cond3A_302 {
        %mul3A_303 = arith.constant 400 : i32
        %mul3A_304 = arith.muli %add3A_300, %mul3A_303 : i32
        %multiple_of3A = tpu.assume_multiple %mul3A_304, 8 : i32
        "tpu.region"() ({
          %run_scoped3A = tpu.sem_alloc : memref<!tpu.dma_semaphore, #tpu.memory_space<semaphore_mem>>
          %dma_start3A_305 = arith.constant 0 : i32
          %dma_start3A_306 = tpu.memref_slice %arg4[%arg0, %multiple_of3A, %dma_start3A_305] : memref<2x10000x128xf32, #tpu.memory_space<hbm>> -> memref<1x400x128xf32, #tpu.memory_space<hbm>>
          %dma_start3A_307 = tpu.memref_squeeze %dma_start3A_306 : memref<1x400x128xf32, #tpu.memory_space<hbm>> -> memref<400x128xf32, #tpu.memory_space<hbm>>
          %dma_start3A_308 = arith.constant 0 : i32
          %dma_start3A_309 = tpu.memref_slice %arg16[%multiple_of3A, %dma_start3A_308] : memref<10000x128xf32, #tpu.memory_space<vmem_shared>> -> memref<400x128xf32, #tpu.memory_space<vmem_shared>>
          tpu.enqueue_dma source(%dma_start3A_309 : memref<400x128xf32, #tpu.memory_space<vmem_shared>>) target(%dma_start3A_307 : memref<400x128xf32, #tpu.memory_space<hbm>>) target_semaphore(%run_scoped3A : memref<!tpu.dma_semaphore, #tpu.memory_space<semaphore_mem>>)
          %dma_wait3A_310 = arith.constant 0 : i32
          %dma_wait3A_311 = tpu.memref_slice %arg4[%arg0, %multiple_of3A, %dma_wait3A_310] : memref<2x10000x128xf32, #tpu.memory_space<hbm>> -> memref<1x400x128xf32, #tpu.memory_space<hbm>>
          %dma_wait3A_312 = tpu.memref_squeeze %dma_wait3A_311 : memref<1x400x128xf32, #tpu.memory_space<hbm>> -> memref<400x128xf32, #tpu.memory_space<hbm>>
          %dma_wait3A_313 = arith.constant 0 : i32
          %dma_wait3A_314 = tpu.memref_slice %arg16[%multiple_of3A, %dma_wait3A_313] : memref<10000x128xf32, #tpu.memory_space<vmem_shared>> -> memref<400x128xf32, #tpu.memory_space<vmem_shared>>
          tpu.wait_dma2 semaphore(%run_scoped3A : memref<!tpu.dma_semaphore, #tpu.memory_space<semaphore_mem>>) src(%dma_wait3A_314 : memref<400x128xf32, #tpu.memory_space<vmem_shared>>) dst(%dma_wait3A_312 : memref<400x128xf32, #tpu.memory_space<hbm>>)
          tpu.yield
        }) : () -> ()
      } else {
      }
    }
    %scan3A_296 = arith.constant 2 : i32
    return
  }
}

#map = affine_map<(d0, d1) -> (0, 0)>
#map1 = affine_map<(d0, d1) -> (0, 0, 0)>
module attributes {stable_mosaic.version = 14 : i64} {
  func.func @_agg_body(%arg0: i32, %arg1: i32, %arg2: memref<10000x128xf32, #tpu.memory_space<hbm>>, %arg3: memref<32x10000xi32, #tpu.memory_space<hbm>>, %arg4: memref<2x10000x128xf32, #tpu.memory_space<hbm>>, %arg5: memref<10000xi32, #tpu.memory_space<vmem>>, %arg6: memref<80x128xf32, #tpu.memory_space<vmem>>, %arg7: memref<80x128xf32, #tpu.memory_space<vmem>>, %arg8: memref<80x128xf32, #tpu.memory_space<vmem>>, %arg9: memref<80xi32, #tpu.memory_space<vmem>>, %arg10: memref<80xi32, #tpu.memory_space<vmem>>, %arg11: memref<80xi32, #tpu.memory_space<vmem>>, %arg12: memref<80xi32, #tpu.memory_space<vmem>>, %arg13: memref<80xi32, #tpu.memory_space<vmem>>, %arg14: memref<80xi32, #tpu.memory_space<vmem>>, %arg15: memref<40x128xf32, #tpu.memory_space<vmem>>, %arg16: memref<10000x128xf32, #tpu.memory_space<vmem_shared>>, %arg17: memref<!tpu.dma_semaphore, #tpu.memory_space<semaphore_mem>>, %arg18: memref<!tpu.dma_semaphore, #tpu.memory_space<semaphore_mem>>, %arg19: memref<!tpu.dma_semaphore, #tpu.memory_space<semaphore_mem>>, %arg20: memref<!tpu.dma_semaphore, #tpu.memory_space<semaphore_mem>>, %arg21: memref<!tpu.dma_semaphore, #tpu.memory_space<semaphore_mem>>, %arg22: memref<!tpu.dma_semaphore, #tpu.memory_space<semaphore_mem>>) attributes {dimension_semantics = [#tpu.dimension_semantics<core_parallel>, #tpu.dimension_semantics<subcore_parallel>], iteration_bounds = array<i64: 2, 16>, scalar_prefetch = 0 : i64, scratch_operands = 18 : i64, tpu.core_type = #tpu.core_type<sc_vector_subcore>, window_params = [{transform_indices = #map}, {transform_indices = #map}, {transform_indices = #map1}]} {
    %mul3A = arith.constant 2 : i32
    %mul3A_0 = arith.muli %arg1, %mul3A : i32
    %add3A = arith.addi %mul3A_0, %arg0 : i32
    %dma_start3A = arith.constant 0 : i32
    %dma_start3A_1 = tpu.memref_slice %arg3[%add3A, %dma_start3A] : memref<32x10000xi32, #tpu.memory_space<hbm>> -> memref<1x10000xi32, #tpu.memory_space<hbm>>
    %dma_start3A_2 = tpu.memref_squeeze %dma_start3A_1 : memref<1x10000xi32, #tpu.memory_space<hbm>> -> memref<10000xi32, #tpu.memory_space<hbm>>
    %dma_start3A_3 = arith.constant 0 : i32
    %dma_start3A_4 = tpu.memref_slice %arg3[%add3A, %dma_start3A_3] : memref<32x10000xi32, #tpu.memory_space<hbm>> -> memref<1x10000xi32, #tpu.memory_space<hbm>>
    %dma_start3A_5 = tpu.memref_squeeze %dma_start3A_4 : memref<1x10000xi32, #tpu.memory_space<hbm>> -> memref<10000xi32, #tpu.memory_space<hbm>>
    tpu.enqueue_dma source(%dma_start3A_5 : memref<10000xi32, #tpu.memory_space<hbm>>) target(%arg5 : memref<10000xi32, #tpu.memory_space<vmem>>) target_semaphore(%arg17 : memref<!tpu.dma_semaphore, #tpu.memory_space<semaphore_mem>>)
    %broadcast_in_dim3A = arith.constant 0.000000e+00 : f32
    %broadcast_in_dim3A_6 = vector.broadcast %broadcast_in_dim3A : f32 to vector<16xf32>
    %scan3A = arith.constant 0 : i32
    %scan3A_7 = arith.constant 0 : i32
    %scan3A_8 = arith.constant 320 : i32
    %scan3A_9 = arith.addi %scan3A_7, %scan3A_8 : i32
    %scan3A_10 = arith.constant 1 : i32
    scf.for %scan3A_297 = %scan3A_7 to %scan3A_9 step %scan3A_10  : i32 {
      %jit3A = arith.constant 8 : i32
      %div3A = arith.divsi %scan3A_297, %jit3A : i32
      %sign3A = arith.constant 0 : i32
      %sign3A_298 = arith.cmpi sgt, %scan3A_297, %sign3A : i32
      %sign3A_299 = arith.extui %sign3A_298 : i1 to i32
      %sign3A_300 = arith.constant 0 : i32
      %sign3A_301 = arith.cmpi slt, %scan3A_297, %sign3A_300 : i32
      %sign3A_302 = arith.extui %sign3A_301 : i1 to i32
      %sign3A_303 = arith.subi %sign3A_299, %sign3A_302 : i32
      %sign3A_304 = arith.constant 0 : i32
      %sign3A_305 = arith.cmpi sgt, %jit3A, %sign3A_304 : i32
      %sign3A_306 = arith.extui %sign3A_305 : i1 to i32
      %sign3A_307 = arith.constant 0 : i32
      %sign3A_308 = arith.cmpi slt, %jit3A, %sign3A_307 : i32
      %sign3A_309 = arith.extui %sign3A_308 : i1 to i32
      %sign3A_310 = arith.subi %sign3A_306, %sign3A_309 : i32
      %ne3A = arith.cmpi ne, %sign3A_303, %sign3A_310 : i32
      %rem3A = arith.remsi %scan3A_297, %jit3A : i32
      %ne3A_311 = arith.constant 0 : i32
      %ne3A_312 = arith.cmpi ne, %rem3A, %ne3A_311 : i32
      %and3A_313 = arith.andi %ne3A, %ne3A_312 : i1
      %sub3A = arith.constant 1 : i32
      %sub3A_314 = arith.subi %div3A, %sub3A : i32
      %select_n3A = arith.select %and3A_313, %sub3A_314, %div3A : i32
      %rem3A_315 = arith.constant 8 : i32
      %rem3A_316 = arith.remsi %scan3A_297, %rem3A_315 : i32
      %mul3A_317 = arith.constant 16 : i32
      %mul3A_318 = arith.muli %rem3A_316, %mul3A_317 : i32
      %swap3A_319 = arith.index_cast %select_n3A : i32 to index
      %swap3A_320 = arith.index_cast %mul3A_318 : i32 to index
      %swap3A_321 = tpu.vector_load %arg15[%swap3A_319, %swap3A_320] {strides = array<i32>} : memref<40x128xf32, #tpu.memory_space<vmem>>, vector<1x16xf32>,
      %swap3A_322 = vector.shape_cast %swap3A_321 : vector<1x16xf32> to vector<16xf32>
      %swap3A_323 = vector.shape_cast %broadcast_in_dim3A_6 : vector<16xf32> to vector<1x16xf32>
      tpu.vector_store %arg15[%swap3A_319, %swap3A_320], %swap3A_323 {strides = array<i32>} : memref<40x128xf32, #tpu.memory_space<vmem>>, vector<1x16xf32>,
    }
    %scan3A_11 = arith.constant 320 : i32
    %scan3A_12 = arith.constant 0 : i32
    %scan3A_13 = arith.constant 0 : i32
    %scan3A_14 = arith.constant 2 : i32
    %scan3A_15 = arith.addi %scan3A_13, %scan3A_14 : i32
    %scan3A_16 = arith.constant 1 : i32
    scf.for %scan3A_297 = %scan3A_13 to %scan3A_15 step %scan3A_16  : i32 {
      %mul3A_298 = arith.constant 16 : i32
      %mul3A_299 = arith.muli %mul3A_298, %scan3A_297 : i32
      %add3A_300 = arith.addi %arg1, %mul3A_299 : i32
      %lt3A = arith.constant 25 : i32
      %lt3A_301 = arith.cmpi slt, %add3A_300, %lt3A : i32
      %convert_element_type3A = arith.extui %lt3A_301 : i1 to i32
      %cond3A = arith.constant 0 : i32
      %cond3A_302 = arith.cmpi ne, %convert_element_type3A, %cond3A : i32
      scf.if %cond3A_302 {
        %mul3A_303 = arith.constant 400 : i32
        %mul3A_304 = arith.muli %add3A_300, %mul3A_303 : i32
        %add3A_305 = arith.constant 0 : i32
        %add3A_306 = arith.addi %mul3A_304, %add3A_305 : i32
        %multiple_of3A = tpu.assume_multiple %add3A_306, 8 : i32
        "tpu.region"() ({
          %run_scoped3A = tpu.sem_alloc : memref<!tpu.dma_semaphore, #tpu.memory_space<semaphore_mem>>
          %dma_start3A_352 = arith.constant 0 : i32
          %dma_start3A_353 = tpu.memref_slice %arg16[%multiple_of3A, %dma_start3A_352] : memref<10000x128xf32, #tpu.memory_space<vmem_shared>> -> memref<40x128xf32, #tpu.memory_space<vmem_shared>>
          %dma_start3A_354 = arith.constant 0 : i32
          %dma_start3A_355 = tpu.memref_slice %arg16[%multiple_of3A, %dma_start3A_354] : memref<10000x128xf32, #tpu.memory_space<vmem_shared>> -> memref<40x128xf32, #tpu.memory_space<vmem_shared>>
          tpu.enqueue_dma source(%arg15 : memref<40x128xf32, #tpu.memory_space<vmem>>) target(%dma_start3A_355 : memref<40x128xf32, #tpu.memory_space<vmem_shared>>) target_semaphore(%run_scoped3A : memref<!tpu.dma_semaphore, #tpu.memory_space<semaphore_mem>>)
          %dma_wait3A_356 = arith.constant 0 : i32
          %dma_wait3A_357 = tpu.memref_slice %arg16[%multiple_of3A, %dma_wait3A_356] : memref<10000x128xf32, #tpu.memory_space<vmem_shared>> -> memref<40x128xf32, #tpu.memory_space<vmem_shared>>
          %dma_wait3A_358 = arith.constant 0 : i32
          %dma_wait3A_359 = tpu.memref_slice %arg16[%multiple_of3A, %dma_wait3A_358] : memref<10000x128xf32, #tpu.memory_space<vmem_shared>> -> memref<40x128xf32, #tpu.memory_space<vmem_shared>>
          tpu.wait_dma2 semaphore(%run_scoped3A : memref<!tpu.dma_semaphore, #tpu.memory_space<semaphore_mem>>) src(%arg15 : memref<40x128xf32, #tpu.memory_space<vmem>>) dst(%dma_wait3A_359 : memref<40x128xf32, #tpu.memory_space<vmem_shared>>)
          tpu.yield
        }) : () -> ()
        %mul3A_307 = arith.constant 400 : i32
        %mul3A_308 = arith.muli %add3A_300, %mul3A_307 : i32
        %add3A_309 = arith.constant 40 : i32
        %add3A_310 = arith.addi %mul3A_308, %add3A_309 : i32
        %multiple_of3A_311 = tpu.assume_multiple %add3A_310, 8 : i32
        "tpu.region"() ({
          %run_scoped3A = tpu.sem_alloc : memref<!tpu.dma_semaphore, #tpu.memory_space<semaphore_mem>>
          %dma_start3A_352 = arith.constant 0 : i32
          %dma_start3A_353 = tpu.memref_slice %arg16[%multiple_of3A_311, %dma_start3A_352] : memref<10000x128xf32, #tpu.memory_space<vmem_shared>> -> memref<40x128xf32, #tpu.memory_space<vmem_shared>>
          %dma_start3A_354 = arith.constant 0 : i32
          %dma_start3A_355 = tpu.memref_slice %arg16[%multiple_of3A_311, %dma_start3A_354] : memref<10000x128xf32, #tpu.memory_space<vmem_shared>> -> memref<40x128xf32, #tpu.memory_space<vmem_shared>>
          tpu.enqueue_dma source(%arg15 : memref<40x128xf32, #tpu.memory_space<vmem>>) target(%dma_start3A_355 : memref<40x128xf32, #tpu.memory_space<vmem_shared>>) target_semaphore(%run_scoped3A : memref<!tpu.dma_semaphore, #tpu.memory_space<semaphore_mem>>)
          %dma_wait3A_356 = arith.constant 0 : i32
          %dma_wait3A_357 = tpu.memref_slice %arg16[%multiple_of3A_311, %dma_wait3A_356] : memref<10000x128xf32, #tpu.memory_space<vmem_shared>> -> memref<40x128xf32, #tpu.memory_space<vmem_shared>>
          %dma_wait3A_358 = arith.constant 0 : i32
          %dma_wait3A_359 = tpu.memref_slice %arg16[%multiple_of3A_311, %dma_wait3A_358] : memref<10000x128xf32, #tpu.memory_space<vmem_shared>> -> memref<40x128xf32, #tpu.memory_space<vmem_shared>>
          tpu.wait_dma2 semaphore(%run_scoped3A : memref<!tpu.dma_semaphore, #tpu.memory_space<semaphore_mem>>) src(%arg15 : memref<40x128xf32, #tpu.memory_space<vmem>>) dst(%dma_wait3A_359 : memref<40x128xf32, #tpu.memory_space<vmem_shared>>)
          tpu.yield
        }) : () -> ()
        %mul3A_312 = arith.constant 400 : i32
        %mul3A_313 = arith.muli %add3A_300, %mul3A_312 : i32
        %add3A_314 = arith.constant 80 : i32
        %add3A_315 = arith.addi %mul3A_313, %add3A_314 : i32
        %multiple_of3A_316 = tpu.assume_multiple %add3A_315, 8 : i32
        "tpu.region"() ({
          %run_scoped3A = tpu.sem_alloc : memref<!tpu.dma_semaphore, #tpu.memory_space<semaphore_mem>>
          %dma_start3A_352 = arith.constant 0 : i32
          %dma_start3A_353 = tpu.memref_slice %arg16[%multiple_of3A_316, %dma_start3A_352] : memref<10000x128xf32, #tpu.memory_space<vmem_shared>> -> memref<40x128xf32, #tpu.memory_space<vmem_shared>>
          %dma_start3A_354 = arith.constant 0 : i32
          %dma_start3A_355 = tpu.memref_slice %arg16[%multiple_of3A_316, %dma_start3A_354] : memref<10000x128xf32, #tpu.memory_space<vmem_shared>> -> memref<40x128xf32, #tpu.memory_space<vmem_shared>>
          tpu.enqueue_dma source(%arg15 : memref<40x128xf32, #tpu.memory_space<vmem>>) target(%dma_start3A_355 : memref<40x128xf32, #tpu.memory_space<vmem_shared>>) target_semaphore(%run_scoped3A : memref<!tpu.dma_semaphore, #tpu.memory_space<semaphore_mem>>)
          %dma_wait3A_356 = arith.constant 0 : i32
          %dma_wait3A_357 = tpu.memref_slice %arg16[%multiple_of3A_316, %dma_wait3A_356] : memref<10000x128xf32, #tpu.memory_space<vmem_shared>> -> memref<40x128xf32, #tpu.memory_space<vmem_shared>>
          %dma_wait3A_358 = arith.constant 0 : i32
          %dma_wait3A_359 = tpu.memref_slice %arg16[%multiple_of3A_316, %dma_wait3A_358] : memref<10000x128xf32, #tpu.memory_space<vmem_shared>> -> memref<40x128xf32, #tpu.memory_space<vmem_shared>>
          tpu.wait_dma2 semaphore(%run_scoped3A : memref<!tpu.dma_semaphore, #tpu.memory_space<semaphore_mem>>) src(%arg15 : memref<40x128xf32, #tpu.memory_space<vmem>>) dst(%dma_wait3A_359 : memref<40x128xf32, #tpu.memory_space<vmem_shared>>)
          tpu.yield
        }) : () -> ()
        %mul3A_317 = arith.constant 400 : i32
        %mul3A_318 = arith.muli %add3A_300, %mul3A_317 : i32
        %add3A_319 = arith.constant 120 : i32
        %add3A_320 = arith.addi %mul3A_318, %add3A_319 : i32
        %multiple_of3A_321 = tpu.assume_multiple %add3A_320, 8 : i32
        "tpu.region"() ({
          %run_scoped3A = tpu.sem_alloc : memref<!tpu.dma_semaphore, #tpu.memory_space<semaphore_mem>>
          %dma_start3A_352 = arith.constant 0 : i32
          %dma_start3A_353 = tpu.memref_slice %arg16[%multiple_of3A_321, %dma_start3A_352] : memref<10000x128xf32, #tpu.memory_space<vmem_shared>> -> memref<40x128xf32, #tpu.memory_space<vmem_shared>>
          %dma_start3A_354 = arith.constant 0 : i32
          %dma_start3A_355 = tpu.memref_slice %arg16[%multiple_of3A_321, %dma_start3A_354] : memref<10000x128xf32, #tpu.memory_space<vmem_shared>> -> memref<40x128xf32, #tpu.memory_space<vmem_shared>>
          tpu.enqueue_dma source(%arg15 : memref<40x128xf32, #tpu.memory_space<vmem>>) target(%dma_start3A_355 : memref<40x128xf32, #tpu.memory_space<vmem_shared>>) target_semaphore(%run_scoped3A : memref<!tpu.dma_semaphore, #tpu.memory_space<semaphore_mem>>)
          %dma_wait3A_356 = arith.constant 0 : i32
          %dma_wait3A_357 = tpu.memref_slice %arg16[%multiple_of3A_321, %dma_wait3A_356] : memref<10000x128xf32, #tpu.memory_space<vmem_shared>> -> memref<40x128xf32, #tpu.memory_space<vmem_shared>>
          %dma_wait3A_358 = arith.constant 0 : i32
          %dma_wait3A_359 = tpu.memref_slice %arg16[%multiple_of3A_321, %dma_wait3A_358] : memref<10000x128xf32, #tpu.memory_space<vmem_shared>> -> memref<40x128xf32, #tpu.memory_space<vmem_shared>>
          tpu.wait_dma2 semaphore(%run_scoped3A : memref<!tpu.dma_semaphore, #tpu.memory_space<semaphore_mem>>) src(%arg15 : memref<40x128xf32, #tpu.memory_space<vmem>>) dst(%dma_wait3A_359 : memref<40x128xf32, #tpu.memory_space<vmem_shared>>)
          tpu.yield
        }) : () -> ()
        %mul3A_322 = arith.constant 400 : i32
        %mul3A_323 = arith.muli %add3A_300, %mul3A_322 : i32
        %add3A_324 = arith.constant 160 : i32
        %add3A_325 = arith.addi %mul3A_323, %add3A_324 : i32
        %multiple_of3A_326 = tpu.assume_multiple %add3A_325, 8 : i32
        "tpu.region"() ({
          %run_scoped3A = tpu.sem_alloc : memref<!tpu.dma_semaphore, #tpu.memory_space<semaphore_mem>>
          %dma_start3A_352 = arith.constant 0 : i32
          %dma_start3A_353 = tpu.memref_slice %arg16[%multiple_of3A_326, %dma_start3A_352] : memref<10000x128xf32, #tpu.memory_space<vmem_shared>> -> memref<40x128xf32, #tpu.memory_space<vmem_shared>>
          %dma_start3A_354 = arith.constant 0 : i32
          %dma_start3A_355 = tpu.memref_slice %arg16[%multiple_of3A_326, %dma_start3A_354] : memref<10000x128xf32, #tpu.memory_space<vmem_shared>> -> memref<40x128xf32, #tpu.memory_space<vmem_shared>>
          tpu.enqueue_dma source(%arg15 : memref<40x128xf32, #tpu.memory_space<vmem>>) target(%dma_start3A_355 : memref<40x128xf32, #tpu.memory_space<vmem_shared>>) target_semaphore(%run_scoped3A : memref<!tpu.dma_semaphore, #tpu.memory_space<semaphore_mem>>)
          %dma_wait3A_356 = arith.constant 0 : i32
          %dma_wait3A_357 = tpu.memref_slice %arg16[%multiple_of3A_326, %dma_wait3A_356] : memref<10000x128xf32, #tpu.memory_space<vmem_shared>> -> memref<40x128xf32, #tpu.memory_space<vmem_shared>>
          %dma_wait3A_358 = arith.constant 0 : i32
          %dma_wait3A_359 = tpu.memref_slice %arg16[%multiple_of3A_326, %dma_wait3A_358] : memref<10000x128xf32, #tpu.memory_space<vmem_shared>> -> memref<40x128xf32, #tpu.memory_space<vmem_shared>>
          tpu.wait_dma2 semaphore(%run_scoped3A : memref<!tpu.dma_semaphore, #tpu.memory_space<semaphore_mem>>) src(%arg15 : memref<40x128xf32, #tpu.memory_space<vmem>>) dst(%dma_wait3A_359 : memref<40x128xf32, #tpu.memory_space<vmem_shared>>)
          tpu.yield
        }) : () -> ()
        %mul3A_327 = arith.constant 400 : i32
        %mul3A_328 = arith.muli %add3A_300, %mul3A_327 : i32
        %add3A_329 = arith.constant 200 : i32
        %add3A_330 = arith.addi %mul3A_328, %add3A_329 : i32
        %multiple_of3A_331 = tpu.assume_multiple %add3A_330, 8 : i32
        "tpu.region"() ({
          %run_scoped3A = tpu.sem_alloc : memref<!tpu.dma_semaphore, #tpu.memory_space<semaphore_mem>>
          %dma_start3A_352 = arith.constant 0 : i32
          %dma_start3A_353 = tpu.memref_slice %arg16[%multiple_of3A_331, %dma_start3A_352] : memref<10000x128xf32, #tpu.memory_space<vmem_shared>> -> memref<40x128xf32, #tpu.memory_space<vmem_shared>>
          %dma_start3A_354 = arith.constant 0 : i32
          %dma_start3A_355 = tpu.memref_slice %arg16[%multiple_of3A_331, %dma_start3A_354] : memref<10000x128xf32, #tpu.memory_space<vmem_shared>> -> memref<40x128xf32, #tpu.memory_space<vmem_shared>>
          tpu.enqueue_dma source(%arg15 : memref<40x128xf32, #tpu.memory_space<vmem>>) target(%dma_start3A_355 : memref<40x128xf32, #tpu.memory_space<vmem_shared>>) target_semaphore(%run_scoped3A : memref<!tpu.dma_semaphore, #tpu.memory_space<semaphore_mem>>)
          %dma_wait3A_356 = arith.constant 0 : i32
          %dma_wait3A_357 = tpu.memref_slice %arg16[%multiple_of3A_331, %dma_wait3A_356] : memref<10000x128xf32, #tpu.memory_space<vmem_shared>> -> memref<40x128xf32, #tpu.memory_space<vmem_shared>>
          %dma_wait3A_358 = arith.constant 0 : i32
          %dma_wait3A_359 = tpu.memref_slice %arg16[%multiple_of3A_331, %dma_wait3A_358] : memref<10000x128xf32, #tpu.memory_space<vmem_shared>> -> memref<40x128xf32, #tpu.memory_space<vmem_shared>>
          tpu.wait_dma2 semaphore(%run_scoped3A : memref<!tpu.dma_semaphore, #tpu.memory_space<semaphore_mem>>) src(%arg15 : memref<40x128xf32, #tpu.memory_space<vmem>>) dst(%dma_wait3A_359 : memref<40x128xf32, #tpu.memory_space<vmem_shared>>)
          tpu.yield
        }) : () -> ()
        %mul3A_332 = arith.constant 400 : i32
        %mul3A_333 = arith.muli %add3A_300, %mul3A_332 : i32
        %add3A_334 = arith.constant 240 : i32
        %add3A_335 = arith.addi %mul3A_333, %add3A_334 : i32
        %multiple_of3A_336 = tpu.assume_multiple %add3A_335, 8 : i32
        "tpu.region"() ({
          %run_scoped3A = tpu.sem_alloc : memref<!tpu.dma_semaphore, #tpu.memory_space<semaphore_mem>>
          %dma_start3A_352 = arith.constant 0 : i32
          %dma_start3A_353 = tpu.memref_slice %arg16[%multiple_of3A_336, %dma_start3A_352] : memref<10000x128xf32, #tpu.memory_space<vmem_shared>> -> memref<40x128xf32, #tpu.memory_space<vmem_shared>>
          %dma_start3A_354 = arith.constant 0 : i32
          %dma_start3A_355 = tpu.memref_slice %arg16[%multiple_of3A_336, %dma_start3A_354] : memref<10000x128xf32, #tpu.memory_space<vmem_shared>> -> memref<40x128xf32, #tpu.memory_space<vmem_shared>>
          tpu.enqueue_dma source(%arg15 : memref<40x128xf32, #tpu.memory_space<vmem>>) target(%dma_start3A_355 : memref<40x128xf32, #tpu.memory_space<vmem_shared>>) target_semaphore(%run_scoped3A : memref<!tpu.dma_semaphore, #tpu.memory_space<semaphore_mem>>)
          %dma_wait3A_356 = arith.constant 0 : i32
          %dma_wait3A_357 = tpu.memref_slice %arg16[%multiple_of3A_336, %dma_wait3A_356] : memref<10000x128xf32, #tpu.memory_space<vmem_shared>> -> memref<40x128xf32, #tpu.memory_space<vmem_shared>>
          %dma_wait3A_358 = arith.constant 0 : i32
          %dma_wait3A_359 = tpu.memref_slice %arg16[%multiple_of3A_336, %dma_wait3A_358] : memref<10000x128xf32, #tpu.memory_space<vmem_shared>> -> memref<40x128xf32, #tpu.memory_space<vmem_shared>>
          tpu.wait_dma2 semaphore(%run_scoped3A : memref<!tpu.dma_semaphore, #tpu.memory_space<semaphore_mem>>) src(%arg15 : memref<40x128xf32, #tpu.memory_space<vmem>>) dst(%dma_wait3A_359 : memref<40x128xf32, #tpu.memory_space<vmem_shared>>)
          tpu.yield
        }) : () -> ()
        %mul3A_337 = arith.constant 400 : i32
        %mul3A_338 = arith.muli %add3A_300, %mul3A_337 : i32
        %add3A_339 = arith.constant 280 : i32
        %add3A_340 = arith.addi %mul3A_338, %add3A_339 : i32
        %multiple_of3A_341 = tpu.assume_multiple %add3A_340, 8 : i32
        "tpu.region"() ({
          %run_scoped3A = tpu.sem_alloc : memref<!tpu.dma_semaphore, #tpu.memory_space<semaphore_mem>>
          %dma_start3A_352 = arith.constant 0 : i32
          %dma_start3A_353 = tpu.memref_slice %arg16[%multiple_of3A_341, %dma_start3A_352] : memref<10000x128xf32, #tpu.memory_space<vmem_shared>> -> memref<40x128xf32, #tpu.memory_space<vmem_shared>>
          %dma_start3A_354 = arith.constant 0 : i32
          %dma_start3A_355 = tpu.memref_slice %arg16[%multiple_of3A_341, %dma_start3A_354] : memref<10000x128xf32, #tpu.memory_space<vmem_shared>> -> memref<40x128xf32, #tpu.memory_space<vmem_shared>>
          tpu.enqueue_dma source(%arg15 : memref<40x128xf32, #tpu.memory_space<vmem>>) target(%dma_start3A_355 : memref<40x128xf32, #tpu.memory_space<vmem_shared>>) target_semaphore(%run_scoped3A : memref<!tpu.dma_semaphore, #tpu.memory_space<semaphore_mem>>)
          %dma_wait3A_356 = arith.constant 0 : i32
          %dma_wait3A_357 = tpu.memref_slice %arg16[%multiple_of3A_341, %dma_wait3A_356] : memref<10000x128xf32, #tpu.memory_space<vmem_shared>> -> memref<40x128xf32, #tpu.memory_space<vmem_shared>>
          %dma_wait3A_358 = arith.constant 0 : i32
          %dma_wait3A_359 = tpu.memref_slice %arg16[%multiple_of3A_341, %dma_wait3A_358] : memref<10000x128xf32, #tpu.memory_space<vmem_shared>> -> memref<40x128xf32, #tpu.memory_space<vmem_shared>>
          tpu.wait_dma2 semaphore(%run_scoped3A : memref<!tpu.dma_semaphore, #tpu.memory_space<semaphore_mem>>) src(%arg15 : memref<40x128xf32, #tpu.memory_space<vmem>>) dst(%dma_wait3A_359 : memref<40x128xf32, #tpu.memory_space<vmem_shared>>)
          tpu.yield
        }) : () -> ()
        %mul3A_342 = arith.constant 400 : i32
        %mul3A_343 = arith.muli %add3A_300, %mul3A_342 : i32
        %add3A_344 = arith.constant 320 : i32
        %add3A_345 = arith.addi %mul3A_343, %add3A_344 : i32
        %multiple_of3A_346 = tpu.assume_multiple %add3A_345, 8 : i32
        "tpu.region"() ({
          %run_scoped3A = tpu.sem_alloc : memref<!tpu.dma_semaphore, #tpu.memory_space<semaphore_mem>>
          %dma_start3A_352 = arith.constant 0 : i32
          %dma_start3A_353 = tpu.memref_slice %arg16[%multiple_of3A_346, %dma_start3A_352] : memref<10000x128xf32, #tpu.memory_space<vmem_shared>> -> memref<40x128xf32, #tpu.memory_space<vmem_shared>>
          %dma_start3A_354 = arith.constant 0 : i32
          %dma_start3A_355 = tpu.memref_slice %arg16[%multiple_of3A_346, %dma_start3A_354] : memref<10000x128xf32, #tpu.memory_space<vmem_shared>> -> memref<40x128xf32, #tpu.memory_space<vmem_shared>>
          tpu.enqueue_dma source(%arg15 : memref<40x128xf32, #tpu.memory_space<vmem>>) target(%dma_start3A_355 : memref<40x128xf32, #tpu.memory_space<vmem_shared>>) target_semaphore(%run_scoped3A : memref<!tpu.dma_semaphore, #tpu.memory_space<semaphore_mem>>)
          %dma_wait3A_356 = arith.constant 0 : i32
          %dma_wait3A_357 = tpu.memref_slice %arg16[%multiple_of3A_346, %dma_wait3A_356] : memref<10000x128xf32, #tpu.memory_space<vmem_shared>> -> memref<40x128xf32, #tpu.memory_space<vmem_shared>>
          %dma_wait3A_358 = arith.constant 0 : i32
          %dma_wait3A_359 = tpu.memref_slice %arg16[%multiple_of3A_346, %dma_wait3A_358] : memref<10000x128xf32, #tpu.memory_space<vmem_shared>> -> memref<40x128xf32, #tpu.memory_space<vmem_shared>>
          tpu.wait_dma2 semaphore(%run_scoped3A : memref<!tpu.dma_semaphore, #tpu.memory_space<semaphore_mem>>) src(%arg15 : memref<40x128xf32, #tpu.memory_space<vmem>>) dst(%dma_wait3A_359 : memref<40x128xf32, #tpu.memory_space<vmem_shared>>)
          tpu.yield
        }) : () -> ()
        %mul3A_347 = arith.constant 400 : i32
        %mul3A_348 = arith.muli %add3A_300, %mul3A_347 : i32
        %add3A_349 = arith.constant 360 : i32
        %add3A_350 = arith.addi %mul3A_348, %add3A_349 : i32
        %multiple_of3A_351 = tpu.assume_multiple %add3A_350, 8 : i32
        "tpu.region"() ({
          %run_scoped3A = tpu.sem_alloc : memref<!tpu.dma_semaphore, #tpu.memory_space<semaphore_mem>>
          %dma_start3A_352 = arith.constant 0 : i32
          %dma_start3A_353 = tpu.memref_slice %arg16[%multiple_of3A_351, %dma_start3A_352] : memref<10000x128xf32, #tpu.memory_space<vmem_shared>> -> memref<40x128xf32, #tpu.memory_space<vmem_shared>>
          %dma_start3A_354 = arith.constant 0 : i32
          %dma_start3A_355 = tpu.memref_slice %arg16[%multiple_of3A_351, %dma_start3A_354] : memref<10000x128xf32, #tpu.memory_space<vmem_shared>> -> memref<40x128xf32, #tpu.memory_space<vmem_shared>>
          tpu.enqueue_dma source(%arg15 : memref<40x128xf32, #tpu.memory_space<vmem>>) target(%dma_start3A_355 : memref<40x128xf32, #tpu.memory_space<vmem_shared>>) target_semaphore(%run_scoped3A : memref<!tpu.dma_semaphore, #tpu.memory_space<semaphore_mem>>)
          %dma_wait3A_356 = arith.constant 0 : i32
          %dma_wait3A_357 = tpu.memref_slice %arg16[%multiple_of3A_351, %dma_wait3A_356] : memref<10000x128xf32, #tpu.memory_space<vmem_shared>> -> memref<40x128xf32, #tpu.memory_space<vmem_shared>>
          %dma_wait3A_358 = arith.constant 0 : i32
          %dma_wait3A_359 = tpu.memref_slice %arg16[%multiple_of3A_351, %dma_wait3A_358] : memref<10000x128xf32, #tpu.memory_space<vmem_shared>> -> memref<40x128xf32, #tpu.memory_space<vmem_shared>>
          tpu.wait_dma2 semaphore(%run_scoped3A : memref<!tpu.dma_semaphore, #tpu.memory_space<semaphore_mem>>) src(%arg15 : memref<40x128xf32, #tpu.memory_space<vmem>>) dst(%dma_wait3A_359 : memref<40x128xf32, #tpu.memory_space<vmem_shared>>)
          tpu.yield
        }) : () -> ()
      } else {
      }
    }
    %scan3A_17 = arith.constant 2 : i32
    %dma_wait3A = arith.constant 0 : i32
    %dma_wait3A_18 = arith.constant 0 : i32
    %dma_wait3A_19 = tpu.memref_slice %arg3[%dma_wait3A, %dma_wait3A_18] : memref<32x10000xi32, #tpu.memory_space<hbm>> -> memref<1x10000xi32, #tpu.memory_space<hbm>>
    %dma_wait3A_20 = tpu.memref_squeeze %dma_wait3A_19 : memref<1x10000xi32, #tpu.memory_space<hbm>> -> memref<10000xi32, #tpu.memory_space<hbm>>
    %dma_wait3A_21 = arith.constant 0 : i32
    %dma_wait3A_22 = tpu.memref_slice %arg3[%dma_wait3A, %dma_wait3A_21] : memref<32x10000xi32, #tpu.memory_space<hbm>> -> memref<1x10000xi32, #tpu.memory_space<hbm>>
    %dma_wait3A_23 = tpu.memref_squeeze %dma_wait3A_22 : memref<1x10000xi32, #tpu.memory_space<hbm>> -> memref<10000xi32, #tpu.memory_space<hbm>>
    tpu.wait_dma2 semaphore(%arg17 : memref<!tpu.dma_semaphore, #tpu.memory_space<semaphore_mem>>) src(%dma_wait3A_23 : memref<10000xi32, #tpu.memory_space<hbm>>) dst(%arg5 : memref<10000xi32, #tpu.memory_space<vmem>>)
    %barrier3A = arith.constant 0 : index
    tpu.barrier barrier_id(%barrier3A)
    %get3A = arith.constant 0 : index
    %get3A_24 = tpu.vector_load %arg5[%get3A] {strides = array<i32>} : memref<10000xi32, #tpu.memory_space<vmem>>, vector<16xi32>,
    %get3A_25 = vector.shape_cast %get3A_24 : vector<16xi32> to vector<16xi32>
    %shift_right_logical3A = arith.constant 14 : i32
    %shift_right_logical3A_26 = vector.broadcast %shift_right_logical3A : i32 to vector<16xi32>
    %shift_right_logical3A_27 = arith.shrui %get3A_25, %shift_right_logical3A_26 : vector<16xi32>
    %swap3A = arith.constant 0 : index
    %swap3A_28 = tpu.vector_load %arg9[%swap3A] {strides = array<i32>} : memref<80xi32, #tpu.memory_space<vmem>>, vector<16xi32>,
    %swap3A_29 = vector.shape_cast %swap3A_28 : vector<16xi32> to vector<16xi32>
    %swap3A_30 = vector.shape_cast %shift_right_logical3A_27 : vector<16xi32> to vector<16xi32>
    tpu.vector_store %arg9[%swap3A], %swap3A_30 {strides = array<i32>} : memref<80xi32, #tpu.memory_space<vmem>>, vector<16xi32>,
    %and3A = arith.constant 16383 : i32
    %and3A_31 = vector.broadcast %and3A : i32 to vector<16xi32>
    %and3A_32 = arith.andi %get3A_25, %and3A_31 : vector<16xi32>
    %swap3A_33 = arith.constant 0 : index
    %swap3A_34 = tpu.vector_load %arg12[%swap3A_33] {strides = array<i32>} : memref<80xi32, #tpu.memory_space<vmem>>, vector<16xi32>,
    %swap3A_35 = vector.shape_cast %swap3A_34 : vector<16xi32> to vector<16xi32>
    %swap3A_36 = vector.shape_cast %and3A_32 : vector<16xi32> to vector<16xi32>
    tpu.vector_store %arg12[%swap3A_33], %swap3A_36 {strides = array<i32>} : memref<80xi32, #tpu.memory_space<vmem>>, vector<16xi32>,
    %get3A_37 = arith.constant 16 : index
    %get3A_38 = tpu.vector_load %arg5[%get3A_37] {strides = array<i32>} : memref<10000xi32, #tpu.memory_space<vmem>>, vector<16xi32>,
    %get3A_39 = vector.shape_cast %get3A_38 : vector<16xi32> to vector<16xi32>
    %shift_right_logical3A_40 = arith.constant 14 : i32
    %shift_right_logical3A_41 = vector.broadcast %shift_right_logical3A_40 : i32 to vector<16xi32>
    %shift_right_logical3A_42 = arith.shrui %get3A_39, %shift_right_logical3A_41 : vector<16xi32>
    %swap3A_43 = arith.constant 16 : index
    %swap3A_44 = tpu.vector_load %arg9[%swap3A_43] {strides = array<i32>} : memref<80xi32, #tpu.memory_space<vmem>>, vector<16xi32>,
    %swap3A_45 = vector.shape_cast %swap3A_44 : vector<16xi32> to vector<16xi32>
    %swap3A_46 = vector.shape_cast %shift_right_logical3A_42 : vector<16xi32> to vector<16xi32>
    tpu.vector_store %arg9[%swap3A_43], %swap3A_46 {strides = array<i32>} : memref<80xi32, #tpu.memory_space<vmem>>, vector<16xi32>,
    %and3A_47 = arith.constant 16383 : i32
    %and3A_48 = vector.broadcast %and3A_47 : i32 to vector<16xi32>
    %and3A_49 = arith.andi %get3A_39, %and3A_48 : vector<16xi32>
    %swap3A_50 = arith.constant 16 : index
    %swap3A_51 = tpu.vector_load %arg12[%swap3A_50] {strides = array<i32>} : memref<80xi32, #tpu.memory_space<vmem>>, vector<16xi32>,
    %swap3A_52 = vector.shape_cast %swap3A_51 : vector<16xi32> to vector<16xi32>
    %swap3A_53 = vector.shape_cast %and3A_49 : vector<16xi32> to vector<16xi32>
    tpu.vector_store %arg12[%swap3A_50], %swap3A_53 {strides = array<i32>} : memref<80xi32, #tpu.memory_space<vmem>>, vector<16xi32>,
    %get3A_54 = arith.constant 32 : index
    %get3A_55 = tpu.vector_load %arg5[%get3A_54] {strides = array<i32>} : memref<10000xi32, #tpu.memory_space<vmem>>, vector<16xi32>,
    %get3A_56 = vector.shape_cast %get3A_55 : vector<16xi32> to vector<16xi32>
    %shift_right_logical3A_57 = arith.constant 14 : i32
    %shift_right_logical3A_58 = vector.broadcast %shift_right_logical3A_57 : i32 to vector<16xi32>
    %shift_right_logical3A_59 = arith.shrui %get3A_56, %shift_right_logical3A_58 : vector<16xi32>
    %swap3A_60 = arith.constant 32 : index
    %swap3A_61 = tpu.vector_load %arg9[%swap3A_60] {strides = array<i32>} : memref<80xi32, #tpu.memory_space<vmem>>, vector<16xi32>,
    %swap3A_62 = vector.shape_cast %swap3A_61 : vector<16xi32> to vector<16xi32>
    %swap3A_63 = vector.shape_cast %shift_right_logical3A_59 : vector<16xi32> to vector<16xi32>
    tpu.vector_store %arg9[%swap3A_60], %swap3A_63 {strides = array<i32>} : memref<80xi32, #tpu.memory_space<vmem>>, vector<16xi32>,
    %and3A_64 = arith.constant 16383 : i32
    %and3A_65 = vector.broadcast %and3A_64 : i32 to vector<16xi32>
    %and3A_66 = arith.andi %get3A_56, %and3A_65 : vector<16xi32>
    %swap3A_67 = arith.constant 32 : index
    %swap3A_68 = tpu.vector_load %arg12[%swap3A_67] {strides = array<i32>} : memref<80xi32, #tpu.memory_space<vmem>>, vector<16xi32>,
    %swap3A_69 = vector.shape_cast %swap3A_68 : vector<16xi32> to vector<16xi32>
    %swap3A_70 = vector.shape_cast %and3A_66 : vector<16xi32> to vector<16xi32>
    tpu.vector_store %arg12[%swap3A_67], %swap3A_70 {strides = array<i32>} : memref<80xi32, #tpu.memory_space<vmem>>, vector<16xi32>,
    %get3A_71 = arith.constant 48 : index
    %get3A_72 = tpu.vector_load %arg5[%get3A_71] {strides = array<i32>} : memref<10000xi32, #tpu.memory_space<vmem>>, vector<16xi32>,
    %get3A_73 = vector.shape_cast %get3A_72 : vector<16xi32> to vector<16xi32>
    %shift_right_logical3A_74 = arith.constant 14 : i32
    %shift_right_logical3A_75 = vector.broadcast %shift_right_logical3A_74 : i32 to vector<16xi32>
    %shift_right_logical3A_76 = arith.shrui %get3A_73, %shift_right_logical3A_75 : vector<16xi32>
    %swap3A_77 = arith.constant 48 : index
    %swap3A_78 = tpu.vector_load %arg9[%swap3A_77] {strides = array<i32>} : memref<80xi32, #tpu.memory_space<vmem>>, vector<16xi32>,
    %swap3A_79 = vector.shape_cast %swap3A_78 : vector<16xi32> to vector<16xi32>
    %swap3A_80 = vector.shape_cast %shift_right_logical3A_76 : vector<16xi32> to vector<16xi32>
    tpu.vector_store %arg9[%swap3A_77], %swap3A_80 {strides = array<i32>} : memref<80xi32, #tpu.memory_space<vmem>>, vector<16xi32>,
    %and3A_81 = arith.constant 16383 : i32
    %and3A_82 = vector.broadcast %and3A_81 : i32 to vector<16xi32>
    %and3A_83 = arith.andi %get3A_73, %and3A_82 : vector<16xi32>
    %swap3A_84 = arith.constant 48 : index
    %swap3A_85 = tpu.vector_load %arg12[%swap3A_84] {strides = array<i32>} : memref<80xi32, #tpu.memory_space<vmem>>, vector<16xi32>,
    %swap3A_86 = vector.shape_cast %swap3A_85 : vector<16xi32> to vector<16xi32>
    %swap3A_87 = vector.shape_cast %and3A_83 : vector<16xi32> to vector<16xi32>
    tpu.vector_store %arg12[%swap3A_84], %swap3A_87 {strides = array<i32>} : memref<80xi32, #tpu.memory_space<vmem>>, vector<16xi32>,
    %get3A_88 = arith.constant 64 : index
    %get3A_89 = tpu.vector_load %arg5[%get3A_88] {strides = array<i32>} : memref<10000xi32, #tpu.memory_space<vmem>>, vector<16xi32>,
    %get3A_90 = vector.shape_cast %get3A_89 : vector<16xi32> to vector<16xi32>
    %shift_right_logical3A_91 = arith.constant 14 : i32
    %shift_right_logical3A_92 = vector.broadcast %shift_right_logical3A_91 : i32 to vector<16xi32>
    %shift_right_logical3A_93 = arith.shrui %get3A_90, %shift_right_logical3A_92 : vector<16xi32>
    %swap3A_94 = arith.constant 64 : index
    %swap3A_95 = tpu.vector_load %arg9[%swap3A_94] {strides = array<i32>} : memref<80xi32, #tpu.memory_space<vmem>>, vector<16xi32>,
    %swap3A_96 = vector.shape_cast %swap3A_95 : vector<16xi32> to vector<16xi32>
    %swap3A_97 = vector.shape_cast %shift_right_logical3A_93 : vector<16xi32> to vector<16xi32>
    tpu.vector_store %arg9[%swap3A_94], %swap3A_97 {strides = array<i32>} : memref<80xi32, #tpu.memory_space<vmem>>, vector<16xi32>,
    %and3A_98 = arith.constant 16383 : i32
    %and3A_99 = vector.broadcast %and3A_98 : i32 to vector<16xi32>
    %and3A_100 = arith.andi %get3A_90, %and3A_99 : vector<16xi32>
    %swap3A_101 = arith.constant 64 : index
    %swap3A_102 = tpu.vector_load %arg12[%swap3A_101] {strides = array<i32>} : memref<80xi32, #tpu.memory_space<vmem>>, vector<16xi32>,
    %swap3A_103 = vector.shape_cast %swap3A_102 : vector<16xi32> to vector<16xi32>
    %swap3A_104 = vector.shape_cast %and3A_100 : vector<16xi32> to vector<16xi32>
    tpu.vector_store %arg12[%swap3A_101], %swap3A_104 {strides = array<i32>} : memref<80xi32, #tpu.memory_space<vmem>>, vector<16xi32>,
    %dma_start3A_105 = arith.constant 0 : i32
    %dma_start3A_106 = arith.constant 0 : i32
    %dma_start3A_107 = tpu.memref_slice %arg2[%dma_start3A_105, %dma_start3A_106] : memref<10000x128xf32, #tpu.memory_space<hbm>> -> memref<10000x128xf32, #tpu.memory_space<hbm>>
    tpu.enqueue_indirect_dma source(%dma_start3A_107 : memref<10000x128xf32, #tpu.memory_space<hbm>>) target(%arg6 : memref<80x128xf32, #tpu.memory_space<vmem>>) offsets(%arg9 : memref<80xi32, #tpu.memory_space<vmem>>) semaphore(%arg17 : memref<!tpu.dma_semaphore, #tpu.memory_space<semaphore_mem>>)
    %get3A_108 = arith.constant 80 : index
    %get3A_109 = tpu.vector_load %arg5[%get3A_108] {strides = array<i32>} : memref<10000xi32, #tpu.memory_space<vmem>>, vector<16xi32>,
    %get3A_110 = vector.shape_cast %get3A_109 : vector<16xi32> to vector<16xi32>
    %shift_right_logical3A_111 = arith.constant 14 : i32
    %shift_right_logical3A_112 = vector.broadcast %shift_right_logical3A_111 : i32 to vector<16xi32>
    %shift_right_logical3A_113 = arith.shrui %get3A_110, %shift_right_logical3A_112 : vector<16xi32>
    %swap3A_114 = arith.constant 0 : index
    %swap3A_115 = tpu.vector_load %arg10[%swap3A_114] {strides = array<i32>} : memref<80xi32, #tpu.memory_space<vmem>>, vector<16xi32>,
    %swap3A_116 = vector.shape_cast %swap3A_115 : vector<16xi32> to vector<16xi32>
    %swap3A_117 = vector.shape_cast %shift_right_logical3A_113 : vector<16xi32> to vector<16xi32>
    tpu.vector_store %arg10[%swap3A_114], %swap3A_117 {strides = array<i32>} : memref<80xi32, #tpu.memory_space<vmem>>, vector<16xi32>,
    %and3A_118 = arith.constant 16383 : i32
    %and3A_119 = vector.broadcast %and3A_118 : i32 to vector<16xi32>
    %and3A_120 = arith.andi %get3A_110, %and3A_119 : vector<16xi32>
    %swap3A_121 = arith.constant 0 : index
    %swap3A_122 = tpu.vector_load %arg13[%swap3A_121] {strides = array<i32>} : memref<80xi32, #tpu.memory_space<vmem>>, vector<16xi32>,
    %swap3A_123 = vector.shape_cast %swap3A_122 : vector<16xi32> to vector<16xi32>
    %swap3A_124 = vector.shape_cast %and3A_120 : vector<16xi32> to vector<16xi32>
    tpu.vector_store %arg13[%swap3A_121], %swap3A_124 {strides = array<i32>} : memref<80xi32, #tpu.memory_space<vmem>>, vector<16xi32>,
    %get3A_125 = arith.constant 96 : index
    %get3A_126 = tpu.vector_load %arg5[%get3A_125] {strides = array<i32>} : memref<10000xi32, #tpu.memory_space<vmem>>, vector<16xi32>,
    %get3A_127 = vector.shape_cast %get3A_126 : vector<16xi32> to vector<16xi32>
    %shift_right_logical3A_128 = arith.constant 14 : i32
    %shift_right_logical3A_129 = vector.broadcast %shift_right_logical3A_128 : i32 to vector<16xi32>
    %shift_right_logical3A_130 = arith.shrui %get3A_127, %shift_right_logical3A_129 : vector<16xi32>
    %swap3A_131 = arith.constant 16 : index
    %swap3A_132 = tpu.vector_load %arg10[%swap3A_131] {strides = array<i32>} : memref<80xi32, #tpu.memory_space<vmem>>, vector<16xi32>,
    %swap3A_133 = vector.shape_cast %swap3A_132 : vector<16xi32> to vector<16xi32>
    %swap3A_134 = vector.shape_cast %shift_right_logical3A_130 : vector<16xi32> to vector<16xi32>
    tpu.vector_store %arg10[%swap3A_131], %swap3A_134 {strides = array<i32>} : memref<80xi32, #tpu.memory_space<vmem>>, vector<16xi32>,
    %and3A_135 = arith.constant 16383 : i32
    %and3A_136 = vector.broadcast %and3A_135 : i32 to vector<16xi32>
    %and3A_137 = arith.andi %get3A_127, %and3A_136 : vector<16xi32>
    %swap3A_138 = arith.constant 16 : index
    %swap3A_139 = tpu.vector_load %arg13[%swap3A_138] {strides = array<i32>} : memref<80xi32, #tpu.memory_space<vmem>>, vector<16xi32>,
    %swap3A_140 = vector.shape_cast %swap3A_139 : vector<16xi32> to vector<16xi32>
    %swap3A_141 = vector.shape_cast %and3A_137 : vector<16xi32> to vector<16xi32>
    tpu.vector_store %arg13[%swap3A_138], %swap3A_141 {strides = array<i32>} : memref<80xi32, #tpu.memory_space<vmem>>, vector<16xi32>,
    %get3A_142 = arith.constant 112 : index
    %get3A_143 = tpu.vector_load %arg5[%get3A_142] {strides = array<i32>} : memref<10000xi32, #tpu.memory_space<vmem>>, vector<16xi32>,
    %get3A_144 = vector.shape_cast %get3A_143 : vector<16xi32> to vector<16xi32>
    %shift_right_logical3A_145 = arith.constant 14 : i32
    %shift_right_logical3A_146 = vector.broadcast %shift_right_logical3A_145 : i32 to vector<16xi32>
    %shift_right_logical3A_147 = arith.shrui %get3A_144, %shift_right_logical3A_146 : vector<16xi32>
    %swap3A_148 = arith.constant 32 : index
    %swap3A_149 = tpu.vector_load %arg10[%swap3A_148] {strides = array<i32>} : memref<80xi32, #tpu.memory_space<vmem>>, vector<16xi32>,
    %swap3A_150 = vector.shape_cast %swap3A_149 : vector<16xi32> to vector<16xi32>
    %swap3A_151 = vector.shape_cast %shift_right_logical3A_147 : vector<16xi32> to vector<16xi32>
    tpu.vector_store %arg10[%swap3A_148], %swap3A_151 {strides = array<i32>} : memref<80xi32, #tpu.memory_space<vmem>>, vector<16xi32>,
    %and3A_152 = arith.constant 16383 : i32
    %and3A_153 = vector.broadcast %and3A_152 : i32 to vector<16xi32>
    %and3A_154 = arith.andi %get3A_144, %and3A_153 : vector<16xi32>
    %swap3A_155 = arith.constant 32 : index
    %swap3A_156 = tpu.vector_load %arg13[%swap3A_155] {strides = array<i32>} : memref<80xi32, #tpu.memory_space<vmem>>, vector<16xi32>,
    %swap3A_157 = vector.shape_cast %swap3A_156 : vector<16xi32> to vector<16xi32>
    %swap3A_158 = vector.shape_cast %and3A_154 : vector<16xi32> to vector<16xi32>
    tpu.vector_store %arg13[%swap3A_155], %swap3A_158 {strides = array<i32>} : memref<80xi32, #tpu.memory_space<vmem>>, vector<16xi32>,
    %get3A_159 = arith.constant 128 : index
    %get3A_160 = tpu.vector_load %arg5[%get3A_159] {strides = array<i32>} : memref<10000xi32, #tpu.memory_space<vmem>>, vector<16xi32>,
    %get3A_161 = vector.shape_cast %get3A_160 : vector<16xi32> to vector<16xi32>
    %shift_right_logical3A_162 = arith.constant 14 : i32
    %shift_right_logical3A_163 = vector.broadcast %shift_right_logical3A_162 : i32 to vector<16xi32>
    %shift_right_logical3A_164 = arith.shrui %get3A_161, %shift_right_logical3A_163 : vector<16xi32>
    %swap3A_165 = arith.constant 48 : index
    %swap3A_166 = tpu.vector_load %arg10[%swap3A_165] {strides = array<i32>} : memref<80xi32, #tpu.memory_space<vmem>>, vector<16xi32>,
    %swap3A_167 = vector.shape_cast %swap3A_166 : vector<16xi32> to vector<16xi32>
    %swap3A_168 = vector.shape_cast %shift_right_logical3A_164 : vector<16xi32> to vector<16xi32>
    tpu.vector_store %arg10[%swap3A_165], %swap3A_168 {strides = array<i32>} : memref<80xi32, #tpu.memory_space<vmem>>, vector<16xi32>,
    %and3A_169 = arith.constant 16383 : i32
    %and3A_170 = vector.broadcast %and3A_169 : i32 to vector<16xi32>
    %and3A_171 = arith.andi %get3A_161, %and3A_170 : vector<16xi32>
    %swap3A_172 = arith.constant 48 : index
    %swap3A_173 = tpu.vector_load %arg13[%swap3A_172] {strides = array<i32>} : memref<80xi32, #tpu.memory_space<vmem>>, vector<16xi32>,
    %swap3A_174 = vector.shape_cast %swap3A_173 : vector<16xi32> to vector<16xi32>
    %swap3A_175 = vector.shape_cast %and3A_171 : vector<16xi32> to vector<16xi32>
    tpu.vector_store %arg13[%swap3A_172], %swap3A_175 {strides = array<i32>} : memref<80xi32, #tpu.memory_space<vmem>>, vector<16xi32>,
    %get3A_176 = arith.constant 144 : index
    %get3A_177 = tpu.vector_load %arg5[%get3A_176] {strides = array<i32>} : memref<10000xi32, #tpu.memory_space<vmem>>, vector<16xi32>,
    %get3A_178 = vector.shape_cast %get3A_177 : vector<16xi32> to vector<16xi32>
    %shift_right_logical3A_179 = arith.constant 14 : i32
    %shift_right_logical3A_180 = vector.broadcast %shift_right_logical3A_179 : i32 to vector<16xi32>
    %shift_right_logical3A_181 = arith.shrui %get3A_178, %shift_right_logical3A_180 : vector<16xi32>
    %swap3A_182 = arith.constant 64 : index
    %swap3A_183 = tpu.vector_load %arg10[%swap3A_182] {strides = array<i32>} : memref<80xi32, #tpu.memory_space<vmem>>, vector<16xi32>,
    %swap3A_184 = vector.shape_cast %swap3A_183 : vector<16xi32> to vector<16xi32>
    %swap3A_185 = vector.shape_cast %shift_right_logical3A_181 : vector<16xi32> to vector<16xi32>
    tpu.vector_store %arg10[%swap3A_182], %swap3A_185 {strides = array<i32>} : memref<80xi32, #tpu.memory_space<vmem>>, vector<16xi32>,
    %and3A_186 = arith.constant 16383 : i32
    %and3A_187 = vector.broadcast %and3A_186 : i32 to vector<16xi32>
    %and3A_188 = arith.andi %get3A_178, %and3A_187 : vector<16xi32>
    %swap3A_189 = arith.constant 64 : index
    %swap3A_190 = tpu.vector_load %arg13[%swap3A_189] {strides = array<i32>} : memref<80xi32, #tpu.memory_space<vmem>>, vector<16xi32>,
    %swap3A_191 = vector.shape_cast %swap3A_190 : vector<16xi32> to vector<16xi32>
    %swap3A_192 = vector.shape_cast %and3A_188 : vector<16xi32> to vector<16xi32>
    tpu.vector_store %arg13[%swap3A_189], %swap3A_192 {strides = array<i32>} : memref<80xi32, #tpu.memory_space<vmem>>, vector<16xi32>,
    %dma_start3A_193 = arith.constant 0 : i32
    %dma_start3A_194 = arith.constant 0 : i32
    %dma_start3A_195 = tpu.memref_slice %arg2[%dma_start3A_193, %dma_start3A_194] : memref<10000x128xf32, #tpu.memory_space<hbm>> -> memref<10000x128xf32, #tpu.memory_space<hbm>>
    tpu.enqueue_indirect_dma source(%dma_start3A_195 : memref<10000x128xf32, #tpu.memory_space<hbm>>) target(%arg7 : memref<80x128xf32, #tpu.memory_space<vmem>>) offsets(%arg10 : memref<80xi32, #tpu.memory_space<vmem>>) semaphore(%arg18 : memref<!tpu.dma_semaphore, #tpu.memory_space<semaphore_mem>>)
    %get3A_196 = arith.constant 160 : index
    %get3A_197 = tpu.vector_load %arg5[%get3A_196] {strides = array<i32>} : memref<10000xi32, #tpu.memory_space<vmem>>, vector<16xi32>,
    %get3A_198 = vector.shape_cast %get3A_197 : vector<16xi32> to vector<16xi32>
    %shift_right_logical3A_199 = arith.constant 14 : i32
    %shift_right_logical3A_200 = vector.broadcast %shift_right_logical3A_199 : i32 to vector<16xi32>
    %shift_right_logical3A_201 = arith.shrui %get3A_198, %shift_right_logical3A_200 : vector<16xi32>
    %swap3A_202 = arith.constant 0 : index
    %swap3A_203 = tpu.vector_load %arg11[%swap3A_202] {strides = array<i32>} : memref<80xi32, #tpu.memory_space<vmem>>, vector<16xi32>,
    %swap3A_204 = vector.shape_cast %swap3A_203 : vector<16xi32> to vector<16xi32>
    %swap3A_205 = vector.shape_cast %shift_right_logical3A_201 : vector<16xi32> to vector<16xi32>
    tpu.vector_store %arg11[%swap3A_202], %swap3A_205 {strides = array<i32>} : memref<80xi32, #tpu.memory_space<vmem>>, vector<16xi32>,
    %and3A_206 = arith.constant 16383 : i32
    %and3A_207 = vector.broadcast %and3A_206 : i32 to vector<16xi32>
    %and3A_208 = arith.andi %get3A_198, %and3A_207 : vector<16xi32>
    %swap3A_209 = arith.constant 0 : index
    %swap3A_210 = tpu.vector_load %arg14[%swap3A_209] {strides = array<i32>} : memref<80xi32, #tpu.memory_space<vmem>>, vector<16xi32>,
    %swap3A_211 = vector.shape_cast %swap3A_210 : vector<16xi32> to vector<16xi32>
    %swap3A_212 = vector.shape_cast %and3A_208 : vector<16xi32> to vector<16xi32>
    tpu.vector_store %arg14[%swap3A_209], %swap3A_212 {strides = array<i32>} : memref<80xi32, #tpu.memory_space<vmem>>, vector<16xi32>,
    %get3A_213 = arith.constant 176 : index
    %get3A_214 = tpu.vector_load %arg5[%get3A_213] {strides = array<i32>} : memref<10000xi32, #tpu.memory_space<vmem>>, vector<16xi32>,
    %get3A_215 = vector.shape_cast %get3A_214 : vector<16xi32> to vector<16xi32>
    %shift_right_logical3A_216 = arith.constant 14 : i32
    %shift_right_logical3A_217 = vector.broadcast %shift_right_logical3A_216 : i32 to vector<16xi32>
    %shift_right_logical3A_218 = arith.shrui %get3A_215, %shift_right_logical3A_217 : vector<16xi32>
    %swap3A_219 = arith.constant 16 : index
    %swap3A_220 = tpu.vector_load %arg11[%swap3A_219] {strides = array<i32>} : memref<80xi32, #tpu.memory_space<vmem>>, vector<16xi32>,
    %swap3A_221 = vector.shape_cast %swap3A_220 : vector<16xi32> to vector<16xi32>
    %swap3A_222 = vector.shape_cast %shift_right_logical3A_218 : vector<16xi32> to vector<16xi32>
    tpu.vector_store %arg11[%swap3A_219], %swap3A_222 {strides = array<i32>} : memref<80xi32, #tpu.memory_space<vmem>>, vector<16xi32>,
    %and3A_223 = arith.constant 16383 : i32
    %and3A_224 = vector.broadcast %and3A_223 : i32 to vector<16xi32>
    %and3A_225 = arith.andi %get3A_215, %and3A_224 : vector<16xi32>
    %swap3A_226 = arith.constant 16 : index
    %swap3A_227 = tpu.vector_load %arg14[%swap3A_226] {strides = array<i32>} : memref<80xi32, #tpu.memory_space<vmem>>, vector<16xi32>,
    %swap3A_228 = vector.shape_cast %swap3A_227 : vector<16xi32> to vector<16xi32>
    %swap3A_229 = vector.shape_cast %and3A_225 : vector<16xi32> to vector<16xi32>
    tpu.vector_store %arg14[%swap3A_226], %swap3A_229 {strides = array<i32>} : memref<80xi32, #tpu.memory_space<vmem>>, vector<16xi32>,
    %get3A_230 = arith.constant 192 : index
    %get3A_231 = tpu.vector_load %arg5[%get3A_230] {strides = array<i32>} : memref<10000xi32, #tpu.memory_space<vmem>>, vector<16xi32>,
    %get3A_232 = vector.shape_cast %get3A_231 : vector<16xi32> to vector<16xi32>
    %shift_right_logical3A_233 = arith.constant 14 : i32
    %shift_right_logical3A_234 = vector.broadcast %shift_right_logical3A_233 : i32 to vector<16xi32>
    %shift_right_logical3A_235 = arith.shrui %get3A_232, %shift_right_logical3A_234 : vector<16xi32>
    %swap3A_236 = arith.constant 32 : index
    %swap3A_237 = tpu.vector_load %arg11[%swap3A_236] {strides = array<i32>} : memref<80xi32, #tpu.memory_space<vmem>>, vector<16xi32>,
    %swap3A_238 = vector.shape_cast %swap3A_237 : vector<16xi32> to vector<16xi32>
    %swap3A_239 = vector.shape_cast %shift_right_logical3A_235 : vector<16xi32> to vector<16xi32>
    tpu.vector_store %arg11[%swap3A_236], %swap3A_239 {strides = array<i32>} : memref<80xi32, #tpu.memory_space<vmem>>, vector<16xi32>,
    %and3A_240 = arith.constant 16383 : i32
    %and3A_241 = vector.broadcast %and3A_240 : i32 to vector<16xi32>
    %and3A_242 = arith.andi %get3A_232, %and3A_241 : vector<16xi32>
    %swap3A_243 = arith.constant 32 : index
    %swap3A_244 = tpu.vector_load %arg14[%swap3A_243] {strides = array<i32>} : memref<80xi32, #tpu.memory_space<vmem>>, vector<16xi32>,
    %swap3A_245 = vector.shape_cast %swap3A_244 : vector<16xi32> to vector<16xi32>
    %swap3A_246 = vector.shape_cast %and3A_242 : vector<16xi32> to vector<16xi32>
    tpu.vector_store %arg14[%swap3A_243], %swap3A_246 {strides = array<i32>} : memref<80xi32, #tpu.memory_space<vmem>>, vector<16xi32>,
    %get3A_247 = arith.constant 208 : index
    %get3A_248 = tpu.vector_load %arg5[%get3A_247] {strides = array<i32>} : memref<10000xi32, #tpu.memory_space<vmem>>, vector<16xi32>,
    %get3A_249 = vector.shape_cast %get3A_248 : vector<16xi32> to vector<16xi32>
    %shift_right_logical3A_250 = arith.constant 14 : i32
    %shift_right_logical3A_251 = vector.broadcast %shift_right_logical3A_250 : i32 to vector<16xi32>
    %shift_right_logical3A_252 = arith.shrui %get3A_249, %shift_right_logical3A_251 : vector<16xi32>
    %swap3A_253 = arith.constant 48 : index
    %swap3A_254 = tpu.vector_load %arg11[%swap3A_253] {strides = array<i32>} : memref<80xi32, #tpu.memory_space<vmem>>, vector<16xi32>,
    %swap3A_255 = vector.shape_cast %swap3A_254 : vector<16xi32> to vector<16xi32>
    %swap3A_256 = vector.shape_cast %shift_right_logical3A_252 : vector<16xi32> to vector<16xi32>
    tpu.vector_store %arg11[%swap3A_253], %swap3A_256 {strides = array<i32>} : memref<80xi32, #tpu.memory_space<vmem>>, vector<16xi32>,
    %and3A_257 = arith.constant 16383 : i32
    %and3A_258 = vector.broadcast %and3A_257 : i32 to vector<16xi32>
    %and3A_259 = arith.andi %get3A_249, %and3A_258 : vector<16xi32>
    %swap3A_260 = arith.constant 48 : index
    %swap3A_261 = tpu.vector_load %arg14[%swap3A_260] {strides = array<i32>} : memref<80xi32, #tpu.memory_space<vmem>>, vector<16xi32>,
    %swap3A_262 = vector.shape_cast %swap3A_261 : vector<16xi32> to vector<16xi32>
    %swap3A_263 = vector.shape_cast %and3A_259 : vector<16xi32> to vector<16xi32>
    tpu.vector_store %arg14[%swap3A_260], %swap3A_263 {strides = array<i32>} : memref<80xi32, #tpu.memory_space<vmem>>, vector<16xi32>,
    %get3A_264 = arith.constant 224 : index
    %get3A_265 = tpu.vector_load %arg5[%get3A_264] {strides = array<i32>} : memref<10000xi32, #tpu.memory_space<vmem>>, vector<16xi32>,
    %get3A_266 = vector.shape_cast %get3A_265 : vector<16xi32> to vector<16xi32>
    %shift_right_logical3A_267 = arith.constant 14 : i32
    %shift_right_logical3A_268 = vector.broadcast %shift_right_logical3A_267 : i32 to vector<16xi32>
    %shift_right_logical3A_269 = arith.shrui %get3A_266, %shift_right_logical3A_268 : vector<16xi32>
    %swap3A_270 = arith.constant 64 : index
    %swap3A_271 = tpu.vector_load %arg11[%swap3A_270] {strides = array<i32>} : memref<80xi32, #tpu.memory_space<vmem>>, vector<16xi32>,
    %swap3A_272 = vector.shape_cast %swap3A_271 : vector<16xi32> to vector<16xi32>
    %swap3A_273 = vector.shape_cast %shift_right_logical3A_269 : vector<16xi32> to vector<16xi32>
    tpu.vector_store %arg11[%swap3A_270], %swap3A_273 {strides = array<i32>} : memref<80xi32, #tpu.memory_space<vmem>>, vector<16xi32>,
    %and3A_274 = arith.constant 16383 : i32
    %and3A_275 = vector.broadcast %and3A_274 : i32 to vector<16xi32>
    %and3A_276 = arith.andi %get3A_266, %and3A_275 : vector<16xi32>
    %swap3A_277 = arith.constant 64 : index
    %swap3A_278 = tpu.vector_load %arg14[%swap3A_277] {strides = array<i32>} : memref<80xi32, #tpu.memory_space<vmem>>, vector<16xi32>,
    %swap3A_279 = vector.shape_cast %swap3A_278 : vector<16xi32> to vector<16xi32>
    %swap3A_280 = vector.shape_cast %and3A_276 : vector<16xi32> to vector<16xi32>
    tpu.vector_store %arg14[%swap3A_277], %swap3A_280 {strides = array<i32>} : memref<80xi32, #tpu.memory_space<vmem>>, vector<16xi32>,
    %dma_start3A_281 = arith.constant 0 : i32
    %dma_start3A_282 = arith.constant 0 : i32
    %dma_start3A_283 = tpu.memref_slice %arg2[%dma_start3A_281, %dma_start3A_282] : memref<10000x128xf32, #tpu.memory_space<hbm>> -> memref<10000x128xf32, #tpu.memory_space<hbm>>
    tpu.enqueue_indirect_dma source(%dma_start3A_283 : memref<10000x128xf32, #tpu.memory_space<hbm>>) target(%arg8 : memref<80x128xf32, #tpu.memory_space<vmem>>) offsets(%arg11 : memref<80xi32, #tpu.memory_space<vmem>>) semaphore(%arg19 : memref<!tpu.dma_semaphore, #tpu.memory_space<semaphore_mem>>)
    %scan3A_284 = arith.constant 0 : i32
    %scan3A_285 = arith.constant 0 : i32
    %scan3A_286 = arith.constant 42 : i32
    %scan3A_287 = arith.addi %scan3A_285, %scan3A_286 : i32
    %scan3A_288 = arith.constant 1 : i32
    scf.for %scan3A_297 = %scan3A_285 to %scan3A_287 step %scan3A_288  : i32 {
      %mul3A_298 = arith.constant 3 : i32
      %mul3A_299 = arith.muli %scan3A_297, %mul3A_298 : i32
      %add3A_300 = arith.constant 0 : i32
      %add3A_301 = arith.addi %mul3A_299, %add3A_300 : i32
      %lt3A = arith.constant 125 : i32
      %lt3A_302 = arith.cmpi slt, %add3A_301, %lt3A : i32
      %convert_element_type3A = arith.extui %lt3A_302 : i1 to i32
      %cond3A = arith.constant 0 : i32
      %cond3A_303 = arith.cmpi ne, %convert_element_type3A, %cond3A : i32
      scf.if %cond3A_303 {
        %dma_wait3A_322 = arith.constant 0 : i32
        %dma_wait3A_323 = arith.constant 0 : i32
        %dma_wait3A_324 = tpu.memref_slice %arg2[%dma_wait3A_322, %dma_wait3A_323] : memref<10000x128xf32, #tpu.memory_space<hbm>> -> memref<80x128xf32, #tpu.memory_space<hbm>>
        %dma_wait3A_325 = arith.constant 0 : i32
        %dma_wait3A_326 = arith.constant 0 : i32
        %dma_wait3A_327 = tpu.memref_slice %arg2[%dma_wait3A_325, %dma_wait3A_326] : memref<10000x128xf32, #tpu.memory_space<hbm>> -> memref<80x128xf32, #tpu.memory_space<hbm>>
        tpu.wait_dma2 semaphore(%arg17 : memref<!tpu.dma_semaphore, #tpu.memory_space<semaphore_mem>>) src(%dma_wait3A_327 : memref<80x128xf32, #tpu.memory_space<hbm>>) dst(%arg6 : memref<80x128xf32, #tpu.memory_space<vmem>>)
        "tpu.region"() ({
          %run_scoped3A = tpu.sem_alloc : memref<!tpu.dma_semaphore, #tpu.memory_space<semaphore_mem>>
          %dma_start3A_335 = arith.constant 0 : i32
          %dma_start3A_336 = arith.constant 0 : i32
          %dma_start3A_337 = tpu.memref_slice %arg16[%dma_start3A_335, %dma_start3A_336] : memref<10000x128xf32, #tpu.memory_space<vmem_shared>> -> memref<10000x128xf32, #tpu.memory_space<vmem_shared>>
          tpu.enqueue_indirect_dma source(%arg6 : memref<80x128xf32, #tpu.memory_space<vmem>>) target(%dma_start3A_337 : memref<10000x128xf32, #tpu.memory_space<vmem_shared>>) offsets(%arg12 : memref<80xi32, #tpu.memory_space<vmem>>) semaphore(%run_scoped3A : memref<!tpu.dma_semaphore, #tpu.memory_space<semaphore_mem>>) {add = true}
          %dma_wait3A_338 = arith.constant 0 : i32
          %dma_wait3A_339 = arith.constant 0 : i32
          %dma_wait3A_340 = tpu.memref_slice %arg16[%dma_wait3A_338, %dma_wait3A_339] : memref<10000x128xf32, #tpu.memory_space<vmem_shared>> -> memref<10000x128xf32, #tpu.memory_space<vmem_shared>>
          tpu.wait_indirect_dma semaphore(%run_scoped3A : memref<!tpu.dma_semaphore, #tpu.memory_space<semaphore_mem>>) src(%arg6 : memref<80x128xf32, #tpu.memory_space<vmem>>) dst(%dma_wait3A_340 : memref<10000x128xf32, #tpu.memory_space<vmem_shared>>)
          tpu.yield
        }) : () -> ()
        %add3A_328 = arith.constant 3 : i32
        %add3A_329 = arith.addi %add3A_301, %add3A_328 : i32
        %lt3A_330 = arith.constant 125 : i32
        %lt3A_331 = arith.cmpi slt, %add3A_329, %lt3A_330 : i32
        %convert_element_type3A_332 = arith.extui %lt3A_331 : i1 to i32
        %cond3A_333 = arith.constant 0 : i32
        %cond3A_334 = arith.cmpi ne, %convert_element_type3A_332, %cond3A_333 : i32
        scf.if %cond3A_334 {
          %mul3A_335 = arith.constant 80 : i32
          %mul3A_336 = arith.muli %add3A_329, %mul3A_335 : i32
          %add3A_337 = arith.constant 0 : i32
          %add3A_338 = arith.addi %mul3A_336, %add3A_337 : i32
          %get3A_339 = arith.index_cast %add3A_338 : i32 to index
          %get3A_340 = tpu.vector_load %arg5[%get3A_339] {strides = array<i32>} : memref<10000xi32, #tpu.memory_space<vmem>>, vector<16xi32>,
          %get3A_341 = vector.shape_cast %get3A_340 : vector<16xi32> to vector<16xi32>
          %shift_right_logical3A_342 = arith.constant 14 : i32
          %shift_right_logical3A_343 = vector.broadcast %shift_right_logical3A_342 : i32 to vector<16xi32>
          %shift_right_logical3A_344 = arith.shrui %get3A_341, %shift_right_logical3A_343 : vector<16xi32>
          %swap3A_345 = arith.constant 0 : index
          %swap3A_346 = tpu.vector_load %arg9[%swap3A_345] {strides = array<i32>} : memref<80xi32, #tpu.memory_space<vmem>>, vector<16xi32>,
          %swap3A_347 = vector.shape_cast %swap3A_346 : vector<16xi32> to vector<16xi32>
          %swap3A_348 = vector.shape_cast %shift_right_logical3A_344 : vector<16xi32> to vector<16xi32>
          tpu.vector_store %arg9[%swap3A_345], %swap3A_348 {strides = array<i32>} : memref<80xi32, #tpu.memory_space<vmem>>, vector<16xi32>,
          %and3A_349 = arith.constant 16383 : i32
          %and3A_350 = vector.broadcast %and3A_349 : i32 to vector<16xi32>
          %and3A_351 = arith.andi %get3A_341, %and3A_350 : vector<16xi32>
          %swap3A_352 = arith.constant 0 : index
          %swap3A_353 = tpu.vector_load %arg12[%swap3A_352] {strides = array<i32>} : memref<80xi32, #tpu.memory_space<vmem>>, vector<16xi32>,
          %swap3A_354 = vector.shape_cast %swap3A_353 : vector<16xi32> to vector<16xi32>
          %swap3A_355 = vector.shape_cast %and3A_351 : vector<16xi32> to vector<16xi32>
          tpu.vector_store %arg12[%swap3A_352], %swap3A_355 {strides = array<i32>} : memref<80xi32, #tpu.memory_space<vmem>>, vector<16xi32>,
          %mul3A_356 = arith.constant 80 : i32
          %mul3A_357 = arith.muli %add3A_329, %mul3A_356 : i32
          %add3A_358 = arith.constant 16 : i32
          %add3A_359 = arith.addi %mul3A_357, %add3A_358 : i32
          %get3A_360 = arith.index_cast %add3A_359 : i32 to index
          %get3A_361 = tpu.vector_load %arg5[%get3A_360] {strides = array<i32>} : memref<10000xi32, #tpu.memory_space<vmem>>, vector<16xi32>,
          %get3A_362 = vector.shape_cast %get3A_361 : vector<16xi32> to vector<16xi32>
          %shift_right_logical3A_363 = arith.constant 14 : i32
          %shift_right_logical3A_364 = vector.broadcast %shift_right_logical3A_363 : i32 to vector<16xi32>
          %shift_right_logical3A_365 = arith.shrui %get3A_362, %shift_right_logical3A_364 : vector<16xi32>
          %swap3A_366 = arith.constant 16 : index
          %swap3A_367 = tpu.vector_load %arg9[%swap3A_366] {strides = array<i32>} : memref<80xi32, #tpu.memory_space<vmem>>, vector<16xi32>,
          %swap3A_368 = vector.shape_cast %swap3A_367 : vector<16xi32> to vector<16xi32>
          %swap3A_369 = vector.shape_cast %shift_right_logical3A_365 : vector<16xi32> to vector<16xi32>
          tpu.vector_store %arg9[%swap3A_366], %swap3A_369 {strides = array<i32>} : memref<80xi32, #tpu.memory_space<vmem>>, vector<16xi32>,
          %and3A_370 = arith.constant 16383 : i32
          %and3A_371 = vector.broadcast %and3A_370 : i32 to vector<16xi32>
          %and3A_372 = arith.andi %get3A_362, %and3A_371 : vector<16xi32>
          %swap3A_373 = arith.constant 16 : index
          %swap3A_374 = tpu.vector_load %arg12[%swap3A_373] {strides = array<i32>} : memref<80xi32, #tpu.memory_space<vmem>>, vector<16xi32>,
          %swap3A_375 = vector.shape_cast %swap3A_374 : vector<16xi32> to vector<16xi32>
          %swap3A_376 = vector.shape_cast %and3A_372 : vector<16xi32> to vector<16xi32>
          tpu.vector_store %arg12[%swap3A_373], %swap3A_376 {strides = array<i32>} : memref<80xi32, #tpu.memory_space<vmem>>, vector<16xi32>,
          %mul3A_377 = arith.constant 80 : i32
          %mul3A_378 = arith.muli %add3A_329, %mul3A_377 : i32
          %add3A_379 = arith.constant 32 : i32
          %add3A_380 = arith.addi %mul3A_378, %add3A_379 : i32
          %get3A_381 = arith.index_cast %add3A_380 : i32 to index
          %get3A_382 = tpu.vector_load %arg5[%get3A_381] {strides = array<i32>} : memref<10000xi32, #tpu.memory_space<vmem>>, vector<16xi32>,
          %get3A_383 = vector.shape_cast %get3A_382 : vector<16xi32> to vector<16xi32>
          %shift_right_logical3A_384 = arith.constant 14 : i32
          %shift_right_logical3A_385 = vector.broadcast %shift_right_logical3A_384 : i32 to vector<16xi32>
          %shift_right_logical3A_386 = arith.shrui %get3A_383, %shift_right_logical3A_385 : vector<16xi32>
          %swap3A_387 = arith.constant 32 : index
          %swap3A_388 = tpu.vector_load %arg9[%swap3A_387] {strides = array<i32>} : memref<80xi32, #tpu.memory_space<vmem>>, vector<16xi32>,
          %swap3A_389 = vector.shape_cast %swap3A_388 : vector<16xi32> to vector<16xi32>
          %swap3A_390 = vector.shape_cast %shift_right_logical3A_386 : vector<16xi32> to vector<16xi32>
          tpu.vector_store %arg9[%swap3A_387], %swap3A_390 {strides = array<i32>} : memref<80xi32, #tpu.memory_space<vmem>>, vector<16xi32>,
          %and3A_391 = arith.constant 16383 : i32
          %and3A_392 = vector.broadcast %and3A_391 : i32 to vector<16xi32>
          %and3A_393 = arith.andi %get3A_383, %and3A_392 : vector<16xi32>
          %swap3A_394 = arith.constant 32 : index
          %swap3A_395 = tpu.vector_load %arg12[%swap3A_394] {strides = array<i32>} : memref<80xi32, #tpu.memory_space<vmem>>, vector<16xi32>,
          %swap3A_396 = vector.shape_cast %swap3A_395 : vector<16xi32> to vector<16xi32>
          %swap3A_397 = vector.shape_cast %and3A_393 : vector<16xi32> to vector<16xi32>
          tpu.vector_store %arg12[%swap3A_394], %swap3A_397 {strides = array<i32>} : memref<80xi32, #tpu.memory_space<vmem>>, vector<16xi32>,
          %mul3A_398 = arith.constant 80 : i32
          %mul3A_399 = arith.muli %add3A_329, %mul3A_398 : i32
          %add3A_400 = arith.constant 48 : i32
          %add3A_401 = arith.addi %mul3A_399, %add3A_400 : i32
          %get3A_402 = arith.index_cast %add3A_401 : i32 to index
          %get3A_403 = tpu.vector_load %arg5[%get3A_402] {strides = array<i32>} : memref<10000xi32, #tpu.memory_space<vmem>>, vector<16xi32>,
          %get3A_404 = vector.shape_cast %get3A_403 : vector<16xi32> to vector<16xi32>
          %shift_right_logical3A_405 = arith.constant 14 : i32
          %shift_right_logical3A_406 = vector.broadcast %shift_right_logical3A_405 : i32 to vector<16xi32>
          %shift_right_logical3A_407 = arith.shrui %get3A_404, %shift_right_logical3A_406 : vector<16xi32>
          %swap3A_408 = arith.constant 48 : index
          %swap3A_409 = tpu.vector_load %arg9[%swap3A_408] {strides = array<i32>} : memref<80xi32, #tpu.memory_space<vmem>>, vector<16xi32>,
          %swap3A_410 = vector.shape_cast %swap3A_409 : vector<16xi32> to vector<16xi32>
          %swap3A_411 = vector.shape_cast %shift_right_logical3A_407 : vector<16xi32> to vector<16xi32>
          tpu.vector_store %arg9[%swap3A_408], %swap3A_411 {strides = array<i32>} : memref<80xi32, #tpu.memory_space<vmem>>, vector<16xi32>,
          %and3A_412 = arith.constant 16383 : i32
          %and3A_413 = vector.broadcast %and3A_412 : i32 to vector<16xi32>
          %and3A_414 = arith.andi %get3A_404, %and3A_413 : vector<16xi32>
          %swap3A_415 = arith.constant 48 : index
          %swap3A_416 = tpu.vector_load %arg12[%swap3A_415] {strides = array<i32>} : memref<80xi32, #tpu.memory_space<vmem>>, vector<16xi32>,
          %swap3A_417 = vector.shape_cast %swap3A_416 : vector<16xi32> to vector<16xi32>
          %swap3A_418 = vector.shape_cast %and3A_414 : vector<16xi32> to vector<16xi32>
          tpu.vector_store %arg12[%swap3A_415], %swap3A_418 {strides = array<i32>} : memref<80xi32, #tpu.memory_space<vmem>>, vector<16xi32>,
          %mul3A_419 = arith.constant 80 : i32
          %mul3A_420 = arith.muli %add3A_329, %mul3A_419 : i32
          %add3A_421 = arith.constant 64 : i32
          %add3A_422 = arith.addi %mul3A_420, %add3A_421 : i32
          %get3A_423 = arith.index_cast %add3A_422 : i32 to index
          %get3A_424 = tpu.vector_load %arg5[%get3A_423] {strides = array<i32>} : memref<10000xi32, #tpu.memory_space<vmem>>, vector<16xi32>,
          %get3A_425 = vector.shape_cast %get3A_424 : vector<16xi32> to vector<16xi32>
          %shift_right_logical3A_426 = arith.constant 14 : i32
          %shift_right_logical3A_427 = vector.broadcast %shift_right_logical3A_426 : i32 to vector<16xi32>
          %shift_right_logical3A_428 = arith.shrui %get3A_425, %shift_right_logical3A_427 : vector<16xi32>
          %swap3A_429 = arith.constant 64 : index
          %swap3A_430 = tpu.vector_load %arg9[%swap3A_429] {strides = array<i32>} : memref<80xi32, #tpu.memory_space<vmem>>, vector<16xi32>,
          %swap3A_431 = vector.shape_cast %swap3A_430 : vector<16xi32> to vector<16xi32>
          %swap3A_432 = vector.shape_cast %shift_right_logical3A_428 : vector<16xi32> to vector<16xi32>
          tpu.vector_store %arg9[%swap3A_429], %swap3A_432 {strides = array<i32>} : memref<80xi32, #tpu.memory_space<vmem>>, vector<16xi32>,
          %and3A_433 = arith.constant 16383 : i32
          %and3A_434 = vector.broadcast %and3A_433 : i32 to vector<16xi32>
          %and3A_435 = arith.andi %get3A_425, %and3A_434 : vector<16xi32>
          %swap3A_436 = arith.constant 64 : index
          %swap3A_437 = tpu.vector_load %arg12[%swap3A_436] {strides = array<i32>} : memref<80xi32, #tpu.memory_space<vmem>>, vector<16xi32>,
          %swap3A_438 = vector.shape_cast %swap3A_437 : vector<16xi32> to vector<16xi32>
          %swap3A_439 = vector.shape_cast %and3A_435 : vector<16xi32> to vector<16xi32>
          tpu.vector_store %arg12[%swap3A_436], %swap3A_439 {strides = array<i32>} : memref<80xi32, #tpu.memory_space<vmem>>, vector<16xi32>,
          %dma_start3A_440 = arith.constant 0 : i32
          %dma_start3A_441 = arith.constant 0 : i32
          %dma_start3A_442 = tpu.memref_slice %arg2[%dma_start3A_440, %dma_start3A_441] : memref<10000x128xf32, #tpu.memory_space<hbm>> -> memref<10000x128xf32, #tpu.memory_space<hbm>>
          tpu.enqueue_indirect_dma source(%dma_start3A_442 : memref<10000x128xf32, #tpu.memory_space<hbm>>) target(%arg6 : memref<80x128xf32, #tpu.memory_space<vmem>>) offsets(%arg9 : memref<80xi32, #tpu.memory_space<vmem>>) semaphore(%arg17 : memref<!tpu.dma_semaphore, #tpu.memory_space<semaphore_mem>>)
        } else {
        }
      } else {
      }
      %mul3A_304 = arith.constant 3 : i32
      %mul3A_305 = arith.muli %scan3A_297, %mul3A_304 : i32
      %add3A_306 = arith.constant 1 : i32
      %add3A_307 = arith.addi %mul3A_305, %add3A_306 : i32
      %lt3A_308 = arith.constant 125 : i32
      %lt3A_309 = arith.cmpi slt, %add3A_307, %lt3A_308 : i32
      %convert_element_type3A_310 = arith.extui %lt3A_309 : i1 to i32
      %cond3A_311 = arith.constant 0 : i32
      %cond3A_312 = arith.cmpi ne, %convert_element_type3A_310, %cond3A_311 : i32
      scf.if %cond3A_312 {
        %dma_wait3A_322 = arith.constant 0 : i32
        %dma_wait3A_323 = arith.constant 0 : i32
        %dma_wait3A_324 = tpu.memref_slice %arg2[%dma_wait3A_322, %dma_wait3A_323] : memref<10000x128xf32, #tpu.memory_space<hbm>> -> memref<80x128xf32, #tpu.memory_space<hbm>>
        %dma_wait3A_325 = arith.constant 0 : i32
        %dma_wait3A_326 = arith.constant 0 : i32
        %dma_wait3A_327 = tpu.memref_slice %arg2[%dma_wait3A_325, %dma_wait3A_326] : memref<10000x128xf32, #tpu.memory_space<hbm>> -> memref<80x128xf32, #tpu.memory_space<hbm>>
        tpu.wait_dma2 semaphore(%arg18 : memref<!tpu.dma_semaphore, #tpu.memory_space<semaphore_mem>>) src(%dma_wait3A_327 : memref<80x128xf32, #tpu.memory_space<hbm>>) dst(%arg7 : memref<80x128xf32, #tpu.memory_space<vmem>>)
        "tpu.region"() ({
          %run_scoped3A = tpu.sem_alloc : memref<!tpu.dma_semaphore, #tpu.memory_space<semaphore_mem>>
          %dma_start3A_335 = arith.constant 0 : i32
          %dma_start3A_336 = arith.constant 0 : i32
          %dma_start3A_337 = tpu.memref_slice %arg16[%dma_start3A_335, %dma_start3A_336] : memref<10000x128xf32, #tpu.memory_space<vmem_shared>> -> memref<10000x128xf32, #tpu.memory_space<vmem_shared>>
          tpu.enqueue_indirect_dma source(%arg7 : memref<80x128xf32, #tpu.memory_space<vmem>>) target(%dma_start3A_337 : memref<10000x128xf32, #tpu.memory_space<vmem_shared>>) offsets(%arg13 : memref<80xi32, #tpu.memory_space<vmem>>) semaphore(%run_scoped3A : memref<!tpu.dma_semaphore, #tpu.memory_space<semaphore_mem>>) {add = true}
          %dma_wait3A_338 = arith.constant 0 : i32
          %dma_wait3A_339 = arith.constant 0 : i32
          %dma_wait3A_340 = tpu.memref_slice %arg16[%dma_wait3A_338, %dma_wait3A_339] : memref<10000x128xf32, #tpu.memory_space<vmem_shared>> -> memref<10000x128xf32, #tpu.memory_space<vmem_shared>>
          tpu.wait_indirect_dma semaphore(%run_scoped3A : memref<!tpu.dma_semaphore, #tpu.memory_space<semaphore_mem>>) src(%arg7 : memref<80x128xf32, #tpu.memory_space<vmem>>) dst(%dma_wait3A_340 : memref<10000x128xf32, #tpu.memory_space<vmem_shared>>)
          tpu.yield
        }) : () -> ()
        %add3A_328 = arith.constant 3 : i32
        %add3A_329 = arith.addi %add3A_307, %add3A_328 : i32
        %lt3A_330 = arith.constant 125 : i32
        %lt3A_331 = arith.cmpi slt, %add3A_329, %lt3A_330 : i32
        %convert_element_type3A_332 = arith.extui %lt3A_331 : i1 to i32
        %cond3A_333 = arith.constant 0 : i32
        %cond3A_334 = arith.cmpi ne, %convert_element_type3A_332, %cond3A_333 : i32
        scf.if %cond3A_334 {
          %mul3A_335 = arith.constant 80 : i32
          %mul3A_336 = arith.muli %add3A_329, %mul3A_335 : i32
          %add3A_337 = arith.constant 0 : i32
          %add3A_338 = arith.addi %mul3A_336, %add3A_337 : i32
          %get3A_339 = arith.index_cast %add3A_338 : i32 to index
          %get3A_340 = tpu.vector_load %arg5[%get3A_339] {strides = array<i32>} : memref<10000xi32, #tpu.memory_space<vmem>>, vector<16xi32>,
          %get3A_341 = vector.shape_cast %get3A_340 : vector<16xi32> to vector<16xi32>
          %shift_right_logical3A_342 = arith.constant 14 : i32
          %shift_right_logical3A_343 = vector.broadcast %shift_right_logical3A_342 : i32 to vector<16xi32>
          %shift_right_logical3A_344 = arith.shrui %get3A_341, %shift_right_logical3A_343 : vector<16xi32>
          %swap3A_345 = arith.constant 0 : index
          %swap3A_346 = tpu.vector_load %arg10[%swap3A_345] {strides = array<i32>} : memref<80xi32, #tpu.memory_space<vmem>>, vector<16xi32>,
          %swap3A_347 = vector.shape_cast %swap3A_346 : vector<16xi32> to vector<16xi32>
          %swap3A_348 = vector.shape_cast %shift_right_logical3A_344 : vector<16xi32> to vector<16xi32>
          tpu.vector_store %arg10[%swap3A_345], %swap3A_348 {strides = array<i32>} : memref<80xi32, #tpu.memory_space<vmem>>, vector<16xi32>,
          %and3A_349 = arith.constant 16383 : i32
          %and3A_350 = vector.broadcast %and3A_349 : i32 to vector<16xi32>
          %and3A_351 = arith.andi %get3A_341, %and3A_350 : vector<16xi32>
          %swap3A_352 = arith.constant 0 : index
          %swap3A_353 = tpu.vector_load %arg13[%swap3A_352] {strides = array<i32>} : memref<80xi32, #tpu.memory_space<vmem>>, vector<16xi32>,
          %swap3A_354 = vector.shape_cast %swap3A_353 : vector<16xi32> to vector<16xi32>
          %swap3A_355 = vector.shape_cast %and3A_351 : vector<16xi32> to vector<16xi32>
          tpu.vector_store %arg13[%swap3A_352], %swap3A_355 {strides = array<i32>} : memref<80xi32, #tpu.memory_space<vmem>>, vector<16xi32>,
          %mul3A_356 = arith.constant 80 : i32
          %mul3A_357 = arith.muli %add3A_329, %mul3A_356 : i32
          %add3A_358 = arith.constant 16 : i32
          %add3A_359 = arith.addi %mul3A_357, %add3A_358 : i32
          %get3A_360 = arith.index_cast %add3A_359 : i32 to index
          %get3A_361 = tpu.vector_load %arg5[%get3A_360] {strides = array<i32>} : memref<10000xi32, #tpu.memory_space<vmem>>, vector<16xi32>,
          %get3A_362 = vector.shape_cast %get3A_361 : vector<16xi32> to vector<16xi32>
          %shift_right_logical3A_363 = arith.constant 14 : i32
          %shift_right_logical3A_364 = vector.broadcast %shift_right_logical3A_363 : i32 to vector<16xi32>
          %shift_right_logical3A_365 = arith.shrui %get3A_362, %shift_right_logical3A_364 : vector<16xi32>
          %swap3A_366 = arith.constant 16 : index
          %swap3A_367 = tpu.vector_load %arg10[%swap3A_366] {strides = array<i32>} : memref<80xi32, #tpu.memory_space<vmem>>, vector<16xi32>,
          %swap3A_368 = vector.shape_cast %swap3A_367 : vector<16xi32> to vector<16xi32>
          %swap3A_369 = vector.shape_cast %shift_right_logical3A_365 : vector<16xi32> to vector<16xi32>
          tpu.vector_store %arg10[%swap3A_366], %swap3A_369 {strides = array<i32>} : memref<80xi32, #tpu.memory_space<vmem>>, vector<16xi32>,
          %and3A_370 = arith.constant 16383 : i32
          %and3A_371 = vector.broadcast %and3A_370 : i32 to vector<16xi32>
          %and3A_372 = arith.andi %get3A_362, %and3A_371 : vector<16xi32>
          %swap3A_373 = arith.constant 16 : index
          %swap3A_374 = tpu.vector_load %arg13[%swap3A_373] {strides = array<i32>} : memref<80xi32, #tpu.memory_space<vmem>>, vector<16xi32>,
          %swap3A_375 = vector.shape_cast %swap3A_374 : vector<16xi32> to vector<16xi32>
          %swap3A_376 = vector.shape_cast %and3A_372 : vector<16xi32> to vector<16xi32>
          tpu.vector_store %arg13[%swap3A_373], %swap3A_376 {strides = array<i32>} : memref<80xi32, #tpu.memory_space<vmem>>, vector<16xi32>,
          %mul3A_377 = arith.constant 80 : i32
          %mul3A_378 = arith.muli %add3A_329, %mul3A_377 : i32
          %add3A_379 = arith.constant 32 : i32
          %add3A_380 = arith.addi %mul3A_378, %add3A_379 : i32
          %get3A_381 = arith.index_cast %add3A_380 : i32 to index
          %get3A_382 = tpu.vector_load %arg5[%get3A_381] {strides = array<i32>} : memref<10000xi32, #tpu.memory_space<vmem>>, vector<16xi32>,
          %get3A_383 = vector.shape_cast %get3A_382 : vector<16xi32> to vector<16xi32>
          %shift_right_logical3A_384 = arith.constant 14 : i32
          %shift_right_logical3A_385 = vector.broadcast %shift_right_logical3A_384 : i32 to vector<16xi32>
          %shift_right_logical3A_386 = arith.shrui %get3A_383, %shift_right_logical3A_385 : vector<16xi32>
          %swap3A_387 = arith.constant 32 : index
          %swap3A_388 = tpu.vector_load %arg10[%swap3A_387] {strides = array<i32>} : memref<80xi32, #tpu.memory_space<vmem>>, vector<16xi32>,
          %swap3A_389 = vector.shape_cast %swap3A_388 : vector<16xi32> to vector<16xi32>
          %swap3A_390 = vector.shape_cast %shift_right_logical3A_386 : vector<16xi32> to vector<16xi32>
          tpu.vector_store %arg10[%swap3A_387], %swap3A_390 {strides = array<i32>} : memref<80xi32, #tpu.memory_space<vmem>>, vector<16xi32>,
          %and3A_391 = arith.constant 16383 : i32
          %and3A_392 = vector.broadcast %and3A_391 : i32 to vector<16xi32>
          %and3A_393 = arith.andi %get3A_383, %and3A_392 : vector<16xi32>
          %swap3A_394 = arith.constant 32 : index
          %swap3A_395 = tpu.vector_load %arg13[%swap3A_394] {strides = array<i32>} : memref<80xi32, #tpu.memory_space<vmem>>, vector<16xi32>,
          %swap3A_396 = vector.shape_cast %swap3A_395 : vector<16xi32> to vector<16xi32>
          %swap3A_397 = vector.shape_cast %and3A_393 : vector<16xi32> to vector<16xi32>
          tpu.vector_store %arg13[%swap3A_394], %swap3A_397 {strides = array<i32>} : memref<80xi32, #tpu.memory_space<vmem>>, vector<16xi32>,
          %mul3A_398 = arith.constant 80 : i32
          %mul3A_399 = arith.muli %add3A_329, %mul3A_398 : i32
          %add3A_400 = arith.constant 48 : i32
          %add3A_401 = arith.addi %mul3A_399, %add3A_400 : i32
          %get3A_402 = arith.index_cast %add3A_401 : i32 to index
          %get3A_403 = tpu.vector_load %arg5[%get3A_402] {strides = array<i32>} : memref<10000xi32, #tpu.memory_space<vmem>>, vector<16xi32>,
          %get3A_404 = vector.shape_cast %get3A_403 : vector<16xi32> to vector<16xi32>
          %shift_right_logical3A_405 = arith.constant 14 : i32
          %shift_right_logical3A_406 = vector.broadcast %shift_right_logical3A_405 : i32 to vector<16xi32>
          %shift_right_logical3A_407 = arith.shrui %get3A_404, %shift_right_logical3A_406 : vector<16xi32>
          %swap3A_408 = arith.constant 48 : index
          %swap3A_409 = tpu.vector_load %arg10[%swap3A_408] {strides = array<i32>} : memref<80xi32, #tpu.memory_space<vmem>>, vector<16xi32>,
          %swap3A_410 = vector.shape_cast %swap3A_409 : vector<16xi32> to vector<16xi32>
          %swap3A_411 = vector.shape_cast %shift_right_logical3A_407 : vector<16xi32> to vector<16xi32>
          tpu.vector_store %arg10[%swap3A_408], %swap3A_411 {strides = array<i32>} : memref<80xi32, #tpu.memory_space<vmem>>, vector<16xi32>,
          %and3A_412 = arith.constant 16383 : i32
          %and3A_413 = vector.broadcast %and3A_412 : i32 to vector<16xi32>
          %and3A_414 = arith.andi %get3A_404, %and3A_413 : vector<16xi32>
          %swap3A_415 = arith.constant 48 : index
          %swap3A_416 = tpu.vector_load %arg13[%swap3A_415] {strides = array<i32>} : memref<80xi32, #tpu.memory_space<vmem>>, vector<16xi32>,
          %swap3A_417 = vector.shape_cast %swap3A_416 : vector<16xi32> to vector<16xi32>
          %swap3A_418 = vector.shape_cast %and3A_414 : vector<16xi32> to vector<16xi32>
          tpu.vector_store %arg13[%swap3A_415], %swap3A_418 {strides = array<i32>} : memref<80xi32, #tpu.memory_space<vmem>>, vector<16xi32>,
          %mul3A_419 = arith.constant 80 : i32
          %mul3A_420 = arith.muli %add3A_329, %mul3A_419 : i32
          %add3A_421 = arith.constant 64 : i32
          %add3A_422 = arith.addi %mul3A_420, %add3A_421 : i32
          %get3A_423 = arith.index_cast %add3A_422 : i32 to index
          %get3A_424 = tpu.vector_load %arg5[%get3A_423] {strides = array<i32>} : memref<10000xi32, #tpu.memory_space<vmem>>, vector<16xi32>,
          %get3A_425 = vector.shape_cast %get3A_424 : vector<16xi32> to vector<16xi32>
          %shift_right_logical3A_426 = arith.constant 14 : i32
          %shift_right_logical3A_427 = vector.broadcast %shift_right_logical3A_426 : i32 to vector<16xi32>
          %shift_right_logical3A_428 = arith.shrui %get3A_425, %shift_right_logical3A_427 : vector<16xi32>
          %swap3A_429 = arith.constant 64 : index
          %swap3A_430 = tpu.vector_load %arg10[%swap3A_429] {strides = array<i32>} : memref<80xi32, #tpu.memory_space<vmem>>, vector<16xi32>,
          %swap3A_431 = vector.shape_cast %swap3A_430 : vector<16xi32> to vector<16xi32>
          %swap3A_432 = vector.shape_cast %shift_right_logical3A_428 : vector<16xi32> to vector<16xi32>
          tpu.vector_store %arg10[%swap3A_429], %swap3A_432 {strides = array<i32>} : memref<80xi32, #tpu.memory_space<vmem>>, vector<16xi32>,
          %and3A_433 = arith.constant 16383 : i32
          %and3A_434 = vector.broadcast %and3A_433 : i32 to vector<16xi32>
          %and3A_435 = arith.andi %get3A_425, %and3A_434 : vector<16xi32>
          %swap3A_436 = arith.constant 64 : index
          %swap3A_437 = tpu.vector_load %arg13[%swap3A_436] {strides = array<i32>} : memref<80xi32, #tpu.memory_space<vmem>>, vector<16xi32>,
          %swap3A_438 = vector.shape_cast %swap3A_437 : vector<16xi32> to vector<16xi32>
          %swap3A_439 = vector.shape_cast %and3A_435 : vector<16xi32> to vector<16xi32>
          tpu.vector_store %arg13[%swap3A_436], %swap3A_439 {strides = array<i32>} : memref<80xi32, #tpu.memory_space<vmem>>, vector<16xi32>,
          %dma_start3A_440 = arith.constant 0 : i32
          %dma_start3A_441 = arith.constant 0 : i32
          %dma_start3A_442 = tpu.memref_slice %arg2[%dma_start3A_440, %dma_start3A_441] : memref<10000x128xf32, #tpu.memory_space<hbm>> -> memref<10000x128xf32, #tpu.memory_space<hbm>>
          tpu.enqueue_indirect_dma source(%dma_start3A_442 : memref<10000x128xf32, #tpu.memory_space<hbm>>) target(%arg7 : memref<80x128xf32, #tpu.memory_space<vmem>>) offsets(%arg10 : memref<80xi32, #tpu.memory_space<vmem>>) semaphore(%arg18 : memref<!tpu.dma_semaphore, #tpu.memory_space<semaphore_mem>>)
        } else {
        }
      } else {
      }
      %mul3A_313 = arith.constant 3 : i32
      %mul3A_314 = arith.muli %scan3A_297, %mul3A_313 : i32
      %add3A_315 = arith.constant 2 : i32
      %add3A_316 = arith.addi %mul3A_314, %add3A_315 : i32
      %lt3A_317 = arith.constant 125 : i32
      %lt3A_318 = arith.cmpi slt, %add3A_316, %lt3A_317 : i32
      %convert_element_type3A_319 = arith.extui %lt3A_318 : i1 to i32
      %cond3A_320 = arith.constant 0 : i32
      %cond3A_321 = arith.cmpi ne, %convert_element_type3A_319, %cond3A_320 : i32
      scf.if %cond3A_321 {
        %dma_wait3A_322 = arith.constant 0 : i32
        %dma_wait3A_323 = arith.constant 0 : i32
        %dma_wait3A_324 = tpu.memref_slice %arg2[%dma_wait3A_322, %dma_wait3A_323] : memref<10000x128xf32, #tpu.memory_space<hbm>> -> memref<80x128xf32, #tpu.memory_space<hbm>>
        %dma_wait3A_325 = arith.constant 0 : i32
        %dma_wait3A_326 = arith.constant 0 : i32
        %dma_wait3A_327 = tpu.memref_slice %arg2[%dma_wait3A_325, %dma_wait3A_326] : memref<10000x128xf32, #tpu.memory_space<hbm>> -> memref<80x128xf32, #tpu.memory_space<hbm>>
        tpu.wait_dma2 semaphore(%arg19 : memref<!tpu.dma_semaphore, #tpu.memory_space<semaphore_mem>>) src(%dma_wait3A_327 : memref<80x128xf32, #tpu.memory_space<hbm>>) dst(%arg8 : memref<80x128xf32, #tpu.memory_space<vmem>>)
        "tpu.region"() ({
          %run_scoped3A = tpu.sem_alloc : memref<!tpu.dma_semaphore, #tpu.memory_space<semaphore_mem>>
          %dma_start3A_335 = arith.constant 0 : i32
          %dma_start3A_336 = arith.constant 0 : i32
          %dma_start3A_337 = tpu.memref_slice %arg16[%dma_start3A_335, %dma_start3A_336] : memref<10000x128xf32, #tpu.memory_space<vmem_shared>> -> memref<10000x128xf32, #tpu.memory_space<vmem_shared>>
          tpu.enqueue_indirect_dma source(%arg8 : memref<80x128xf32, #tpu.memory_space<vmem>>) target(%dma_start3A_337 : memref<10000x128xf32, #tpu.memory_space<vmem_shared>>) offsets(%arg14 : memref<80xi32, #tpu.memory_space<vmem>>) semaphore(%run_scoped3A : memref<!tpu.dma_semaphore, #tpu.memory_space<semaphore_mem>>) {add = true}
          %dma_wait3A_338 = arith.constant 0 : i32
          %dma_wait3A_339 = arith.constant 0 : i32
          %dma_wait3A_340 = tpu.memref_slice %arg16[%dma_wait3A_338, %dma_wait3A_339] : memref<10000x128xf32, #tpu.memory_space<vmem_shared>> -> memref<10000x128xf32, #tpu.memory_space<vmem_shared>>
          tpu.wait_indirect_dma semaphore(%run_scoped3A : memref<!tpu.dma_semaphore, #tpu.memory_space<semaphore_mem>>) src(%arg8 : memref<80x128xf32, #tpu.memory_space<vmem>>) dst(%dma_wait3A_340 : memref<10000x128xf32, #tpu.memory_space<vmem_shared>>)
          tpu.yield
        }) : () -> ()
        %add3A_328 = arith.constant 3 : i32
        %add3A_329 = arith.addi %add3A_316, %add3A_328 : i32
        %lt3A_330 = arith.constant 125 : i32
        %lt3A_331 = arith.cmpi slt, %add3A_329, %lt3A_330 : i32
        %convert_element_type3A_332 = arith.extui %lt3A_331 : i1 to i32
        %cond3A_333 = arith.constant 0 : i32
        %cond3A_334 = arith.cmpi ne, %convert_element_type3A_332, %cond3A_333 : i32
        scf.if %cond3A_334 {
          %mul3A_335 = arith.constant 80 : i32
          %mul3A_336 = arith.muli %add3A_329, %mul3A_335 : i32
          %add3A_337 = arith.constant 0 : i32
          %add3A_338 = arith.addi %mul3A_336, %add3A_337 : i32
          %get3A_339 = arith.index_cast %add3A_338 : i32 to index
          %get3A_340 = tpu.vector_load %arg5[%get3A_339] {strides = array<i32>} : memref<10000xi32, #tpu.memory_space<vmem>>, vector<16xi32>,
          %get3A_341 = vector.shape_cast %get3A_340 : vector<16xi32> to vector<16xi32>
          %shift_right_logical3A_342 = arith.constant 14 : i32
          %shift_right_logical3A_343 = vector.broadcast %shift_right_logical3A_342 : i32 to vector<16xi32>
          %shift_right_logical3A_344 = arith.shrui %get3A_341, %shift_right_logical3A_343 : vector<16xi32>
          %swap3A_345 = arith.constant 0 : index
          %swap3A_346 = tpu.vector_load %arg11[%swap3A_345] {strides = array<i32>} : memref<80xi32, #tpu.memory_space<vmem>>, vector<16xi32>,
          %swap3A_347 = vector.shape_cast %swap3A_346 : vector<16xi32> to vector<16xi32>
          %swap3A_348 = vector.shape_cast %shift_right_logical3A_344 : vector<16xi32> to vector<16xi32>
          tpu.vector_store %arg11[%swap3A_345], %swap3A_348 {strides = array<i32>} : memref<80xi32, #tpu.memory_space<vmem>>, vector<16xi32>,
          %and3A_349 = arith.constant 16383 : i32
          %and3A_350 = vector.broadcast %and3A_349 : i32 to vector<16xi32>
          %and3A_351 = arith.andi %get3A_341, %and3A_350 : vector<16xi32>
          %swap3A_352 = arith.constant 0 : index
          %swap3A_353 = tpu.vector_load %arg14[%swap3A_352] {strides = array<i32>} : memref<80xi32, #tpu.memory_space<vmem>>, vector<16xi32>,
          %swap3A_354 = vector.shape_cast %swap3A_353 : vector<16xi32> to vector<16xi32>
          %swap3A_355 = vector.shape_cast %and3A_351 : vector<16xi32> to vector<16xi32>
          tpu.vector_store %arg14[%swap3A_352], %swap3A_355 {strides = array<i32>} : memref<80xi32, #tpu.memory_space<vmem>>, vector<16xi32>,
          %mul3A_356 = arith.constant 80 : i32
          %mul3A_357 = arith.muli %add3A_329, %mul3A_356 : i32
          %add3A_358 = arith.constant 16 : i32
          %add3A_359 = arith.addi %mul3A_357, %add3A_358 : i32
          %get3A_360 = arith.index_cast %add3A_359 : i32 to index
          %get3A_361 = tpu.vector_load %arg5[%get3A_360] {strides = array<i32>} : memref<10000xi32, #tpu.memory_space<vmem>>, vector<16xi32>,
          %get3A_362 = vector.shape_cast %get3A_361 : vector<16xi32> to vector<16xi32>
          %shift_right_logical3A_363 = arith.constant 14 : i32
          %shift_right_logical3A_364 = vector.broadcast %shift_right_logical3A_363 : i32 to vector<16xi32>
          %shift_right_logical3A_365 = arith.shrui %get3A_362, %shift_right_logical3A_364 : vector<16xi32>
          %swap3A_366 = arith.constant 16 : index
          %swap3A_367 = tpu.vector_load %arg11[%swap3A_366] {strides = array<i32>} : memref<80xi32, #tpu.memory_space<vmem>>, vector<16xi32>,
          %swap3A_368 = vector.shape_cast %swap3A_367 : vector<16xi32> to vector<16xi32>
          %swap3A_369 = vector.shape_cast %shift_right_logical3A_365 : vector<16xi32> to vector<16xi32>
          tpu.vector_store %arg11[%swap3A_366], %swap3A_369 {strides = array<i32>} : memref<80xi32, #tpu.memory_space<vmem>>, vector<16xi32>,
          %and3A_370 = arith.constant 16383 : i32
          %and3A_371 = vector.broadcast %and3A_370 : i32 to vector<16xi32>
          %and3A_372 = arith.andi %get3A_362, %and3A_371 : vector<16xi32>
          %swap3A_373 = arith.constant 16 : index
          %swap3A_374 = tpu.vector_load %arg14[%swap3A_373] {strides = array<i32>} : memref<80xi32, #tpu.memory_space<vmem>>, vector<16xi32>,
          %swap3A_375 = vector.shape_cast %swap3A_374 : vector<16xi32> to vector<16xi32>
          %swap3A_376 = vector.shape_cast %and3A_372 : vector<16xi32> to vector<16xi32>
          tpu.vector_store %arg14[%swap3A_373], %swap3A_376 {strides = array<i32>} : memref<80xi32, #tpu.memory_space<vmem>>, vector<16xi32>,
          %mul3A_377 = arith.constant 80 : i32
          %mul3A_378 = arith.muli %add3A_329, %mul3A_377 : i32
          %add3A_379 = arith.constant 32 : i32
          %add3A_380 = arith.addi %mul3A_378, %add3A_379 : i32
          %get3A_381 = arith.index_cast %add3A_380 : i32 to index
          %get3A_382 = tpu.vector_load %arg5[%get3A_381] {strides = array<i32>} : memref<10000xi32, #tpu.memory_space<vmem>>, vector<16xi32>,
          %get3A_383 = vector.shape_cast %get3A_382 : vector<16xi32> to vector<16xi32>
          %shift_right_logical3A_384 = arith.constant 14 : i32
          %shift_right_logical3A_385 = vector.broadcast %shift_right_logical3A_384 : i32 to vector<16xi32>
          %shift_right_logical3A_386 = arith.shrui %get3A_383, %shift_right_logical3A_385 : vector<16xi32>
          %swap3A_387 = arith.constant 32 : index
          %swap3A_388 = tpu.vector_load %arg11[%swap3A_387] {strides = array<i32>} : memref<80xi32, #tpu.memory_space<vmem>>, vector<16xi32>,
          %swap3A_389 = vector.shape_cast %swap3A_388 : vector<16xi32> to vector<16xi32>
          %swap3A_390 = vector.shape_cast %shift_right_logical3A_386 : vector<16xi32> to vector<16xi32>
          tpu.vector_store %arg11[%swap3A_387], %swap3A_390 {strides = array<i32>} : memref<80xi32, #tpu.memory_space<vmem>>, vector<16xi32>,
          %and3A_391 = arith.constant 16383 : i32
          %and3A_392 = vector.broadcast %and3A_391 : i32 to vector<16xi32>
          %and3A_393 = arith.andi %get3A_383, %and3A_392 : vector<16xi32>
          %swap3A_394 = arith.constant 32 : index
          %swap3A_395 = tpu.vector_load %arg14[%swap3A_394] {strides = array<i32>} : memref<80xi32, #tpu.memory_space<vmem>>, vector<16xi32>,
          %swap3A_396 = vector.shape_cast %swap3A_395 : vector<16xi32> to vector<16xi32>
          %swap3A_397 = vector.shape_cast %and3A_393 : vector<16xi32> to vector<16xi32>
          tpu.vector_store %arg14[%swap3A_394], %swap3A_397 {strides = array<i32>} : memref<80xi32, #tpu.memory_space<vmem>>, vector<16xi32>,
          %mul3A_398 = arith.constant 80 : i32
          %mul3A_399 = arith.muli %add3A_329, %mul3A_398 : i32
          %add3A_400 = arith.constant 48 : i32
          %add3A_401 = arith.addi %mul3A_399, %add3A_400 : i32
          %get3A_402 = arith.index_cast %add3A_401 : i32 to index
          %get3A_403 = tpu.vector_load %arg5[%get3A_402] {strides = array<i32>} : memref<10000xi32, #tpu.memory_space<vmem>>, vector<16xi32>,
          %get3A_404 = vector.shape_cast %get3A_403 : vector<16xi32> to vector<16xi32>
          %shift_right_logical3A_405 = arith.constant 14 : i32
          %shift_right_logical3A_406 = vector.broadcast %shift_right_logical3A_405 : i32 to vector<16xi32>
          %shift_right_logical3A_407 = arith.shrui %get3A_404, %shift_right_logical3A_406 : vector<16xi32>
          %swap3A_408 = arith.constant 48 : index
          %swap3A_409 = tpu.vector_load %arg11[%swap3A_408] {strides = array<i32>} : memref<80xi32, #tpu.memory_space<vmem>>, vector<16xi32>,
          %swap3A_410 = vector.shape_cast %swap3A_409 : vector<16xi32> to vector<16xi32>
          %swap3A_411 = vector.shape_cast %shift_right_logical3A_407 : vector<16xi32> to vector<16xi32>
          tpu.vector_store %arg11[%swap3A_408], %swap3A_411 {strides = array<i32>} : memref<80xi32, #tpu.memory_space<vmem>>, vector<16xi32>,
          %and3A_412 = arith.constant 16383 : i32
          %and3A_413 = vector.broadcast %and3A_412 : i32 to vector<16xi32>
          %and3A_414 = arith.andi %get3A_404, %and3A_413 : vector<16xi32>
          %swap3A_415 = arith.constant 48 : index
          %swap3A_416 = tpu.vector_load %arg14[%swap3A_415] {strides = array<i32>} : memref<80xi32, #tpu.memory_space<vmem>>, vector<16xi32>,
          %swap3A_417 = vector.shape_cast %swap3A_416 : vector<16xi32> to vector<16xi32>
          %swap3A_418 = vector.shape_cast %and3A_414 : vector<16xi32> to vector<16xi32>
          tpu.vector_store %arg14[%swap3A_415], %swap3A_418 {strides = array<i32>} : memref<80xi32, #tpu.memory_space<vmem>>, vector<16xi32>,
          %mul3A_419 = arith.constant 80 : i32
          %mul3A_420 = arith.muli %add3A_329, %mul3A_419 : i32
          %add3A_421 = arith.constant 64 : i32
          %add3A_422 = arith.addi %mul3A_420, %add3A_421 : i32
          %get3A_423 = arith.index_cast %add3A_422 : i32 to index
          %get3A_424 = tpu.vector_load %arg5[%get3A_423] {strides = array<i32>} : memref<10000xi32, #tpu.memory_space<vmem>>, vector<16xi32>,
          %get3A_425 = vector.shape_cast %get3A_424 : vector<16xi32> to vector<16xi32>
          %shift_right_logical3A_426 = arith.constant 14 : i32
          %shift_right_logical3A_427 = vector.broadcast %shift_right_logical3A_426 : i32 to vector<16xi32>
          %shift_right_logical3A_428 = arith.shrui %get3A_425, %shift_right_logical3A_427 : vector<16xi32>
          %swap3A_429 = arith.constant 64 : index
          %swap3A_430 = tpu.vector_load %arg11[%swap3A_429] {strides = array<i32>} : memref<80xi32, #tpu.memory_space<vmem>>, vector<16xi32>,
          %swap3A_431 = vector.shape_cast %swap3A_430 : vector<16xi32> to vector<16xi32>
          %swap3A_432 = vector.shape_cast %shift_right_logical3A_428 : vector<16xi32> to vector<16xi32>
          tpu.vector_store %arg11[%swap3A_429], %swap3A_432 {strides = array<i32>} : memref<80xi32, #tpu.memory_space<vmem>>, vector<16xi32>,
          %and3A_433 = arith.constant 16383 : i32
          %and3A_434 = vector.broadcast %and3A_433 : i32 to vector<16xi32>
          %and3A_435 = arith.andi %get3A_425, %and3A_434 : vector<16xi32>
          %swap3A_436 = arith.constant 64 : index
          %swap3A_437 = tpu.vector_load %arg14[%swap3A_436] {strides = array<i32>} : memref<80xi32, #tpu.memory_space<vmem>>, vector<16xi32>,
          %swap3A_438 = vector.shape_cast %swap3A_437 : vector<16xi32> to vector<16xi32>
          %swap3A_439 = vector.shape_cast %and3A_435 : vector<16xi32> to vector<16xi32>
          tpu.vector_store %arg14[%swap3A_436], %swap3A_439 {strides = array<i32>} : memref<80xi32, #tpu.memory_space<vmem>>, vector<16xi32>,
          %dma_start3A_440 = arith.constant 0 : i32
          %dma_start3A_441 = arith.constant 0 : i32
          %dma_start3A_442 = tpu.memref_slice %arg2[%dma_start3A_440, %dma_start3A_441] : memref<10000x128xf32, #tpu.memory_space<hbm>> -> memref<10000x128xf32, #tpu.memory_space<hbm>>
          tpu.enqueue_indirect_dma source(%dma_start3A_442 : memref<10000x128xf32, #tpu.memory_space<hbm>>) target(%arg8 : memref<80x128xf32, #tpu.memory_space<vmem>>) offsets(%arg11 : memref<80xi32, #tpu.memory_space<vmem>>) semaphore(%arg19 : memref<!tpu.dma_semaphore, #tpu.memory_space<semaphore_mem>>)
        } else {
        }
      } else {
      }
    }
    %scan3A_289 = arith.constant 42 : i32
    %barrier3A_290 = arith.constant 0 : index
    tpu.barrier barrier_id(%barrier3A_290)
    %scan3A_291 = arith.constant 0 : i32
    %scan3A_292 = arith.constant 0 : i32
    %scan3A_293 = arith.constant 2 : i32
    %scan3A_294 = arith.addi %scan3A_292, %scan3A_293 : i32
    %scan3A_295 = arith.constant 1 : i32
    scf.for %scan3A_297 = %scan3A_292 to %scan3A_294 step %scan3A_295  : i32 {
      %mul3A_298 = arith.constant 16 : i32
      %mul3A_299 = arith.muli %mul3A_298, %scan3A_297 : i32
      %add3A_300 = arith.addi %arg1, %mul3A_299 : i32
      %lt3A = arith.constant 25 : i32
      %lt3A_301 = arith.cmpi slt, %add3A_300, %lt3A : i32
      %convert_element_type3A = arith.extui %lt3A_301 : i1 to i32
      %cond3A = arith.constant 0 : i32
      %cond3A_302 = arith.cmpi ne, %convert_element_type3A, %cond3A : i32
      scf.if %cond3A_302 {
        %mul3A_303 = arith.constant 400 : i32
        %mul3A_304 = arith.muli %add3A_300, %mul3A_303 : i32
        %multiple_of3A = tpu.assume_multiple %mul3A_304, 8 : i32
        "tpu.region"() ({
          %run_scoped3A = tpu.sem_alloc : memref<!tpu.dma_semaphore, #tpu.memory_space<semaphore_mem>>
          %dma_start3A_305 = arith.constant 0 : i32
          %dma_start3A_306 = tpu.memref_slice %arg4[%arg0, %multiple_of3A, %dma_start3A_305] : memref<2x10000x128xf32, #tpu.memory_space<hbm>> -> memref<1x400x128xf32, #tpu.memory_space<hbm>>
          %dma_start3A_307 = tpu.memref_squeeze %dma_start3A_306 : memref<1x400x128xf32, #tpu.memory_space<hbm>> -> memref<400x128xf32, #tpu.memory_space<hbm>>
          %dma_start3A_308 = arith.constant 0 : i32
          %dma_start3A_309 = tpu.memref_slice %arg16[%multiple_of3A, %dma_start3A_308] : memref<10000x128xf32, #tpu.memory_space<vmem_shared>> -> memref<400x128xf32, #tpu.memory_space<vmem_shared>>
          tpu.enqueue_dma source(%dma_start3A_309 : memref<400x128xf32, #tpu.memory_space<vmem_shared>>) target(%dma_start3A_307 : memref<400x128xf32, #tpu.memory_space<hbm>>) target_semaphore(%run_scoped3A : memref<!tpu.dma_semaphore, #tpu.memory_space<semaphore_mem>>)
          %dma_wait3A_310 = arith.constant 0 : i32
          %dma_wait3A_311 = tpu.memref_slice %arg4[%arg0, %multiple_of3A, %dma_wait3A_310] : memref<2x10000x128xf32, #tpu.memory_space<hbm>> -> memref<1x400x128xf32, #tpu.memory_space<hbm>>
          %dma_wait3A_312 = tpu.memref_squeeze %dma_wait3A_311 : memref<1x400x128xf32, #tpu.memory_space<hbm>> -> memref<400x128xf32, #tpu.memory_space<hbm>>
          %dma_wait3A_313 = arith.constant 0 : i32
          %dma_wait3A_314 = tpu.memref_slice %arg16[%multiple_of3A, %dma_wait3A_313] : memref<10000x128xf32, #tpu.memory_space<vmem_shared>> -> memref<400x128xf32, #tpu.memory_space<vmem_shared>>
          tpu.wait_dma2 semaphore(%run_scoped3A : memref<!tpu.dma_semaphore, #tpu.memory_space<semaphore_mem>>) src(%dma_wait3A_314 : memref<400x128xf32, #tpu.memory_space<vmem_shared>>) dst(%dma_wait3A_312 : memref<400x128xf32, #tpu.memory_space<hbm>>)
          tpu.yield
        }) : () -> ()
      } else {
      }
    }
    %scan3A_296 = arith.constant 2 : i32
    return
  }
}

module attributes {stable_mosaic.version = 14 : i64} {
  func.func @_mlp_body(%arg0: i32, %arg1: memref<2000x128xf32, #tpu.memory_space<vmem>>, %arg2: memref<1x2000x128xf32, #tpu.memory_space<vmem>>, %arg3: memref<1x2000x128xf32, #tpu.memory_space<vmem>>, %arg4: memref<1x1xf32, #tpu.memory_space<vmem>>, %arg5: memref<128x128xf32, #tpu.memory_space<vmem>>, %arg6: memref<1x128xf32, #tpu.memory_space<vmem>>, %arg7: memref<1x128xf32, #tpu.memory_space<vmem>>, %arg8: memref<1x128xf32, #tpu.memory_space<vmem>>, %arg9: memref<128x128xf32, #tpu.memory_space<vmem>>, %arg10: memref<1x128xf32, #tpu.memory_space<vmem>>, %arg11: memref<1x128xf32, #tpu.memory_space<vmem>>, %arg12: memref<1x128xf32, #tpu.memory_space<vmem>>, %arg13: memref<2000x128xf32, #tpu.memory_space<vmem>>, %arg14: memref<1x1x128xf32, #tpu.memory_space<vmem>>) attributes {dimension_semantics = [#tpu.dimension_semantics<arbitrary>], iteration_bounds = array<i64: 5>, scalar_prefetch = 0 : i64, scratch_operands = 0 : i64, tpu.core_type = #tpu.core_type<tc>, window_params = [{transform_indices = @transform_0, window_bounds = array<i64: 2000, 128>}, {transform_indices = @transform_1, window_bounds = array<i64: 1, 2000, 128>}, {transform_indices = @transform_2, window_bounds = array<i64: 1, 2000, 128>}, {pipeline_mode = #tpu.pipeline_mode<synchronous>, transform_indices = @transform_3, window_bounds = array<i64: 1, 1>}, {pipeline_mode = #tpu.pipeline_mode<synchronous>, transform_indices = @transform_4, window_bounds = array<i64: 128, 128>}, {pipeline_mode = #tpu.pipeline_mode<synchronous>, transform_indices = @transform_5, window_bounds = array<i64: 1, 128>}, {pipeline_mode = #tpu.pipeline_mode<synchronous>, transform_indices = @transform_6, window_bounds = array<i64: 1, 128>}, {pipeline_mode = #tpu.pipeline_mode<synchronous>, transform_indices = @transform_7, window_bounds = array<i64: 1, 128>}, {pipeline_mode = #tpu.pipeline_mode<synchronous>, transform_indices = @transform_8, window_bounds = array<i64: 128, 128>}, {pipeline_mode = #tpu.pipeline_mode<synchronous>, transform_indices = @transform_9, window_bounds = array<i64: 1, 128>}, {pipeline_mode = #tpu.pipeline_mode<synchronous>, transform_indices = @transform_10, window_bounds = array<i64: 1, 128>}, {pipeline_mode = #tpu.pipeline_mode<synchronous>, transform_indices = @transform_11, window_bounds = array<i64: 1, 128>}, {transform_indices = @transform_12, window_bounds = array<i64: 2000, 128>}, {transform_indices = @transform_13, window_bounds = array<i64: 1, 1, 128>}]} {
    %get3A = arith.constant 0 : index
    %get3A_0 = arith.constant 0 : index
    %get3A_1 = vector.load %arg4[%get3A, %get3A_0] : memref<1x1xf32, #tpu.memory_space<vmem>>, vector<1x1xf32>
    %get3A_2 = vector.extract %get3A_1[0, 0] : f32 from vector<1x1xf32>
    %get3A_3 = arith.constant 0 : index
    %get3A_4 = arith.constant 0 : index
    %get3A_5 = vector.load %arg1[%get3A_3, %get3A_4] : memref<2000x128xf32, #tpu.memory_space<vmem>>, vector<2000x128xf32>
    %mul3A = vector.broadcast %get3A_2 : f32 to vector<2000x128xf32>
    %mul3A_6 = arith.mulf %mul3A, %get3A_5 : vector<2000x128xf32>
    %get3A_7 = arith.constant 0 : index
    %get3A_8 = arith.constant 0 : index
    %get3A_9 = arith.constant 0 : index
    %get3A_10 = vector.load %arg2[%get3A_7, %get3A_8, %get3A_9] : memref<1x2000x128xf32, #tpu.memory_space<vmem>>, vector<1x2000x128xf32>
    %get3A_11 = vector.shape_cast %get3A_10 : vector<1x2000x128xf32> to vector<2000x128xf32>
    %add3A = arith.addf %mul3A_6, %get3A_11 : vector<2000x128xf32>
    %get3A_12 = arith.constant 0 : index
    %get3A_13 = arith.constant 0 : index
    %get3A_14 = arith.constant 0 : index
    %get3A_15 = vector.load %arg3[%get3A_12, %get3A_13, %get3A_14] : memref<1x2000x128xf32, #tpu.memory_space<vmem>>, vector<1x2000x128xf32>
    %get3A_16 = vector.shape_cast %get3A_15 : vector<1x2000x128xf32> to vector<2000x128xf32>
    %add3A_17 = arith.addf %add3A, %get3A_16 : vector<2000x128xf32>
    %get3A_18 = arith.constant 0 : index
    %get3A_19 = arith.constant 0 : index
    %get3A_20 = vector.load %arg5[%get3A_18, %get3A_19] : memref<128x128xf32, #tpu.memory_space<vmem>>, vector<128x128xf32>
    %dot_general3A = arith.constant dense<0.000000e+00> : vector<2000x128xf32>
    %dot_general3A_21 = tpu.matmul %add3A_17, %get3A_20, %dot_general3A {dimension_numbers = #tpu.dot_dimension_numbers<[1], [0], [0], [1], [0, 0, 1, 1], [], []>, transpose_lhs_hint = false} : vector<2000x128xf32>, vector<128x128xf32>, vector<2000x128xf32> -> vector<2000x128xf32>
    %get3A_22 = arith.constant 0 : index
    %get3A_23 = arith.constant 0 : index
    %get3A_24 = vector.load %arg6[%get3A_22, %get3A_23] : memref<1x128xf32, #tpu.memory_space<vmem>>, vector<1x128xf32>
    %add3A_25 = vector.broadcast %get3A_24 : vector<1x128xf32> to vector<2000x128xf32>
    %add3A_26 = arith.addf %dot_general3A_21, %add3A_25 : vector<2000x128xf32>
    %get3A_27 = arith.constant 0 : index
    %get3A_28 = arith.constant 0 : index
    %get3A_29 = vector.load %arg7[%get3A_27, %get3A_28] : memref<1x128xf32, #tpu.memory_space<vmem>>, vector<1x128xf32>
    %get3A_30 = arith.constant 0 : index
    %get3A_31 = arith.constant 0 : index
    %get3A_32 = vector.load %arg8[%get3A_30, %get3A_31] : memref<1x128xf32, #tpu.memory_space<vmem>>, vector<1x128xf32>
    %reduce_sum3A = arith.constant dense<0.000000e+00> : vector<2000xf32>
    %reduce_sum3A_33 = vector.multi_reduction <add>, %add3A_26, %reduce_sum3A [1] : vector<2000x128xf32> to vector<2000xf32>
    %broadcast_in_dim3A = vector.shape_cast %reduce_sum3A_33 : vector<2000xf32> to vector<2000x1xf32>
    %div3A = arith.constant 1.280000e+02 : f32
    %div3A_34 = vector.broadcast %div3A : f32 to vector<2000x1xf32>
    %div3A_35 = arith.divf %broadcast_in_dim3A, %div3A_34 : vector<2000x1xf32>
    %jit3A = arith.constant 0 : i32
    %reduce_sum3A_36 = arith.constant dense<0.000000e+00> : vector<2000xf32>
    %reduce_sum3A_37 = vector.multi_reduction <add>, %add3A_26, %reduce_sum3A_36 [1] : vector<2000x128xf32> to vector<2000xf32>
    %broadcast_in_dim3A_38 = vector.shape_cast %reduce_sum3A_37 : vector<2000xf32> to vector<2000x1xf32>
    %div3A_39 = arith.constant 1.280000e+02 : f32
    %div3A_40 = vector.broadcast %div3A_39 : f32 to vector<2000x1xf32>
    %div3A_41 = arith.divf %broadcast_in_dim3A_38, %div3A_40 : vector<2000x1xf32>
    %sub3A = vector.broadcast %div3A_41 : vector<2000x1xf32> to vector<2000x128xf32>
    %sub3A_42 = arith.subf %add3A_26, %sub3A : vector<2000x128xf32>
    %square3A = arith.mulf %sub3A_42, %sub3A_42 : vector<2000x128xf32>
    %convert_element_type3A = arith.sitofp %jit3A : i32 to f32
    %sub3A_43 = arith.constant 1.280000e+02 : f32
    %sub3A_44 = arith.subf %sub3A_43, %convert_element_type3A : f32
    %reduce_sum3A_45 = arith.constant dense<0.000000e+00> : vector<2000xf32>
    %reduce_sum3A_46 = vector.multi_reduction <add>, %square3A, %reduce_sum3A_45 [1] : vector<2000x128xf32> to vector<2000xf32>
    %broadcast_in_dim3A_47 = vector.shape_cast %reduce_sum3A_46 : vector<2000xf32> to vector<2000x1xf32>
    %div3A_48 = vector.broadcast %sub3A_44 : f32 to vector<2000x1xf32>
    %div3A_49 = arith.divf %broadcast_in_dim3A_47, %div3A_48 : vector<2000x1xf32>
    %gt3A = arith.constant 0.000000e+00 : f32
    %gt3A_50 = arith.cmpf ogt, %sub3A_44, %gt3A : f32
    %jit3A_51 = arith.constant 0x7FC00000 : f32
    %broadcast_in_dim3A_52 = vector.broadcast %jit3A_51 : f32 to vector<2000x1xf32>
    %select_n3A = arith.select %gt3A_50, %div3A_49, %broadcast_in_dim3A_52 : vector<2000x1xf32>
    %sub3A_53 = vector.broadcast %div3A_35 : vector<2000x1xf32> to vector<2000x128xf32>
    %sub3A_54 = arith.subf %add3A_26, %sub3A_53 : vector<2000x128xf32>
    %add3A_55 = arith.constant 9.99999974E-6 : f32
    %add3A_56 = vector.broadcast %add3A_55 : f32 to vector<2000x1xf32>
    %add3A_57 = arith.addf %select_n3A, %add3A_56 : vector<2000x1xf32>
    %sqrt3A = math.sqrt %add3A_57 : vector<2000x1xf32>
    %div3A_58 = vector.broadcast %sqrt3A : vector<2000x1xf32> to vector<2000x128xf32>
    %div3A_59 = arith.divf %sub3A_54, %div3A_58 : vector<2000x128xf32>
    %mul3A_60 = vector.broadcast %get3A_29 : vector<1x128xf32> to vector<2000x128xf32>
    %mul3A_61 = arith.mulf %div3A_59, %mul3A_60 : vector<2000x128xf32>
    %add3A_62 = vector.broadcast %get3A_32 : vector<1x128xf32> to vector<2000x128xf32>
    %add3A_63 = arith.addf %mul3A_61, %add3A_62 : vector<2000x128xf32>
    %max3A = arith.constant 0.000000e+00 : f32
    %max3A_64 = vector.broadcast %max3A : f32 to vector<2000x128xf32>
    %max3A_65 = arith.maximumf %add3A_63, %max3A_64 : vector<2000x128xf32>
    %get3A_66 = arith.constant 0 : index
    %get3A_67 = arith.constant 0 : index
    %get3A_68 = vector.load %arg9[%get3A_66, %get3A_67] : memref<128x128xf32, #tpu.memory_space<vmem>>, vector<128x128xf32>
    %dot_general3A_69 = arith.constant dense<0.000000e+00> : vector<2000x128xf32>
    %dot_general3A_70 = tpu.matmul %max3A_65, %get3A_68, %dot_general3A_69 {dimension_numbers = #tpu.dot_dimension_numbers<[1], [0], [0], [1], [0, 0, 1, 1], [], []>, transpose_lhs_hint = false} : vector<2000x128xf32>, vector<128x128xf32>, vector<2000x128xf32> -> vector<2000x128xf32>
    %get3A_71 = arith.constant 0 : index
    %get3A_72 = arith.constant 0 : index
    %get3A_73 = vector.load %arg10[%get3A_71, %get3A_72] : memref<1x128xf32, #tpu.memory_space<vmem>>, vector<1x128xf32>
    %add3A_74 = vector.broadcast %get3A_73 : vector<1x128xf32> to vector<2000x128xf32>
    %add3A_75 = arith.addf %dot_general3A_70, %add3A_74 : vector<2000x128xf32>
    %get3A_76 = arith.constant 0 : index
    %get3A_77 = arith.constant 0 : index
    %get3A_78 = vector.load %arg11[%get3A_76, %get3A_77] : memref<1x128xf32, #tpu.memory_space<vmem>>, vector<1x128xf32>
    %get3A_79 = arith.constant 0 : index
    %get3A_80 = arith.constant 0 : index
    %get3A_81 = vector.load %arg12[%get3A_79, %get3A_80] : memref<1x128xf32, #tpu.memory_space<vmem>>, vector<1x128xf32>
    %reduce_sum3A_82 = arith.constant dense<0.000000e+00> : vector<2000xf32>
    %reduce_sum3A_83 = vector.multi_reduction <add>, %add3A_75, %reduce_sum3A_82 [1] : vector<2000x128xf32> to vector<2000xf32>
    %broadcast_in_dim3A_84 = vector.shape_cast %reduce_sum3A_83 : vector<2000xf32> to vector<2000x1xf32>
    %div3A_85 = arith.constant 1.280000e+02 : f32
    %div3A_86 = vector.broadcast %div3A_85 : f32 to vector<2000x1xf32>
    %div3A_87 = arith.divf %broadcast_in_dim3A_84, %div3A_86 : vector<2000x1xf32>
    %jit3A_88 = arith.constant 0 : i32
    %reduce_sum3A_89 = arith.constant dense<0.000000e+00> : vector<2000xf32>
    %reduce_sum3A_90 = vector.multi_reduction <add>, %add3A_75, %reduce_sum3A_89 [1] : vector<2000x128xf32> to vector<2000xf32>
    %broadcast_in_dim3A_91 = vector.shape_cast %reduce_sum3A_90 : vector<2000xf32> to vector<2000x1xf32>
    %div3A_92 = arith.constant 1.280000e+02 : f32
    %div3A_93 = vector.broadcast %div3A_92 : f32 to vector<2000x1xf32>
    %div3A_94 = arith.divf %broadcast_in_dim3A_91, %div3A_93 : vector<2000x1xf32>
    %sub3A_95 = vector.broadcast %div3A_94 : vector<2000x1xf32> to vector<2000x128xf32>
    %sub3A_96 = arith.subf %add3A_75, %sub3A_95 : vector<2000x128xf32>
    %square3A_97 = arith.mulf %sub3A_96, %sub3A_96 : vector<2000x128xf32>
    %convert_element_type3A_98 = arith.sitofp %jit3A_88 : i32 to f32
    %sub3A_99 = arith.constant 1.280000e+02 : f32
    %sub3A_100 = arith.subf %sub3A_99, %convert_element_type3A_98 : f32
    %reduce_sum3A_101 = arith.constant dense<0.000000e+00> : vector<2000xf32>
    %reduce_sum3A_102 = vector.multi_reduction <add>, %square3A_97, %reduce_sum3A_101 [1] : vector<2000x128xf32> to vector<2000xf32>
    %broadcast_in_dim3A_103 = vector.shape_cast %reduce_sum3A_102 : vector<2000xf32> to vector<2000x1xf32>
    %div3A_104 = vector.broadcast %sub3A_100 : f32 to vector<2000x1xf32>
    %div3A_105 = arith.divf %broadcast_in_dim3A_103, %div3A_104 : vector<2000x1xf32>
    %gt3A_106 = arith.constant 0.000000e+00 : f32
    %gt3A_107 = arith.cmpf ogt, %sub3A_100, %gt3A_106 : f32
    %jit3A_108 = arith.constant 0x7FC00000 : f32
    %broadcast_in_dim3A_109 = vector.broadcast %jit3A_108 : f32 to vector<2000x1xf32>
    %select_n3A_110 = arith.select %gt3A_107, %div3A_105, %broadcast_in_dim3A_109 : vector<2000x1xf32>
    %sub3A_111 = vector.broadcast %div3A_87 : vector<2000x1xf32> to vector<2000x128xf32>
    %sub3A_112 = arith.subf %add3A_75, %sub3A_111 : vector<2000x128xf32>
    %add3A_113 = arith.constant 9.99999974E-6 : f32
    %add3A_114 = vector.broadcast %add3A_113 : f32 to vector<2000x1xf32>
    %add3A_115 = arith.addf %select_n3A_110, %add3A_114 : vector<2000x1xf32>
    %sqrt3A_116 = math.sqrt %add3A_115 : vector<2000x1xf32>
    %div3A_117 = vector.broadcast %sqrt3A_116 : vector<2000x1xf32> to vector<2000x128xf32>
    %div3A_118 = arith.divf %sub3A_112, %div3A_117 : vector<2000x128xf32>
    %mul3A_119 = vector.broadcast %get3A_78 : vector<1x128xf32> to vector<2000x128xf32>
    %mul3A_120 = arith.mulf %div3A_118, %mul3A_119 : vector<2000x128xf32>
    %add3A_121 = vector.broadcast %get3A_81 : vector<1x128xf32> to vector<2000x128xf32>
    %add3A_122 = arith.addf %mul3A_120, %add3A_121 : vector<2000x128xf32>
    %max3A_123 = arith.constant 0.000000e+00 : f32
    %max3A_124 = vector.broadcast %max3A_123 : f32 to vector<2000x128xf32>
    %max3A_125 = arith.maximumf %add3A_122, %max3A_124 : vector<2000x128xf32>
    %swap3A = arith.constant 0 : index
    %swap3A_126 = arith.constant 0 : index
    %swap3A_127 = vector.load %arg13[%swap3A, %swap3A_126] : memref<2000x128xf32, #tpu.memory_space<vmem>>, vector<2000x128xf32>
    tpu.vector_store %arg13[%swap3A, %swap3A_126], %max3A_125 {strides = array<i32>} : memref<2000x128xf32, #tpu.memory_space<vmem>>, vector<2000x128xf32>,
    %reduce_sum3A_128 = arith.constant dense<0.000000e+00> : vector<128xf32>
    %reduce_sum3A_129 = vector.multi_reduction <add>, %max3A_125, %reduce_sum3A_128 [0] : vector<2000x128xf32> to vector<128xf32>
    %broadcast_in_dim3A_130 = vector.shape_cast %reduce_sum3A_129 : vector<128xf32> to vector<1x128xf32>
    %swap3A_131 = arith.constant 0 : index
    %swap3A_132 = arith.constant 0 : index
    %swap3A_133 = arith.constant 0 : index
    %swap3A_134 = vector.load %arg14[%swap3A_131, %swap3A_132, %swap3A_133] : memref<1x1x128xf32, #tpu.memory_space<vmem>>, vector<1x1x128xf32>
    %swap3A_135 = vector.shape_cast %swap3A_134 : vector<1x1x128xf32> to vector<1x128xf32>
    %swap3A_136 = vector.shape_cast %broadcast_in_dim3A_130 : vector<1x128xf32> to vector<1x1x128xf32>
    tpu.vector_store %arg14[%swap3A_131, %swap3A_132, %swap3A_133], %swap3A_136 {strides = array<i32>} : memref<1x1x128xf32, #tpu.memory_space<vmem>>, vector<1x1x128xf32>,
    return
  }
  func.func @transform_0(%arg0: i32) -> (i32, i32) {
    %c0_i32 = arith.constant 0 : i32
    %c0_i32_0 = arith.constant 0 : i32
    return %arg0, %c0_i32 : i32, i32
  }
  func.func @transform_1(%arg0: i32) -> (i32, i32, i32) {
    %c0_i32 = arith.constant 0 : i32
    %c0_i32_0 = arith.constant 0 : i32
    %c0_i32_1 = arith.constant 0 : i32
    return %c0_i32, %arg0, %c0_i32_0 : i32, i32, i32
  }
  func.func @transform_2(%arg0: i32) -> (i32, i32, i32) {
    %c1_i32 = arith.constant 1 : i32
    %c0_i32 = arith.constant 0 : i32
    %c0_i32_0 = arith.constant 0 : i32
    return %c1_i32, %arg0, %c0_i32 : i32, i32, i32
  }
  func.func @transform_3(%arg0: i32) -> (i32, i32) {
    %c0_i32 = arith.constant 0 : i32
    %c0_i32_0 = arith.constant 0 : i32
    %c0_i32_1 = arith.constant 0 : i32
    return %c0_i32, %c0_i32_0 : i32, i32
  }
  func.func @transform_4(%arg0: i32) -> (i32, i32) {
    %c0_i32 = arith.constant 0 : i32
    %c0_i32_0 = arith.constant 0 : i32
    %c0_i32_1 = arith.constant 0 : i32
    return %c0_i32, %c0_i32_0 : i32, i32
  }
  func.func @transform_5(%arg0: i32) -> (i32, i32) {
    %c0_i32 = arith.constant 0 : i32
    %c0_i32_0 = arith.constant 0 : i32
    %c0_i32_1 = arith.constant 0 : i32
    return %c0_i32, %c0_i32_0 : i32, i32
  }
  func.func @transform_6(%arg0: i32) -> (i32, i32) {
    %c0_i32 = arith.constant 0 : i32
    %c0_i32_0 = arith.constant 0 : i32
    %c0_i32_1 = arith.constant 0 : i32
    return %c0_i32, %c0_i32_0 : i32, i32
  }
  func.func @transform_7(%arg0: i32) -> (i32, i32) {
    %c0_i32 = arith.constant 0 : i32
    %c0_i32_0 = arith.constant 0 : i32
    %c0_i32_1 = arith.constant 0 : i32
    return %c0_i32, %c0_i32_0 : i32, i32
  }
  func.func @transform_8(%arg0: i32) -> (i32, i32) {
    %c0_i32 = arith.constant 0 : i32
    %c0_i32_0 = arith.constant 0 : i32
    %c0_i32_1 = arith.constant 0 : i32
    return %c0_i32, %c0_i32_0 : i32, i32
  }
  func.func @transform_9(%arg0: i32) -> (i32, i32) {
    %c0_i32 = arith.constant 0 : i32
    %c0_i32_0 = arith.constant 0 : i32
    %c0_i32_1 = arith.constant 0 : i32
    return %c0_i32, %c0_i32_0 : i32, i32
  }
  func.func @transform_10(%arg0: i32) -> (i32, i32) {
    %c0_i32 = arith.constant 0 : i32
    %c0_i32_0 = arith.constant 0 : i32
    %c0_i32_1 = arith.constant 0 : i32
    return %c0_i32, %c0_i32_0 : i32, i32
  }
  func.func @transform_11(%arg0: i32) -> (i32, i32) {
    %c0_i32 = arith.constant 0 : i32
    %c0_i32_0 = arith.constant 0 : i32
    %c0_i32_1 = arith.constant 0 : i32
    return %c0_i32, %c0_i32_0 : i32, i32
  }
  func.func @transform_12(%arg0: i32) -> (i32, i32) {
    %c0_i32 = arith.constant 0 : i32
    %c0_i32_0 = arith.constant 0 : i32
    return %arg0, %c0_i32 : i32, i32
  }
  func.func @transform_13(%arg0: i32) -> (i32, i32, i32) {
    %c0_i32 = arith.constant 0 : i32
    %c0_i32_0 = arith.constant 0 : i32
    %c0_i32_1 = arith.constant 0 : i32
    return %arg0, %c0_i32, %c0_i32_0 : i32, i32, i32
  }
}

module attributes {stable_mosaic.version = 14 : i64} {
  func.func @_mlp_body(%arg0: i32, %arg1: memref<2000x128xf32, #tpu.memory_space<vmem>>, %arg2: memref<1x2000x128xf32, #tpu.memory_space<vmem>>, %arg3: memref<1x2000x128xf32, #tpu.memory_space<vmem>>, %arg4: memref<1x1xf32, #tpu.memory_space<vmem>>, %arg5: memref<128x128xf32, #tpu.memory_space<vmem>>, %arg6: memref<1x128xf32, #tpu.memory_space<vmem>>, %arg7: memref<1x128xf32, #tpu.memory_space<vmem>>, %arg8: memref<1x128xf32, #tpu.memory_space<vmem>>, %arg9: memref<128x128xf32, #tpu.memory_space<vmem>>, %arg10: memref<1x128xf32, #tpu.memory_space<vmem>>, %arg11: memref<1x128xf32, #tpu.memory_space<vmem>>, %arg12: memref<1x128xf32, #tpu.memory_space<vmem>>, %arg13: memref<2000x128xf32, #tpu.memory_space<vmem>>, %arg14: memref<1x1x128xf32, #tpu.memory_space<vmem>>) attributes {dimension_semantics = [#tpu.dimension_semantics<arbitrary>], iteration_bounds = array<i64: 5>, scalar_prefetch = 0 : i64, scratch_operands = 0 : i64, tpu.core_type = #tpu.core_type<tc>, window_params = [{transform_indices = @transform_0, window_bounds = array<i64: 2000, 128>}, {transform_indices = @transform_1, window_bounds = array<i64: 1, 2000, 128>}, {transform_indices = @transform_2, window_bounds = array<i64: 1, 2000, 128>}, {pipeline_mode = #tpu.pipeline_mode<synchronous>, transform_indices = @transform_3, window_bounds = array<i64: 1, 1>}, {pipeline_mode = #tpu.pipeline_mode<synchronous>, transform_indices = @transform_4, window_bounds = array<i64: 128, 128>}, {pipeline_mode = #tpu.pipeline_mode<synchronous>, transform_indices = @transform_5, window_bounds = array<i64: 1, 128>}, {pipeline_mode = #tpu.pipeline_mode<synchronous>, transform_indices = @transform_6, window_bounds = array<i64: 1, 128>}, {pipeline_mode = #tpu.pipeline_mode<synchronous>, transform_indices = @transform_7, window_bounds = array<i64: 1, 128>}, {pipeline_mode = #tpu.pipeline_mode<synchronous>, transform_indices = @transform_8, window_bounds = array<i64: 128, 128>}, {pipeline_mode = #tpu.pipeline_mode<synchronous>, transform_indices = @transform_9, window_bounds = array<i64: 1, 128>}, {pipeline_mode = #tpu.pipeline_mode<synchronous>, transform_indices = @transform_10, window_bounds = array<i64: 1, 128>}, {pipeline_mode = #tpu.pipeline_mode<synchronous>, transform_indices = @transform_11, window_bounds = array<i64: 1, 128>}, {transform_indices = @transform_12, window_bounds = array<i64: 2000, 128>}, {transform_indices = @transform_13, window_bounds = array<i64: 1, 1, 128>}]} {
    %get3A = arith.constant 0 : index
    %get3A_0 = arith.constant 0 : index
    %get3A_1 = vector.load %arg4[%get3A, %get3A_0] : memref<1x1xf32, #tpu.memory_space<vmem>>, vector<1x1xf32>
    %get3A_2 = vector.extract %get3A_1[0, 0] : f32 from vector<1x1xf32>
    %get3A_3 = arith.constant 0 : index
    %get3A_4 = arith.constant 0 : index
    %get3A_5 = vector.load %arg1[%get3A_3, %get3A_4] : memref<2000x128xf32, #tpu.memory_space<vmem>>, vector<2000x128xf32>
    %mul3A = vector.broadcast %get3A_2 : f32 to vector<2000x128xf32>
    %mul3A_6 = arith.mulf %mul3A, %get3A_5 : vector<2000x128xf32>
    %get3A_7 = arith.constant 0 : index
    %get3A_8 = arith.constant 0 : index
    %get3A_9 = arith.constant 0 : index
    %get3A_10 = vector.load %arg2[%get3A_7, %get3A_8, %get3A_9] : memref<1x2000x128xf32, #tpu.memory_space<vmem>>, vector<1x2000x128xf32>
    %get3A_11 = vector.shape_cast %get3A_10 : vector<1x2000x128xf32> to vector<2000x128xf32>
    %add3A = arith.addf %mul3A_6, %get3A_11 : vector<2000x128xf32>
    %get3A_12 = arith.constant 0 : index
    %get3A_13 = arith.constant 0 : index
    %get3A_14 = arith.constant 0 : index
    %get3A_15 = vector.load %arg3[%get3A_12, %get3A_13, %get3A_14] : memref<1x2000x128xf32, #tpu.memory_space<vmem>>, vector<1x2000x128xf32>
    %get3A_16 = vector.shape_cast %get3A_15 : vector<1x2000x128xf32> to vector<2000x128xf32>
    %add3A_17 = arith.addf %add3A, %get3A_16 : vector<2000x128xf32>
    %get3A_18 = arith.constant 0 : index
    %get3A_19 = arith.constant 0 : index
    %get3A_20 = vector.load %arg5[%get3A_18, %get3A_19] : memref<128x128xf32, #tpu.memory_space<vmem>>, vector<128x128xf32>
    %dot_general3A = arith.constant dense<0.000000e+00> : vector<2000x128xf32>
    %dot_general3A_21 = tpu.matmul %add3A_17, %get3A_20, %dot_general3A {dimension_numbers = #tpu.dot_dimension_numbers<[1], [0], [0], [1], [0, 0, 1, 1], [], []>, transpose_lhs_hint = false} : vector<2000x128xf32>, vector<128x128xf32>, vector<2000x128xf32> -> vector<2000x128xf32>
    %get3A_22 = arith.constant 0 : index
    %get3A_23 = arith.constant 0 : index
    %get3A_24 = vector.load %arg6[%get3A_22, %get3A_23] : memref<1x128xf32, #tpu.memory_space<vmem>>, vector<1x128xf32>
    %add3A_25 = vector.broadcast %get3A_24 : vector<1x128xf32> to vector<2000x128xf32>
    %add3A_26 = arith.addf %dot_general3A_21, %add3A_25 : vector<2000x128xf32>
    %get3A_27 = arith.constant 0 : index
    %get3A_28 = arith.constant 0 : index
    %get3A_29 = vector.load %arg7[%get3A_27, %get3A_28] : memref<1x128xf32, #tpu.memory_space<vmem>>, vector<1x128xf32>
    %get3A_30 = arith.constant 0 : index
    %get3A_31 = arith.constant 0 : index
    %get3A_32 = vector.load %arg8[%get3A_30, %get3A_31] : memref<1x128xf32, #tpu.memory_space<vmem>>, vector<1x128xf32>
    %reduce_sum3A = arith.constant dense<0.000000e+00> : vector<2000xf32>
    %reduce_sum3A_33 = vector.multi_reduction <add>, %add3A_26, %reduce_sum3A [1] : vector<2000x128xf32> to vector<2000xf32>
    %broadcast_in_dim3A = vector.shape_cast %reduce_sum3A_33 : vector<2000xf32> to vector<2000x1xf32>
    %div3A = arith.constant 1.280000e+02 : f32
    %div3A_34 = vector.broadcast %div3A : f32 to vector<2000x1xf32>
    %div3A_35 = arith.divf %broadcast_in_dim3A, %div3A_34 : vector<2000x1xf32>
    %jit3A = arith.constant 0 : i32
    %reduce_sum3A_36 = arith.constant dense<0.000000e+00> : vector<2000xf32>
    %reduce_sum3A_37 = vector.multi_reduction <add>, %add3A_26, %reduce_sum3A_36 [1] : vector<2000x128xf32> to vector<2000xf32>
    %broadcast_in_dim3A_38 = vector.shape_cast %reduce_sum3A_37 : vector<2000xf32> to vector<2000x1xf32>
    %div3A_39 = arith.constant 1.280000e+02 : f32
    %div3A_40 = vector.broadcast %div3A_39 : f32 to vector<2000x1xf32>
    %div3A_41 = arith.divf %broadcast_in_dim3A_38, %div3A_40 : vector<2000x1xf32>
    %sub3A = vector.broadcast %div3A_41 : vector<2000x1xf32> to vector<2000x128xf32>
    %sub3A_42 = arith.subf %add3A_26, %sub3A : vector<2000x128xf32>
    %square3A = arith.mulf %sub3A_42, %sub3A_42 : vector<2000x128xf32>
    %convert_element_type3A = arith.sitofp %jit3A : i32 to f32
    %sub3A_43 = arith.constant 1.280000e+02 : f32
    %sub3A_44 = arith.subf %sub3A_43, %convert_element_type3A : f32
    %reduce_sum3A_45 = arith.constant dense<0.000000e+00> : vector<2000xf32>
    %reduce_sum3A_46 = vector.multi_reduction <add>, %square3A, %reduce_sum3A_45 [1] : vector<2000x128xf32> to vector<2000xf32>
    %broadcast_in_dim3A_47 = vector.shape_cast %reduce_sum3A_46 : vector<2000xf32> to vector<2000x1xf32>
    %div3A_48 = vector.broadcast %sub3A_44 : f32 to vector<2000x1xf32>
    %div3A_49 = arith.divf %broadcast_in_dim3A_47, %div3A_48 : vector<2000x1xf32>
    %gt3A = arith.constant 0.000000e+00 : f32
    %gt3A_50 = arith.cmpf ogt, %sub3A_44, %gt3A : f32
    %jit3A_51 = arith.constant 0x7FC00000 : f32
    %broadcast_in_dim3A_52 = vector.broadcast %jit3A_51 : f32 to vector<2000x1xf32>
    %select_n3A = arith.select %gt3A_50, %div3A_49, %broadcast_in_dim3A_52 : vector<2000x1xf32>
    %sub3A_53 = vector.broadcast %div3A_35 : vector<2000x1xf32> to vector<2000x128xf32>
    %sub3A_54 = arith.subf %add3A_26, %sub3A_53 : vector<2000x128xf32>
    %add3A_55 = arith.constant 9.99999974E-6 : f32
    %add3A_56 = vector.broadcast %add3A_55 : f32 to vector<2000x1xf32>
    %add3A_57 = arith.addf %select_n3A, %add3A_56 : vector<2000x1xf32>
    %sqrt3A = math.sqrt %add3A_57 : vector<2000x1xf32>
    %div3A_58 = vector.broadcast %sqrt3A : vector<2000x1xf32> to vector<2000x128xf32>
    %div3A_59 = arith.divf %sub3A_54, %div3A_58 : vector<2000x128xf32>
    %mul3A_60 = vector.broadcast %get3A_29 : vector<1x128xf32> to vector<2000x128xf32>
    %mul3A_61 = arith.mulf %div3A_59, %mul3A_60 : vector<2000x128xf32>
    %add3A_62 = vector.broadcast %get3A_32 : vector<1x128xf32> to vector<2000x128xf32>
    %add3A_63 = arith.addf %mul3A_61, %add3A_62 : vector<2000x128xf32>
    %max3A = arith.constant 0.000000e+00 : f32
    %max3A_64 = vector.broadcast %max3A : f32 to vector<2000x128xf32>
    %max3A_65 = arith.maximumf %add3A_63, %max3A_64 : vector<2000x128xf32>
    %get3A_66 = arith.constant 0 : index
    %get3A_67 = arith.constant 0 : index
    %get3A_68 = vector.load %arg9[%get3A_66, %get3A_67] : memref<128x128xf32, #tpu.memory_space<vmem>>, vector<128x128xf32>
    %dot_general3A_69 = arith.constant dense<0.000000e+00> : vector<2000x128xf32>
    %dot_general3A_70 = tpu.matmul %max3A_65, %get3A_68, %dot_general3A_69 {dimension_numbers = #tpu.dot_dimension_numbers<[1], [0], [0], [1], [0, 0, 1, 1], [], []>, transpose_lhs_hint = false} : vector<2000x128xf32>, vector<128x128xf32>, vector<2000x128xf32> -> vector<2000x128xf32>
    %get3A_71 = arith.constant 0 : index
    %get3A_72 = arith.constant 0 : index
    %get3A_73 = vector.load %arg10[%get3A_71, %get3A_72] : memref<1x128xf32, #tpu.memory_space<vmem>>, vector<1x128xf32>
    %add3A_74 = vector.broadcast %get3A_73 : vector<1x128xf32> to vector<2000x128xf32>
    %add3A_75 = arith.addf %dot_general3A_70, %add3A_74 : vector<2000x128xf32>
    %get3A_76 = arith.constant 0 : index
    %get3A_77 = arith.constant 0 : index
    %get3A_78 = vector.load %arg11[%get3A_76, %get3A_77] : memref<1x128xf32, #tpu.memory_space<vmem>>, vector<1x128xf32>
    %get3A_79 = arith.constant 0 : index
    %get3A_80 = arith.constant 0 : index
    %get3A_81 = vector.load %arg12[%get3A_79, %get3A_80] : memref<1x128xf32, #tpu.memory_space<vmem>>, vector<1x128xf32>
    %reduce_sum3A_82 = arith.constant dense<0.000000e+00> : vector<2000xf32>
    %reduce_sum3A_83 = vector.multi_reduction <add>, %add3A_75, %reduce_sum3A_82 [1] : vector<2000x128xf32> to vector<2000xf32>
    %broadcast_in_dim3A_84 = vector.shape_cast %reduce_sum3A_83 : vector<2000xf32> to vector<2000x1xf32>
    %div3A_85 = arith.constant 1.280000e+02 : f32
    %div3A_86 = vector.broadcast %div3A_85 : f32 to vector<2000x1xf32>
    %div3A_87 = arith.divf %broadcast_in_dim3A_84, %div3A_86 : vector<2000x1xf32>
    %jit3A_88 = arith.constant 0 : i32
    %reduce_sum3A_89 = arith.constant dense<0.000000e+00> : vector<2000xf32>
    %reduce_sum3A_90 = vector.multi_reduction <add>, %add3A_75, %reduce_sum3A_89 [1] : vector<2000x128xf32> to vector<2000xf32>
    %broadcast_in_dim3A_91 = vector.shape_cast %reduce_sum3A_90 : vector<2000xf32> to vector<2000x1xf32>
    %div3A_92 = arith.constant 1.280000e+02 : f32
    %div3A_93 = vector.broadcast %div3A_92 : f32 to vector<2000x1xf32>
    %div3A_94 = arith.divf %broadcast_in_dim3A_91, %div3A_93 : vector<2000x1xf32>
    %sub3A_95 = vector.broadcast %div3A_94 : vector<2000x1xf32> to vector<2000x128xf32>
    %sub3A_96 = arith.subf %add3A_75, %sub3A_95 : vector<2000x128xf32>
    %square3A_97 = arith.mulf %sub3A_96, %sub3A_96 : vector<2000x128xf32>
    %convert_element_type3A_98 = arith.sitofp %jit3A_88 : i32 to f32
    %sub3A_99 = arith.constant 1.280000e+02 : f32
    %sub3A_100 = arith.subf %sub3A_99, %convert_element_type3A_98 : f32
    %reduce_sum3A_101 = arith.constant dense<0.000000e+00> : vector<2000xf32>
    %reduce_sum3A_102 = vector.multi_reduction <add>, %square3A_97, %reduce_sum3A_101 [1] : vector<2000x128xf32> to vector<2000xf32>
    %broadcast_in_dim3A_103 = vector.shape_cast %reduce_sum3A_102 : vector<2000xf32> to vector<2000x1xf32>
    %div3A_104 = vector.broadcast %sub3A_100 : f32 to vector<2000x1xf32>
    %div3A_105 = arith.divf %broadcast_in_dim3A_103, %div3A_104 : vector<2000x1xf32>
    %gt3A_106 = arith.constant 0.000000e+00 : f32
    %gt3A_107 = arith.cmpf ogt, %sub3A_100, %gt3A_106 : f32
    %jit3A_108 = arith.constant 0x7FC00000 : f32
    %broadcast_in_dim3A_109 = vector.broadcast %jit3A_108 : f32 to vector<2000x1xf32>
    %select_n3A_110 = arith.select %gt3A_107, %div3A_105, %broadcast_in_dim3A_109 : vector<2000x1xf32>
    %sub3A_111 = vector.broadcast %div3A_87 : vector<2000x1xf32> to vector<2000x128xf32>
    %sub3A_112 = arith.subf %add3A_75, %sub3A_111 : vector<2000x128xf32>
    %add3A_113 = arith.constant 9.99999974E-6 : f32
    %add3A_114 = vector.broadcast %add3A_113 : f32 to vector<2000x1xf32>
    %add3A_115 = arith.addf %select_n3A_110, %add3A_114 : vector<2000x1xf32>
    %sqrt3A_116 = math.sqrt %add3A_115 : vector<2000x1xf32>
    %div3A_117 = vector.broadcast %sqrt3A_116 : vector<2000x1xf32> to vector<2000x128xf32>
    %div3A_118 = arith.divf %sub3A_112, %div3A_117 : vector<2000x128xf32>
    %mul3A_119 = vector.broadcast %get3A_78 : vector<1x128xf32> to vector<2000x128xf32>
    %mul3A_120 = arith.mulf %div3A_118, %mul3A_119 : vector<2000x128xf32>
    %add3A_121 = vector.broadcast %get3A_81 : vector<1x128xf32> to vector<2000x128xf32>
    %add3A_122 = arith.addf %mul3A_120, %add3A_121 : vector<2000x128xf32>
    %max3A_123 = arith.constant 0.000000e+00 : f32
    %max3A_124 = vector.broadcast %max3A_123 : f32 to vector<2000x128xf32>
    %max3A_125 = arith.maximumf %add3A_122, %max3A_124 : vector<2000x128xf32>
    %swap3A = arith.constant 0 : index
    %swap3A_126 = arith.constant 0 : index
    %swap3A_127 = vector.load %arg13[%swap3A, %swap3A_126] : memref<2000x128xf32, #tpu.memory_space<vmem>>, vector<2000x128xf32>
    tpu.vector_store %arg13[%swap3A, %swap3A_126], %max3A_125 {strides = array<i32>} : memref<2000x128xf32, #tpu.memory_space<vmem>>, vector<2000x128xf32>,
    %reduce_sum3A_128 = arith.constant dense<0.000000e+00> : vector<128xf32>
    %reduce_sum3A_129 = vector.multi_reduction <add>, %max3A_125, %reduce_sum3A_128 [0] : vector<2000x128xf32> to vector<128xf32>
    %broadcast_in_dim3A_130 = vector.shape_cast %reduce_sum3A_129 : vector<128xf32> to vector<1x128xf32>
    %swap3A_131 = arith.constant 0 : index
    %swap3A_132 = arith.constant 0 : index
    %swap3A_133 = arith.constant 0 : index
    %swap3A_134 = vector.load %arg14[%swap3A_131, %swap3A_132, %swap3A_133] : memref<1x1x128xf32, #tpu.memory_space<vmem>>, vector<1x1x128xf32>
    %swap3A_135 = vector.shape_cast %swap3A_134 : vector<1x1x128xf32> to vector<1x128xf32>
    %swap3A_136 = vector.shape_cast %broadcast_in_dim3A_130 : vector<1x128xf32> to vector<1x1x128xf32>
    tpu.vector_store %arg14[%swap3A_131, %swap3A_132, %swap3A_133], %swap3A_136 {strides = array<i32>} : memref<1x1x128xf32, #tpu.memory_space<vmem>>, vector<1x1x128xf32>,
    return
  }
  func.func @transform_0(%arg0: i32) -> (i32, i32) {
    %c0_i32 = arith.constant 0 : i32
    %c0_i32_0 = arith.constant 0 : i32
    return %arg0, %c0_i32 : i32, i32
  }
  func.func @transform_1(%arg0: i32) -> (i32, i32, i32) {
    %c0_i32 = arith.constant 0 : i32
    %c0_i32_0 = arith.constant 0 : i32
    %c0_i32_1 = arith.constant 0 : i32
    return %c0_i32, %arg0, %c0_i32_0 : i32, i32, i32
  }
  func.func @transform_2(%arg0: i32) -> (i32, i32, i32) {
    %c1_i32 = arith.constant 1 : i32
    %c0_i32 = arith.constant 0 : i32
    %c0_i32_0 = arith.constant 0 : i32
    return %c1_i32, %arg0, %c0_i32 : i32, i32, i32
  }
  func.func @transform_3(%arg0: i32) -> (i32, i32) {
    %c0_i32 = arith.constant 0 : i32
    %c0_i32_0 = arith.constant 0 : i32
    %c0_i32_1 = arith.constant 0 : i32
    return %c0_i32, %c0_i32_0 : i32, i32
  }
  func.func @transform_4(%arg0: i32) -> (i32, i32) {
    %c0_i32 = arith.constant 0 : i32
    %c0_i32_0 = arith.constant 0 : i32
    %c0_i32_1 = arith.constant 0 : i32
    return %c0_i32, %c0_i32_0 : i32, i32
  }
  func.func @transform_5(%arg0: i32) -> (i32, i32) {
    %c0_i32 = arith.constant 0 : i32
    %c0_i32_0 = arith.constant 0 : i32
    %c0_i32_1 = arith.constant 0 : i32
    return %c0_i32, %c0_i32_0 : i32, i32
  }
  func.func @transform_6(%arg0: i32) -> (i32, i32) {
    %c0_i32 = arith.constant 0 : i32
    %c0_i32_0 = arith.constant 0 : i32
    %c0_i32_1 = arith.constant 0 : i32
    return %c0_i32, %c0_i32_0 : i32, i32
  }
  func.func @transform_7(%arg0: i32) -> (i32, i32) {
    %c0_i32 = arith.constant 0 : i32
    %c0_i32_0 = arith.constant 0 : i32
    %c0_i32_1 = arith.constant 0 : i32
    return %c0_i32, %c0_i32_0 : i32, i32
  }
  func.func @transform_8(%arg0: i32) -> (i32, i32) {
    %c0_i32 = arith.constant 0 : i32
    %c0_i32_0 = arith.constant 0 : i32
    %c0_i32_1 = arith.constant 0 : i32
    return %c0_i32, %c0_i32_0 : i32, i32
  }
  func.func @transform_9(%arg0: i32) -> (i32, i32) {
    %c0_i32 = arith.constant 0 : i32
    %c0_i32_0 = arith.constant 0 : i32
    %c0_i32_1 = arith.constant 0 : i32
    return %c0_i32, %c0_i32_0 : i32, i32
  }
  func.func @transform_10(%arg0: i32) -> (i32, i32) {
    %c0_i32 = arith.constant 0 : i32
    %c0_i32_0 = arith.constant 0 : i32
    %c0_i32_1 = arith.constant 0 : i32
    return %c0_i32, %c0_i32_0 : i32, i32
  }
  func.func @transform_11(%arg0: i32) -> (i32, i32) {
    %c0_i32 = arith.constant 0 : i32
    %c0_i32_0 = arith.constant 0 : i32
    %c0_i32_1 = arith.constant 0 : i32
    return %c0_i32, %c0_i32_0 : i32, i32
  }
  func.func @transform_12(%arg0: i32) -> (i32, i32) {
    %c0_i32 = arith.constant 0 : i32
    %c0_i32_0 = arith.constant 0 : i32
    return %arg0, %c0_i32 : i32, i32
  }
  func.func @transform_13(%arg0: i32) -> (i32, i32, i32) {
    %c0_i32 = arith.constant 0 : i32
    %c0_i32_0 = arith.constant 0 : i32
    %c0_i32_1 = arith.constant 0 : i32
    return %arg0, %c0_i32, %c0_i32_0 : i32, i32, i32
  }
}

module attributes {stable_mosaic.version = 14 : i64} {
  func.func @_head_body(%arg0: memref<5x128xf32, #tpu.memory_space<vmem>>, %arg1: memref<1x16xf32, #tpu.memory_space<vmem>>, %arg2: memref<128x128xf32, #tpu.memory_space<vmem>>, %arg3: memref<16x128xf32, #tpu.memory_space<vmem>>, %arg4: memref<1x128xf32, #tpu.memory_space<vmem>>, %arg5: memref<1x128xf32, #tpu.memory_space<vmem>>, %arg6: memref<1x128xf32, #tpu.memory_space<vmem>>, %arg7: memref<128x10xf32, #tpu.memory_space<vmem>>, %arg8: memref<1x10xf32, #tpu.memory_space<vmem>>, %arg9: memref<1x10xf32, #tpu.memory_space<vmem>>) attributes {dimension_semantics = [], scalar_prefetch = 0 : i64, scratch_operands = 0 : i64, tpu.core_type = #tpu.core_type<tc>} {
    %get3A = arith.constant 0 : index
    %get3A_0 = arith.constant 0 : index
    %get3A_1 = vector.load %arg0[%get3A, %get3A_0] : memref<5x128xf32, #tpu.memory_space<vmem>>, vector<5x128xf32>
    %reduce_sum3A = arith.constant dense<0.000000e+00> : vector<128xf32>
    %reduce_sum3A_2 = vector.multi_reduction <add>, %get3A_1, %reduce_sum3A [0] : vector<5x128xf32> to vector<128xf32>
    %broadcast_in_dim3A = vector.shape_cast %reduce_sum3A_2 : vector<128xf32> to vector<1x128xf32>
    %get3A_3 = arith.constant 0 : index
    %get3A_4 = arith.constant 0 : index
    %get3A_5 = vector.load %arg2[%get3A_3, %get3A_4] : memref<128x128xf32, #tpu.memory_space<vmem>>, vector<128x128xf32>
    %dot_general3A = arith.constant dense<0.000000e+00> : vector<1x128xf32>
    %dot_general3A_6 = tpu.matmul %broadcast_in_dim3A, %get3A_5, %dot_general3A {dimension_numbers = #tpu.dot_dimension_numbers<[1], [0], [0], [1], [0, 0, 1, 1], [], []>, transpose_lhs_hint = false} : vector<1x128xf32>, vector<128x128xf32>, vector<1x128xf32> -> vector<1x128xf32>
    %get3A_7 = arith.constant 0 : index
    %get3A_8 = arith.constant 0 : index
    %get3A_9 = vector.load %arg1[%get3A_7, %get3A_8] : memref<1x16xf32, #tpu.memory_space<vmem>>, vector<1x16xf32>
    %get3A_10 = arith.constant 0 : index
    %get3A_11 = arith.constant 0 : index
    %get3A_12 = vector.load %arg3[%get3A_10, %get3A_11] : memref<16x128xf32, #tpu.memory_space<vmem>>, vector<16x128xf32>
    %dot_general3A_13 = arith.constant dense<0.000000e+00> : vector<1x128xf32>
    %dot_general3A_14 = tpu.matmul %get3A_9, %get3A_12, %dot_general3A_13 {dimension_numbers = #tpu.dot_dimension_numbers<[1], [0], [0], [1], [0, 0, 1, 1], [], []>, transpose_lhs_hint = false} : vector<1x16xf32>, vector<16x128xf32>, vector<1x128xf32> -> vector<1x128xf32>
    %add3A = arith.addf %dot_general3A_6, %dot_general3A_14 : vector<1x128xf32>
    %get3A_15 = arith.constant 0 : index
    %get3A_16 = arith.constant 0 : index
    %get3A_17 = vector.load %arg4[%get3A_15, %get3A_16] : memref<1x128xf32, #tpu.memory_space<vmem>>, vector<1x128xf32>
    %add3A_18 = arith.addf %add3A, %get3A_17 : vector<1x128xf32>
    %get3A_19 = arith.constant 0 : index
    %get3A_20 = arith.constant 0 : index
    %get3A_21 = vector.load %arg5[%get3A_19, %get3A_20] : memref<1x128xf32, #tpu.memory_space<vmem>>, vector<1x128xf32>
    %get3A_22 = arith.constant 0 : index
    %get3A_23 = arith.constant 0 : index
    %get3A_24 = vector.load %arg6[%get3A_22, %get3A_23] : memref<1x128xf32, #tpu.memory_space<vmem>>, vector<1x128xf32>
    %reduce_sum3A_25 = arith.constant dense<0.000000e+00> : vector<1xf32>
    %reduce_sum3A_26 = vector.multi_reduction <add>, %add3A_18, %reduce_sum3A_25 [1] : vector<1x128xf32> to vector<1xf32>
    %broadcast_in_dim3A_27 = vector.shape_cast %reduce_sum3A_26 : vector<1xf32> to vector<1x1xf32>
    %div3A = arith.constant 1.280000e+02 : f32
    %div3A_28 = vector.broadcast %div3A : f32 to vector<1x1xf32>
    %div3A_29 = arith.divf %broadcast_in_dim3A_27, %div3A_28 : vector<1x1xf32>
    %jit3A = arith.constant 0 : i32
    %reduce_sum3A_30 = arith.constant dense<0.000000e+00> : vector<1xf32>
    %reduce_sum3A_31 = vector.multi_reduction <add>, %add3A_18, %reduce_sum3A_30 [1] : vector<1x128xf32> to vector<1xf32>
    %broadcast_in_dim3A_32 = vector.shape_cast %reduce_sum3A_31 : vector<1xf32> to vector<1x1xf32>
    %div3A_33 = arith.constant 1.280000e+02 : f32
    %div3A_34 = vector.broadcast %div3A_33 : f32 to vector<1x1xf32>
    %div3A_35 = arith.divf %broadcast_in_dim3A_32, %div3A_34 : vector<1x1xf32>
    %sub3A = vector.broadcast %div3A_35 : vector<1x1xf32> to vector<1x128xf32>
    %sub3A_36 = arith.subf %add3A_18, %sub3A : vector<1x128xf32>
    %square3A = arith.mulf %sub3A_36, %sub3A_36 : vector<1x128xf32>
    %convert_element_type3A = arith.sitofp %jit3A : i32 to f32
    %sub3A_37 = arith.constant 1.280000e+02 : f32
    %sub3A_38 = arith.subf %sub3A_37, %convert_element_type3A : f32
    %reduce_sum3A_39 = arith.constant dense<0.000000e+00> : vector<1xf32>
    %reduce_sum3A_40 = vector.multi_reduction <add>, %square3A, %reduce_sum3A_39 [1] : vector<1x128xf32> to vector<1xf32>
    %broadcast_in_dim3A_41 = vector.shape_cast %reduce_sum3A_40 : vector<1xf32> to vector<1x1xf32>
    %div3A_42 = vector.broadcast %sub3A_38 : f32 to vector<1x1xf32>
    %div3A_43 = arith.divf %broadcast_in_dim3A_41, %div3A_42 : vector<1x1xf32>
    %gt3A = arith.constant 0.000000e+00 : f32
    %gt3A_44 = arith.cmpf ogt, %sub3A_38, %gt3A : f32
    %jit3A_45 = arith.constant 0x7FC00000 : f32
    %broadcast_in_dim3A_46 = vector.broadcast %jit3A_45 : f32 to vector<1x1xf32>
    %select_n3A = arith.select %gt3A_44, %div3A_43, %broadcast_in_dim3A_46 : vector<1x1xf32>
    %sub3A_47 = vector.broadcast %div3A_29 : vector<1x1xf32> to vector<1x128xf32>
    %sub3A_48 = arith.subf %add3A_18, %sub3A_47 : vector<1x128xf32>
    %add3A_49 = arith.constant 9.99999974E-6 : f32
    %add3A_50 = vector.broadcast %add3A_49 : f32 to vector<1x1xf32>
    %add3A_51 = arith.addf %select_n3A, %add3A_50 : vector<1x1xf32>
    %sqrt3A = math.sqrt %add3A_51 : vector<1x1xf32>
    %div3A_52 = vector.broadcast %sqrt3A : vector<1x1xf32> to vector<1x128xf32>
    %div3A_53 = arith.divf %sub3A_48, %div3A_52 : vector<1x128xf32>
    %mul3A = arith.mulf %div3A_53, %get3A_21 : vector<1x128xf32>
    %add3A_54 = arith.addf %mul3A, %get3A_24 : vector<1x128xf32>
    %max3A = arith.constant 0.000000e+00 : f32
    %max3A_55 = vector.broadcast %max3A : f32 to vector<1x128xf32>
    %max3A_56 = arith.maximumf %add3A_54, %max3A_55 : vector<1x128xf32>
    %get3A_57 = arith.constant 0 : index
    %get3A_58 = arith.constant 0 : index
    %get3A_59 = vector.load %arg7[%get3A_57, %get3A_58] : memref<128x10xf32, #tpu.memory_space<vmem>>, vector<128x10xf32>
    %dot_general3A_60 = arith.constant dense<0.000000e+00> : vector<1x10xf32>
    %dot_general3A_61 = tpu.matmul %max3A_56, %get3A_59, %dot_general3A_60 {dimension_numbers = #tpu.dot_dimension_numbers<[1], [0], [0], [1], [0, 0, 1, 1], [], []>, transpose_lhs_hint = false} : vector<1x128xf32>, vector<128x10xf32>, vector<1x10xf32> -> vector<1x10xf32>
    %get3A_62 = arith.constant 0 : index
    %get3A_63 = arith.constant 0 : index
    %get3A_64 = vector.load %arg8[%get3A_62, %get3A_63] : memref<1x10xf32, #tpu.memory_space<vmem>>, vector<1x10xf32>
    %add3A_65 = arith.addf %dot_general3A_61, %get3A_64 : vector<1x10xf32>
    %swap3A = arith.constant 0 : index
    %swap3A_66 = arith.constant 0 : index
    %swap3A_67 = vector.load %arg9[%swap3A, %swap3A_66] : memref<1x10xf32, #tpu.memory_space<vmem>>, vector<1x10xf32>
    tpu.vector_store %arg9[%swap3A, %swap3A_66], %add3A_65 {strides = array<i32>} : memref<1x10xf32, #tpu.memory_space<vmem>>, vector<1x10xf32>,
    return
  }
}

</mosaic_0001>

<sc_bundles>
// kernel: kernel.12.cloned.1.call-start
scs
__scs_entry_jumppad:
0x0: {  	(pc) =	sbr.rel $0x88, $3  }
0x1: {  	(tag) =	ssettag $0x0;
	lr =	simm.s32 $0x1  }
0x2: {  	[smem:$0x3F7D] =	sst lr;
	_ =	strace $0xD0000000  }
0x3: {  	_ = 	snop  }
0x4: {  	_ = 	snop  }
0x5: {  	_ = 	snop  }
0x6: {  	_ = 	snop  }
0x7: {  	_ = 	snop  }
__scs_overlays_trampoline_lowered:
0x8: {  	[smem:$0x3F8C] =	sst s0  }
0x9: {  	[smem:$0x3F8D] =	sst s1  }
0xa: {  	[smem:$0x3F8E] =	sst s2  }
0xb: {  	[smem:$0x3F8F] =	sst s3  }
0xc: {  	[smem:$0x3F90] =	sst s4  }
0xd: {  	[smem:$0x3F91] =	sst s5  }
0xe: {  	[smem:$0x3F92] =	sst s6  }
0xf: {  	[smem:$0x3F93] =	sst s7  }
0x10: {  	[smem:$0x3F94] =	sst s8  }
0x11: {  	[smem:$0x3F95] =	sst s9;
	s0 =	simm.s32 @!p0 $0x0  }
0x12: {  	s1 =	sld [smem:$0x3F7B];
	s0 =	simm.s32 @p0 $0x1  }
0x13: {  	[smem:$0x3F96] =	sst s0;
	s0 =	simm.s32 @!p1 $0x0  }
0x14: {  	s2 =	sld [smem:$0x3F7A];
	s0 =	simm.s32 @p1 $0x1  }
0x15: {  	[smem:$0x3F97] =	sst s0;
	s0 =	simm.s32 @!p2 $0x0  }
0x16: {  	s3 =	sld [smem:$0x3FDB];
	s0 =	simm.s32 @p2 $0x1  }
0x17: {  	s4 =	simm.s32 $0x1BF5;
	[smem:$0x3F99] =	sst s0  }
0x18: {  	s0 =	sld [smem:$0x3F7C];
	_ =	swait.ge [sflag:s4], $0x0  }
0x19: {  	s7 =	sld [smem:$0x3F7D]  }
0x1a: {  	s8 =	sadd.s32 $0xFFFFE003, lr  }
0x1b: {  	s9 =	sadd.s32 $0xFFFFFEF7, lr;
	s5 =	simm.s32 $0xFFFFFFFF;
	p2 =	slt.u32 s8, $0xFFFFF086  }
0x1c: {  	p1 =	slt.u32 s9, $0xF7A;
	s5 =	simm.s32 @!p2 $0x0  }
0x1d: {  	s5 =	simm.s32 @p1 $0x1;
	p0 =	seq.s32 s7, s2  }
0x1e: {  	s7 =	smul.u32 @!p0 $0xF7A, s2;
	p2 =	seq.s32 @!p0 s5, $0x0  }
0x1f: {  	s9 =	smul.u32 $0xF7A, s1;
	s8 =	simm.s32 @!p0 $0x1BF5;
	p2 =	por !p2, p0  }
0x20: {  	[sflag:s8] =	ssyncset.s32 @!p0 $0xFFFFF086;
	s6 =	sadd.s32 @!p0 s3, s7;
	s7 =	simm.s32 @!p0 $0x108  }
0x21: {  	s3 =	sadd.s32 s3, s9;
	s6 =	sadd.s32 @!p0 $0x88, s6;
	s7 =	simm.s32 @p2 $0x1082  }
0x22: {  	[simem:s7], [sflag:s8] =	dma.local @!p0 [hbm:s6], $0xF7A  }
0x23: {  	s9 =	sor.u32 $0xD0000000, s2;
	s6 =	simm.s32 $0x108;
	_ =	swait.ge @!p0 [sflag:s8], $0x0  }
0x24: {  	s3 =	sadd.s32 $0x88, s3;
	s6 =	simm.s32 @!p1 $0x1082;
	[sflag:s4] =	ssyncset.s32 $0xFFFFF086  }
0x25: {  	[simem:s6], [sflag:s4] =	dma.local [hbm:s3], $0xF7A  }
0x26: {  	[smem:$0x3F7D] =	sst s1;
	(tag) =	ssettag s2;
	_ =	strace s9  }
0x27: {  	s1 =	sld [smem:$0x3F8D]  }
0x28: {  	s2 =	sld [smem:$0x3F8E]  }
0x29: {  	s4 =	sld [smem:$0x3F90]  }
0x2a: {  	p0 =	seq.s32 s5, $0x0;
	s5 =	sld [smem:$0x3F91]  }
0x2b: {  	s6 =	sld [smem:$0x3F92]  }
0x2c: {  	s7 =	sld [smem:$0x3F93]  }
0x2d: {  	s3 =	simm.s32 $0x108;
	s8 =	sld [smem:$0x3F94]  }
0x2e: {  	s3 =	simm.s32 @!p0 $0x1082;
	s9 =	sld [smem:$0x3F95]  }
0x2f: {  	lr =	sadd.s32 s0, s3;
	s0 =	sld [smem:$0x3F8C]  }
0x30: {  	s3 =	sld [smem:$0x3F8F]  }
0x31: {  	[smem:$0x3F98] =	sst s10  }
0x32: {  	s10 =	sld [smem:$0x3F96];
	_ =	sdelay $0x3  }
0x33: {  	p0 =	seq.s32 s10, $0x1;
	s10 =	sld [smem:$0x3F98];
	_ =	sdelay $0x3  }
0x34: {  	[smem:$0x3F98] =	sst s10  }
0x35: {  	s10 =	sld [smem:$0x3F97];
	_ =	sdelay $0x3  }
0x36: {  	p1 =	seq.s32 s10, $0x1;
	s10 =	sld [smem:$0x3F98];
	_ =	sdelay $0x3  }
0x37: {  	[smem:$0x3F98] =	sst s10  }
0x38: {  	s10 =	sld [smem:$0x3F99]  }
0x39: {  	_ = 	snop;
	(pc) =	sbr.ind lr, $3  }
0x3a: {  	_ = 	snop  }
0x3b: {  	_ = 	snop  }
0x3c: {  	p2 =	seq.s32 s10, $0x1;
	s10 =	sld [smem:$0x3F98]  }
0x3d: {  	_ =	shalt  }
0x3e: {  	_ =	shalt  }
0x3f: {  	_ =	shalt  }
0x40: {  	_ =	shalt  }
0x41: {  	_ =	shalt  }
0x42: {  	_ =	shalt  }
0x43: {  	_ =	shalt  }
0x44: {  	_ =	shalt  }
0x45: {  	_ =	shalt  }
0x46: {  	_ =	shalt  }
0x47: {  	_ =	shalt  }
0x48: {  	_ =	shalt  }
0x49: {  	_ =	shalt  }
0x4a: {  	_ =	shalt  }
0x4b: {  	_ =	shalt  }
0x4c: {  	_ =	shalt  }
0x4d: {  	_ =	shalt  }
0x4e: {  	_ =	shalt  }
0x4f: {  	_ =	shalt  }
0x50: {  	_ =	shalt  }
0x51: {  	_ =	shalt  }
0x52: {  	_ =	shalt  }
0x53: {  	_ =	shalt  }
0x54: {  	_ =	shalt  }
0x55: {  	_ =	shalt  }
0x56: {  	_ =	shalt  }
0x57: {  	_ =	shalt  }
0x58: {  	_ =	shalt  }
0x59: {  	_ =	shalt  }
0x5a: {  	_ =	shalt  }
0x5b: {  	_ =	shalt  }
0x5c: {  	_ =	shalt  }
0x5d: {  	_ =	shalt  }
0x5e: {  	_ =	shalt  }
0x5f: {  	_ =	shalt  }
0x60: {  	_ =	shalt  }
0x61: {  	_ =	shalt  }
0x62: {  	_ =	shalt  }
0x63: {  	_ =	shalt  }
0x64: {  	_ =	shalt  }
0x65: {  	_ =	shalt  }
0x66: {  	_ =	shalt  }
0x67: {  	_ =	shalt  }
0x68: {  	_ =	shalt  }
0x69: {  	_ =	shalt  }
0x6a: {  	_ =	shalt  }
0x6b: {  	_ =	shalt  }
0x6c: {  	_ =	shalt  }
0x6d: {  	_ =	shalt  }
0x6e: {  	_ =	shalt  }
0x6f: {  	_ =	shalt  }
0x70: {  	_ =	shalt  }
0x71: {  	_ =	shalt  }
0x72: {  	_ =	shalt  }
0x73: {  	_ =	shalt  }
0x74: {  	_ =	shalt  }
0x75: {  	_ =	shalt  }
0x76: {  	_ =	shalt  }
0x77: {  	_ =	shalt  }
0x78: {  	_ =	shalt  }
0x79: {  	_ =	shalt  }
0x7a: {  	_ =	shalt  }
0x7b: {  	_ =	shalt  }
0x7c: {  	_ =	shalt  }
0x7d: {  	_ =	shalt  }
0x7e: {  	_ =	shalt  }
0x7f: {  	_ =	shalt  }
0x80: {  	_ =	shalt  }
0x81: {  	_ =	shalt  }
0x82: {  	_ =	shalt  }
0x83: {  	_ =	shalt  }
0x84: {  	_ =	shalt  }
0x85: {  	_ =	shalt  }
0x86: {  	_ =	shalt  }
0x87: {  	_ =	shalt  }
.Lfunc_end0:
.L_simem_size_0:
called_computation.1_lowered:
.L_overlay_start_0:
0x88: {  	s2 =	sld [smem:$0x3FD9]  }
0x89: {  	s3 =	sld [smem:$0x3FFE];
	_ =	sdelay $0x1  }
0x8a: {  	s1 =	srdreg.scid  }
0x8b: {  	s0 =	sand.u32 $0x1, s1  }
0x8c: {  	s16 =	sshll.u32 s0, $0xA;
	s2 =	sadd.s32 s3, s2  }
0x8d: {  	s2 =	sadd.s32 s2, s16  }
0x8e: {  	[smem:$0x3FA4] =	sst s2  }
0x8f: {  	_ = 	snop  }
0x90: {  	(tm) =	ssettm $0x1  }
0x91: {  	s17 =	sld [smem:$0x3FFB];
	_ =	sdelay $0x3  }
0x92: {  	_ =	strace s17  }
0x93: {  	s2 =	sld [smem:$0x3FFC];
	_ =	sdelay $0x3  }
0x94: {  	_ =	strace s2  }
0x95: {  	s2 =	sld [smem:$0x3FFD];
	_ =	sdelay $0x3  }
0x96: {  	_ =	strace s2  }
0x97: {  	_ =	strace $0x8FFFFFFF  }
0x98: {  	s18 =	sld [smem:$0x3FDB];
	_ =	sdelay $0x1  }
0x99: {  	s19 =	simm.s32 $_scs_section_size  }
0x9a: {  	s4 =	simm.s32 $_size__tile_overlayer_lowered;
	s5 =	simm.s32 $_tile_overlayer_lowered  }
0x9b: {  	s22 =	simm.s32 $0x1BFF;
	s21 =	sshll.u32 s5, $0x1;
	s2 =	sadd.s32 s19, s18  }
0x9c: {  	s6 =	simm.s32 $0x0;
	s20 =	sshll.u32 s4, $0x1;
	s4 =	sadd.s32 s21, s2  }
0x9d: {  	[timem:s6], [sflag:s22] =	dma.local [hbm:s4], s20  }
0x9e: {  	_ =	swait.ge [sflag:s22], s20  }
0x9f: {  	s3 =	ssub.s32 $0x0, s20;
	[sflag:s22] =	ssyncset.done $0x0  }
0xa0: {  	[sflag:s22] =	ssyncadd.s32 s3;
	_ =	sdelay $0x1  }
0xa1: {  	s23 =	simm.s32 $0x1B8B  }
0xa2: {  	_ =	swait.ge [sflag:s23], $0x1  }
0xa3: {  	[sflag:s23] =	ssyncset.done $0x0  }
0xa4: {  	s25 =	simm.s32 $0x1B8E;
	s24 =	sld [smem:$0x3FFE];
	[sflag:s23] =	ssyncadd.s32 $0xFFFFFFFF  }
0xa5: {  	s26 =	simm.s32 $execute0_lowered;
	[smem:$0x3FD2] =	sst s25  }
0xa6: {  	s4 =	sshll.u32 s26, $0x1;
	_ =	strace $0x80000049;
	[dreg:$0x1] =	wrdreg $0xFFFFFFFF  }
0xa7: {  	s28 =	simm.s32 $_size_execute0_lowered;
	s2 =	sadd.s32 s2, s4;
	[dreg:$0x0] =	wrdreg $0x0  }
0xa8: {  	s4 =	sshll.u32 s28, $0x1;
	[dreg:$0x2] =	wrdreg s2  }
0xa9: {  	[dreg:$0x3] =	wrdreg s4  }
0xaa: {  	[dreg:$0x4] =	wrdreg $0xC0  }
0xab: {  	_ =	task [dreg:s6], $0x5FFFF  }
0xac: {  	[dreg:$0x1] =	wrdreg $0xFFFFFFFF  }
0xad: {  	[dreg:$0x0] =	wrdreg $0x60  }
0xae: {  	[dreg:$0x2] =	wrdreg s24  }
0xaf: {  	[dreg:$0x3] =	wrdreg $0xB6800  }
0xb0: {  	[dreg:$0x4] =	wrdreg $0x9  }
0xb1: {  	_ =	task.clear_ibuf [dreg:s6], $0x5FFFF;
	_ =	strace $0x90000049  }
0xb2: {  	s29 =	simm.s32 $0x9;
	_ =	strace $0x8000004B  }
0xb3: {  	_ =	swait.ge [sflag:s29], $0x1  }
0xb4: {  	[sflag:s29] =	ssyncadd.s32 $0xFFFFFFFF  }
0xb5: {  	_ =	strace $0x9000004B  }
0xb6: {  	_ =	sfence  }
0xb7: {  	s30 =	sld [smem:$0x0];
	_ =	sdelay $0x2  }
0xb8: {  	s31 =	sshll.u32 s1, $0xD;
	s1 =	sshrl.u32 s1, $0x2  }
0xb9: {  	s3 =	sand.u32 $0x4000, s31;
	s1 =	sadd.s32 s1, s30  }
0xba: {  	s0 =	sor.u32 s3, s0;
	s1 =	sshll.u32 s1, $0x11  }
0xbb: {  	s0 =	sor.u32 s1, s0  }
0xbc: {  	s0 =	sadd.s32 $0x8F2B, s0  }
0xbd: {  	[sflag:s0] =	ssyncadd.remote.s32 $0x1  }
0xbe: {  	_ =	sfence.sel $0xFFFF  }
0xbf: {  	[dreg:$0x0] =	wrdreg $0xFFFFFFFF;
	(pc) =	sbr.abs _section_cstart, $3  }
0xc0: {  	[dreg:$0x1] =	wrdreg $0xFFFFFFFF  }
0xc1: {  	_ =	task.clear_ibuf [dreg:s6], $0x2FFFF;
	_ =	strace $0x9FFFFFFF  }
0xc2: {  	(tm) =	ssettm $0x7FFFFFFF  }
0xc3: {  	_ =	shalt  }
tec
execute0_lowered:
.L_overlay_start_1:
0x0: {  	(tag) =	ssettag $0x1  }
0x1: {  	s0 =	rddreg [dreg:$0x0]  }
0x2: {  	s2 =	rddreg [dreg:$0x1];
	s3 =	simm.s32 $0x0  }
0x3: {  	s1 =	srdreg.scid;
	s9 =	stileid.u32;
	s30 =	simm.s32 $0x5  }
0x4: {  	s31 =	simm.s32 $0x4;
	s1 =	sand.u32 $0x1, s1;
	s4 =	sshrl.u32 s9, $0x2  }
0x5: {  	s5 =	sshll.u32 s9, $0x8;
	[smem:$0x7FF] =	sst s3;
	s7 =	smul.u32 $0x32000, s9  }
0x6: {  	s10 =	sor.u32 $0x10, s9;
	s18 =	smul.u32 $0xC800, s9;
	s9 =	simm.s32 $0xA000  }
0x7: {  	s4 =	smul.u32 $0x13C00, s4;
	s6 =	sshll.u32 s1, $0x7;
	s25 =	ssub.s32 $0x2, s1  }
0x8: {  	s5 =	sand.u32 $0x300, s5;
	_ =	strace $0x8000004A;
	s8 =	sshrl.u32 s25, $0x1  }
0x9: {  	s1 =	smul.u32 $0x138800, s1;
	s26 =	sshrl.u32 s7, $0x2;
	s8 =	ssub.s32 s25, s8  }
0xa: {  	s5 =	sor.u32 s6, s5;
	s6 =	sadd.s32 s26, s2;
	s7 =	smax.u32 s8, $0x1  }
0xb: {  	s13 =	smul.u32 $0x32000, s10;
	s8 =	sadd.s32 $0x1400, s6;
	[dreg:$0x4] =	wrdreg s7  }
0xc: {  	s20 =	smul.u32 $0xC800, s10;
	s11 =	sadd.s32 $0x2800, s6;
	[dreg:$0x5] =	wrdreg s8  }
0xd: {  	p0 =	sgt.u32 s10, $0x18;
	s12 =	sadd.s32 $0x3C00, s6;
	[dreg:$0x6] =	wrdreg s11  }
0xe: {  	s10 =	simm.s32 $0x4F80;
	s14 =	sadd.s32 $0x5000, s6;
	[dreg:$0x7] =	wrdreg s12  }
0xf: {  	s4 =	sor.u32 s4, s5;
	s15 =	sadd.s32 $0x6400, s6;
	[dreg:$0x8] =	wrdreg s14  }
0x10: {  	s5 =	sshrl.u32 s4, $0x3;
	s16 =	sadd.s32 $0x7800, s6;
	[dreg:$0x9] =	wrdreg s15  }
0x11: {  	s4 =	sadd.s32 $0x10C00, s0;
	s17 =	sadd.s32 $0x8C00, s6;
	[dreg:$0xa] =	wrdreg s16  }
0x12: {  	s19 =	sadd.s32 $0xA000, s6;
	s21 =	sadd.s32 $0xB400, s6;
	[dreg:$0xb] =	wrdreg s17  }
0x13: {  	s5 =	sadd.s32 s5, s0;
	s0 =	sadd.s32 $0x37E00, s0;
	[dreg:$0xc] =	wrdreg s19  }
0x14: {  	s7 =	sshrl.u32 s13, $0x2;
	[dreg:$0xd] =	wrdreg s21;
	s8 =	sadd.s32 s1, s18  }
0x15: {  	s1 =	sadd.s32 s1, s20;
	s11 =	simm.s32 $0x7780;
	s12 =	simm.s32 $0xA100  }
0x16: {  	s13 =	simm.s32 $0x2;
	s14 =	simm.s32 $0xA180;
	s15 =	simm.s32 $0x3  }
0x17: {  	s17 =	simm.s32 $0xA200;
	s18 =	simm.s32 $0x0;
	s5 =	sadd.s32 $0x6E00, s5  }
0x18: {  	s16 =	sadd.s32 s7, s2;
	s26 =	sshrl.u32 s8, $0x3;
	s1 =	sshrl.u32 s1, $0x3  }
0x19: {  	s8 =	simm.s32 $0x2780;
	[dreg:$0x3] =	wrdreg s5;
	s22 =	sadd.s32 $0x1400, s16  }
0x1a: {  	s23 =	sadd.s32 $0x2800, s16;
	s24 =	sadd.s32 $0x3C00, s16;
	[dreg:$0xe] =	wrdreg s22  }
0x1b: {  	s25 =	sadd.s32 $0x5000, s16;
	s7 =	sadd.s32 s0, s26;
	[dreg:$0xf] =	wrdreg s23  }
.Ltmp0:
0x1c: {  	s0 =	sadd.s32 s0, s1;
	[dreg:$0x10] =	wrdreg s24;
	(pc) =	sbr.rel .LBB2_1-.Ltmp0, $4  }
0x1d: {  	s26 =	sadd.s32 $0x8C00, s16;
	s28 =	sadd.s32 $0xA000, s16;
	[dreg:$0x11] =	wrdreg s25  }
0x1e: {  	s29 =	sadd.s32 $0xB400, s16;
	s1 =	simm.s32 $0x1;
	[dreg:$0x12] =	wrdreg s7  }
0x1f: {  	s5 =	simm.s32 $0x50;
	[dreg:$0x13] =	wrdreg s0;
	s24 =	sadd.s32 $0x6400, s16  }
0x20: {  	v0 =	vimm.f32 $0.0e+00;
	s25 =	sadd.s32 $0x7800, s16;
	s0 =	simm.s32 $0xA280;
	s7 =	simm.s32 $0x9F80  }
.LBB2_8:
0x21: {  	_ =	swait.ge [sflag:s13], $0x2800  }
0x22: {  	[sflag:s13] =	ssyncset.done $0x0  }
0x23: {  	[sflag:s13] =	ssyncadd.s32 $0xFFFFD800  }
0x24: {  	[spmem:s2] =	stream.indirect.scatter.add.f32 [tilespmem:s10], [sflag:$0x4], $0x80, s14, s5, $0xb8;
	[tilespmem:$0x1EF00] =	vst v63  }
0x25: {  	_ =	swait.ge [sflag:s31], $0x2800  }
0x26: {  	[sflag:s31] =	ssyncset.done $0x0  }
0x27: {  	[sflag:s31] =	ssyncadd.s32 $0xFFFFD800  }
.LBB2_6:
0x28: {  	s19 =	stileid.u32  }
0x29: {  	[bflag:$0x0] =	sbarrier.arrive $0xFFFF;
	s19 =	sshll.u32 s19, $0x6  }
0x2a: {  	s20 =	sshrl.u32 s6, $0x3;
	s21 =	rddreg [dreg:$0x12];
	s19 =	sor.u32 $0x1C04, s19  }
0x2b: {  	[hbm:s21], [sflag:s19] =	dma.local [spmem:s20], $0x1900  }
0x2c: {  	_ =	swait.ge [sflag:s31], $0x1900  }
0x2d: {  	[sflag:s31] =	ssyncset.done $0x0  }
0x2e: {  	s20 =	sshrl.u32 @!p0 s16, $0x3;
	s21 =	rddreg [dreg:$0x13];
	[sflag:s31] =	ssyncadd.s32 $0xFFFFE700  }
0x2f: {  	[hbm:s21], [sflag:s19] =	dma.local @!p0 [spmem:s20], $0x1900  }
0x30: {  	s19 =	simm.s32 @!p0 $0x4  }
0x31: {  	_ =	swait.ge @!p0 [sflag:s19], $0x1900  }
0x32: {  	s18 =	sadd.s32 $0x1, s18;
	s23 =	rddreg [dreg:$0x4]  }
0x33: {  	p1 =	sne.s32 s18, s23  }
.Ltmp1:
0x34: {  	_ = 	snop;
	(pc) =	sbr.rel @!p1 .LBB2_7-.Ltmp1, $3  }
0x35: {  	_ =	sdelay $0x1  }
0x36: {  	[sflag:s19] =	ssyncset.done @!p0 $0x0  }
0x37: {  	[sflag:s19] =	ssyncadd.s32 @!p0 $0xFFFFE700  }
.LBB2_1:
0x38: {  	s19 =	rddreg [dreg:$0x3];
	s20 =	simm.s32 $0x80;
	s21 =	simm.s32 $0x400  }
0x39: {  	[tilespmem:s3], [sflag:$0x1] =	stream.strided.gather [hbm4b:s19+s20], $0x2780, s21, s20, $0x38;
	[tilespmem:$0x1EF00] =	vst v63  }
0x3a: {  	s21 =	sand.u32 $0x7E00, s3  }
0x3b: {  	s22 =	sand.u32 $0x70, s3;
	s23 =	sshrl.u32 s21, $0x2  }
0x3c: {  	s19 =	simm.s32 $0x40;
	s20 =	simm.s32 $0x0;
	s21 =	sor.u32 s22, s23  }
.LBB2_2:
0x3d: {  	p1 =	sne.s32 s19, $0x4FC0  }
0x3e: {  	[tilespmem:s21+$0xA280] =	vst v0;
	s20 =	sadd.s32 $0x10, s20;
	s21 =	smov.u32 s19;
	s19 =	sadd.s32 $0x40, s19  }
.Ltmp2:
0x3f: {  	(pc) =	sbr.rel @p1 .LBB2_2-.Ltmp2, $4  }
0x40: {  	_ = 	snop  }
0x41: {  	s21 =	sand.u32 $0x7E00, s21  }
0x42: {  	s22 =	sand.u32 $0x70, s20;
	s21 =	sshrl.u32 s21, $0x2  }
0x43: {  	s21 =	sor.u32 s22, s21  }
0x44: {  	[tilespmem:s21+$0xA280] =	vst v0  }
0x45: {  	[spmem:s6] =	stream.linear.scatter [tilespmem:s0], [sflag:$0x5], $0x1400, $0x38;
	[tilespmem:$0x1EF00] =	vst v63  }
0x46: {  	_ =	swait.ge [sflag:s30], $0x1400  }
0x47: {  	[sflag:s30] =	ssyncset.done $0x0  }
0x48: {  	s19 =	rddreg [dreg:$0x5];
	[sflag:s30] =	ssyncadd.s32 $0xFFFFEC00  }
0x49: {  	[spmem:s19] =	stream.linear.scatter [tilespmem:s0], [sflag:$0x5], $0x1400, $0x38;
	[tilespmem:$0x1EF00] =	vst v63  }
0x4a: {  	_ =	swait.ge [sflag:s30], $0x1400  }
0x4b: {  	[sflag:s30] =	ssyncset.done $0x0  }
0x4c: {  	s23 =	rddreg [dreg:$0x6];
	[sflag:s30] =	ssyncadd.s32 $0xFFFFEC00  }
0x4d: {  	[spmem:s23] =	stream.linear.scatter [tilespmem:s0], [sflag:$0x5], $0x1400, $0x38;
	[tilespmem:$0x1EF00] =	vst v63  }
0x4e: {  	_ =	swait.ge [sflag:s30], $0x1400  }
0x4f: {  	[sflag:s30] =	ssyncset.done $0x0  }
0x50: {  	s20 =	rddreg [dreg:$0x7];
	[sflag:s30] =	ssyncadd.s32 $0xFFFFEC00  }
0x51: {  	[spmem:s20] =	stream.linear.scatter [tilespmem:s0], [sflag:$0x5], $0x1400, $0x38;
	[tilespmem:$0x1EF00] =	vst v63  }
0x52: {  	_ =	swait.ge [sflag:s30], $0x1400  }
0x53: {  	[sflag:s30] =	ssyncset.done $0x0  }
0x54: {  	s21 =	rddreg [dreg:$0x8];
	[sflag:s30] =	ssyncadd.s32 $0xFFFFEC00  }
0x55: {  	[spmem:s21] =	stream.linear.scatter [tilespmem:s0], [sflag:$0x5], $0x1400, $0x38;
	[tilespmem:$0x1EF00] =	vst v63  }
0x56: {  	_ =	swait.ge [sflag:s30], $0x1400  }
0x57: {  	[sflag:s30] =	ssyncset.done $0x0  }
0x58: {  	s22 =	rddreg [dreg:$0x9];
	[sflag:s30] =	ssyncadd.s32 $0xFFFFEC00  }
0x59: {  	[spmem:s22] =	stream.linear.scatter [tilespmem:s0], [sflag:$0x5], $0x1400, $0x38;
	[tilespmem:$0x1EF00] =	vst v63  }
0x5a: {  	_ =	swait.ge [sflag:s30], $0x1400  }
0x5b: {  	[sflag:s30] =	ssyncset.done $0x0  }
0x5c: {  	s23 =	rddreg [dreg:$0xa];
	[sflag:s30] =	ssyncadd.s32 $0xFFFFEC00  }
0x5d: {  	[spmem:s23] =	stream.linear.scatter [tilespmem:s0], [sflag:$0x5], $0x1400, $0x38;
	[tilespmem:$0x1EF00] =	vst v63  }
0x5e: {  	_ =	swait.ge [sflag:s30], $0x1400  }
0x5f: {  	[sflag:s30] =	ssyncset.done $0x0  }
0x60: {  	s20 =	rddreg [dreg:$0xb];
	[sflag:s30] =	ssyncadd.s32 $0xFFFFEC00  }
0x61: {  	[spmem:s20] =	stream.linear.scatter [tilespmem:s0], [sflag:$0x5], $0x1400, $0x38;
	[tilespmem:$0x1EF00] =	vst v63  }
0x62: {  	_ =	swait.ge [sflag:s30], $0x1400  }
0x63: {  	[sflag:s30] =	ssyncset.done $0x0  }
0x64: {  	s21 =	rddreg [dreg:$0xc];
	[sflag:s30] =	ssyncadd.s32 $0xFFFFEC00  }
0x65: {  	[spmem:s21] =	stream.linear.scatter [tilespmem:s0], [sflag:$0x5], $0x1400, $0x38;
	[tilespmem:$0x1EF00] =	vst v63  }
0x66: {  	_ =	swait.ge [sflag:s30], $0x1400  }
0x67: {  	[sflag:s30] =	ssyncset.done $0x0  }
0x68: {  	s22 =	rddreg [dreg:$0xd];
	[sflag:s30] =	ssyncadd.s32 $0xFFFFEC00  }
0x69: {  	[spmem:s22] =	stream.linear.scatter [tilespmem:s0], [sflag:$0x4], $0x1400, $0x38;
	[tilespmem:$0x1EF00] =	vst v63  }
0x6a: {  	_ =	swait.ge [sflag:s31], $0x1400  }
0x6b: {  	[sflag:s31] =	ssyncset.done $0x0  }
0x6c: {  	s19 =	simm.s32 @!p0 $0xA280;
	s20 =	simm.s32 @!p0 $0x5;
	[sflag:s31] =	ssyncadd.s32 $0xFFFFEC00  }
0x6d: {  	[spmem:s16] =	stream.linear.scatter @!p0 [tilespmem:s19], [sflag:$0x5], $0x1400, $0x38;
	[tilespmem:$0x1EF00] =	vst v63  }
0x6e: {  	_ =	swait.ge @!p0 [sflag:s20], $0x1400  }
0x6f: {  	[sflag:s20] =	ssyncset.done @!p0 $0x0  }
0x70: {  	s21 =	rddreg [dreg:$0xe];
	[sflag:s20] =	ssyncadd.s32 @!p0 $0xFFFFEC00  }
0x71: {  	[spmem:s21] =	stream.linear.scatter @!p0 [tilespmem:s19], [sflag:$0x5], $0x1400, $0x38;
	[tilespmem:$0x1EF00] =	vst v63  }
0x72: {  	_ =	swait.ge @!p0 [sflag:s20], $0x1400  }
0x73: {  	[sflag:s20] =	ssyncset.done @!p0 $0x0  }
0x74: {  	s21 =	rddreg [dreg:$0xf];
	[sflag:s20] =	ssyncadd.s32 @!p0 $0xFFFFEC00  }
0x75: {  	[spmem:s21] =	stream.linear.scatter @!p0 [tilespmem:s19], [sflag:$0x5], $0x1400, $0x38;
	[tilespmem:$0x1EF00] =	vst v63  }
0x76: {  	_ =	swait.ge @!p0 [sflag:s20], $0x1400  }
0x77: {  	[sflag:s20] =	ssyncset.done @!p0 $0x0  }
0x78: {  	s21 =	rddreg [dreg:$0x10];
	[sflag:s20] =	ssyncadd.s32 @!p0 $0xFFFFEC00  }
0x79: {  	[spmem:s21] =	stream.linear.scatter @!p0 [tilespmem:s19], [sflag:$0x5], $0x1400, $0x38;
	[tilespmem:$0x1EF00] =	vst v63  }
0x7a: {  	_ =	swait.ge @!p0 [sflag:s20], $0x1400  }
0x7b: {  	[sflag:s20] =	ssyncset.done @!p0 $0x0  }
0x7c: {  	s21 =	rddreg [dreg:$0x11];
	[sflag:s20] =	ssyncadd.s32 @!p0 $0xFFFFEC00  }
0x7d: {  	[spmem:s21] =	stream.linear.scatter @!p0 [tilespmem:s19], [sflag:$0x5], $0x1400, $0x38;
	[tilespmem:$0x1EF00] =	vst v63  }
0x7e: {  	_ =	swait.ge @!p0 [sflag:s20], $0x1400  }
0x7f: {  	[sflag:s20] =	ssyncset.done @!p0 $0x0  }
0x80: {  	[sflag:s20] =	ssyncadd.s32 @!p0 $0xFFFFEC00  }
0x81: {  	[spmem:s24] =	stream.linear.scatter @!p0 [tilespmem:s19], [sflag:$0x5], $0x1400, $0x38;
	[tilespmem:$0x1EF00] =	vst v63  }
0x82: {  	_ =	swait.ge @!p0 [sflag:s20], $0x1400  }
0x83: {  	[sflag:s20] =	ssyncset.done @!p0 $0x0  }
0x84: {  	[sflag:s20] =	ssyncadd.s32 @!p0 $0xFFFFEC00  }
0x85: {  	[spmem:s25] =	stream.linear.scatter @!p0 [tilespmem:s19], [sflag:$0x5], $0x1400, $0x38;
	[tilespmem:$0x1EF00] =	vst v63  }
0x86: {  	_ =	swait.ge @!p0 [sflag:s20], $0x1400  }
0x87: {  	[sflag:s20] =	ssyncset.done @!p0 $0x0  }
0x88: {  	[sflag:s20] =	ssyncadd.s32 @!p0 $0xFFFFEC00  }
0x89: {  	[spmem:s26] =	stream.linear.scatter @!p0 [tilespmem:s19], [sflag:$0x5], $0x1400, $0x38;
	[tilespmem:$0x1EF00] =	vst v63  }
0x8a: {  	_ =	swait.ge @!p0 [sflag:s20], $0x1400  }
0x8b: {  	[sflag:s20] =	ssyncset.done @!p0 $0x0  }
0x8c: {  	[sflag:s20] =	ssyncadd.s32 @!p0 $0xFFFFEC00  }
0x8d: {  	[spmem:s28] =	stream.linear.scatter @!p0 [tilespmem:s19], [sflag:$0x5], $0x1400, $0x38;
	[tilespmem:$0x1EF00] =	vst v63  }
0x8e: {  	_ =	swait.ge @!p0 [sflag:s20], $0x1400  }
0x8f: {  	[sflag:s20] =	ssyncset.done @!p0 $0x0  }
0x90: {  	[sflag:s20] =	ssyncadd.s32 @!p0 $0xFFFFEC00  }
0x91: {  	[spmem:s29] =	stream.linear.scatter @!p0 [tilespmem:s19], [sflag:$0x4], $0x1400, $0x38;
	[tilespmem:$0x1EF00] =	vst v63  }
0x92: {  	s19 =	simm.s32 @!p0 $0x4  }
0x93: {  	_ =	swait.ge @!p0 [sflag:s19], $0x1400  }
0x94: {  	[sflag:s19] =	ssyncset.done @!p0 $0x0  }
0x95: {  	[sflag:s19] =	ssyncadd.s32 @!p0 $0xFFFFEC00  }
0x96: {  	_ =	swait.ge [sflag:s1], $0x2780  }
0x97: {  	[sflag:s1] =	ssyncset.done $0x0  }
0x98: {  	[sflag:s1] =	ssyncadd.s32 $0xFFFFD880  }
0x99: {  	[bflag:$0x0] =	sbarrier.arrive $0xFFFF  }
0x9a: {  	v1 =	vld [tilespmem:$0x0];
	_ =	sdelay $0x1  }
0x9b: {  	v2 =	vld [tilespmem:$0x10];
	_ =	sdelay $0x1  }
0x9c: {  	v3 =	vld [tilespmem:$0x20]  }
0x9d: {  	v4 =	vshrl.u32 v1, $0xE  }
0x9e: {  	v59 =	vld [tilespmem:$0x30];
	v1 =	vand.u32 $0x3FFF, v1;
	[tilespmem:$0x9F80] =	vst v4  }
0x9f: {  	[tilespmem:$0xA100] =	vst v1;
	v1 =	vshrl.u32 v2, $0xE  }
0xa0: {  	[tilespmem:$0x9F90] =	vst v1;
	v1 =	vand.u32 $0x3FFF, v2;
	v2 =	vld [tilespmem:$0x40]  }
0xa1: {  	[tilespmem:$0xA110] =	vst v1;
	v1 =	vshrl.u32 v3, $0xE  }
0xa2: {  	[tilespmem:$0x9FA0] =	vst v1;
	v1 =	vand.u32 $0x3FFF, v3  }
0xa3: {  	[tilespmem:$0xA120] =	vst v1;
	v1 =	vshrl.u32 v59, $0xE  }
0xa4: {  	[tilespmem:$0x9FB0] =	vst v1;
	v1 =	vand.u32 $0x3FFF, v59  }
0xa5: {  	[tilespmem:$0xA130] =	vst v1;
	v1 =	vshrl.u32 v2, $0xE  }
0xa6: {  	[tilespmem:$0x9FC0] =	vst v1;
	v1 =	vand.u32 $0x3FFF, v2  }
0xa7: {  	[tilespmem:$0xA140] =	vst v1  }
0xa8: {  	[tilespmem:s8], [sflag:$0x1] =	stream.indirect.gather [hbm4b:s4+s5], $0x80, s7, s5, $0xb8;
	[tilespmem:$0x1EF00] =	vst v63  }
0xa9: {  	v1 =	vld [tilespmem:$0x50];
	_ =	sdelay $0x1  }
0xaa: {  	v2 =	vld [tilespmem:$0x60];
	_ =	sdelay $0x1  }
0xab: {  	v3 =	vld [tilespmem:$0x70]  }
0xac: {  	v60 =	vshrl.u32 v1, $0xE  }
0xad: {  	v61 =	vld [tilespmem:$0x80];
	v1 =	vand.u32 $0x3FFF, v1;
	[tilespmem:$0xA000] =	vst v60  }
0xae: {  	[tilespmem:$0xA180] =	vst v1;
	v1 =	vshrl.u32 v2, $0xE  }
0xaf: {  	[tilespmem:$0xA010] =	vst v1;
	v1 =	vand.u32 $0x3FFF, v2;
	v2 =	vld [tilespmem:$0x90]  }
0xb0: {  	[tilespmem:$0xA190] =	vst v1;
	v1 =	vshrl.u32 v3, $0xE  }
0xb1: {  	[tilespmem:$0xA020] =	vst v1;
	v1 =	vand.u32 $0x3FFF, v3  }
0xb2: {  	[tilespmem:$0xA1A0] =	vst v1;
	v1 =	vshrl.u32 v61, $0xE  }
0xb3: {  	[tilespmem:$0xA030] =	vst v1;
	v1 =	vand.u32 $0x3FFF, v61  }
0xb4: {  	[tilespmem:$0xA1B0] =	vst v1;
	v1 =	vshrl.u32 v2, $0xE  }
0xb5: {  	[tilespmem:$0xA040] =	vst v1;
	v1 =	vand.u32 $0x3FFF, v2  }
0xb6: {  	[tilespmem:$0xA1C0] =	vst v1  }
0xb7: {  	[tilespmem:s10], [sflag:$0x2] =	stream.indirect.gather [hbm4b:s4+s5], $0x80, s9, s5, $0xb8;
	[tilespmem:$0x1EF00] =	vst v63  }
0xb8: {  	v1 =	vld [tilespmem:$0xA0];
	_ =	sdelay $0x1  }
0xb9: {  	v2 =	vld [tilespmem:$0xB0];
	_ =	sdelay $0x1  }
0xba: {  	v3 =	vld [tilespmem:$0xC0]  }
0xbb: {  	v62 =	vshrl.u32 v1, $0xE  }
0xbc: {  	v63 =	vld [tilespmem:$0xD0];
	v1 =	vand.u32 $0x3FFF, v1;
	[tilespmem:$0xA080] =	vst v62  }
0xbd: {  	[tilespmem:$0xA200] =	vst v1;
	v1 =	vshrl.u32 v2, $0xE  }
0xbe: {  	[tilespmem:$0xA090] =	vst v1;
	v1 =	vand.u32 $0x3FFF, v2;
	v2 =	vld [tilespmem:$0xE0]  }
0xbf: {  	[tilespmem:$0xA210] =	vst v1;
	v1 =	vshrl.u32 v3, $0xE  }
0xc0: {  	[tilespmem:$0xA0A0] =	vst v1;
	v1 =	vand.u32 $0x3FFF, v3  }
0xc1: {  	[tilespmem:$0xA220] =	vst v1;
	v1 =	vshrl.u32 v63, $0xE  }
0xc2: {  	[tilespmem:$0xA0B0] =	vst v1;
	v1 =	vand.u32 $0x3FFF, v63  }
0xc3: {  	[tilespmem:$0xA230] =	vst v1;
	v1 =	vshrl.u32 v2, $0xE  }
0xc4: {  	[tilespmem:$0xA0C0] =	vst v1;
	v1 =	vand.u32 $0x3FFF, v2  }
0xc5: {  	s23 =	simm.s32 $0xA080;
	s20 =	simm.s32 $0x1D0;
	s19 =	simm.s32 $0x0;
	[tilespmem:$0xA240] =	vst v1  }
0xc6: {  	[tilespmem:s11], [sflag:$0x3] =	stream.indirect.gather [hbm4b:s4+s5], $0x80, s23, s5, $0xb8;
	[tilespmem:$0x1EF00] =	vst v63  }
.LBB2_4:
0xc7: {  	_ =	swait.ge [sflag:s1], $0x2800  }
0xc8: {  	p1 =	seq.s32 s19, $0x29;
	[sflag:s1] =	ssyncset.done $0x0  }
.Ltmp3:
0xc9: {  	[sflag:s1] =	ssyncadd.s32 $0xFFFFD800;
	(pc) =	sbr.rel @p1 .LBB2_8-.Ltmp3, $4  }
0xca: {  	[spmem:s2] =	stream.indirect.scatter.add.f32 [tilespmem:s8], [sflag:$0x4], $0x80, s12, s5, $0xb8;
	[tilespmem:$0x1EF00] =	vst v63  }
0xcb: {  	_ =	swait.ge [sflag:s31], $0x2800  }
0xcc: {  	[sflag:s31] =	ssyncset.done $0x0  }
0xcd: {  	[sflag:s31] =	ssyncadd.s32 $0xFFFFD800  }
0xce: {  	v1 =	vld [tilespmem:s20+$0xFFFFFF20];
	_ =	sdelay $0x4  }
0xcf: {  	v2 =	vshrl.u32 v1, $0xE  }
0xd0: {  	v1 =	vand.u32 $0x3FFF, v1;
	[tilespmem:$0x9F80] =	vst v2  }
0xd1: {  	[tilespmem:$0xA100] =	vst v1  }
0xd2: {  	v1 =	vld [tilespmem:s20+$0xFFFFFF30];
	_ =	sdelay $0x4  }
0xd3: {  	v2 =	vshrl.u32 v1, $0xE  }
0xd4: {  	v1 =	vand.u32 $0x3FFF, v1;
	[tilespmem:$0x9F90] =	vst v2  }
0xd5: {  	[tilespmem:$0xA110] =	vst v1  }
0xd6: {  	v1 =	vld [tilespmem:s20+$0xFFFFFF40];
	_ =	sdelay $0x4  }
0xd7: {  	v2 =	vshrl.u32 v1, $0xE  }
0xd8: {  	v1 =	vand.u32 $0x3FFF, v1;
	[tilespmem:$0x9FA0] =	vst v2  }
0xd9: {  	[tilespmem:$0xA120] =	vst v1  }
0xda: {  	v1 =	vld [tilespmem:s20+$0xFFFFFF50];
	_ =	sdelay $0x4  }
0xdb: {  	v2 =	vshrl.u32 v1, $0xE  }
0xdc: {  	v1 =	vand.u32 $0x3FFF, v1;
	[tilespmem:$0x9FB0] =	vst v2  }
0xdd: {  	[tilespmem:$0xA130] =	vst v1  }
0xde: {  	v1 =	vld [tilespmem:s20+$0xFFFFFF60];
	_ =	sdelay $0x4  }
0xdf: {  	v2 =	vshrl.u32 v1, $0xE  }
0xe0: {  	v1 =	vand.u32 $0x3FFF, v1;
	[tilespmem:$0x9FC0] =	vst v2  }
0xe1: {  	[tilespmem:$0xA140] =	vst v1  }
0xe2: {  	[tilespmem:s8], [sflag:$0x1] =	stream.indirect.gather [hbm4b:s4+s5], $0x80, s7, s5, $0xb8;
	[tilespmem:$0x1EF00] =	vst v63  }
0xe3: {  	_ =	swait.ge [sflag:s13], $0x2800  }
0xe4: {  	[sflag:s13] =	ssyncset.done $0x0  }
0xe5: {  	[sflag:s13] =	ssyncadd.s32 $0xFFFFD800  }
0xe6: {  	[spmem:s2] =	stream.indirect.scatter.add.f32 [tilespmem:s10], [sflag:$0x4], $0x80, s14, s5, $0xb8;
	[tilespmem:$0x1EF00] =	vst v63  }
0xe7: {  	_ =	swait.ge [sflag:s31], $0x2800  }
0xe8: {  	[sflag:s31] =	ssyncset.done $0x0  }
0xe9: {  	[sflag:s31] =	ssyncadd.s32 $0xFFFFD800  }
0xea: {  	v1 =	vld [tilespmem:s20+$0xFFFFFF70];
	_ =	sdelay $0x4  }
0xeb: {  	v2 =	vshrl.u32 v1, $0xE  }
0xec: {  	v1 =	vand.u32 $0x3FFF, v1;
	[tilespmem:$0xA000] =	vst v2  }
0xed: {  	[tilespmem:$0xA180] =	vst v1  }
0xee: {  	v1 =	vld [tilespmem:s20+$0xFFFFFF80];
	_ =	sdelay $0x4  }
0xef: {  	v2 =	vshrl.u32 v1, $0xE  }
0xf0: {  	v1 =	vand.u32 $0x3FFF, v1;
	[tilespmem:$0xA010] =	vst v2  }
0xf1: {  	[tilespmem:$0xA190] =	vst v1  }
0xf2: {  	v1 =	vld [tilespmem:s20+$0xFFFFFF90];
	_ =	sdelay $0x4  }
0xf3: {  	v2 =	vshrl.u32 v1, $0xE  }
0xf4: {  	v1 =	vand.u32 $0x3FFF, v1;
	[tilespmem:$0xA020] =	vst v2  }
0xf5: {  	[tilespmem:$0xA1A0] =	vst v1  }
0xf6: {  	v1 =	vld [tilespmem:s20+$0xFFFFFFA0];
	_ =	sdelay $0x4  }
0xf7: {  	v2 =	vshrl.u32 v1, $0xE  }
0xf8: {  	v1 =	vand.u32 $0x3FFF, v1;
	[tilespmem:$0xA030] =	vst v2  }
0xf9: {  	[tilespmem:$0xA1B0] =	vst v1  }
0xfa: {  	v1 =	vld [tilespmem:s20+$0xFFFFFFB0];
	_ =	sdelay $0x4  }
0xfb: {  	v2 =	vshrl.u32 v1, $0xE  }
0xfc: {  	v1 =	vand.u32 $0x3FFF, v1;
	[tilespmem:$0xA040] =	vst v2  }
0xfd: {  	[tilespmem:$0xA1C0] =	vst v1  }
0xfe: {  	[tilespmem:s10], [sflag:$0x2] =	stream.indirect.gather [hbm4b:s4+s5], $0x80, s9, s5, $0xb8;
	[tilespmem:$0x1EF00] =	vst v63  }
0xff: {  	_ =	swait.ge [sflag:s15], $0x2800  }
0x100: {  	[sflag:s15] =	ssyncset.done $0x0  }
0x101: {  	[sflag:s15] =	ssyncadd.s32 $0xFFFFD800  }
0x102: {  	[spmem:s2] =	stream.indirect.scatter.add.f32 [tilespmem:s11], [sflag:$0x4], $0x80, s17, s5, $0xb8;
	[tilespmem:$0x1EF00] =	vst v63  }
0x103: {  	_ =	swait.ge [sflag:s31], $0x2800  }
0x104: {  	[sflag:s31] =	ssyncset.done $0x0  }
0x105: {  	p1 =	sgt.u32 s19, $0x27;
	[sflag:s31] =	ssyncadd.s32 $0xFFFFD800  }
0x106: {  	v1 =	vld @!p1 [tilespmem:s20+$0xFFFFFFC0];
	_ =	sdelay $0x4  }
0x107: {  	v2 =	vshrl.u32 @!p1 v1, $0xE  }
0x108: {  	v1 =	vand.u32 @!p1 $0x3FFF, v1;
	[tilespmem:$0xA080] =	vst @!p1 v2  }
0x109: {  	[tilespmem:$0xA200] =	vst @!p1 v1  }
0x10a: {  	v1 =	vld @!p1 [tilespmem:s20+$0xFFFFFFD0];
	_ =	sdelay $0x4  }
0x10b: {  	v2 =	vshrl.u32 @!p1 v1, $0xE  }
0x10c: {  	v1 =	vand.u32 @!p1 $0x3FFF, v1;
	[tilespmem:$0xA090] =	vst @!p1 v2  }
0x10d: {  	[tilespmem:$0xA210] =	vst @!p1 v1  }
0x10e: {  	v1 =	vld @!p1 [tilespmem:s20+$0xFFFFFFE0];
	_ =	sdelay $0x4  }
0x10f: {  	v2 =	vshrl.u32 @!p1 v1, $0xE  }
0x110: {  	v1 =	vand.u32 @!p1 $0x3FFF, v1;
	[tilespmem:$0xA0A0] =	vst @!p1 v2  }
0x111: {  	[tilespmem:$0xA220] =	vst @!p1 v1  }
0x112: {  	v1 =	vld @!p1 [tilespmem:s20+$0xFFFFFFF0];
	_ =	sdelay $0x4  }
0x113: {  	v2 =	vshrl.u32 @!p1 v1, $0xE  }
0x114: {  	v1 =	vand.u32 @!p1 $0x3FFF, v1;
	[tilespmem:$0xA0B0] =	vst @!p1 v2  }
0x115: {  	[tilespmem:$0xA230] =	vst @!p1 v1  }
0x116: {  	v1 =	vld @!p1 [tilespmem:s20+$0x0];
	_ =	sdelay $0x4  }
0x117: {  	v2 =	vshrl.u32 @!p1 v1, $0xE  }
0x118: {  	s19 =	sadd.s32 $0x1, s19;
	v1 =	vand.u32 @!p1 $0x3FFF, v1;
	[tilespmem:$0xA0C0] =	vst @!p1 v2  }
0x119: {  	s21 =	simm.s32 @!p1 $0x50;
	s22 =	simm.s32 @!p1 $0xA080;
	s23 =	simm.s32 @!p1 $0x7780;
	[tilespmem:$0xA240] =	vst @!p1 v1  }
0x11a: {  	[tilespmem:s23], [sflag:$0x3] =	stream.indirect.gather @!p1 [hbm4b:s4+s21], $0x80, s22, s21, $0xb8;
	[tilespmem:$0x1EF00] =	vst v63  }
0x11b: {  	p1 =	sne.s32 s19, $0x2A  }
.Ltmp4:
0x11c: {  	_ = 	snop;
	(pc) =	sbr.rel @p1 .LBB2_4-.Ltmp4, $4  }
.Ltmp5:
0x11d: {  	_ = 	snop;
	(pc) =	sbr.rel @!p1 .LBB2_6-.Ltmp5, $4  }
0x11e: {  	_ = 	snop  }
0x11f: {  	_ = 	snop  }
0x120: {  	s20 =	sadd.s32 $0xF0, s20  }
0x121: {  	_ = 	snop  }
.LBB2_7:
0x122: {  	_ =	sfence.sel $0x180000  }
0x123: {  	[bflag:$0x0] =	sbarrier.arrive $0xFFFF  }
0x124: {  	_ =	strace $0x9000004A  }
0x125: {  	s0 =	stileid.u32;
	[bflag:$0x2] =	sbarrier.arrive $0xFFFF  }
0x126: {  	p0 =	sne.s32 s0, $0x0;
	s0 =	rddreg [dreg:$0x2]  }
0x127: {  	s0 =	sadd.s32 @!p0 $0x100000, s0  }
0x128: {  	[sflag:s0] =	ssyncadd.tile.s32 @!p0 $0x1;
	_ =	shalt  }
.Lfunc_end2:
_tile_overlayer_lowered:
.L_overlay_start_2:
0x129: {  	(tag) =	ssettag $0x2  }
0x12a: {  	s0 =	rddreg [dreg:$0x0];
	s2 =	stileid.u32  }
0x12b: {  	s1 =	rddreg [dreg:$0x1];
	p0 =	sne.s32 s2, $0x0  }
0x12c: {  	s3 =	rddreg [dreg:$0x2];
	[bflag:$0x3] =	sbarrier.arrive $0xFFFF;
	s2 =	simm.s32 @!p0 $0x1C04  }
0x12d: {  	[timem:s3], [sflag:s2] =	dma.local @!p0 [hbm:s0], s1  }
0x12e: {  	s0 =	simm.s32 @!p0 $0x4  }
0x12f: {  	_ =	swait.ge @!p0 [sflag:s0], s1  }
0x130: {  	s1 =	ssub.s32 @!p0 $0x0, s1;
	[sflag:s0] =	ssyncset.done @!p0 $0x0  }
0x131: {  	[sflag:s0] =	ssyncadd.s32 @!p0 s1  }
0x132: {  	[bflag:$0x3] =	sbarrier.arrive $0xFFFF  }
0x133: {  	_ =	shalt  }

// kernel: kernel.15.cloned.1.call-start
scs
__scs_entry_jumppad:
0x0: {  	(pc) =	sbr.rel $0x88, $3  }
0x1: {  	(tag) =	ssettag $0x0;
	lr =	simm.s32 $0x1  }
0x2: {  	[smem:$0x3F7D] =	sst lr;
	_ =	strace $0xD0000000  }
0x3: {  	_ = 	snop  }
0x4: {  	_ = 	snop  }
0x5: {  	_ = 	snop  }
0x6: {  	_ = 	snop  }
0x7: {  	_ = 	snop  }
__scs_overlays_trampoline_lowered:
0x8: {  	[smem:$0x3F8C] =	sst s0  }
0x9: {  	[smem:$0x3F8D] =	sst s1  }
0xa: {  	[smem:$0x3F8E] =	sst s2  }
0xb: {  	[smem:$0x3F8F] =	sst s3  }
0xc: {  	[smem:$0x3F90] =	sst s4  }
0xd: {  	[smem:$0x3F91] =	sst s5  }
0xe: {  	[smem:$0x3F92] =	sst s6  }
0xf: {  	[smem:$0x3F93] =	sst s7  }
0x10: {  	[smem:$0x3F94] =	sst s8  }
0x11: {  	[smem:$0x3F95] =	sst s9;
	s0 =	simm.s32 @!p0 $0x0  }
0x12: {  	s1 =	sld [smem:$0x3F7B];
	s0 =	simm.s32 @p0 $0x1  }
0x13: {  	[smem:$0x3F96] =	sst s0;
	s0 =	simm.s32 @!p1 $0x0  }
0x14: {  	s2 =	sld [smem:$0x3F7A];
	s0 =	simm.s32 @p1 $0x1  }
0x15: {  	[smem:$0x3F97] =	sst s0;
	s0 =	simm.s32 @!p2 $0x0  }
0x16: {  	s3 =	sld [smem:$0x3FDB];
	s0 =	simm.s32 @p2 $0x1  }
0x17: {  	s4 =	simm.s32 $0x1BF5;
	[smem:$0x3F99] =	sst s0  }
0x18: {  	s0 =	sld [smem:$0x3F7C];
	_ =	swait.ge [sflag:s4], $0x0  }
0x19: {  	s7 =	sld [smem:$0x3F7D]  }
0x1a: {  	s8 =	sadd.s32 $0xFFFFE003, lr  }
0x1b: {  	s9 =	sadd.s32 $0xFFFFFEF7, lr;
	s5 =	simm.s32 $0xFFFFFFFF;
	p2 =	slt.u32 s8, $0xFFFFF086  }
0x1c: {  	p1 =	slt.u32 s9, $0xF7A;
	s5 =	simm.s32 @!p2 $0x0  }
0x1d: {  	s5 =	simm.s32 @p1 $0x1;
	p0 =	seq.s32 s7, s2  }
0x1e: {  	s7 =	smul.u32 @!p0 $0xF7A, s2;
	p2 =	seq.s32 @!p0 s5, $0x0  }
0x1f: {  	s9 =	smul.u32 $0xF7A, s1;
	s8 =	simm.s32 @!p0 $0x1BF5;
	p2 =	por !p2, p0  }
0x20: {  	[sflag:s8] =	ssyncset.s32 @!p0 $0xFFFFF086;
	s6 =	sadd.s32 @!p0 s3, s7;
	s7 =	simm.s32 @!p0 $0x108  }
0x21: {  	s3 =	sadd.s32 s3, s9;
	s6 =	sadd.s32 @!p0 $0x88, s6;
	s7 =	simm.s32 @p2 $0x1082  }
0x22: {  	[simem:s7], [sflag:s8] =	dma.local @!p0 [hbm:s6], $0xF7A  }
0x23: {  	s9 =	sor.u32 $0xD0000000, s2;
	s6 =	simm.s32 $0x108;
	_ =	swait.ge @!p0 [sflag:s8], $0x0  }
0x24: {  	s3 =	sadd.s32 $0x88, s3;
	s6 =	simm.s32 @!p1 $0x1082;
	[sflag:s4] =	ssyncset.s32 $0xFFFFF086  }
0x25: {  	[simem:s6], [sflag:s4] =	dma.local [hbm:s3], $0xF7A  }
0x26: {  	[smem:$0x3F7D] =	sst s1;
	(tag) =	ssettag s2;
	_ =	strace s9  }
0x27: {  	s1 =	sld [smem:$0x3F8D]  }
0x28: {  	s2 =	sld [smem:$0x3F8E]  }
0x29: {  	s4 =	sld [smem:$0x3F90]  }
0x2a: {  	p0 =	seq.s32 s5, $0x0;
	s5 =	sld [smem:$0x3F91]  }
0x2b: {  	s6 =	sld [smem:$0x3F92]  }
0x2c: {  	s7 =	sld [smem:$0x3F93]  }
0x2d: {  	s3 =	simm.s32 $0x108;
	s8 =	sld [smem:$0x3F94]  }
0x2e: {  	s3 =	simm.s32 @!p0 $0x1082;
	s9 =	sld [smem:$0x3F95]  }
0x2f: {  	lr =	sadd.s32 s0, s3;
	s0 =	sld [smem:$0x3F8C]  }
0x30: {  	s3 =	sld [smem:$0x3F8F]  }
0x31: {  	[smem:$0x3F98] =	sst s10  }
0x32: {  	s10 =	sld [smem:$0x3F96];
	_ =	sdelay $0x3  }
0x33: {  	p0 =	seq.s32 s10, $0x1;
	s10 =	sld [smem:$0x3F98];
	_ =	sdelay $0x3  }
0x34: {  	[smem:$0x3F98] =	sst s10  }
0x35: {  	s10 =	sld [smem:$0x3F97];
	_ =	sdelay $0x3  }
0x36: {  	p1 =	seq.s32 s10, $0x1;
	s10 =	sld [smem:$0x3F98];
	_ =	sdelay $0x3  }
0x37: {  	[smem:$0x3F98] =	sst s10  }
0x38: {  	s10 =	sld [smem:$0x3F99]  }
0x39: {  	_ = 	snop;
	(pc) =	sbr.ind lr, $3  }
0x3a: {  	_ = 	snop  }
0x3b: {  	_ = 	snop  }
0x3c: {  	p2 =	seq.s32 s10, $0x1;
	s10 =	sld [smem:$0x3F98]  }
0x3d: {  	_ =	shalt  }
0x3e: {  	_ =	shalt  }
0x3f: {  	_ =	shalt  }
0x40: {  	_ =	shalt  }
0x41: {  	_ =	shalt  }
0x42: {  	_ =	shalt  }
0x43: {  	_ =	shalt  }
0x44: {  	_ =	shalt  }
0x45: {  	_ =	shalt  }
0x46: {  	_ =	shalt  }
0x47: {  	_ =	shalt  }
0x48: {  	_ =	shalt  }
0x49: {  	_ =	shalt  }
0x4a: {  	_ =	shalt  }
0x4b: {  	_ =	shalt  }
0x4c: {  	_ =	shalt  }
0x4d: {  	_ =	shalt  }
0x4e: {  	_ =	shalt  }
0x4f: {  	_ =	shalt  }
0x50: {  	_ =	shalt  }
0x51: {  	_ =	shalt  }
0x52: {  	_ =	shalt  }
0x53: {  	_ =	shalt  }
0x54: {  	_ =	shalt  }
0x55: {  	_ =	shalt  }
0x56: {  	_ =	shalt  }
0x57: {  	_ =	shalt  }
0x58: {  	_ =	shalt  }
0x59: {  	_ =	shalt  }
0x5a: {  	_ =	shalt  }
0x5b: {  	_ =	shalt  }
0x5c: {  	_ =	shalt  }
0x5d: {  	_ =	shalt  }
0x5e: {  	_ =	shalt  }
0x5f: {  	_ =	shalt  }
0x60: {  	_ =	shalt  }
0x61: {  	_ =	shalt  }
0x62: {  	_ =	shalt  }
0x63: {  	_ =	shalt  }
0x64: {  	_ =	shalt  }
0x65: {  	_ =	shalt  }
0x66: {  	_ =	shalt  }
0x67: {  	_ =	shalt  }
0x68: {  	_ =	shalt  }
0x69: {  	_ =	shalt  }
0x6a: {  	_ =	shalt  }
0x6b: {  	_ =	shalt  }
0x6c: {  	_ =	shalt  }
0x6d: {  	_ =	shalt  }
0x6e: {  	_ =	shalt  }
0x6f: {  	_ =	shalt  }
0x70: {  	_ =	shalt  }
0x71: {  	_ =	shalt  }
0x72: {  	_ =	shalt  }
0x73: {  	_ =	shalt  }
0x74: {  	_ =	shalt  }
0x75: {  	_ =	shalt  }
0x76: {  	_ =	shalt  }
0x77: {  	_ =	shalt  }
0x78: {  	_ =	shalt  }
0x79: {  	_ =	shalt  }
0x7a: {  	_ =	shalt  }
0x7b: {  	_ =	shalt  }
0x7c: {  	_ =	shalt  }
0x7d: {  	_ =	shalt  }
0x7e: {  	_ =	shalt  }
0x7f: {  	_ =	shalt  }
0x80: {  	_ =	shalt  }
0x81: {  	_ =	shalt  }
0x82: {  	_ =	shalt  }
0x83: {  	_ =	shalt  }
0x84: {  	_ =	shalt  }
0x85: {  	_ =	shalt  }
0x86: {  	_ =	shalt  }
0x87: {  	_ =	shalt  }
.Lfunc_end0:
.L_simem_size_0:
called_computation.2_lowered:
.L_overlay_start_0:
0x88: {  	s2 =	sld [smem:$0x3FD9]  }
0x89: {  	s3 =	sld [smem:$0x3FFE];
	_ =	sdelay $0x1  }
0x8a: {  	s1 =	srdreg.scid  }
0x8b: {  	s0 =	sand.u32 $0x1, s1  }
0x8c: {  	s16 =	sshll.u32 s0, $0xA;
	s2 =	sadd.s32 s3, s2  }
0x8d: {  	s2 =	sadd.s32 s2, s16  }
0x8e: {  	[smem:$0x3FA4] =	sst s2  }
0x8f: {  	_ = 	snop  }
0x90: {  	(tm) =	ssettm $0x1  }
0x91: {  	s17 =	sld [smem:$0x3FFB];
	_ =	sdelay $0x3  }
0x92: {  	_ =	strace s17  }
0x93: {  	s2 =	sld [smem:$0x3FFC];
	_ =	sdelay $0x3  }
0x94: {  	_ =	strace s2  }
0x95: {  	s2 =	sld [smem:$0x3FFD];
	_ =	sdelay $0x3  }
0x96: {  	_ =	strace s2  }
0x97: {  	_ =	strace $0x8FFFFFFF  }
0x98: {  	s18 =	sld [smem:$0x3FDB];
	_ =	sdelay $0x1  }
0x99: {  	s19 =	simm.s32 $_scs_section_size  }
0x9a: {  	s4 =	simm.s32 $_size__tile_overlayer_lowered;
	s5 =	simm.s32 $_tile_overlayer_lowered  }
0x9b: {  	s22 =	simm.s32 $0x1BFF;
	s21 =	sshll.u32 s5, $0x1;
	s2 =	sadd.s32 s19, s18  }
0x9c: {  	s6 =	simm.s32 $0x0;
	s20 =	sshll.u32 s4, $0x1;
	s4 =	sadd.s32 s21, s2  }
0x9d: {  	[timem:s6], [sflag:s22] =	dma.local [hbm:s4], s20  }
0x9e: {  	_ =	swait.ge [sflag:s22], s20  }
0x9f: {  	s3 =	ssub.s32 $0x0, s20;
	[sflag:s22] =	ssyncset.done $0x0  }
0xa0: {  	[sflag:s22] =	ssyncadd.s32 s3;
	_ =	sdelay $0x1  }
0xa1: {  	s23 =	simm.s32 $0x1B8B  }
0xa2: {  	_ =	swait.ge [sflag:s23], $0x1  }
0xa3: {  	[sflag:s23] =	ssyncset.done $0x0  }
0xa4: {  	s25 =	simm.s32 $0x1B8E;
	s24 =	sld [smem:$0x3FFE];
	[sflag:s23] =	ssyncadd.s32 $0xFFFFFFFF  }
0xa5: {  	s26 =	simm.s32 $execute0_lowered;
	[smem:$0x3FD2] =	sst s25  }
0xa6: {  	s4 =	sshll.u32 s26, $0x1;
	_ =	strace $0x8000004C;
	[dreg:$0x1] =	wrdreg $0xFFFFFFFF  }
0xa7: {  	s28 =	simm.s32 $_size_execute0_lowered;
	s2 =	sadd.s32 s2, s4;
	[dreg:$0x0] =	wrdreg $0x0  }
0xa8: {  	s4 =	sshll.u32 s28, $0x1;
	[dreg:$0x2] =	wrdreg s2  }
0xa9: {  	[dreg:$0x3] =	wrdreg s4  }
0xaa: {  	[dreg:$0x4] =	wrdreg $0xC0  }
0xab: {  	_ =	task [dreg:s6], $0x5FFFF  }
0xac: {  	[dreg:$0x1] =	wrdreg $0xFFFFFFFF  }
0xad: {  	[dreg:$0x0] =	wrdreg $0x60  }
0xae: {  	[dreg:$0x2] =	wrdreg s24  }
0xaf: {  	[dreg:$0x3] =	wrdreg $0xB6800  }
0xb0: {  	[dreg:$0x4] =	wrdreg $0x9  }
0xb1: {  	_ =	task.clear_ibuf [dreg:s6], $0x5FFFF;
	_ =	strace $0x9000004C  }
0xb2: {  	s29 =	simm.s32 $0x9;
	_ =	strace $0x8000004E  }
0xb3: {  	_ =	swait.ge [sflag:s29], $0x1  }
0xb4: {  	[sflag:s29] =	ssyncadd.s32 $0xFFFFFFFF  }
0xb5: {  	_ =	strace $0x9000004E  }
0xb6: {  	_ =	sfence  }
0xb7: {  	s30 =	sld [smem:$0x0];
	_ =	sdelay $0x2  }
0xb8: {  	s31 =	sshll.u32 s1, $0xD;
	s1 =	sshrl.u32 s1, $0x2  }
0xb9: {  	s3 =	sand.u32 $0x4000, s31;
	s1 =	sadd.s32 s1, s30  }
0xba: {  	s0 =	sor.u32 s3, s0;
	s1 =	sshll.u32 s1, $0x11  }
0xbb: {  	s0 =	sor.u32 s1, s0  }
0xbc: {  	s0 =	sadd.s32 $0x8F2B, s0  }
0xbd: {  	[sflag:s0] =	ssyncadd.remote.s32 $0x1  }
0xbe: {  	_ =	sfence.sel $0xFFFF  }
0xbf: {  	[dreg:$0x0] =	wrdreg $0xFFFFFFFF;
	(pc) =	sbr.abs _section_cstart, $3  }
0xc0: {  	[dreg:$0x1] =	wrdreg $0xFFFFFFFF  }
0xc1: {  	_ =	task.clear_ibuf [dreg:s6], $0x2FFFF;
	_ =	strace $0x9FFFFFFF  }
0xc2: {  	(tm) =	ssettm $0x7FFFFFFF  }
0xc3: {  	_ =	shalt  }
tec
execute0_lowered:
.L_overlay_start_1:
0x0: {  	(tag) =	ssettag $0x1  }
0x1: {  	s0 =	rddreg [dreg:$0x0]  }
0x2: {  	s2 =	rddreg [dreg:$0x1];
	s3 =	simm.s32 $0x0  }
0x3: {  	s1 =	srdreg.scid;
	s9 =	stileid.u32;
	s30 =	simm.s32 $0x5  }
0x4: {  	s31 =	simm.s32 $0x4;
	s1 =	sand.u32 $0x1, s1;
	s4 =	sshrl.u32 s9, $0x2  }
0x5: {  	s5 =	sshll.u32 s9, $0x8;
	[smem:$0x7FF] =	sst s3;
	s7 =	smul.u32 $0x32000, s9  }
0x6: {  	s10 =	sor.u32 $0x10, s9;
	s18 =	smul.u32 $0xC800, s9;
	s9 =	simm.s32 $0xA000  }
0x7: {  	s4 =	smul.u32 $0x13C00, s4;
	s6 =	sshll.u32 s1, $0x7;
	s25 =	ssub.s32 $0x2, s1  }
0x8: {  	s5 =	sand.u32 $0x300, s5;
	_ =	strace $0x8000004D;
	s8 =	sshrl.u32 s25, $0x1  }
0x9: {  	s1 =	smul.u32 $0x138800, s1;
	s26 =	sshrl.u32 s7, $0x2;
	s8 =	ssub.s32 s25, s8  }
0xa: {  	s5 =	sor.u32 s6, s5;
	s6 =	sadd.s32 s26, s2;
	s7 =	smax.u32 s8, $0x1  }
0xb: {  	s13 =	smul.u32 $0x32000, s10;
	s8 =	sadd.s32 $0x1400, s6;
	[dreg:$0x4] =	wrdreg s7  }
0xc: {  	s20 =	smul.u32 $0xC800, s10;
	s11 =	sadd.s32 $0x2800, s6;
	[dreg:$0x5] =	wrdreg s8  }
0xd: {  	p0 =	sgt.u32 s10, $0x18;
	s12 =	sadd.s32 $0x3C00, s6;
	[dreg:$0x6] =	wrdreg s11  }
0xe: {  	s10 =	simm.s32 $0x4F80;
	s14 =	sadd.s32 $0x5000, s6;
	[dreg:$0x7] =	wrdreg s12  }
0xf: {  	s4 =	sor.u32 s4, s5;
	s15 =	sadd.s32 $0x6400, s6;
	[dreg:$0x8] =	wrdreg s14  }
0x10: {  	s5 =	sshrl.u32 s4, $0x3;
	s16 =	sadd.s32 $0x7800, s6;
	[dreg:$0x9] =	wrdreg s15  }
0x11: {  	s4 =	sadd.s32 $0x10C00, s0;
	s17 =	sadd.s32 $0x8C00, s6;
	[dreg:$0xa] =	wrdreg s16  }
0x12: {  	s19 =	sadd.s32 $0xA000, s6;
	s21 =	sadd.s32 $0xB400, s6;
	[dreg:$0xb] =	wrdreg s17  }
0x13: {  	s5 =	sadd.s32 s5, s0;
	s0 =	sadd.s32 $0x37E00, s0;
	[dreg:$0xc] =	wrdreg s19  }
0x14: {  	s7 =	sshrl.u32 s13, $0x2;
	[dreg:$0xd] =	wrdreg s21;
	s8 =	sadd.s32 s1, s18  }
0x15: {  	s1 =	sadd.s32 s1, s20;
	s11 =	simm.s32 $0x7780;
	s12 =	simm.s32 $0xA100  }
0x16: {  	s13 =	simm.s32 $0x2;
	s14 =	simm.s32 $0xA180;
	s15 =	simm.s32 $0x3  }
0x17: {  	s17 =	simm.s32 $0xA200;
	s18 =	simm.s32 $0x0;
	s5 =	sadd.s32 $0x6E00, s5  }
0x18: {  	s16 =	sadd.s32 s7, s2;
	s26 =	sshrl.u32 s8, $0x3;
	s1 =	sshrl.u32 s1, $0x3  }
0x19: {  	s8 =	simm.s32 $0x2780;
	[dreg:$0x3] =	wrdreg s5;
	s22 =	sadd.s32 $0x1400, s16  }
0x1a: {  	s23 =	sadd.s32 $0x2800, s16;
	s24 =	sadd.s32 $0x3C00, s16;
	[dreg:$0xe] =	wrdreg s22  }
0x1b: {  	s25 =	sadd.s32 $0x5000, s16;
	s7 =	sadd.s32 s0, s26;
	[dreg:$0xf] =	wrdreg s23  }
.Ltmp0:
0x1c: {  	s0 =	sadd.s32 s0, s1;
	[dreg:$0x10] =	wrdreg s24;
	(pc) =	sbr.rel .LBB2_1-.Ltmp0, $4  }
0x1d: {  	s26 =	sadd.s32 $0x8C00, s16;
	s28 =	sadd.s32 $0xA000, s16;
	[dreg:$0x11] =	wrdreg s25  }
0x1e: {  	s29 =	sadd.s32 $0xB400, s16;
	s1 =	simm.s32 $0x1;
	[dreg:$0x12] =	wrdreg s7  }
0x1f: {  	s5 =	simm.s32 $0x50;
	[dreg:$0x13] =	wrdreg s0;
	s24 =	sadd.s32 $0x6400, s16  }
0x20: {  	v0 =	vimm.f32 $0.0e+00;
	s25 =	sadd.s32 $0x7800, s16;
	s0 =	simm.s32 $0xA280;
	s7 =	simm.s32 $0x9F80  }
.LBB2_8:
0x21: {  	_ =	swait.ge [sflag:s13], $0x2800  }
0x22: {  	[sflag:s13] =	ssyncset.done $0x0  }
0x23: {  	[sflag:s13] =	ssyncadd.s32 $0xFFFFD800  }
0x24: {  	[spmem:s2] =	stream.indirect.scatter.add.f32 [tilespmem:s10], [sflag:$0x4], $0x80, s14, s5, $0xb8;
	[tilespmem:$0x1EF00] =	vst v63  }
0x25: {  	_ =	swait.ge [sflag:s31], $0x2800  }
0x26: {  	[sflag:s31] =	ssyncset.done $0x0  }
0x27: {  	[sflag:s31] =	ssyncadd.s32 $0xFFFFD800  }
.LBB2_6:
0x28: {  	s19 =	stileid.u32  }
0x29: {  	[bflag:$0x0] =	sbarrier.arrive $0xFFFF;
	s19 =	sshll.u32 s19, $0x6  }
0x2a: {  	s20 =	sshrl.u32 s6, $0x3;
	s21 =	rddreg [dreg:$0x12];
	s19 =	sor.u32 $0x1C04, s19  }
0x2b: {  	[hbm:s21], [sflag:s19] =	dma.local [spmem:s20], $0x1900  }
0x2c: {  	_ =	swait.ge [sflag:s31], $0x1900  }
0x2d: {  	[sflag:s31] =	ssyncset.done $0x0  }
0x2e: {  	s20 =	sshrl.u32 @!p0 s16, $0x3;
	s21 =	rddreg [dreg:$0x13];
	[sflag:s31] =	ssyncadd.s32 $0xFFFFE700  }
0x2f: {  	[hbm:s21], [sflag:s19] =	dma.local @!p0 [spmem:s20], $0x1900  }
0x30: {  	s19 =	simm.s32 @!p0 $0x4  }
0x31: {  	_ =	swait.ge @!p0 [sflag:s19], $0x1900  }
0x32: {  	s18 =	sadd.s32 $0x1, s18;
	s23 =	rddreg [dreg:$0x4]  }
0x33: {  	p1 =	sne.s32 s18, s23  }
.Ltmp1:
0x34: {  	_ = 	snop;
	(pc) =	sbr.rel @!p1 .LBB2_7-.Ltmp1, $3  }
0x35: {  	_ =	sdelay $0x1  }
0x36: {  	[sflag:s19] =	ssyncset.done @!p0 $0x0  }
0x37: {  	[sflag:s19] =	ssyncadd.s32 @!p0 $0xFFFFE700  }
.LBB2_1:
0x38: {  	s19 =	rddreg [dreg:$0x3];
	s20 =	simm.s32 $0x80;
	s21 =	simm.s32 $0x400  }
0x39: {  	[tilespmem:s3], [sflag:$0x1] =	stream.strided.gather [hbm4b:s19+s20], $0x2780, s21, s20, $0x38;
	[tilespmem:$0x1EF00] =	vst v63  }
0x3a: {  	s21 =	sand.u32 $0x7E00, s3  }
0x3b: {  	s22 =	sand.u32 $0x70, s3;
	s23 =	sshrl.u32 s21, $0x2  }
0x3c: {  	s19 =	simm.s32 $0x40;
	s20 =	simm.s32 $0x0;
	s21 =	sor.u32 s22, s23  }
.LBB2_2:
0x3d: {  	p1 =	sne.s32 s19, $0x4FC0  }
0x3e: {  	[tilespmem:s21+$0xA280] =	vst v0;
	s20 =	sadd.s32 $0x10, s20;
	s21 =	smov.u32 s19;
	s19 =	sadd.s32 $0x40, s19  }
.Ltmp2:
0x3f: {  	(pc) =	sbr.rel @p1 .LBB2_2-.Ltmp2, $4  }
0x40: {  	_ = 	snop  }
0x41: {  	s21 =	sand.u32 $0x7E00, s21  }
0x42: {  	s22 =	sand.u32 $0x70, s20;
	s21 =	sshrl.u32 s21, $0x2  }
0x43: {  	s21 =	sor.u32 s22, s21  }
0x44: {  	[tilespmem:s21+$0xA280] =	vst v0  }
0x45: {  	[spmem:s6] =	stream.linear.scatter [tilespmem:s0], [sflag:$0x5], $0x1400, $0x38;
	[tilespmem:$0x1EF00] =	vst v63  }
0x46: {  	_ =	swait.ge [sflag:s30], $0x1400  }
0x47: {  	[sflag:s30] =	ssyncset.done $0x0  }
0x48: {  	s19 =	rddreg [dreg:$0x5];
	[sflag:s30] =	ssyncadd.s32 $0xFFFFEC00  }
0x49: {  	[spmem:s19] =	stream.linear.scatter [tilespmem:s0], [sflag:$0x5], $0x1400, $0x38;
	[tilespmem:$0x1EF00] =	vst v63  }
0x4a: {  	_ =	swait.ge [sflag:s30], $0x1400  }
0x4b: {  	[sflag:s30] =	ssyncset.done $0x0  }
0x4c: {  	s23 =	rddreg [dreg:$0x6];
	[sflag:s30] =	ssyncadd.s32 $0xFFFFEC00  }
0x4d: {  	[spmem:s23] =	stream.linear.scatter [tilespmem:s0], [sflag:$0x5], $0x1400, $0x38;
	[tilespmem:$0x1EF00] =	vst v63  }
0x4e: {  	_ =	swait.ge [sflag:s30], $0x1400  }
0x4f: {  	[sflag:s30] =	ssyncset.done $0x0  }
0x50: {  	s20 =	rddreg [dreg:$0x7];
	[sflag:s30] =	ssyncadd.s32 $0xFFFFEC00  }
0x51: {  	[spmem:s20] =	stream.linear.scatter [tilespmem:s0], [sflag:$0x5], $0x1400, $0x38;
	[tilespmem:$0x1EF00] =	vst v63  }
0x52: {  	_ =	swait.ge [sflag:s30], $0x1400  }
0x53: {  	[sflag:s30] =	ssyncset.done $0x0  }
0x54: {  	s21 =	rddreg [dreg:$0x8];
	[sflag:s30] =	ssyncadd.s32 $0xFFFFEC00  }
0x55: {  	[spmem:s21] =	stream.linear.scatter [tilespmem:s0], [sflag:$0x5], $0x1400, $0x38;
	[tilespmem:$0x1EF00] =	vst v63  }
0x56: {  	_ =	swait.ge [sflag:s30], $0x1400  }
0x57: {  	[sflag:s30] =	ssyncset.done $0x0  }
0x58: {  	s22 =	rddreg [dreg:$0x9];
	[sflag:s30] =	ssyncadd.s32 $0xFFFFEC00  }
0x59: {  	[spmem:s22] =	stream.linear.scatter [tilespmem:s0], [sflag:$0x5], $0x1400, $0x38;
	[tilespmem:$0x1EF00] =	vst v63  }
0x5a: {  	_ =	swait.ge [sflag:s30], $0x1400  }
0x5b: {  	[sflag:s30] =	ssyncset.done $0x0  }
0x5c: {  	s23 =	rddreg [dreg:$0xa];
	[sflag:s30] =	ssyncadd.s32 $0xFFFFEC00  }
0x5d: {  	[spmem:s23] =	stream.linear.scatter [tilespmem:s0], [sflag:$0x5], $0x1400, $0x38;
	[tilespmem:$0x1EF00] =	vst v63  }
0x5e: {  	_ =	swait.ge [sflag:s30], $0x1400  }
0x5f: {  	[sflag:s30] =	ssyncset.done $0x0  }
0x60: {  	s20 =	rddreg [dreg:$0xb];
	[sflag:s30] =	ssyncadd.s32 $0xFFFFEC00  }
0x61: {  	[spmem:s20] =	stream.linear.scatter [tilespmem:s0], [sflag:$0x5], $0x1400, $0x38;
	[tilespmem:$0x1EF00] =	vst v63  }
0x62: {  	_ =	swait.ge [sflag:s30], $0x1400  }
0x63: {  	[sflag:s30] =	ssyncset.done $0x0  }
0x64: {  	s21 =	rddreg [dreg:$0xc];
	[sflag:s30] =	ssyncadd.s32 $0xFFFFEC00  }
0x65: {  	[spmem:s21] =	stream.linear.scatter [tilespmem:s0], [sflag:$0x5], $0x1400, $0x38;
	[tilespmem:$0x1EF00] =	vst v63  }
0x66: {  	_ =	swait.ge [sflag:s30], $0x1400  }
0x67: {  	[sflag:s30] =	ssyncset.done $0x0  }
0x68: {  	s22 =	rddreg [dreg:$0xd];
	[sflag:s30] =	ssyncadd.s32 $0xFFFFEC00  }
0x69: {  	[spmem:s22] =	stream.linear.scatter [tilespmem:s0], [sflag:$0x4], $0x1400, $0x38;
	[tilespmem:$0x1EF00] =	vst v63  }
0x6a: {  	_ =	swait.ge [sflag:s31], $0x1400  }
0x6b: {  	[sflag:s31] =	ssyncset.done $0x0  }
0x6c: {  	s19 =	simm.s32 @!p0 $0xA280;
	s20 =	simm.s32 @!p0 $0x5;
	[sflag:s31] =	ssyncadd.s32 $0xFFFFEC00  }
0x6d: {  	[spmem:s16] =	stream.linear.scatter @!p0 [tilespmem:s19], [sflag:$0x5], $0x1400, $0x38;
	[tilespmem:$0x1EF00] =	vst v63  }
0x6e: {  	_ =	swait.ge @!p0 [sflag:s20], $0x1400  }
0x6f: {  	[sflag:s20] =	ssyncset.done @!p0 $0x0  }
0x70: {  	s21 =	rddreg [dreg:$0xe];
	[sflag:s20] =	ssyncadd.s32 @!p0 $0xFFFFEC00  }
0x71: {  	[spmem:s21] =	stream.linear.scatter @!p0 [tilespmem:s19], [sflag:$0x5], $0x1400, $0x38;
	[tilespmem:$0x1EF00] =	vst v63  }
0x72: {  	_ =	swait.ge @!p0 [sflag:s20], $0x1400  }
0x73: {  	[sflag:s20] =	ssyncset.done @!p0 $0x0  }
0x74: {  	s21 =	rddreg [dreg:$0xf];
	[sflag:s20] =	ssyncadd.s32 @!p0 $0xFFFFEC00  }
0x75: {  	[spmem:s21] =	stream.linear.scatter @!p0 [tilespmem:s19], [sflag:$0x5], $0x1400, $0x38;
	[tilespmem:$0x1EF00] =	vst v63  }
0x76: {  	_ =	swait.ge @!p0 [sflag:s20], $0x1400  }
0x77: {  	[sflag:s20] =	ssyncset.done @!p0 $0x0  }
0x78: {  	s21 =	rddreg [dreg:$0x10];
	[sflag:s20] =	ssyncadd.s32 @!p0 $0xFFFFEC00  }
0x79: {  	[spmem:s21] =	stream.linear.scatter @!p0 [tilespmem:s19], [sflag:$0x5], $0x1400, $0x38;
	[tilespmem:$0x1EF00] =	vst v63  }
0x7a: {  	_ =	swait.ge @!p0 [sflag:s20], $0x1400  }
0x7b: {  	[sflag:s20] =	ssyncset.done @!p0 $0x0  }
0x7c: {  	s21 =	rddreg [dreg:$0x11];
	[sflag:s20] =	ssyncadd.s32 @!p0 $0xFFFFEC00  }
0x7d: {  	[spmem:s21] =	stream.linear.scatter @!p0 [tilespmem:s19], [sflag:$0x5], $0x1400, $0x38;
	[tilespmem:$0x1EF00] =	vst v63  }
0x7e: {  	_ =	swait.ge @!p0 [sflag:s20], $0x1400  }
0x7f: {  	[sflag:s20] =	ssyncset.done @!p0 $0x0  }
0x80: {  	[sflag:s20] =	ssyncadd.s32 @!p0 $0xFFFFEC00  }
0x81: {  	[spmem:s24] =	stream.linear.scatter @!p0 [tilespmem:s19], [sflag:$0x5], $0x1400, $0x38;
	[tilespmem:$0x1EF00] =	vst v63  }
0x82: {  	_ =	swait.ge @!p0 [sflag:s20], $0x1400  }
0x83: {  	[sflag:s20] =	ssyncset.done @!p0 $0x0  }
0x84: {  	[sflag:s20] =	ssyncadd.s32 @!p0 $0xFFFFEC00  }
0x85: {  	[spmem:s25] =	stream.linear.scatter @!p0 [tilespmem:s19], [sflag:$0x5], $0x1400, $0x38;
	[tilespmem:$0x1EF00] =	vst v63  }
0x86: {  	_ =	swait.ge @!p0 [sflag:s20], $0x1400  }
0x87: {  	[sflag:s20] =	ssyncset.done @!p0 $0x0  }
0x88: {  	[sflag:s20] =	ssyncadd.s32 @!p0 $0xFFFFEC00  }
0x89: {  	[spmem:s26] =	stream.linear.scatter @!p0 [tilespmem:s19], [sflag:$0x5], $0x1400, $0x38;
	[tilespmem:$0x1EF00] =	vst v63  }
0x8a: {  	_ =	swait.ge @!p0 [sflag:s20], $0x1400  }
0x8b: {  	[sflag:s20] =	ssyncset.done @!p0 $0x0  }
0x8c: {  	[sflag:s20] =	ssyncadd.s32 @!p0 $0xFFFFEC00  }
0x8d: {  	[spmem:s28] =	stream.linear.scatter @!p0 [tilespmem:s19], [sflag:$0x5], $0x1400, $0x38;
	[tilespmem:$0x1EF00] =	vst v63  }
0x8e: {  	_ =	swait.ge @!p0 [sflag:s20], $0x1400  }
0x8f: {  	[sflag:s20] =	ssyncset.done @!p0 $0x0  }
0x90: {  	[sflag:s20] =	ssyncadd.s32 @!p0 $0xFFFFEC00  }
0x91: {  	[spmem:s29] =	stream.linear.scatter @!p0 [tilespmem:s19], [sflag:$0x4], $0x1400, $0x38;
	[tilespmem:$0x1EF00] =	vst v63  }
0x92: {  	s19 =	simm.s32 @!p0 $0x4  }
0x93: {  	_ =	swait.ge @!p0 [sflag:s19], $0x1400  }
0x94: {  	[sflag:s19] =	ssyncset.done @!p0 $0x0  }
0x95: {  	[sflag:s19] =	ssyncadd.s32 @!p0 $0xFFFFEC00  }
0x96: {  	_ =	swait.ge [sflag:s1], $0x2780  }
0x97: {  	[sflag:s1] =	ssyncset.done $0x0  }
0x98: {  	[sflag:s1] =	ssyncadd.s32 $0xFFFFD880  }
0x99: {  	[bflag:$0x0] =	sbarrier.arrive $0xFFFF  }
0x9a: {  	v1 =	vld [tilespmem:$0x0];
	_ =	sdelay $0x1  }
0x9b: {  	v2 =	vld [tilespmem:$0x10];
	_ =	sdelay $0x1  }
0x9c: {  	v3 =	vld [tilespmem:$0x20]  }
0x9d: {  	v4 =	vshrl.u32 v1, $0xE  }
0x9e: {  	v59 =	vld [tilespmem:$0x30];
	v1 =	vand.u32 $0x3FFF, v1;
	[tilespmem:$0x9F80] =	vst v4  }
0x9f: {  	[tilespmem:$0xA100] =	vst v1;
	v1 =	vshrl.u32 v2, $0xE  }
0xa0: {  	[tilespmem:$0x9F90] =	vst v1;
	v1 =	vand.u32 $0x3FFF, v2;
	v2 =	vld [tilespmem:$0x40]  }
0xa1: {  	[tilespmem:$0xA110] =	vst v1;
	v1 =	vshrl.u32 v3, $0xE  }
0xa2: {  	[tilespmem:$0x9FA0] =	vst v1;
	v1 =	vand.u32 $0x3FFF, v3  }
0xa3: {  	[tilespmem:$0xA120] =	vst v1;
	v1 =	vshrl.u32 v59, $0xE  }
0xa4: {  	[tilespmem:$0x9FB0] =	vst v1;
	v1 =	vand.u32 $0x3FFF, v59  }
0xa5: {  	[tilespmem:$0xA130] =	vst v1;
	v1 =	vshrl.u32 v2, $0xE  }
0xa6: {  	[tilespmem:$0x9FC0] =	vst v1;
	v1 =	vand.u32 $0x3FFF, v2  }
0xa7: {  	[tilespmem:$0xA140] =	vst v1  }
0xa8: {  	[tilespmem:s8], [sflag:$0x1] =	stream.indirect.gather [hbm4b:s4+s5], $0x80, s7, s5, $0xb8;
	[tilespmem:$0x1EF00] =	vst v63  }
0xa9: {  	v1 =	vld [tilespmem:$0x50];
	_ =	sdelay $0x1  }
0xaa: {  	v2 =	vld [tilespmem:$0x60];
	_ =	sdelay $0x1  }
0xab: {  	v3 =	vld [tilespmem:$0x70]  }
0xac: {  	v60 =	vshrl.u32 v1, $0xE  }
0xad: {  	v61 =	vld [tilespmem:$0x80];
	v1 =	vand.u32 $0x3FFF, v1;
	[tilespmem:$0xA000] =	vst v60  }
0xae: {  	[tilespmem:$0xA180] =	vst v1;
	v1 =	vshrl.u32 v2, $0xE  }
0xaf: {  	[tilespmem:$0xA010] =	vst v1;
	v1 =	vand.u32 $0x3FFF, v2;
	v2 =	vld [tilespmem:$0x90]  }
0xb0: {  	[tilespmem:$0xA190] =	vst v1;
	v1 =	vshrl.u32 v3, $0xE  }
0xb1: {  	[tilespmem:$0xA020] =	vst v1;
	v1 =	vand.u32 $0x3FFF, v3  }
0xb2: {  	[tilespmem:$0xA1A0] =	vst v1;
	v1 =	vshrl.u32 v61, $0xE  }
0xb3: {  	[tilespmem:$0xA030] =	vst v1;
	v1 =	vand.u32 $0x3FFF, v61  }
0xb4: {  	[tilespmem:$0xA1B0] =	vst v1;
	v1 =	vshrl.u32 v2, $0xE  }
0xb5: {  	[tilespmem:$0xA040] =	vst v1;
	v1 =	vand.u32 $0x3FFF, v2  }
0xb6: {  	[tilespmem:$0xA1C0] =	vst v1  }
0xb7: {  	[tilespmem:s10], [sflag:$0x2] =	stream.indirect.gather [hbm4b:s4+s5], $0x80, s9, s5, $0xb8;
	[tilespmem:$0x1EF00] =	vst v63  }
0xb8: {  	v1 =	vld [tilespmem:$0xA0];
	_ =	sdelay $0x1  }
0xb9: {  	v2 =	vld [tilespmem:$0xB0];
	_ =	sdelay $0x1  }
0xba: {  	v3 =	vld [tilespmem:$0xC0]  }
0xbb: {  	v62 =	vshrl.u32 v1, $0xE  }
0xbc: {  	v63 =	vld [tilespmem:$0xD0];
	v1 =	vand.u32 $0x3FFF, v1;
	[tilespmem:$0xA080] =	vst v62  }
0xbd: {  	[tilespmem:$0xA200] =	vst v1;
	v1 =	vshrl.u32 v2, $0xE  }
0xbe: {  	[tilespmem:$0xA090] =	vst v1;
	v1 =	vand.u32 $0x3FFF, v2;
	v2 =	vld [tilespmem:$0xE0]  }
0xbf: {  	[tilespmem:$0xA210] =	vst v1;
	v1 =	vshrl.u32 v3, $0xE  }
0xc0: {  	[tilespmem:$0xA0A0] =	vst v1;
	v1 =	vand.u32 $0x3FFF, v3  }
0xc1: {  	[tilespmem:$0xA220] =	vst v1;
	v1 =	vshrl.u32 v63, $0xE  }
0xc2: {  	[tilespmem:$0xA0B0] =	vst v1;
	v1 =	vand.u32 $0x3FFF, v63  }
0xc3: {  	[tilespmem:$0xA230] =	vst v1;
	v1 =	vshrl.u32 v2, $0xE  }
0xc4: {  	[tilespmem:$0xA0C0] =	vst v1;
	v1 =	vand.u32 $0x3FFF, v2  }
0xc5: {  	s23 =	simm.s32 $0xA080;
	s20 =	simm.s32 $0x1D0;
	s19 =	simm.s32 $0x0;
	[tilespmem:$0xA240] =	vst v1  }
0xc6: {  	[tilespmem:s11], [sflag:$0x3] =	stream.indirect.gather [hbm4b:s4+s5], $0x80, s23, s5, $0xb8;
	[tilespmem:$0x1EF00] =	vst v63  }
.LBB2_4:
0xc7: {  	_ =	swait.ge [sflag:s1], $0x2800  }
0xc8: {  	p1 =	seq.s32 s19, $0x29;
	[sflag:s1] =	ssyncset.done $0x0  }
.Ltmp3:
0xc9: {  	[sflag:s1] =	ssyncadd.s32 $0xFFFFD800;
	(pc) =	sbr.rel @p1 .LBB2_8-.Ltmp3, $4  }
0xca: {  	[spmem:s2] =	stream.indirect.scatter.add.f32 [tilespmem:s8], [sflag:$0x4], $0x80, s12, s5, $0xb8;
	[tilespmem:$0x1EF00] =	vst v63  }
0xcb: {  	_ =	swait.ge [sflag:s31], $0x2800  }
0xcc: {  	[sflag:s31] =	ssyncset.done $0x0  }
0xcd: {  	[sflag:s31] =	ssyncadd.s32 $0xFFFFD800  }
0xce: {  	v1 =	vld [tilespmem:s20+$0xFFFFFF20];
	_ =	sdelay $0x4  }
0xcf: {  	v2 =	vshrl.u32 v1, $0xE  }
0xd0: {  	v1 =	vand.u32 $0x3FFF, v1;
	[tilespmem:$0x9F80] =	vst v2  }
0xd1: {  	[tilespmem:$0xA100] =	vst v1  }
0xd2: {  	v1 =	vld [tilespmem:s20+$0xFFFFFF30];
	_ =	sdelay $0x4  }
0xd3: {  	v2 =	vshrl.u32 v1, $0xE  }
0xd4: {  	v1 =	vand.u32 $0x3FFF, v1;
	[tilespmem:$0x9F90] =	vst v2  }
0xd5: {  	[tilespmem:$0xA110] =	vst v1  }
0xd6: {  	v1 =	vld [tilespmem:s20+$0xFFFFFF40];
	_ =	sdelay $0x4  }
0xd7: {  	v2 =	vshrl.u32 v1, $0xE  }
0xd8: {  	v1 =	vand.u32 $0x3FFF, v1;
	[tilespmem:$0x9FA0] =	vst v2  }
0xd9: {  	[tilespmem:$0xA120] =	vst v1  }
0xda: {  	v1 =	vld [tilespmem:s20+$0xFFFFFF50];
	_ =	sdelay $0x4  }
0xdb: {  	v2 =	vshrl.u32 v1, $0xE  }
0xdc: {  	v1 =	vand.u32 $0x3FFF, v1;
	[tilespmem:$0x9FB0] =	vst v2  }
0xdd: {  	[tilespmem:$0xA130] =	vst v1  }
0xde: {  	v1 =	vld [tilespmem:s20+$0xFFFFFF60];
	_ =	sdelay $0x4  }
0xdf: {  	v2 =	vshrl.u32 v1, $0xE  }
0xe0: {  	v1 =	vand.u32 $0x3FFF, v1;
	[tilespmem:$0x9FC0] =	vst v2  }
0xe1: {  	[tilespmem:$0xA140] =	vst v1  }
0xe2: {  	[tilespmem:s8], [sflag:$0x1] =	stream.indirect.gather [hbm4b:s4+s5], $0x80, s7, s5, $0xb8;
	[tilespmem:$0x1EF00] =	vst v63  }
0xe3: {  	_ =	swait.ge [sflag:s13], $0x2800  }
0xe4: {  	[sflag:s13] =	ssyncset.done $0x0  }
0xe5: {  	[sflag:s13] =	ssyncadd.s32 $0xFFFFD800  }
0xe6: {  	[spmem:s2] =	stream.indirect.scatter.add.f32 [tilespmem:s10], [sflag:$0x4], $0x80, s14, s5, $0xb8;
	[tilespmem:$0x1EF00] =	vst v63  }
0xe7: {  	_ =	swait.ge [sflag:s31], $0x2800  }
0xe8: {  	[sflag:s31] =	ssyncset.done $0x0  }
0xe9: {  	[sflag:s31] =	ssyncadd.s32 $0xFFFFD800  }
0xea: {  	v1 =	vld [tilespmem:s20+$0xFFFFFF70];
	_ =	sdelay $0x4  }
0xeb: {  	v2 =	vshrl.u32 v1, $0xE  }
0xec: {  	v1 =	vand.u32 $0x3FFF, v1;
	[tilespmem:$0xA000] =	vst v2  }
0xed: {  	[tilespmem:$0xA180] =	vst v1  }
0xee: {  	v1 =	vld [tilespmem:s20+$0xFFFFFF80];
	_ =	sdelay $0x4  }
0xef: {  	v2 =	vshrl.u32 v1, $0xE  }
0xf0: {  	v1 =	vand.u32 $0x3FFF, v1;
	[tilespmem:$0xA010] =	vst v2  }
0xf1: {  	[tilespmem:$0xA190] =	vst v1  }
0xf2: {  	v1 =	vld [tilespmem:s20+$0xFFFFFF90];
	_ =	sdelay $0x4  }
0xf3: {  	v2 =	vshrl.u32 v1, $0xE  }
0xf4: {  	v1 =	vand.u32 $0x3FFF, v1;
	[tilespmem:$0xA020] =	vst v2  }
0xf5: {  	[tilespmem:$0xA1A0] =	vst v1  }
0xf6: {  	v1 =	vld [tilespmem:s20+$0xFFFFFFA0];
	_ =	sdelay $0x4  }
0xf7: {  	v2 =	vshrl.u32 v1, $0xE  }
0xf8: {  	v1 =	vand.u32 $0x3FFF, v1;
	[tilespmem:$0xA030] =	vst v2  }
0xf9: {  	[tilespmem:$0xA1B0] =	vst v1  }
0xfa: {  	v1 =	vld [tilespmem:s20+$0xFFFFFFB0];
	_ =	sdelay $0x4  }
0xfb: {  	v2 =	vshrl.u32 v1, $0xE  }
0xfc: {  	v1 =	vand.u32 $0x3FFF, v1;
	[tilespmem:$0xA040] =	vst v2  }
0xfd: {  	[tilespmem:$0xA1C0] =	vst v1  }
0xfe: {  	[tilespmem:s10], [sflag:$0x2] =	stream.indirect.gather [hbm4b:s4+s5], $0x80, s9, s5, $0xb8;
	[tilespmem:$0x1EF00] =	vst v63  }
0xff: {  	_ =	swait.ge [sflag:s15], $0x2800  }
0x100: {  	[sflag:s15] =	ssyncset.done $0x0  }
0x101: {  	[sflag:s15] =	ssyncadd.s32 $0xFFFFD800  }
0x102: {  	[spmem:s2] =	stream.indirect.scatter.add.f32 [tilespmem:s11], [sflag:$0x4], $0x80, s17, s5, $0xb8;
	[tilespmem:$0x1EF00] =	vst v63  }
0x103: {  	_ =	swait.ge [sflag:s31], $0x2800  }
0x104: {  	[sflag:s31] =	ssyncset.done $0x0  }
0x105: {  	p1 =	sgt.u32 s19, $0x27;
	[sflag:s31] =	ssyncadd.s32 $0xFFFFD800  }
0x106: {  	v1 =	vld @!p1 [tilespmem:s20+$0xFFFFFFC0];
	_ =	sdelay $0x4  }
0x107: {  	v2 =	vshrl.u32 @!p1 v1, $0xE  }
0x108: {  	v1 =	vand.u32 @!p1 $0x3FFF, v1;
	[tilespmem:$0xA080] =	vst @!p1 v2  }
0x109: {  	[tilespmem:$0xA200] =	vst @!p1 v1  }
0x10a: {  	v1 =	vld @!p1 [tilespmem:s20+$0xFFFFFFD0];
	_ =	sdelay $0x4  }
0x10b: {  	v2 =	vshrl.u32 @!p1 v1, $0xE  }
0x10c: {  	v1 =	vand.u32 @!p1 $0x3FFF, v1;
	[tilespmem:$0xA090] =	vst @!p1 v2  }
0x10d: {  	[tilespmem:$0xA210] =	vst @!p1 v1  }
0x10e: {  	v1 =	vld @!p1 [tilespmem:s20+$0xFFFFFFE0];
	_ =	sdelay $0x4  }
0x10f: {  	v2 =	vshrl.u32 @!p1 v1, $0xE  }
0x110: {  	v1 =	vand.u32 @!p1 $0x3FFF, v1;
	[tilespmem:$0xA0A0] =	vst @!p1 v2  }
0x111: {  	[tilespmem:$0xA220] =	vst @!p1 v1  }
0x112: {  	v1 =	vld @!p1 [tilespmem:s20+$0xFFFFFFF0];
	_ =	sdelay $0x4  }
0x113: {  	v2 =	vshrl.u32 @!p1 v1, $0xE  }
0x114: {  	v1 =	vand.u32 @!p1 $0x3FFF, v1;
	[tilespmem:$0xA0B0] =	vst @!p1 v2  }
0x115: {  	[tilespmem:$0xA230] =	vst @!p1 v1  }
0x116: {  	v1 =	vld @!p1 [tilespmem:s20+$0x0];
	_ =	sdelay $0x4  }
0x117: {  	v2 =	vshrl.u32 @!p1 v1, $0xE  }
0x118: {  	s19 =	sadd.s32 $0x1, s19;
	v1 =	vand.u32 @!p1 $0x3FFF, v1;
	[tilespmem:$0xA0C0] =	vst @!p1 v2  }
0x119: {  	s21 =	simm.s32 @!p1 $0x50;
	s22 =	simm.s32 @!p1 $0xA080;
	s23 =	simm.s32 @!p1 $0x7780;
	[tilespmem:$0xA240] =	vst @!p1 v1  }
0x11a: {  	[tilespmem:s23], [sflag:$0x3] =	stream.indirect.gather @!p1 [hbm4b:s4+s21], $0x80, s22, s21, $0xb8;
	[tilespmem:$0x1EF00] =	vst v63  }
0x11b: {  	p1 =	sne.s32 s19, $0x2A  }
.Ltmp4:
0x11c: {  	_ = 	snop;
	(pc) =	sbr.rel @p1 .LBB2_4-.Ltmp4, $4  }
.Ltmp5:
0x11d: {  	_ = 	snop;
	(pc) =	sbr.rel @!p1 .LBB2_6-.Ltmp5, $4  }
0x11e: {  	_ = 	snop  }
0x11f: {  	_ = 	snop  }
0x120: {  	s20 =	sadd.s32 $0xF0, s20  }
0x121: {  	_ = 	snop  }
.LBB2_7:
0x122: {  	_ =	sfence.sel $0x180000  }
0x123: {  	[bflag:$0x0] =	sbarrier.arrive $0xFFFF  }
0x124: {  	_ =	strace $0x9000004D  }
0x125: {  	s0 =	stileid.u32;
	[bflag:$0x2] =	sbarrier.arrive $0xFFFF  }
0x126: {  	p0 =	sne.s32 s0, $0x0;
	s0 =	rddreg [dreg:$0x2]  }
0x127: {  	s0 =	sadd.s32 @!p0 $0x100000, s0  }
0x128: {  	[sflag:s0] =	ssyncadd.tile.s32 @!p0 $0x1;
	_ =	shalt  }
.Lfunc_end2:
_tile_overlayer_lowered:
.L_overlay_start_2:
0x129: {  	(tag) =	ssettag $0x2  }
0x12a: {  	s0 =	rddreg [dreg:$0x0];
	s2 =	stileid.u32  }
0x12b: {  	s1 =	rddreg [dreg:$0x1];
	p0 =	sne.s32 s2, $0x0  }
0x12c: {  	s3 =	rddreg [dreg:$0x2];
	[bflag:$0x3] =	sbarrier.arrive $0xFFFF;
	s2 =	simm.s32 @!p0 $0x1C04  }
0x12d: {  	[timem:s3], [sflag:s2] =	dma.local @!p0 [hbm:s0], s1  }
0x12e: {  	s0 =	simm.s32 @!p0 $0x4  }
0x12f: {  	_ =	swait.ge @!p0 [sflag:s0], s1  }
0x130: {  	s1 =	ssub.s32 @!p0 $0x0, s1;
	[sflag:s0] =	ssyncset.done @!p0 $0x0  }
0x131: {  	[sflag:s0] =	ssyncadd.s32 @!p0 s1  }
0x132: {  	[bflag:$0x3] =	sbarrier.arrive $0xFFFF  }
0x133: {  	_ =	shalt  }

// kernel: kernel.9.cloned.1.call-start
scs
__scs_entry_jumppad:
0x0: {  	(pc) =	sbr.rel $0x88, $3  }
0x1: {  	(tag) =	ssettag $0x0;
	lr =	simm.s32 $0x1  }
0x2: {  	[smem:$0x3F7D] =	sst lr;
	_ =	strace $0xD0000000  }
0x3: {  	_ = 	snop  }
0x4: {  	_ = 	snop  }
0x5: {  	_ = 	snop  }
0x6: {  	_ = 	snop  }
0x7: {  	_ = 	snop  }
__scs_overlays_trampoline_lowered:
0x8: {  	[smem:$0x3F8C] =	sst s0  }
0x9: {  	[smem:$0x3F8D] =	sst s1  }
0xa: {  	[smem:$0x3F8E] =	sst s2  }
0xb: {  	[smem:$0x3F8F] =	sst s3  }
0xc: {  	[smem:$0x3F90] =	sst s4  }
0xd: {  	[smem:$0x3F91] =	sst s5  }
0xe: {  	[smem:$0x3F92] =	sst s6  }
0xf: {  	[smem:$0x3F93] =	sst s7  }
0x10: {  	[smem:$0x3F94] =	sst s8  }
0x11: {  	[smem:$0x3F95] =	sst s9;
	s0 =	simm.s32 @!p0 $0x0  }
0x12: {  	s1 =	sld [smem:$0x3F7B];
	s0 =	simm.s32 @p0 $0x1  }
0x13: {  	[smem:$0x3F96] =	sst s0;
	s0 =	simm.s32 @!p1 $0x0  }
0x14: {  	s2 =	sld [smem:$0x3F7A];
	s0 =	simm.s32 @p1 $0x1  }
0x15: {  	[smem:$0x3F97] =	sst s0;
	s0 =	simm.s32 @!p2 $0x0  }
0x16: {  	s3 =	sld [smem:$0x3FDB];
	s0 =	simm.s32 @p2 $0x1  }
0x17: {  	s4 =	simm.s32 $0x1BF5;
	[smem:$0x3F99] =	sst s0  }
0x18: {  	s0 =	sld [smem:$0x3F7C];
	_ =	swait.ge [sflag:s4], $0x0  }
0x19: {  	s7 =	sld [smem:$0x3F7D]  }
0x1a: {  	s8 =	sadd.s32 $0xFFFFE003, lr  }
0x1b: {  	s9 =	sadd.s32 $0xFFFFFEF7, lr;
	s5 =	simm.s32 $0xFFFFFFFF;
	p2 =	slt.u32 s8, $0xFFFFF086  }
0x1c: {  	p1 =	slt.u32 s9, $0xF7A;
	s5 =	simm.s32 @!p2 $0x0  }
0x1d: {  	s5 =	simm.s32 @p1 $0x1;
	p0 =	seq.s32 s7, s2  }
0x1e: {  	s7 =	smul.u32 @!p0 $0xF7A, s2;
	p2 =	seq.s32 @!p0 s5, $0x0  }
0x1f: {  	s9 =	smul.u32 $0xF7A, s1;
	s8 =	simm.s32 @!p0 $0x1BF5;
	p2 =	por !p2, p0  }
0x20: {  	[sflag:s8] =	ssyncset.s32 @!p0 $0xFFFFF086;
	s6 =	sadd.s32 @!p0 s3, s7;
	s7 =	simm.s32 @!p0 $0x108  }
0x21: {  	s3 =	sadd.s32 s3, s9;
	s6 =	sadd.s32 @!p0 $0x88, s6;
	s7 =	simm.s32 @p2 $0x1082  }
0x22: {  	[simem:s7], [sflag:s8] =	dma.local @!p0 [hbm:s6], $0xF7A  }
0x23: {  	s9 =	sor.u32 $0xD0000000, s2;
	s6 =	simm.s32 $0x108;
	_ =	swait.ge @!p0 [sflag:s8], $0x0  }
0x24: {  	s3 =	sadd.s32 $0x88, s3;
	s6 =	simm.s32 @!p1 $0x1082;
	[sflag:s4] =	ssyncset.s32 $0xFFFFF086  }
0x25: {  	[simem:s6], [sflag:s4] =	dma.local [hbm:s3], $0xF7A  }
0x26: {  	[smem:$0x3F7D] =	sst s1;
	(tag) =	ssettag s2;
	_ =	strace s9  }
0x27: {  	s1 =	sld [smem:$0x3F8D]  }
0x28: {  	s2 =	sld [smem:$0x3F8E]  }
0x29: {  	s4 =	sld [smem:$0x3F90]  }
0x2a: {  	p0 =	seq.s32 s5, $0x0;
	s5 =	sld [smem:$0x3F91]  }
0x2b: {  	s6 =	sld [smem:$0x3F92]  }
0x2c: {  	s7 =	sld [smem:$0x3F93]  }
0x2d: {  	s3 =	simm.s32 $0x108;
	s8 =	sld [smem:$0x3F94]  }
0x2e: {  	s3 =	simm.s32 @!p0 $0x1082;
	s9 =	sld [smem:$0x3F95]  }
0x2f: {  	lr =	sadd.s32 s0, s3;
	s0 =	sld [smem:$0x3F8C]  }
0x30: {  	s3 =	sld [smem:$0x3F8F]  }
0x31: {  	[smem:$0x3F98] =	sst s10  }
0x32: {  	s10 =	sld [smem:$0x3F96];
	_ =	sdelay $0x3  }
0x33: {  	p0 =	seq.s32 s10, $0x1;
	s10 =	sld [smem:$0x3F98];
	_ =	sdelay $0x3  }
0x34: {  	[smem:$0x3F98] =	sst s10  }
0x35: {  	s10 =	sld [smem:$0x3F97];
	_ =	sdelay $0x3  }
0x36: {  	p1 =	seq.s32 s10, $0x1;
	s10 =	sld [smem:$0x3F98];
	_ =	sdelay $0x3  }
0x37: {  	[smem:$0x3F98] =	sst s10  }
0x38: {  	s10 =	sld [smem:$0x3F99]  }
0x39: {  	_ = 	snop;
	(pc) =	sbr.ind lr, $3  }
0x3a: {  	_ = 	snop  }
0x3b: {  	_ = 	snop  }
0x3c: {  	p2 =	seq.s32 s10, $0x1;
	s10 =	sld [smem:$0x3F98]  }
0x3d: {  	_ =	shalt  }
0x3e: {  	_ =	shalt  }
0x3f: {  	_ =	shalt  }
0x40: {  	_ =	shalt  }
0x41: {  	_ =	shalt  }
0x42: {  	_ =	shalt  }
0x43: {  	_ =	shalt  }
0x44: {  	_ =	shalt  }
0x45: {  	_ =	shalt  }
0x46: {  	_ =	shalt  }
0x47: {  	_ =	shalt  }
0x48: {  	_ =	shalt  }
0x49: {  	_ =	shalt  }
0x4a: {  	_ =	shalt  }
0x4b: {  	_ =	shalt  }
0x4c: {  	_ =	shalt  }
0x4d: {  	_ =	shalt  }
0x4e: {  	_ =	shalt  }
0x4f: {  	_ =	shalt  }
0x50: {  	_ =	shalt  }
0x51: {  	_ =	shalt  }
0x52: {  	_ =	shalt  }
0x53: {  	_ =	shalt  }
0x54: {  	_ =	shalt  }
0x55: {  	_ =	shalt  }
0x56: {  	_ =	shalt  }
0x57: {  	_ =	shalt  }
0x58: {  	_ =	shalt  }
0x59: {  	_ =	shalt  }
0x5a: {  	_ =	shalt  }
0x5b: {  	_ =	shalt  }
0x5c: {  	_ =	shalt  }
0x5d: {  	_ =	shalt  }
0x5e: {  	_ =	shalt  }
0x5f: {  	_ =	shalt  }
0x60: {  	_ =	shalt  }
0x61: {  	_ =	shalt  }
0x62: {  	_ =	shalt  }
0x63: {  	_ =	shalt  }
0x64: {  	_ =	shalt  }
0x65: {  	_ =	shalt  }
0x66: {  	_ =	shalt  }
0x67: {  	_ =	shalt  }
0x68: {  	_ =	shalt  }
0x69: {  	_ =	shalt  }
0x6a: {  	_ =	shalt  }
0x6b: {  	_ =	shalt  }
0x6c: {  	_ =	shalt  }
0x6d: {  	_ =	shalt  }
0x6e: {  	_ =	shalt  }
0x6f: {  	_ =	shalt  }
0x70: {  	_ =	shalt  }
0x71: {  	_ =	shalt  }
0x72: {  	_ =	shalt  }
0x73: {  	_ =	shalt  }
0x74: {  	_ =	shalt  }
0x75: {  	_ =	shalt  }
0x76: {  	_ =	shalt  }
0x77: {  	_ =	shalt  }
0x78: {  	_ =	shalt  }
0x79: {  	_ =	shalt  }
0x7a: {  	_ =	shalt  }
0x7b: {  	_ =	shalt  }
0x7c: {  	_ =	shalt  }
0x7d: {  	_ =	shalt  }
0x7e: {  	_ =	shalt  }
0x7f: {  	_ =	shalt  }
0x80: {  	_ =	shalt  }
0x81: {  	_ =	shalt  }
0x82: {  	_ =	shalt  }
0x83: {  	_ =	shalt  }
0x84: {  	_ =	shalt  }
0x85: {  	_ =	shalt  }
0x86: {  	_ =	shalt  }
0x87: {  	_ =	shalt  }
.Lfunc_end0:
.L_simem_size_0:
called_computation_lowered:
.L_overlay_start_0:
0x88: {  	s2 =	sld [smem:$0x3FD9]  }
0x89: {  	s3 =	sld [smem:$0x3FFE];
	_ =	sdelay $0x1  }
0x8a: {  	s1 =	srdreg.scid  }
0x8b: {  	s0 =	sand.u32 $0x1, s1  }
0x8c: {  	s17 =	sshll.u32 s0, $0xA;
	s2 =	sadd.s32 s3, s2  }
0x8d: {  	s2 =	sadd.s32 s2, s17  }
0x8e: {  	[smem:$0x3FA4] =	sst s2  }
0x8f: {  	_ = 	snop  }
0x90: {  	s2 =	sld [smem:$0x3FC9];
	(tm) =	ssettm $0x1  }
0x91: {  	s18 =	sld [smem:$0x3FFB];
	_ =	sdelay $0x3  }
0x92: {  	_ =	strace s18  }
0x93: {  	s3 =	sld [smem:$0x3FFC];
	_ =	sdelay $0x3  }
0x94: {  	_ =	strace s3  }
0x95: {  	s3 =	sld [smem:$0x3FFD];
	_ =	sdelay $0x3  }
0x96: {  	_ =	strace s3  }
0x97: {  	_ =	strace $0x8FFFFFFF  }
0x98: {  	s19 =	sld [smem:$0x3FDB];
	_ =	sdelay $0x1  }
0x99: {  	s4 =	simm.s32 $_scs_section_size  }
0x9a: {  	s5 =	simm.s32 $_size__tile_overlayer_lowered;
	s6 =	simm.s32 $_tile_overlayer_lowered  }
0x9b: {  	s22 =	simm.s32 $0x1BFF;
	s21 =	sshll.u32 s6, $0x1;
	s3 =	sadd.s32 s4, s19  }
0x9c: {  	s7 =	simm.s32 $0x0;
	s20 =	sshll.u32 s5, $0x1;
	s5 =	sadd.s32 s21, s3  }
0x9d: {  	[timem:s7], [sflag:s22] =	dma.local [hbm:s5], s20  }
0x9e: {  	_ =	swait.ge [sflag:s22], s20  }
0x9f: {  	s4 =	ssub.s32 $0x0, s20;
	[sflag:s22] =	ssyncset.done $0x0  }
0xa0: {  	[sflag:s22] =	ssyncadd.s32 s4;
	_ =	sdelay $0x1  }
0xa1: {  	s23 =	simm.s32 $0x1B8B  }
0xa2: {  	_ =	swait.ge [sflag:s23], $0x1  }
0xa3: {  	[sflag:s23] =	ssyncset.done $0x0  }
0xa4: {  	s25 =	simm.s32 $0x1B8E;
	s24 =	sld [smem:$0x3FFE];
	[sflag:s23] =	ssyncadd.s32 $0xFFFFFFFF  }
0xa5: {  	s26 =	simm.s32 $execute0_lowered;
	[smem:$0x3FD2] =	sst s25  }
0xa6: {  	s5 =	sshll.u32 s26, $0x1;
	_ =	strace $0x80000046;
	[dreg:$0x1] =	wrdreg $0xFFFFFFFF  }
0xa7: {  	s28 =	simm.s32 $_size_execute0_lowered;
	s3 =	sadd.s32 s3, s5;
	[dreg:$0x0] =	wrdreg $0x0  }
0xa8: {  	s5 =	sshll.u32 s28, $0x1;
	[dreg:$0x2] =	wrdreg s3  }
0xa9: {  	[dreg:$0x3] =	wrdreg s5  }
0xaa: {  	[dreg:$0x4] =	wrdreg $0xC0  }
0xab: {  	_ =	task [dreg:s7], $0x5FFFF  }
0xac: {  	[dreg:$0x1] =	wrdreg $0xFFFFFFFF  }
0xad: {  	[dreg:$0x0] =	wrdreg $0x60  }
0xae: {  	[dreg:$0x2] =	wrdreg s2  }
0xaf: {  	[dreg:$0x3] =	wrdreg s24  }
0xb0: {  	[dreg:$0x4] =	wrdreg $0xB6800  }
0xb1: {  	[dreg:$0x5] =	wrdreg $0x9  }
0xb2: {  	_ =	task.clear_ibuf [dreg:s7], $0x6FFFF;
	_ =	strace $0x90000046  }
0xb3: {  	s29 =	simm.s32 $0x9;
	_ =	strace $0x80000048  }
0xb4: {  	_ =	swait.ge [sflag:s29], $0x1  }
0xb5: {  	[sflag:s29] =	ssyncadd.s32 $0xFFFFFFFF  }
0xb6: {  	_ =	strace $0x90000048  }
0xb7: {  	_ =	sfence  }
0xb8: {  	s30 =	sld [smem:$0x0];
	_ =	sdelay $0x2  }
0xb9: {  	s31 =	sshll.u32 s1, $0xD;
	s1 =	sshrl.u32 s1, $0x2  }
0xba: {  	s3 =	sand.u32 $0x4000, s31;
	s1 =	sadd.s32 s1, s30  }
0xbb: {  	s0 =	sor.u32 s3, s0;
	s1 =	sshll.u32 s1, $0x11  }
0xbc: {  	s0 =	sor.u32 s1, s0  }
0xbd: {  	s0 =	sadd.s32 $0x8F2B, s0  }
0xbe: {  	[sflag:s0] =	ssyncadd.remote.s32 $0x1  }
0xbf: {  	_ =	sfence.sel $0xFFFF  }
0xc0: {  	[dreg:$0x0] =	wrdreg $0xFFFFFFFF;
	(pc) =	sbr.abs _section_cstart, $3  }
0xc1: {  	[dreg:$0x1] =	wrdreg $0xFFFFFFFF  }
0xc2: {  	_ =	task.clear_ibuf [dreg:s7], $0x2FFFF;
	_ =	strace $0x9FFFFFFF  }
0xc3: {  	(tm) =	ssettm $0x7FFFFFFF  }
tec
execute0_lowered:
.L_overlay_start_1:
0x0: {  	(tag) =	ssettag $0x1  }
0x1: {  	s1 =	rddreg [dreg:$0x0]  }
0x2: {  	s0 =	rddreg [dreg:$0x1]  }
0x3: {  	s2 =	rddreg [dreg:$0x2]  }
0x4: {  	s3 =	srdreg.scid;
	s9 =	stileid.u32;
	s30 =	simm.s32 $0x5  }
0x5: {  	s31 =	simm.s32 $0x4;
	s3 =	sand.u32 $0x1, s3;
	s25 =	smul.u32 $0x32000, s9  }
0x6: {  	s4 =	sshrl.u32 s9, $0x2;
	s5 =	sshll.u32 s9, $0x8;
	s18 =	smul.u32 $0xC800, s9  }
0x7: {  	s10 =	sor.u32 $0x10, s9;
	s9 =	simm.s32 $0xA000;
	s6 =	smul.u32 $0x13C00, s4  }
0x8: {  	s7 =	sshll.u32 s3, $0x7;
	s5 =	sand.u32 $0x300, s5;
	s24 =	ssub.s32 $0x2, s3  }
0x9: {  	s4 =	simm.s32 $0x0;
	s5 =	sor.u32 s7, s5;
	s8 =	sshrl.u32 s24, $0x1  }
0xa: {  	[smem:$0x7FF] =	sst s4;
	s26 =	sshrl.u32 s25, $0x2;
	s8 =	ssub.s32 s24, s8  }
0xb: {  	s5 =	sor.u32 s6, s5;
	s6 =	sadd.s32 s26, s2;
	s7 =	smax.u32 s8, $0x1  }
0xc: {  	_ =	strace $0x80000047;
	s8 =	sadd.s32 $0x1400, s6;
	[dreg:$0x5] =	wrdreg s7  }
0xd: {  	s3 =	smul.u32 $0x138800, s3;
	s11 =	sadd.s32 $0x2800, s6;
	[dreg:$0x6] =	wrdreg s8  }
0xe: {  	s13 =	smul.u32 $0x32000, s10;
	s12 =	sadd.s32 $0x3C00, s6;
	[dreg:$0x7] =	wrdreg s11  }
0xf: {  	s20 =	smul.u32 $0xC800, s10;
	s14 =	sadd.s32 $0x5000, s6;
	[dreg:$0x8] =	wrdreg s12  }
0x10: {  	p0 =	sgt.u32 s10, $0x18;
	s15 =	sadd.s32 $0x6400, s6;
	[dreg:$0x9] =	wrdreg s14  }
0x11: {  	s10 =	simm.s32 $0x4F80;
	s16 =	sadd.s32 $0x7800, s6;
	[dreg:$0xa] =	wrdreg s15  }
0x12: {  	s5 =	sshrl.u32 s5, $0x3;
	s17 =	sadd.s32 $0x8C00, s6;
	[dreg:$0xb] =	wrdreg s16  }
0x13: {  	s19 =	sadd.s32 $0xA000, s6;
	s21 =	sadd.s32 $0xB400, s6;
	[dreg:$0xc] =	wrdreg s17  }
0x14: {  	s5 =	sadd.s32 s5, s0;
	s0 =	sadd.s32 $0x10C00, s0;
	[dreg:$0xd] =	wrdreg s19  }
0x15: {  	s7 =	sshrl.u32 s13, $0x2;
	[dreg:$0xe] =	wrdreg s21;
	s8 =	sadd.s32 s3, s18  }
0x16: {  	s3 =	sadd.s32 s3, s20;
	s11 =	simm.s32 $0x7780;
	s12 =	simm.s32 $0xA100  }
0x17: {  	s13 =	simm.s32 $0x2;
	s14 =	simm.s32 $0xA180;
	s15 =	simm.s32 $0x3  }
0x18: {  	s17 =	simm.s32 $0xA200;
	s18 =	simm.s32 $0x0;
	s5 =	sadd.s32 $0x6E00, s5  }
0x19: {  	s16 =	sadd.s32 s7, s2;
	s26 =	sshrl.u32 s8, $0x3;
	s3 =	sshrl.u32 s3, $0x3  }
0x1a: {  	s8 =	simm.s32 $0x2780;
	[dreg:$0x4] =	wrdreg s5;
	s22 =	sadd.s32 $0x1400, s16  }
0x1b: {  	s23 =	sadd.s32 $0x2800, s16;
	s24 =	sadd.s32 $0x3C00, s16;
	[dreg:$0xf] =	wrdreg s22  }
0x1c: {  	s25 =	sadd.s32 $0x5000, s16;
	s7 =	sadd.s32 s0, s26;
	[dreg:$0x10] =	wrdreg s23  }
.Ltmp0:
0x1d: {  	s0 =	sadd.s32 s0, s3;
	[dreg:$0x11] =	wrdreg s24;
	(pc) =	sbr.rel .LBB2_1-.Ltmp0, $4  }
0x1e: {  	s26 =	sadd.s32 $0x8C00, s16;
	s28 =	sadd.s32 $0xA000, s16;
	[dreg:$0x12] =	wrdreg s25  }
0x1f: {  	s29 =	sadd.s32 $0xB400, s16;
	s3 =	simm.s32 $0xA280;
	[dreg:$0x13] =	wrdreg s7  }
0x20: {  	s5 =	simm.s32 $0x50;
	[dreg:$0x14] =	wrdreg s0;
	s24 =	sadd.s32 $0x6400, s16  }
0x21: {  	v0 =	vimm.f32 $0.0e+00;
	s25 =	sadd.s32 $0x7800, s16;
	s0 =	simm.s32 $0x1;
	s7 =	simm.s32 $0x9F80  }
.LBB2_8:
0x22: {  	_ =	swait.ge [sflag:s13], $0x2800  }
0x23: {  	[sflag:s13] =	ssyncset.done $0x0  }
0x24: {  	[sflag:s13] =	ssyncadd.s32 $0xFFFFD800  }
0x25: {  	[spmem:s2] =	stream.indirect.scatter.add.f32 [tilespmem:s10], [sflag:$0x4], $0x80, s14, s5, $0xb8;
	[tilespmem:$0x1EF00] =	vst v63  }
0x26: {  	_ =	swait.ge [sflag:s31], $0x2800  }
0x27: {  	[sflag:s31] =	ssyncset.done $0x0  }
0x28: {  	[sflag:s31] =	ssyncadd.s32 $0xFFFFD800  }
.LBB2_6:
0x29: {  	s19 =	stileid.u32  }
0x2a: {  	[bflag:$0x0] =	sbarrier.arrive $0xFFFF;
	s19 =	sshll.u32 s19, $0x6  }
0x2b: {  	s20 =	sshrl.u32 s6, $0x3;
	s21 =	rddreg [dreg:$0x13];
	s19 =	sor.u32 $0x1C04, s19  }
0x2c: {  	[hbm:s21], [sflag:s19] =	dma.local [spmem:s20], $0x1900  }
0x2d: {  	_ =	swait.ge [sflag:s31], $0x1900  }
0x2e: {  	[sflag:s31] =	ssyncset.done $0x0  }
0x2f: {  	s20 =	sshrl.u32 @!p0 s16, $0x3;
	s21 =	rddreg [dreg:$0x14];
	[sflag:s31] =	ssyncadd.s32 $0xFFFFE700  }
0x30: {  	[hbm:s21], [sflag:s19] =	dma.local @!p0 [spmem:s20], $0x1900  }
0x31: {  	s19 =	simm.s32 @!p0 $0x4  }
0x32: {  	_ =	swait.ge @!p0 [sflag:s19], $0x1900  }
0x33: {  	s18 =	sadd.s32 $0x1, s18;
	s23 =	rddreg [dreg:$0x5]  }
0x34: {  	p1 =	sne.s32 s18, s23  }
.Ltmp1:
0x35: {  	_ = 	snop;
	(pc) =	sbr.rel @!p1 .LBB2_7-.Ltmp1, $3  }
0x36: {  	_ =	sdelay $0x1  }
0x37: {  	[sflag:s19] =	ssyncset.done @!p0 $0x0  }
0x38: {  	[sflag:s19] =	ssyncadd.s32 @!p0 $0xFFFFE700  }
.LBB2_1:
0x39: {  	s19 =	rddreg [dreg:$0x4];
	s20 =	simm.s32 $0x80;
	s21 =	simm.s32 $0x400  }
0x3a: {  	[tilespmem:s4], [sflag:$0x1] =	stream.strided.gather [hbm4b:s19+s20], $0x2780, s21, s20, $0x38;
	[tilespmem:$0x1EF00] =	vst v63  }
0x3b: {  	s21 =	sand.u32 $0x7E00, s4  }
0x3c: {  	s22 =	sand.u32 $0x70, s4;
	s23 =	sshrl.u32 s21, $0x2  }
0x3d: {  	s19 =	simm.s32 $0x40;
	s20 =	simm.s32 $0x0;
	s21 =	sor.u32 s22, s23  }
.LBB2_2:
0x3e: {  	p1 =	sne.s32 s19, $0x4FC0  }
0x3f: {  	[tilespmem:s21+$0xA280] =	vst v0;
	s20 =	sadd.s32 $0x10, s20;
	s21 =	smov.u32 s19;
	s19 =	sadd.s32 $0x40, s19  }
.Ltmp2:
0x40: {  	(pc) =	sbr.rel @p1 .LBB2_2-.Ltmp2, $4  }
0x41: {  	_ = 	snop  }
0x42: {  	s21 =	sand.u32 $0x7E00, s21  }
0x43: {  	s22 =	sand.u32 $0x70, s20;
	s21 =	sshrl.u32 s21, $0x2  }
0x44: {  	s21 =	sor.u32 s22, s21  }
0x45: {  	[tilespmem:s21+$0xA280] =	vst v0  }
0x46: {  	[spmem:s6] =	stream.linear.scatter [tilespmem:s3], [sflag:$0x5], $0x1400, $0x38;
	[tilespmem:$0x1EF00] =	vst v63  }
0x47: {  	_ =	swait.ge [sflag:s30], $0x1400  }
0x48: {  	[sflag:s30] =	ssyncset.done $0x0  }
0x49: {  	s19 =	rddreg [dreg:$0x6];
	[sflag:s30] =	ssyncadd.s32 $0xFFFFEC00  }
0x4a: {  	[spmem:s19] =	stream.linear.scatter [tilespmem:s3], [sflag:$0x5], $0x1400, $0x38;
	[tilespmem:$0x1EF00] =	vst v63  }
0x4b: {  	_ =	swait.ge [sflag:s30], $0x1400  }
0x4c: {  	[sflag:s30] =	ssyncset.done $0x0  }
0x4d: {  	s23 =	rddreg [dreg:$0x7];
	[sflag:s30] =	ssyncadd.s32 $0xFFFFEC00  }
0x4e: {  	[spmem:s23] =	stream.linear.scatter [tilespmem:s3], [sflag:$0x5], $0x1400, $0x38;
	[tilespmem:$0x1EF00] =	vst v63  }
0x4f: {  	_ =	swait.ge [sflag:s30], $0x1400  }
0x50: {  	[sflag:s30] =	ssyncset.done $0x0  }
0x51: {  	s20 =	rddreg [dreg:$0x8];
	[sflag:s30] =	ssyncadd.s32 $0xFFFFEC00  }
0x52: {  	[spmem:s20] =	stream.linear.scatter [tilespmem:s3], [sflag:$0x5], $0x1400, $0x38;
	[tilespmem:$0x1EF00] =	vst v63  }
0x53: {  	_ =	swait.ge [sflag:s30], $0x1400  }
0x54: {  	[sflag:s30] =	ssyncset.done $0x0  }
0x55: {  	s21 =	rddreg [dreg:$0x9];
	[sflag:s30] =	ssyncadd.s32 $0xFFFFEC00  }
0x56: {  	[spmem:s21] =	stream.linear.scatter [tilespmem:s3], [sflag:$0x5], $0x1400, $0x38;
	[tilespmem:$0x1EF00] =	vst v63  }
0x57: {  	_ =	swait.ge [sflag:s30], $0x1400  }
0x58: {  	[sflag:s30] =	ssyncset.done $0x0  }
0x59: {  	s22 =	rddreg [dreg:$0xa];
	[sflag:s30] =	ssyncadd.s32 $0xFFFFEC00  }
0x5a: {  	[spmem:s22] =	stream.linear.scatter [tilespmem:s3], [sflag:$0x5], $0x1400, $0x38;
	[tilespmem:$0x1EF00] =	vst v63  }
0x5b: {  	_ =	swait.ge [sflag:s30], $0x1400  }
0x5c: {  	[sflag:s30] =	ssyncset.done $0x0  }
0x5d: {  	s23 =	rddreg [dreg:$0xb];
	[sflag:s30] =	ssyncadd.s32 $0xFFFFEC00  }
0x5e: {  	[spmem:s23] =	stream.linear.scatter [tilespmem:s3], [sflag:$0x5], $0x1400, $0x38;
	[tilespmem:$0x1EF00] =	vst v63  }
0x5f: {  	_ =	swait.ge [sflag:s30], $0x1400  }
0x60: {  	[sflag:s30] =	ssyncset.done $0x0  }
0x61: {  	s20 =	rddreg [dreg:$0xc];
	[sflag:s30] =	ssyncadd.s32 $0xFFFFEC00  }
0x62: {  	[spmem:s20] =	stream.linear.scatter [tilespmem:s3], [sflag:$0x5], $0x1400, $0x38;
	[tilespmem:$0x1EF00] =	vst v63  }
0x63: {  	_ =	swait.ge [sflag:s30], $0x1400  }
0x64: {  	[sflag:s30] =	ssyncset.done $0x0  }
0x65: {  	s21 =	rddreg [dreg:$0xd];
	[sflag:s30] =	ssyncadd.s32 $0xFFFFEC00  }
0x66: {  	[spmem:s21] =	stream.linear.scatter [tilespmem:s3], [sflag:$0x5], $0x1400, $0x38;
	[tilespmem:$0x1EF00] =	vst v63  }
0x67: {  	_ =	swait.ge [sflag:s30], $0x1400  }
0x68: {  	[sflag:s30] =	ssyncset.done $0x0  }
0x69: {  	s22 =	rddreg [dreg:$0xe];
	[sflag:s30] =	ssyncadd.s32 $0xFFFFEC00  }
0x6a: {  	[spmem:s22] =	stream.linear.scatter [tilespmem:s3], [sflag:$0x4], $0x1400, $0x38;
	[tilespmem:$0x1EF00] =	vst v63  }
0x6b: {  	_ =	swait.ge [sflag:s31], $0x1400  }
0x6c: {  	[sflag:s31] =	ssyncset.done $0x0  }
0x6d: {  	s19 =	simm.s32 @!p0 $0xA280;
	s20 =	simm.s32 @!p0 $0x5;
	[sflag:s31] =	ssyncadd.s32 $0xFFFFEC00  }
0x6e: {  	[spmem:s16] =	stream.linear.scatter @!p0 [tilespmem:s19], [sflag:$0x5], $0x1400, $0x38;
	[tilespmem:$0x1EF00] =	vst v63  }
0x6f: {  	_ =	swait.ge @!p0 [sflag:s20], $0x1400  }
0x70: {  	[sflag:s20] =	ssyncset.done @!p0 $0x0  }
0x71: {  	s21 =	rddreg [dreg:$0xf];
	[sflag:s20] =	ssyncadd.s32 @!p0 $0xFFFFEC00  }
0x72: {  	[spmem:s21] =	stream.linear.scatter @!p0 [tilespmem:s19], [sflag:$0x5], $0x1400, $0x38;
	[tilespmem:$0x1EF00] =	vst v63  }
0x73: {  	_ =	swait.ge @!p0 [sflag:s20], $0x1400  }
0x74: {  	[sflag:s20] =	ssyncset.done @!p0 $0x0  }
0x75: {  	s21 =	rddreg [dreg:$0x10];
	[sflag:s20] =	ssyncadd.s32 @!p0 $0xFFFFEC00  }
0x76: {  	[spmem:s21] =	stream.linear.scatter @!p0 [tilespmem:s19], [sflag:$0x5], $0x1400, $0x38;
	[tilespmem:$0x1EF00] =	vst v63  }
0x77: {  	_ =	swait.ge @!p0 [sflag:s20], $0x1400  }
0x78: {  	[sflag:s20] =	ssyncset.done @!p0 $0x0  }
0x79: {  	s21 =	rddreg [dreg:$0x11];
	[sflag:s20] =	ssyncadd.s32 @!p0 $0xFFFFEC00  }
0x7a: {  	[spmem:s21] =	stream.linear.scatter @!p0 [tilespmem:s19], [sflag:$0x5], $0x1400, $0x38;
	[tilespmem:$0x1EF00] =	vst v63  }
0x7b: {  	_ =	swait.ge @!p0 [sflag:s20], $0x1400  }
0x7c: {  	[sflag:s20] =	ssyncset.done @!p0 $0x0  }
0x7d: {  	s21 =	rddreg [dreg:$0x12];
	[sflag:s20] =	ssyncadd.s32 @!p0 $0xFFFFEC00  }
0x7e: {  	[spmem:s21] =	stream.linear.scatter @!p0 [tilespmem:s19], [sflag:$0x5], $0x1400, $0x38;
	[tilespmem:$0x1EF00] =	vst v63  }
0x7f: {  	_ =	swait.ge @!p0 [sflag:s20], $0x1400  }
0x80: {  	[sflag:s20] =	ssyncset.done @!p0 $0x0  }
0x81: {  	[sflag:s20] =	ssyncadd.s32 @!p0 $0xFFFFEC00  }
0x82: {  	[spmem:s24] =	stream.linear.scatter @!p0 [tilespmem:s19], [sflag:$0x5], $0x1400, $0x38;
	[tilespmem:$0x1EF00] =	vst v63  }
0x83: {  	_ =	swait.ge @!p0 [sflag:s20], $0x1400  }
0x84: {  	[sflag:s20] =	ssyncset.done @!p0 $0x0  }
0x85: {  	[sflag:s20] =	ssyncadd.s32 @!p0 $0xFFFFEC00  }
0x86: {  	[spmem:s25] =	stream.linear.scatter @!p0 [tilespmem:s19], [sflag:$0x5], $0x1400, $0x38;
	[tilespmem:$0x1EF00] =	vst v63  }
0x87: {  	_ =	swait.ge @!p0 [sflag:s20], $0x1400  }
0x88: {  	[sflag:s20] =	ssyncset.done @!p0 $0x0  }
0x89: {  	[sflag:s20] =	ssyncadd.s32 @!p0 $0xFFFFEC00  }
0x8a: {  	[spmem:s26] =	stream.linear.scatter @!p0 [tilespmem:s19], [sflag:$0x5], $0x1400, $0x38;
	[tilespmem:$0x1EF00] =	vst v63  }
0x8b: {  	_ =	swait.ge @!p0 [sflag:s20], $0x1400  }
0x8c: {  	[sflag:s20] =	ssyncset.done @!p0 $0x0  }
0x8d: {  	[sflag:s20] =	ssyncadd.s32 @!p0 $0xFFFFEC00  }
0x8e: {  	[spmem:s28] =	stream.linear.scatter @!p0 [tilespmem:s19], [sflag:$0x5], $0x1400, $0x38;
	[tilespmem:$0x1EF00] =	vst v63  }
0x8f: {  	_ =	swait.ge @!p0 [sflag:s20], $0x1400  }
0x90: {  	[sflag:s20] =	ssyncset.done @!p0 $0x0  }
0x91: {  	[sflag:s20] =	ssyncadd.s32 @!p0 $0xFFFFEC00  }
0x92: {  	[spmem:s29] =	stream.linear.scatter @!p0 [tilespmem:s19], [sflag:$0x4], $0x1400, $0x38;
	[tilespmem:$0x1EF00] =	vst v63  }
0x93: {  	s19 =	simm.s32 @!p0 $0x4  }
0x94: {  	_ =	swait.ge @!p0 [sflag:s19], $0x1400  }
0x95: {  	[sflag:s19] =	ssyncset.done @!p0 $0x0  }
0x96: {  	[sflag:s19] =	ssyncadd.s32 @!p0 $0xFFFFEC00  }
0x97: {  	_ =	swait.ge [sflag:s0], $0x2780  }
0x98: {  	[sflag:s0] =	ssyncset.done $0x0  }
0x99: {  	[sflag:s0] =	ssyncadd.s32 $0xFFFFD880  }
0x9a: {  	[bflag:$0x0] =	sbarrier.arrive $0xFFFF  }
0x9b: {  	v1 =	vld [tilespmem:$0x0];
	_ =	sdelay $0x1  }
0x9c: {  	v2 =	vld [tilespmem:$0x10];
	_ =	sdelay $0x1  }
0x9d: {  	v3 =	vld [tilespmem:$0x20]  }
0x9e: {  	v4 =	vshrl.u32 v1, $0xE  }
0x9f: {  	v59 =	vld [tilespmem:$0x30];
	v1 =	vand.u32 $0x3FFF, v1;
	[tilespmem:$0x9F80] =	vst v4  }
0xa0: {  	[tilespmem:$0xA100] =	vst v1;
	v1 =	vshrl.u32 v2, $0xE  }
0xa1: {  	[tilespmem:$0x9F90] =	vst v1;
	v1 =	vand.u32 $0x3FFF, v2;
	v2 =	vld [tilespmem:$0x40]  }
0xa2: {  	[tilespmem:$0xA110] =	vst v1;
	v1 =	vshrl.u32 v3, $0xE  }
0xa3: {  	[tilespmem:$0x9FA0] =	vst v1;
	v1 =	vand.u32 $0x3FFF, v3  }
0xa4: {  	[tilespmem:$0xA120] =	vst v1;
	v1 =	vshrl.u32 v59, $0xE  }
0xa5: {  	[tilespmem:$0x9FB0] =	vst v1;
	v1 =	vand.u32 $0x3FFF, v59  }
0xa6: {  	[tilespmem:$0xA130] =	vst v1;
	v1 =	vshrl.u32 v2, $0xE  }
0xa7: {  	[tilespmem:$0x9FC0] =	vst v1;
	v1 =	vand.u32 $0x3FFF, v2  }
0xa8: {  	[tilespmem:$0xA140] =	vst v1  }
0xa9: {  	[tilespmem:s8], [sflag:$0x1] =	stream.indirect.gather [hbm4b:s1+s5], $0x80, s7, s5, $0xb8;
	[tilespmem:$0x1EF00] =	vst v63  }
0xaa: {  	v1 =	vld [tilespmem:$0x50];
	_ =	sdelay $0x1  }
0xab: {  	v2 =	vld [tilespmem:$0x60];
	_ =	sdelay $0x1  }
0xac: {  	v3 =	vld [tilespmem:$0x70]  }
0xad: {  	v60 =	vshrl.u32 v1, $0xE  }
0xae: {  	v61 =	vld [tilespmem:$0x80];
	v1 =	vand.u32 $0x3FFF, v1;
	[tilespmem:$0xA000] =	vst v60  }
0xaf: {  	[tilespmem:$0xA180] =	vst v1;
	v1 =	vshrl.u32 v2, $0xE  }
0xb0: {  	[tilespmem:$0xA010] =	vst v1;
	v1 =	vand.u32 $0x3FFF, v2;
	v2 =	vld [tilespmem:$0x90]  }
0xb1: {  	[tilespmem:$0xA190] =	vst v1;
	v1 =	vshrl.u32 v3, $0xE  }
0xb2: {  	[tilespmem:$0xA020] =	vst v1;
	v1 =	vand.u32 $0x3FFF, v3  }
0xb3: {  	[tilespmem:$0xA1A0] =	vst v1;
	v1 =	vshrl.u32 v61, $0xE  }
0xb4: {  	[tilespmem:$0xA030] =	vst v1;
	v1 =	vand.u32 $0x3FFF, v61  }
0xb5: {  	[tilespmem:$0xA1B0] =	vst v1;
	v1 =	vshrl.u32 v2, $0xE  }
0xb6: {  	[tilespmem:$0xA040] =	vst v1;
	v1 =	vand.u32 $0x3FFF, v2  }
0xb7: {  	[tilespmem:$0xA1C0] =	vst v1  }
0xb8: {  	[tilespmem:s10], [sflag:$0x2] =	stream.indirect.gather [hbm4b:s1+s5], $0x80, s9, s5, $0xb8;
	[tilespmem:$0x1EF00] =	vst v63  }
0xb9: {  	v1 =	vld [tilespmem:$0xA0];
	_ =	sdelay $0x1  }
0xba: {  	v2 =	vld [tilespmem:$0xB0];
	_ =	sdelay $0x1  }
0xbb: {  	v3 =	vld [tilespmem:$0xC0]  }
0xbc: {  	v62 =	vshrl.u32 v1, $0xE  }
0xbd: {  	v63 =	vld [tilespmem:$0xD0];
	v1 =	vand.u32 $0x3FFF, v1;
	[tilespmem:$0xA080] =	vst v62  }
0xbe: {  	[tilespmem:$0xA200] =	vst v1;
	v1 =	vshrl.u32 v2, $0xE  }
0xbf: {  	[tilespmem:$0xA090] =	vst v1;
	v1 =	vand.u32 $0x3FFF, v2;
	v2 =	vld [tilespmem:$0xE0]  }
0xc0: {  	[tilespmem:$0xA210] =	vst v1;
	v1 =	vshrl.u32 v3, $0xE  }
0xc1: {  	[tilespmem:$0xA0A0] =	vst v1;
	v1 =	vand.u32 $0x3FFF, v3  }
0xc2: {  	[tilespmem:$0xA220] =	vst v1;
	v1 =	vshrl.u32 v63, $0xE  }
0xc3: {  	[tilespmem:$0xA0B0] =	vst v1;
	v1 =	vand.u32 $0x3FFF, v63  }
0xc4: {  	[tilespmem:$0xA230] =	vst v1;
	v1 =	vshrl.u32 v2, $0xE  }
0xc5: {  	[tilespmem:$0xA0C0] =	vst v1;
	v1 =	vand.u32 $0x3FFF, v2  }
0xc6: {  	s23 =	simm.s32 $0xA080;
	s20 =	simm.s32 $0x1D0;
	s19 =	simm.s32 $0x0;
	[tilespmem:$0xA240] =	vst v1  }
0xc7: {  	[tilespmem:s11], [sflag:$0x3] =	stream.indirect.gather [hbm4b:s1+s5], $0x80, s23, s5, $0xb8;
	[tilespmem:$0x1EF00] =	vst v63  }
.LBB2_4:
0xc8: {  	_ =	swait.ge [sflag:s0], $0x2800  }
0xc9: {  	p1 =	seq.s32 s19, $0x29;
	[sflag:s0] =	ssyncset.done $0x0  }
.Ltmp3:
0xca: {  	[sflag:s0] =	ssyncadd.s32 $0xFFFFD800;
	(pc) =	sbr.rel @p1 .LBB2_8-.Ltmp3, $4  }
0xcb: {  	[spmem:s2] =	stream.indirect.scatter.add.f32 [tilespmem:s8], [sflag:$0x4], $0x80, s12, s5, $0xb8;
	[tilespmem:$0x1EF00] =	vst v63  }
0xcc: {  	_ =	swait.ge [sflag:s31], $0x2800  }
0xcd: {  	[sflag:s31] =	ssyncset.done $0x0  }
0xce: {  	[sflag:s31] =	ssyncadd.s32 $0xFFFFD800  }
0xcf: {  	v1 =	vld [tilespmem:s20+$0xFFFFFF20];
	_ =	sdelay $0x4  }
0xd0: {  	v2 =	vshrl.u32 v1, $0xE  }
0xd1: {  	v1 =	vand.u32 $0x3FFF, v1;
	[tilespmem:$0x9F80] =	vst v2  }
0xd2: {  	[tilespmem:$0xA100] =	vst v1  }
0xd3: {  	v1 =	vld [tilespmem:s20+$0xFFFFFF30];
	_ =	sdelay $0x4  }
0xd4: {  	v2 =	vshrl.u32 v1, $0xE  }
0xd5: {  	v1 =	vand.u32 $0x3FFF, v1;
	[tilespmem:$0x9F90] =	vst v2  }
0xd6: {  	[tilespmem:$0xA110] =	vst v1  }
0xd7: {  	v1 =	vld [tilespmem:s20+$0xFFFFFF40];
	_ =	sdelay $0x4  }
0xd8: {  	v2 =	vshrl.u32 v1, $0xE  }
0xd9: {  	v1 =	vand.u32 $0x3FFF, v1;
	[tilespmem:$0x9FA0] =	vst v2  }
0xda: {  	[tilespmem:$0xA120] =	vst v1  }
0xdb: {  	v1 =	vld [tilespmem:s20+$0xFFFFFF50];
	_ =	sdelay $0x4  }
0xdc: {  	v2 =	vshrl.u32 v1, $0xE  }
0xdd: {  	v1 =	vand.u32 $0x3FFF, v1;
	[tilespmem:$0x9FB0] =	vst v2  }
0xde: {  	[tilespmem:$0xA130] =	vst v1  }
0xdf: {  	v1 =	vld [tilespmem:s20+$0xFFFFFF60];
	_ =	sdelay $0x4  }
0xe0: {  	v2 =	vshrl.u32 v1, $0xE  }
0xe1: {  	v1 =	vand.u32 $0x3FFF, v1;
	[tilespmem:$0x9FC0] =	vst v2  }
0xe2: {  	[tilespmem:$0xA140] =	vst v1  }
0xe3: {  	[tilespmem:s8], [sflag:$0x1] =	stream.indirect.gather [hbm4b:s1+s5], $0x80, s7, s5, $0xb8;
	[tilespmem:$0x1EF00] =	vst v63  }
0xe4: {  	_ =	swait.ge [sflag:s13], $0x2800  }
0xe5: {  	[sflag:s13] =	ssyncset.done $0x0  }
0xe6: {  	[sflag:s13] =	ssyncadd.s32 $0xFFFFD800  }
0xe7: {  	[spmem:s2] =	stream.indirect.scatter.add.f32 [tilespmem:s10], [sflag:$0x4], $0x80, s14, s5, $0xb8;
	[tilespmem:$0x1EF00] =	vst v63  }
0xe8: {  	_ =	swait.ge [sflag:s31], $0x2800  }
0xe9: {  	[sflag:s31] =	ssyncset.done $0x0  }
0xea: {  	[sflag:s31] =	ssyncadd.s32 $0xFFFFD800  }
0xeb: {  	v1 =	vld [tilespmem:s20+$0xFFFFFF70];
	_ =	sdelay $0x4  }
0xec: {  	v2 =	vshrl.u32 v1, $0xE  }
0xed: {  	v1 =	vand.u32 $0x3FFF, v1;
	[tilespmem:$0xA000] =	vst v2  }
0xee: {  	[tilespmem:$0xA180] =	vst v1  }
0xef: {  	v1 =	vld [tilespmem:s20+$0xFFFFFF80];
	_ =	sdelay $0x4  }
0xf0: {  	v2 =	vshrl.u32 v1, $0xE  }
0xf1: {  	v1 =	vand.u32 $0x3FFF, v1;
	[tilespmem:$0xA010] =	vst v2  }
0xf2: {  	[tilespmem:$0xA190] =	vst v1  }
0xf3: {  	v1 =	vld [tilespmem:s20+$0xFFFFFF90];
	_ =	sdelay $0x4  }
0xf4: {  	v2 =	vshrl.u32 v1, $0xE  }
0xf5: {  	v1 =	vand.u32 $0x3FFF, v1;
	[tilespmem:$0xA020] =	vst v2  }
0xf6: {  	[tilespmem:$0xA1A0] =	vst v1  }
0xf7: {  	v1 =	vld [tilespmem:s20+$0xFFFFFFA0];
	_ =	sdelay $0x4  }
0xf8: {  	v2 =	vshrl.u32 v1, $0xE  }
0xf9: {  	v1 =	vand.u32 $0x3FFF, v1;
	[tilespmem:$0xA030] =	vst v2  }
0xfa: {  	[tilespmem:$0xA1B0] =	vst v1  }
0xfb: {  	v1 =	vld [tilespmem:s20+$0xFFFFFFB0];
	_ =	sdelay $0x4  }
0xfc: {  	v2 =	vshrl.u32 v1, $0xE  }
0xfd: {  	v1 =	vand.u32 $0x3FFF, v1;
	[tilespmem:$0xA040] =	vst v2  }
0xfe: {  	[tilespmem:$0xA1C0] =	vst v1  }
0xff: {  	[tilespmem:s10], [sflag:$0x2] =	stream.indirect.gather [hbm4b:s1+s5], $0x80, s9, s5, $0xb8;
	[tilespmem:$0x1EF00] =	vst v63  }
0x100: {  	_ =	swait.ge [sflag:s15], $0x2800  }
0x101: {  	[sflag:s15] =	ssyncset.done $0x0  }
0x102: {  	[sflag:s15] =	ssyncadd.s32 $0xFFFFD800  }
0x103: {  	[spmem:s2] =	stream.indirect.scatter.add.f32 [tilespmem:s11], [sflag:$0x4], $0x80, s17, s5, $0xb8;
	[tilespmem:$0x1EF00] =	vst v63  }
0x104: {  	_ =	swait.ge [sflag:s31], $0x2800  }
0x105: {  	[sflag:s31] =	ssyncset.done $0x0  }
0x106: {  	p1 =	sgt.u32 s19, $0x27;
	[sflag:s31] =	ssyncadd.s32 $0xFFFFD800  }
0x107: {  	v1 =	vld @!p1 [tilespmem:s20+$0xFFFFFFC0];
	_ =	sdelay $0x4  }
0x108: {  	v2 =	vshrl.u32 @!p1 v1, $0xE  }
0x109: {  	v1 =	vand.u32 @!p1 $0x3FFF, v1;
	[tilespmem:$0xA080] =	vst @!p1 v2  }
0x10a: {  	[tilespmem:$0xA200] =	vst @!p1 v1  }
0x10b: {  	v1 =	vld @!p1 [tilespmem:s20+$0xFFFFFFD0];
	_ =	sdelay $0x4  }
0x10c: {  	v2 =	vshrl.u32 @!p1 v1, $0xE  }
0x10d: {  	v1 =	vand.u32 @!p1 $0x3FFF, v1;
	[tilespmem:$0xA090] =	vst @!p1 v2  }
0x10e: {  	[tilespmem:$0xA210] =	vst @!p1 v1  }
0x10f: {  	v1 =	vld @!p1 [tilespmem:s20+$0xFFFFFFE0];
	_ =	sdelay $0x4  }
0x110: {  	v2 =	vshrl.u32 @!p1 v1, $0xE  }
0x111: {  	v1 =	vand.u32 @!p1 $0x3FFF, v1;
	[tilespmem:$0xA0A0] =	vst @!p1 v2  }
0x112: {  	[tilespmem:$0xA220] =	vst @!p1 v1  }
0x113: {  	v1 =	vld @!p1 [tilespmem:s20+$0xFFFFFFF0];
	_ =	sdelay $0x4  }
0x114: {  	v2 =	vshrl.u32 @!p1 v1, $0xE  }
0x115: {  	v1 =	vand.u32 @!p1 $0x3FFF, v1;
	[tilespmem:$0xA0B0] =	vst @!p1 v2  }
0x116: {  	[tilespmem:$0xA230] =	vst @!p1 v1  }
0x117: {  	v1 =	vld @!p1 [tilespmem:s20+$0x0];
	_ =	sdelay $0x4  }
0x118: {  	v2 =	vshrl.u32 @!p1 v1, $0xE  }
0x119: {  	s19 =	sadd.s32 $0x1, s19;
	v1 =	vand.u32 @!p1 $0x3FFF, v1;
	[tilespmem:$0xA0C0] =	vst @!p1 v2  }
0x11a: {  	s21 =	simm.s32 @!p1 $0x50;
	s22 =	simm.s32 @!p1 $0xA080;
	s23 =	simm.s32 @!p1 $0x7780;
	[tilespmem:$0xA240] =	vst @!p1 v1  }
0x11b: {  	[tilespmem:s23], [sflag:$0x3] =	stream.indirect.gather @!p1 [hbm4b:s1+s21], $0x80, s22, s21, $0xb8;
	[tilespmem:$0x1EF00] =	vst v63  }
0x11c: {  	p1 =	sne.s32 s19, $0x2A  }
.Ltmp4:
0x11d: {  	_ = 	snop;
	(pc) =	sbr.rel @p1 .LBB2_4-.Ltmp4, $4  }
.Ltmp5:
0x11e: {  	_ = 	snop;
	(pc) =	sbr.rel @!p1 .LBB2_6-.Ltmp5, $4  }
0x11f: {  	_ = 	snop  }
0x120: {  	_ = 	snop  }
0x121: {  	s20 =	sadd.s32 $0xF0, s20  }
0x122: {  	_ = 	snop  }
.LBB2_7:
0x123: {  	_ =	sfence.sel $0x180000  }
0x124: {  	[bflag:$0x0] =	sbarrier.arrive $0xFFFF  }
0x125: {  	_ =	strace $0x90000047  }
0x126: {  	s0 =	stileid.u32;
	[bflag:$0x2] =	sbarrier.arrive $0xFFFF  }
0x127: {  	p0 =	sne.s32 s0, $0x0;
	s0 =	rddreg [dreg:$0x3]  }
0x128: {  	s0 =	sadd.s32 @!p0 $0x100000, s0  }
0x129: {  	[sflag:s0] =	ssyncadd.tile.s32 @!p0 $0x1;
	_ =	shalt  }
.Lfunc_end2:
_tile_overlayer_lowered:
.L_overlay_start_2:
0x12a: {  	(tag) =	ssettag $0x2  }
0x12b: {  	s0 =	rddreg [dreg:$0x0];
	s2 =	stileid.u32  }
0x12c: {  	s1 =	rddreg [dreg:$0x1];
	p0 =	sne.s32 s2, $0x0  }
0x12d: {  	s3 =	rddreg [dreg:$0x2];
	[bflag:$0x3] =	sbarrier.arrive $0xFFFF;
	s2 =	simm.s32 @!p0 $0x1C04  }
0x12e: {  	[timem:s3], [sflag:s2] =	dma.local @!p0 [hbm:s0], s1  }
0x12f: {  	s0 =	simm.s32 @!p0 $0x4  }
0x130: {  	_ =	swait.ge @!p0 [sflag:s0], s1  }
0x131: {  	s1 =	ssub.s32 @!p0 $0x0, s1;
	[sflag:s0] =	ssyncset.done @!p0 $0x0  }
0x132: {  	[sflag:s0] =	ssyncadd.s32 @!p0 s1  }
0x133: {  	[bflag:$0x3] =	sbarrier.arrive $0xFFFF  }
0x134: {  	_ =	shalt  }

</sc_bundles>
